<compile_context>
chip_gen: v7x
topology: tpu7x:2x2x1
jax: 0.10.2.dev20260603
libtpu: 0.0.44.dev20260713+nightly
codegen_flags: <defaults>
</compile_context>

<pallas_src>
import functools

import jax
import jax.numpy as jnp
from jax import lax
from jax.experimental import pallas as pl
from jax.experimental.pallas import tpu as pltpu
from jax.experimental.pallas import tpu_sc as plsc

_VOL = 128 * 128 * 128
_HALF = _VOL // 2
_NS = 16
_NC = 2
_PPT = _VOL // _NS
_CH = 2048
_NCHUNK = _PPT // _CH
_SLICE = _HALF // _NS
_ZB = 8192

_ROWS = 2048
_COLS = 1024
_BR = 256


def _sc_body(vals_hbm, w_hbm, idx_hbm, out_hbm,
             idx_v, w_v, v_v, lin_s, val_s, zbuf, spmem, sem):
    c = lax.axis_index("c")
    s = lax.axis_index("s")
    iota = lax.iota(jnp.int32, 16)
    zf16 = jnp.zeros((16,), jnp.float32)
    is_w = lax.broadcast(c, (16,)) == 0
    base = pl.multiple_of(s * _SLICE, 8)

    def _zz(i, _):
        zbuf[pl.ds(i * 16, 16)] = zf16
        return 0

    for p in range(2):
        lax.fori_loop(jnp.int32(0), jnp.int32(_ZB // 16), _zz, 0)
        for j in range(_SLICE // _ZB):
            pltpu.sync_copy(zbuf, spmem.at[pl.ds(pl.multiple_of(base + j * _ZB, 8), _ZB)])
        plsc.subcore_barrier()

        def _chunk(it, _):
            p0 = s * _PPT + it * _CH
            pltpu.sync_copy(idx_hbm.at[pl.ds(pl.multiple_of(p0 * 3, 8), _CH * 3)], idx_v)
            pltpu.sync_copy(w_hbm.at[pl.ds(pl.multiple_of(p0, 8), _CH)], w_v)
            pltpu.sync_copy(vals_hbm.at[pl.ds(pl.multiple_of(p0 // 8, 8), _CH // 8)], v_v)

            def _vec(k, _):
                g = k * 16 + iota
                ix = plsc.load_gather(idx_v, [g * 3])
                iy = plsc.load_gather(idx_v, [g * 3 + 1])
                iz = plsc.load_gather(idx_v, [g * 3 + 2])
                lin = (ix * 128 + iy) * 128 + iz - jnp.int32(p * _HALF)
                w16 = w_v[pl.ds(k * 16, 16)]
                vg = plsc.load_gather(v_v, [lax.shift_right_logical(g, jnp.int32(3))])
                val = jnp.where(is_w, w16, w16 * vg)
                owned = (lin >= 0) & (lin < _HALF)
                kr = lax.shift_right_logical(k, jnp.int32(3))
                kc = (k & 7) * 16
                lin_s[kr, pl.ds(kc, 16)] = lin & jnp.int32(_HALF - 1)
                val_s[kr, pl.ds(kc, 16)] = jnp.where(owned, val, 0.0)
                return 0
            lax.fori_loop(jnp.int32(0), jnp.int32(_CH // 16), _vec, 0)
            descs = [
                pltpu.async_copy(val_s.at[jnp.int32(j)],
                                 spmem.at[lin_s.at[jnp.int32(j)]], sem,
                                 add=True)
                for j in range(_CH // 128)
            ]
            for d in descs:
                d.wait()
            return 0
        lax.fori_loop(jnp.int32(0), jnp.int32(_NCHUNK), _chunk, 0)
        plsc.subcore_barrier()

        for j in range(_SLICE // _ZB):
            off = pl.multiple_of(base + j * _ZB, 8)
            hoff = pl.multiple_of(base + j * _ZB + p * _HALF, 8)
            pltpu.sync_copy(spmem.at[pl.ds(off, _ZB)], zbuf)
            pltpu.sync_copy(zbuf, out_hbm.at[c, pl.ds(hoff, _ZB)])


_sc_scatter = functools.partial(
    pl.kernel,
    out_type=[jax.ShapeDtypeStruct((_NC, _VOL), jnp.float32)],
    compiler_params=pltpu.CompilerParams(needs_layout_passes=False),
    mesh=plsc.VectorSubcoreMesh(
        core_axis_name="c", subcore_axis_name="s",
        num_cores=_NC, num_subcores=_NS),
    scratch_types=[
        pltpu.VMEM((_CH * 3,), jnp.int32),
        pltpu.VMEM((_CH,), jnp.float32),
        pltpu.VMEM((_CH // 8,), jnp.float32),
        pltpu.VMEM((_CH // 128, 128), jnp.int32),
        pltpu.VMEM((_CH // 128, 128), jnp.float32),
        pltpu.VMEM((_ZB,), jnp.float32),
        pltpu.MemorySpace.VMEM_SHARED((_HALF,), jnp.float32),
        pltpu.SemaphoreType.DMA,
    ],
)(_sc_body)


def _combine_body(wc_ref, vc_ref, wold_ref, vold_ref, outv_ref, outw_ref):
    wc = wc_ref[0]
    vc = vc_ref[0]
    w_old = wold_ref[...]
    v_old = vold_ref[...]
    touched = wc > 0.0
    denom = w_old + wc
    safe = jnp.where(touched, denom, 1.0)
    new_v = (w_old * v_old + vc) / safe
    outv_ref[...] = jnp.where(touched, new_v, v_old)
    outw_ref[...] = jnp.where(touched, denom, w_old)


def _combine(caches, values_volume, weights_volume):
    shp = values_volume.shape
    c3 = caches.reshape(_NC, _ROWS, _COLS)
    args = [c3, c3] + [
        a.reshape(_ROWS, _COLS)
        for a in (weights_volume, values_volume)
    ]
    spec = pl.BlockSpec((_BR, _COLS), lambda i, j: (i, j))
    wspec = pl.BlockSpec((1, _BR, _COLS), lambda i, j: (i * 0, i, j))
    vspec = pl.BlockSpec((1, _BR, _COLS), lambda i, j: (i * 0 + 1, i, j))
    out_v, out_w = pl.pallas_call(
        _combine_body,
        grid=(_ROWS // _BR, 1),
        in_specs=[wspec, vspec, spec, spec],
        out_specs=[spec, spec],
        out_shape=[
            jax.ShapeDtypeStruct((_ROWS, _COLS), jnp.float32),
            jax.ShapeDtypeStruct((_ROWS, _COLS), jnp.float32),
        ],
    )(*args)
    return out_v.reshape(shp), out_w.reshape(shp)


def kernel(values, indices, weights, values_volume, weights_volume):
    n8 = weights.size
    idx3 = indices.astype(jnp.int32).reshape(n8 * 3)
    vals = values.reshape(values.size)
    w = weights.reshape(n8)
    caches, = _sc_scatter(vals, w, idx3)
    return _combine(caches, values_volume, weights_volume)

# --- scband reference (transcript-rebuilt; emitter-appended) ---
"""Pipeline reference for scband-integrator-82463372083721 (READ-ONLY COPY).

The authoritative reference and input builder live on the scoring server;
editing this copy changes nothing except your own understanding.
"""

import jax, jax.numpy as jnp
import numpy as np
jax.config.update("jax_enable_x64", True)


def setup_inputs(seed: int = 0) -> dict:
    key = jax.random.key(seed)
    k1, k2, k3, k4, k5 = jax.random.split(key, 5)
    values = jax.random.normal(k1, (4, 256, 256), dtype=jnp.float32)
    indices = jax.random.randint(k2, (4, 256, 256, 8, 3), 0, 128).astype(jnp.int64)
    weights = jax.random.uniform(k3, (4, 256, 256, 8), dtype=jnp.float32)
    values_volume = jax.random.uniform(k4, (128, 128, 128), dtype=jnp.float32)
    weights_volume = jax.random.uniform(k5, (128, 128, 128), dtype=jnp.float32)
    return {
        "values": values,
        "indices": indices,
        "weights": weights,
        "values_volume": values_volume,
        "weights_volume": weights_volume,
    }


def reference(values, indices, weights, values_volume, weights_volume):
    xs, ys, zs = values_volume.shape
    N = values.size
    idx = indices.reshape(N * 8, 3)
    w = weights.reshape(N * 8).astype(jnp.float64)
    # values.view(N,1).repeat(1,8).view(N*8) -> each sample value repeated 8x consecutively
    v = jnp.repeat(values.reshape(N), 8).astype(jnp.float64)
    valid = (
        (idx[:, 0] >= 0) & (idx[:, 0] < xs)
        & (idx[:, 1] >= 0) & (idx[:, 1] < ys)
        & (idx[:, 2] >= 0) & (idx[:, 2] < zs)
    )
    lin = ys * zs * idx[:, 0] + zs * idx[:, 1] + idx[:, 2]
    lin = jnp.where(valid, lin, 0)
    wm = jnp.where(valid, w, 0.0)
    um = jnp.where(valid, w * v, 0.0)
    wcache = jnp.zeros(xs * ys * zs, jnp.float64).at[lin].add(wm).reshape(xs, ys, zs)
    vcache = jnp.zeros(xs * ys * zs, jnp.float64).at[lin].add(um).reshape(xs, ys, zs)
    touched = (
        jnp.zeros(xs * ys * zs, jnp.float64).at[lin].add(valid.astype(jnp.float64))
        .reshape(xs, ys, zs)
    ) > 0
    w_old = weights_volume.astype(jnp.float64)
    v_old = values_volume.astype(jnp.float64)
    denom = w_old + wcache
    safe_denom = jnp.where(touched, denom, 1.0)
    new_v = (w_old * v_old + vcache) / safe_denom
    new_w = denom
    out_v = jnp.where(touched, new_v.astype(values_volume.dtype), values_volume)
    out_w = jnp.where(touched, new_w.astype(weights_volume.dtype), weights_volume)
    return (out_v, out_w)

if __name__ == "__main__":
    import jax
    _d = setup_inputs()
    print(jax.jit(kernel)(*tuple(_d.values())))

</pallas_src>

<mosaic_0001>
#map = affine_map<(d0, d1) -> (0)>
#map1 = affine_map<(d0, d1) -> (0, 0)>
module attributes {stable_mosaic.version = 14 : i64} {
  func.func @_sc_body(%arg0: i32, %arg1: i32, %arg2: memref<262144xf32, #tpu.memory_space<hbm>>, %arg3: memref<2097152xf32, #tpu.memory_space<hbm>>, %arg4: memref<6291456xi32, #tpu.memory_space<hbm>>, %arg5: memref<2x2097152xf32, #tpu.memory_space<hbm>>, %arg6: memref<6144xi32, #tpu.memory_space<vmem>>, %arg7: memref<2048xf32, #tpu.memory_space<vmem>>, %arg8: memref<256xf32, #tpu.memory_space<vmem>>, %arg9: memref<16x128xi32, #tpu.memory_space<vmem>>, %arg10: memref<16x128xf32, #tpu.memory_space<vmem>>, %arg11: memref<8192xf32, #tpu.memory_space<vmem>>, %arg12: memref<1048576xf32, #tpu.memory_space<vmem_shared>>, %arg13: memref<!tpu.dma_semaphore, #tpu.memory_space<semaphore_mem>>) attributes {dimension_semantics = [#tpu.dimension_semantics<core_parallel>, #tpu.dimension_semantics<subcore_parallel>], iteration_bounds = array<i64: 2, 16>, scalar_prefetch = 0 : i64, scratch_operands = 8 : i64, tpu.core_type = #tpu.core_type<sc_vector_subcore>, window_params = [{transform_indices = #map}, {transform_indices = #map}, {transform_indices = #map}, {transform_indices = #map1}]} {
    %iota3A = tpu.iota {dimensions = array<i32: 0>} : vector<16xi32>
    %broadcast_in_dim3A = arith.constant 0.000000e+00 : f32
    %broadcast_in_dim3A_0 = vector.broadcast %broadcast_in_dim3A : f32 to vector<16xf32>
    %broadcast_in_dim3A_1 = vector.broadcast %arg0 : i32 to vector<16xi32>
    %eq3A = arith.constant 0 : i32
    %eq3A_2 = vector.broadcast %eq3A : i32 to vector<16xi32>
    %eq3A_3 = arith.cmpi eq, %broadcast_in_dim3A_1, %eq3A_2 : vector<16xi32>
    %mul3A = arith.constant 65536 : i32
    %mul3A_4 = arith.muli %arg1, %mul3A : i32
    %multiple_of3A = tpu.assume_multiple %mul3A_4, 8 : i32
    %while3A = arith.constant 0 : i32
    %while3A_5 = arith.constant 512 : i32
    %while3A_6 = arith.constant 0 : i64
    %while3A_7 = arith.subi %while3A_5, %while3A : i32
    %while3A_8 = arith.addi %while3A, %while3A_7 : i32
    %while3A_9 = arith.constant 1 : i32
    %while3A_10 = arith.divsi %while3A_7, %while3A_9 : i32
    %while3A_11 = arith.muli %while3A_10, %while3A_9 : i32
    %while3A_12 = arith.addi %while3A, %while3A_11 : i32
    %while3A_13 = arith.constant 1 : i32
    %while3A_14 = scf.for %while3A_234 = %while3A to %while3A_12 step %while3A_13 iter_args(%while3A_235 = %while3A_6) -> (i64)  : i32 {
      %mul3A_236 = arith.constant 16 : i32
      %mul3A_237 = arith.muli %while3A_234, %mul3A_236 : i32
      %swap3A = arith.index_cast %mul3A_237 : i32 to index
      %swap3A_238 = tpu.vector_load %arg11[%swap3A] {strides = array<i32>} : memref<8192xf32, #tpu.memory_space<vmem>>, vector<16xf32>,
      tpu.vector_store %arg11[%swap3A], %broadcast_in_dim3A_0 {strides = array<i32>} : memref<8192xf32, #tpu.memory_space<vmem>>, vector<16xf32>,
      %while3A_239 = arith.constant 0 : i64
      scf.yield %while3A_239 : i64
    }
    %while3A_15 = arith.constant 1 : i32
    %while3A_16 = scf.for %while3A_234 = %while3A_12 to %while3A_8 step %while3A_15 iter_args(%while3A_235 = %while3A_14) -> (i64)  : i32 {
      %mul3A_236 = arith.constant 16 : i32
      %mul3A_237 = arith.muli %while3A_234, %mul3A_236 : i32
      %swap3A = arith.index_cast %mul3A_237 : i32 to index
      %swap3A_238 = tpu.vector_load %arg11[%swap3A] {strides = array<i32>} : memref<8192xf32, #tpu.memory_space<vmem>>, vector<16xf32>,
      tpu.vector_store %arg11[%swap3A], %broadcast_in_dim3A_0 {strides = array<i32>} : memref<8192xf32, #tpu.memory_space<vmem>>, vector<16xf32>,
      %while3A_239 = arith.constant 0 : i64
      scf.yield %while3A_239 : i64
    }
    %add3A = arith.constant 0 : i32
    %add3A_17 = arith.addi %multiple_of3A, %add3A : i32
    %multiple_of3A_18 = tpu.assume_multiple %add3A_17, 8 : i32
    "tpu.region"() ({
      %run_scoped3A = tpu.sem_alloc : memref<!tpu.dma_semaphore, #tpu.memory_space<semaphore_mem>>
      %dma_start3A = tpu.memref_slice %arg12[%multiple_of3A_18] : memref<1048576xf32, #tpu.memory_space<vmem_shared>> -> memref<8192xf32, #tpu.memory_space<vmem_shared>>
      %dma_start3A_234 = tpu.memref_slice %arg12[%multiple_of3A_18] : memref<1048576xf32, #tpu.memory_space<vmem_shared>> -> memref<8192xf32, #tpu.memory_space<vmem_shared>>
      tpu.enqueue_dma source(%arg11 : memref<8192xf32, #tpu.memory_space<vmem>>) target(%dma_start3A_234 : memref<8192xf32, #tpu.memory_space<vmem_shared>>) target_semaphore(%run_scoped3A : memref<!tpu.dma_semaphore, #tpu.memory_space<semaphore_mem>>)
      %dma_wait3A = tpu.memref_slice %arg12[%multiple_of3A_18] : memref<1048576xf32, #tpu.memory_space<vmem_shared>> -> memref<8192xf32, #tpu.memory_space<vmem_shared>>
      %dma_wait3A_235 = tpu.memref_slice %arg12[%multiple_of3A_18] : memref<1048576xf32, #tpu.memory_space<vmem_shared>> -> memref<8192xf32, #tpu.memory_space<vmem_shared>>
      tpu.wait_dma2 semaphore(%run_scoped3A : memref<!tpu.dma_semaphore, #tpu.memory_space<semaphore_mem>>) src(%arg11 : memref<8192xf32, #tpu.memory_space<vmem>>) dst(%dma_wait3A_235 : memref<8192xf32, #tpu.memory_space<vmem_shared>>)
      tpu.yield
    }) : () -> ()
    %add3A_19 = arith.constant 8192 : i32
    %add3A_20 = arith.addi %multiple_of3A, %add3A_19 : i32
    %multiple_of3A_21 = tpu.assume_multiple %add3A_20, 8 : i32
    "tpu.region"() ({
      %run_scoped3A = tpu.sem_alloc : memref<!tpu.dma_semaphore, #tpu.memory_space<semaphore_mem>>
      %dma_start3A = tpu.memref_slice %arg12[%multiple_of3A_21] : memref<1048576xf32, #tpu.memory_space<vmem_shared>> -> memref<8192xf32, #tpu.memory_space<vmem_shared>>
      %dma_start3A_234 = tpu.memref_slice %arg12[%multiple_of3A_21] : memref<1048576xf32, #tpu.memory_space<vmem_shared>> -> memref<8192xf32, #tpu.memory_space<vmem_shared>>
      tpu.enqueue_dma source(%arg11 : memref<8192xf32, #tpu.memory_space<vmem>>) target(%dma_start3A_234 : memref<8192xf32, #tpu.memory_space<vmem_shared>>) target_semaphore(%run_scoped3A : memref<!tpu.dma_semaphore, #tpu.memory_space<semaphore_mem>>)
      %dma_wait3A = tpu.memref_slice %arg12[%multiple_of3A_21] : memref<1048576xf32, #tpu.memory_space<vmem_shared>> -> memref<8192xf32, #tpu.memory_space<vmem_shared>>
      %dma_wait3A_235 = tpu.memref_slice %arg12[%multiple_of3A_21] : memref<1048576xf32, #tpu.memory_space<vmem_shared>> -> memref<8192xf32, #tpu.memory_space<vmem_shared>>
      tpu.wait_dma2 semaphore(%run_scoped3A : memref<!tpu.dma_semaphore, #tpu.memory_space<semaphore_mem>>) src(%arg11 : memref<8192xf32, #tpu.memory_space<vmem>>) dst(%dma_wait3A_235 : memref<8192xf32, #tpu.memory_space<vmem_shared>>)
      tpu.yield
    }) : () -> ()
    %add3A_22 = arith.constant 16384 : i32
    %add3A_23 = arith.addi %multiple_of3A, %add3A_22 : i32
    %multiple_of3A_24 = tpu.assume_multiple %add3A_23, 8 : i32
    "tpu.region"() ({
      %run_scoped3A = tpu.sem_alloc : memref<!tpu.dma_semaphore, #tpu.memory_space<semaphore_mem>>
      %dma_start3A = tpu.memref_slice %arg12[%multiple_of3A_24] : memref<1048576xf32, #tpu.memory_space<vmem_shared>> -> memref<8192xf32, #tpu.memory_space<vmem_shared>>
      %dma_start3A_234 = tpu.memref_slice %arg12[%multiple_of3A_24] : memref<1048576xf32, #tpu.memory_space<vmem_shared>> -> memref<8192xf32, #tpu.memory_space<vmem_shared>>
      tpu.enqueue_dma source(%arg11 : memref<8192xf32, #tpu.memory_space<vmem>>) target(%dma_start3A_234 : memref<8192xf32, #tpu.memory_space<vmem_shared>>) target_semaphore(%run_scoped3A : memref<!tpu.dma_semaphore, #tpu.memory_space<semaphore_mem>>)
      %dma_wait3A = tpu.memref_slice %arg12[%multiple_of3A_24] : memref<1048576xf32, #tpu.memory_space<vmem_shared>> -> memref<8192xf32, #tpu.memory_space<vmem_shared>>
      %dma_wait3A_235 = tpu.memref_slice %arg12[%multiple_of3A_24] : memref<1048576xf32, #tpu.memory_space<vmem_shared>> -> memref<8192xf32, #tpu.memory_space<vmem_shared>>
      tpu.wait_dma2 semaphore(%run_scoped3A : memref<!tpu.dma_semaphore, #tpu.memory_space<semaphore_mem>>) src(%arg11 : memref<8192xf32, #tpu.memory_space<vmem>>) dst(%dma_wait3A_235 : memref<8192xf32, #tpu.memory_space<vmem_shared>>)
      tpu.yield
    }) : () -> ()
    %add3A_25 = arith.constant 24576 : i32
    %add3A_26 = arith.addi %multiple_of3A, %add3A_25 : i32
    %multiple_of3A_27 = tpu.assume_multiple %add3A_26, 8 : i32
    "tpu.region"() ({
      %run_scoped3A = tpu.sem_alloc : memref<!tpu.dma_semaphore, #tpu.memory_space<semaphore_mem>>
      %dma_start3A = tpu.memref_slice %arg12[%multiple_of3A_27] : memref<1048576xf32, #tpu.memory_space<vmem_shared>> -> memref<8192xf32, #tpu.memory_space<vmem_shared>>
      %dma_start3A_234 = tpu.memref_slice %arg12[%multiple_of3A_27] : memref<1048576xf32, #tpu.memory_space<vmem_shared>> -> memref<8192xf32, #tpu.memory_space<vmem_shared>>
      tpu.enqueue_dma source(%arg11 : memref<8192xf32, #tpu.memory_space<vmem>>) target(%dma_start3A_234 : memref<8192xf32, #tpu.memory_space<vmem_shared>>) target_semaphore(%run_scoped3A : memref<!tpu.dma_semaphore, #tpu.memory_space<semaphore_mem>>)
      %dma_wait3A = tpu.memref_slice %arg12[%multiple_of3A_27] : memref<1048576xf32, #tpu.memory_space<vmem_shared>> -> memref<8192xf32, #tpu.memory_space<vmem_shared>>
      %dma_wait3A_235 = tpu.memref_slice %arg12[%multiple_of3A_27] : memref<1048576xf32, #tpu.memory_space<vmem_shared>> -> memref<8192xf32, #tpu.memory_space<vmem_shared>>
      tpu.wait_dma2 semaphore(%run_scoped3A : memref<!tpu.dma_semaphore, #tpu.memory_space<semaphore_mem>>) src(%arg11 : memref<8192xf32, #tpu.memory_space<vmem>>) dst(%dma_wait3A_235 : memref<8192xf32, #tpu.memory_space<vmem_shared>>)
      tpu.yield
    }) : () -> ()
    %add3A_28 = arith.constant 32768 : i32
    %add3A_29 = arith.addi %multiple_of3A, %add3A_28 : i32
    %multiple_of3A_30 = tpu.assume_multiple %add3A_29, 8 : i32
    "tpu.region"() ({
      %run_scoped3A = tpu.sem_alloc : memref<!tpu.dma_semaphore, #tpu.memory_space<semaphore_mem>>
      %dma_start3A = tpu.memref_slice %arg12[%multiple_of3A_30] : memref<1048576xf32, #tpu.memory_space<vmem_shared>> -> memref<8192xf32, #tpu.memory_space<vmem_shared>>
      %dma_start3A_234 = tpu.memref_slice %arg12[%multiple_of3A_30] : memref<1048576xf32, #tpu.memory_space<vmem_shared>> -> memref<8192xf32, #tpu.memory_space<vmem_shared>>
      tpu.enqueue_dma source(%arg11 : memref<8192xf32, #tpu.memory_space<vmem>>) target(%dma_start3A_234 : memref<8192xf32, #tpu.memory_space<vmem_shared>>) target_semaphore(%run_scoped3A : memref<!tpu.dma_semaphore, #tpu.memory_space<semaphore_mem>>)
      %dma_wait3A = tpu.memref_slice %arg12[%multiple_of3A_30] : memref<1048576xf32, #tpu.memory_space<vmem_shared>> -> memref<8192xf32, #tpu.memory_space<vmem_shared>>
      %dma_wait3A_235 = tpu.memref_slice %arg12[%multiple_of3A_30] : memref<1048576xf32, #tpu.memory_space<vmem_shared>> -> memref<8192xf32, #tpu.memory_space<vmem_shared>>
      tpu.wait_dma2 semaphore(%run_scoped3A : memref<!tpu.dma_semaphore, #tpu.memory_space<semaphore_mem>>) src(%arg11 : memref<8192xf32, #tpu.memory_space<vmem>>) dst(%dma_wait3A_235 : memref<8192xf32, #tpu.memory_space<vmem_shared>>)
      tpu.yield
    }) : () -> ()
    %add3A_31 = arith.constant 40960 : i32
    %add3A_32 = arith.addi %multiple_of3A, %add3A_31 : i32
    %multiple_of3A_33 = tpu.assume_multiple %add3A_32, 8 : i32
    "tpu.region"() ({
      %run_scoped3A = tpu.sem_alloc : memref<!tpu.dma_semaphore, #tpu.memory_space<semaphore_mem>>
      %dma_start3A = tpu.memref_slice %arg12[%multiple_of3A_33] : memref<1048576xf32, #tpu.memory_space<vmem_shared>> -> memref<8192xf32, #tpu.memory_space<vmem_shared>>
      %dma_start3A_234 = tpu.memref_slice %arg12[%multiple_of3A_33] : memref<1048576xf32, #tpu.memory_space<vmem_shared>> -> memref<8192xf32, #tpu.memory_space<vmem_shared>>
      tpu.enqueue_dma source(%arg11 : memref<8192xf32, #tpu.memory_space<vmem>>) target(%dma_start3A_234 : memref<8192xf32, #tpu.memory_space<vmem_shared>>) target_semaphore(%run_scoped3A : memref<!tpu.dma_semaphore, #tpu.memory_space<semaphore_mem>>)
      %dma_wait3A = tpu.memref_slice %arg12[%multiple_of3A_33] : memref<1048576xf32, #tpu.memory_space<vmem_shared>> -> memref<8192xf32, #tpu.memory_space<vmem_shared>>
      %dma_wait3A_235 = tpu.memref_slice %arg12[%multiple_of3A_33] : memref<1048576xf32, #tpu.memory_space<vmem_shared>> -> memref<8192xf32, #tpu.memory_space<vmem_shared>>
      tpu.wait_dma2 semaphore(%run_scoped3A : memref<!tpu.dma_semaphore, #tpu.memory_space<semaphore_mem>>) src(%arg11 : memref<8192xf32, #tpu.memory_space<vmem>>) dst(%dma_wait3A_235 : memref<8192xf32, #tpu.memory_space<vmem_shared>>)
      tpu.yield
    }) : () -> ()
    %add3A_34 = arith.constant 49152 : i32
    %add3A_35 = arith.addi %multiple_of3A, %add3A_34 : i32
    %multiple_of3A_36 = tpu.assume_multiple %add3A_35, 8 : i32
    "tpu.region"() ({
      %run_scoped3A = tpu.sem_alloc : memref<!tpu.dma_semaphore, #tpu.memory_space<semaphore_mem>>
      %dma_start3A = tpu.memref_slice %arg12[%multiple_of3A_36] : memref<1048576xf32, #tpu.memory_space<vmem_shared>> -> memref<8192xf32, #tpu.memory_space<vmem_shared>>
      %dma_start3A_234 = tpu.memref_slice %arg12[%multiple_of3A_36] : memref<1048576xf32, #tpu.memory_space<vmem_shared>> -> memref<8192xf32, #tpu.memory_space<vmem_shared>>
      tpu.enqueue_dma source(%arg11 : memref<8192xf32, #tpu.memory_space<vmem>>) target(%dma_start3A_234 : memref<8192xf32, #tpu.memory_space<vmem_shared>>) target_semaphore(%run_scoped3A : memref<!tpu.dma_semaphore, #tpu.memory_space<semaphore_mem>>)
      %dma_wait3A = tpu.memref_slice %arg12[%multiple_of3A_36] : memref<1048576xf32, #tpu.memory_space<vmem_shared>> -> memref<8192xf32, #tpu.memory_space<vmem_shared>>
      %dma_wait3A_235 = tpu.memref_slice %arg12[%multiple_of3A_36] : memref<1048576xf32, #tpu.memory_space<vmem_shared>> -> memref<8192xf32, #tpu.memory_space<vmem_shared>>
      tpu.wait_dma2 semaphore(%run_scoped3A : memref<!tpu.dma_semaphore, #tpu.memory_space<semaphore_mem>>) src(%arg11 : memref<8192xf32, #tpu.memory_space<vmem>>) dst(%dma_wait3A_235 : memref<8192xf32, #tpu.memory_space<vmem_shared>>)
      tpu.yield
    }) : () -> ()
    %add3A_37 = arith.constant 57344 : i32
    %add3A_38 = arith.addi %multiple_of3A, %add3A_37 : i32
    %multiple_of3A_39 = tpu.assume_multiple %add3A_38, 8 : i32
    "tpu.region"() ({
      %run_scoped3A = tpu.sem_alloc : memref<!tpu.dma_semaphore, #tpu.memory_space<semaphore_mem>>
      %dma_start3A = tpu.memref_slice %arg12[%multiple_of3A_39] : memref<1048576xf32, #tpu.memory_space<vmem_shared>> -> memref<8192xf32, #tpu.memory_space<vmem_shared>>
      %dma_start3A_234 = tpu.memref_slice %arg12[%multiple_of3A_39] : memref<1048576xf32, #tpu.memory_space<vmem_shared>> -> memref<8192xf32, #tpu.memory_space<vmem_shared>>
      tpu.enqueue_dma source(%arg11 : memref<8192xf32, #tpu.memory_space<vmem>>) target(%dma_start3A_234 : memref<8192xf32, #tpu.memory_space<vmem_shared>>) target_semaphore(%run_scoped3A : memref<!tpu.dma_semaphore, #tpu.memory_space<semaphore_mem>>)
      %dma_wait3A = tpu.memref_slice %arg12[%multiple_of3A_39] : memref<1048576xf32, #tpu.memory_space<vmem_shared>> -> memref<8192xf32, #tpu.memory_space<vmem_shared>>
      %dma_wait3A_235 = tpu.memref_slice %arg12[%multiple_of3A_39] : memref<1048576xf32, #tpu.memory_space<vmem_shared>> -> memref<8192xf32, #tpu.memory_space<vmem_shared>>
      tpu.wait_dma2 semaphore(%run_scoped3A : memref<!tpu.dma_semaphore, #tpu.memory_space<semaphore_mem>>) src(%arg11 : memref<8192xf32, #tpu.memory_space<vmem>>) dst(%dma_wait3A_235 : memref<8192xf32, #tpu.memory_space<vmem_shared>>)
      tpu.yield
    }) : () -> ()
    %barrier3A = arith.constant 0 : index
    tpu.barrier barrier_id(%barrier3A)
    %while3A_40 = arith.constant 0 : i32
    %while3A_41 = arith.constant 64 : i32
    %while3A_42 = arith.constant 0 : i64
    %while3A_43 = arith.subi %while3A_41, %while3A_40 : i32
    %while3A_44 = arith.addi %while3A_40, %while3A_43 : i32
    %while3A_45 = arith.constant 1 : i32
    %while3A_46 = arith.divsi %while3A_43, %while3A_45 : i32
    %while3A_47 = arith.muli %while3A_46, %while3A_45 : i32
    %while3A_48 = arith.addi %while3A_40, %while3A_47 : i32
    %while3A_49 = arith.constant 1 : i32
    %while3A_50 = scf.for %while3A_234 = %while3A_40 to %while3A_48 step %while3A_49 iter_args(%while3A_235 = %while3A_42) -> (i64)  : i32 {
      %mul3A_236 = arith.constant 131072 : i32
      %mul3A_237 = arith.muli %arg1, %mul3A_236 : i32
      %mul3A_238 = arith.constant 2048 : i32
      %mul3A_239 = arith.muli %while3A_234, %mul3A_238 : i32
      %add3A_240 = arith.addi %mul3A_237, %mul3A_239 : i32
      %mul3A_241 = arith.constant 3 : i32
      %mul3A_242 = arith.muli %add3A_240, %mul3A_241 : i32
      %multiple_of3A_243 = tpu.assume_multiple %mul3A_242, 8 : i32
      "tpu.region"() ({
        %run_scoped3A = tpu.sem_alloc : memref<!tpu.dma_semaphore, #tpu.memory_space<semaphore_mem>>
        %dma_start3A_594 = tpu.memref_slice %arg4[%multiple_of3A_243] : memref<6291456xi32, #tpu.memory_space<hbm>> -> memref<6144xi32, #tpu.memory_space<hbm>>
        %dma_start3A_595 = tpu.memref_slice %arg4[%multiple_of3A_243] : memref<6291456xi32, #tpu.memory_space<hbm>> -> memref<6144xi32, #tpu.memory_space<hbm>>
        tpu.enqueue_dma source(%dma_start3A_595 : memref<6144xi32, #tpu.memory_space<hbm>>) target(%arg6 : memref<6144xi32, #tpu.memory_space<vmem>>) target_semaphore(%run_scoped3A : memref<!tpu.dma_semaphore, #tpu.memory_space<semaphore_mem>>)
        %dma_wait3A_596 = tpu.memref_slice %arg4[%multiple_of3A_243] : memref<6291456xi32, #tpu.memory_space<hbm>> -> memref<6144xi32, #tpu.memory_space<hbm>>
        %dma_wait3A_597 = tpu.memref_slice %arg4[%multiple_of3A_243] : memref<6291456xi32, #tpu.memory_space<hbm>> -> memref<6144xi32, #tpu.memory_space<hbm>>
        tpu.wait_dma2 semaphore(%run_scoped3A : memref<!tpu.dma_semaphore, #tpu.memory_space<semaphore_mem>>) src(%dma_wait3A_597 : memref<6144xi32, #tpu.memory_space<hbm>>) dst(%arg6 : memref<6144xi32, #tpu.memory_space<vmem>>)
        tpu.yield
      }) : () -> ()
      %multiple_of3A_244 = tpu.assume_multiple %add3A_240, 8 : i32
      "tpu.region"() ({
        %run_scoped3A = tpu.sem_alloc : memref<!tpu.dma_semaphore, #tpu.memory_space<semaphore_mem>>
        %dma_start3A_594 = tpu.memref_slice %arg3[%multiple_of3A_244] : memref<2097152xf32, #tpu.memory_space<hbm>> -> memref<2048xf32, #tpu.memory_space<hbm>>
        %dma_start3A_595 = tpu.memref_slice %arg3[%multiple_of3A_244] : memref<2097152xf32, #tpu.memory_space<hbm>> -> memref<2048xf32, #tpu.memory_space<hbm>>
        tpu.enqueue_dma source(%dma_start3A_595 : memref<2048xf32, #tpu.memory_space<hbm>>) target(%arg7 : memref<2048xf32, #tpu.memory_space<vmem>>) target_semaphore(%run_scoped3A : memref<!tpu.dma_semaphore, #tpu.memory_space<semaphore_mem>>)
        %dma_wait3A_596 = tpu.memref_slice %arg3[%multiple_of3A_244] : memref<2097152xf32, #tpu.memory_space<hbm>> -> memref<2048xf32, #tpu.memory_space<hbm>>
        %dma_wait3A_597 = tpu.memref_slice %arg3[%multiple_of3A_244] : memref<2097152xf32, #tpu.memory_space<hbm>> -> memref<2048xf32, #tpu.memory_space<hbm>>
        tpu.wait_dma2 semaphore(%run_scoped3A : memref<!tpu.dma_semaphore, #tpu.memory_space<semaphore_mem>>) src(%dma_wait3A_597 : memref<2048xf32, #tpu.memory_space<hbm>>) dst(%arg7 : memref<2048xf32, #tpu.memory_space<vmem>>)
        tpu.yield
      }) : () -> ()
      %jit3A = arith.constant 8 : i64
      %convert_element_type3A = arith.trunci %jit3A : i64 to i32
      %div3A = arith.divsi %add3A_240, %convert_element_type3A : i32
      %sign3A = arith.constant 0 : i32
      %sign3A_245 = arith.cmpi sgt, %add3A_240, %sign3A : i32
      %sign3A_246 = arith.extui %sign3A_245 : i1 to i32
      %sign3A_247 = arith.constant 0 : i32
      %sign3A_248 = arith.cmpi slt, %add3A_240, %sign3A_247 : i32
      %sign3A_249 = arith.extui %sign3A_248 : i1 to i32
      %sign3A_250 = arith.subi %sign3A_246, %sign3A_249 : i32
      %sign3A_251 = arith.constant 0 : i32
      %sign3A_252 = arith.cmpi sgt, %convert_element_type3A, %sign3A_251 : i32
      %sign3A_253 = arith.extui %sign3A_252 : i1 to i32
      %sign3A_254 = arith.constant 0 : i32
      %sign3A_255 = arith.cmpi slt, %convert_element_type3A, %sign3A_254 : i32
      %sign3A_256 = arith.extui %sign3A_255 : i1 to i32
      %sign3A_257 = arith.subi %sign3A_253, %sign3A_256 : i32
      %ne3A = arith.cmpi ne, %sign3A_250, %sign3A_257 : i32
      %rem3A = arith.remsi %add3A_240, %convert_element_type3A : i32
      %ne3A_258 = arith.constant 0 : i32
      %ne3A_259 = arith.cmpi ne, %rem3A, %ne3A_258 : i32
      %and3A = arith.andi %ne3A, %ne3A_259 : i1
      %sub3A = arith.constant 1 : i32
      %sub3A_260 = arith.subi %div3A, %sub3A : i32
      %select_n3A = arith.select %and3A, %sub3A_260, %div3A : i32
      %multiple_of3A_261 = tpu.assume_multiple %select_n3A, 8 : i32
      "tpu.region"() ({
        %run_scoped3A = tpu.sem_alloc : memref<!tpu.dma_semaphore, #tpu.memory_space<semaphore_mem>>
        %dma_start3A_594 = tpu.memref_slice %arg2[%multiple_of3A_261] : memref<262144xf32, #tpu.memory_space<hbm>> -> memref<256xf32, #tpu.memory_space<hbm>>
        %dma_start3A_595 = tpu.memref_slice %arg2[%multiple_of3A_261] : memref<262144xf32, #tpu.memory_space<hbm>> -> memref<256xf32, #tpu.memory_space<hbm>>
        tpu.enqueue_dma source(%dma_start3A_595 : memref<256xf32, #tpu.memory_space<hbm>>) target(%arg8 : memref<256xf32, #tpu.memory_space<vmem>>) target_semaphore(%run_scoped3A : memref<!tpu.dma_semaphore, #tpu.memory_space<semaphore_mem>>)
        %dma_wait3A_596 = tpu.memref_slice %arg2[%multiple_of3A_261] : memref<262144xf32, #tpu.memory_space<hbm>> -> memref<256xf32, #tpu.memory_space<hbm>>
        %dma_wait3A_597 = tpu.memref_slice %arg2[%multiple_of3A_261] : memref<262144xf32, #tpu.memory_space<hbm>> -> memref<256xf32, #tpu.memory_space<hbm>>
        tpu.wait_dma2 semaphore(%run_scoped3A : memref<!tpu.dma_semaphore, #tpu.memory_space<semaphore_mem>>) src(%dma_wait3A_597 : memref<256xf32, #tpu.memory_space<hbm>>) dst(%arg8 : memref<256xf32, #tpu.memory_space<vmem>>)
        tpu.yield
      }) : () -> ()
      %while3A_262 = arith.constant 0 : i32
      %while3A_263 = arith.constant 128 : i32
      %while3A_264 = arith.constant 0 : i64
      %while3A_265 = arith.subi %while3A_263, %while3A_262 : i32
      %while3A_266 = arith.addi %while3A_262, %while3A_265 : i32
      %while3A_267 = arith.constant 1 : i32
      %while3A_268 = arith.divsi %while3A_265, %while3A_267 : i32
      %while3A_269 = arith.muli %while3A_268, %while3A_267 : i32
      %while3A_270 = arith.addi %while3A_262, %while3A_269 : i32
      %while3A_271 = arith.constant 1 : i32
      %while3A_272 = scf.for %while3A_594 = %while3A_262 to %while3A_270 step %while3A_271 iter_args(%while3A_595 = %while3A_264) -> (i64)  : i32 {
        %mul3A_596 = arith.constant 16 : i32
        %mul3A_597 = arith.muli %while3A_594, %mul3A_596 : i32
        %add3A_598 = vector.broadcast %mul3A_597 : i32 to vector<16xi32>
        %add3A_599 = arith.addi %add3A_598, %iota3A : vector<16xi32>
        %mul3A_600 = arith.constant 3 : i32
        %mul3A_601 = vector.broadcast %mul3A_600 : i32 to vector<16xi32>
        %mul3A_602 = arith.muli %add3A_599, %mul3A_601 : vector<16xi32>
        %gather3A = tpu.vector_load_idx %arg6[%mul3A_602] : memref<6144xi32, #tpu.memory_space<vmem>>[vector<16xi32>], vector<16xi32>,
        %mul3A_603 = arith.constant 3 : i32
        %mul3A_604 = vector.broadcast %mul3A_603 : i32 to vector<16xi32>
        %mul3A_605 = arith.muli %add3A_599, %mul3A_604 : vector<16xi32>
        %add3A_606 = arith.constant 1 : i32
        %add3A_607 = vector.broadcast %add3A_606 : i32 to vector<16xi32>
        %add3A_608 = arith.addi %mul3A_605, %add3A_607 : vector<16xi32>
        %gather3A_609 = tpu.vector_load_idx %arg6[%add3A_608] : memref<6144xi32, #tpu.memory_space<vmem>>[vector<16xi32>], vector<16xi32>,
        %mul3A_610 = arith.constant 3 : i32
        %mul3A_611 = vector.broadcast %mul3A_610 : i32 to vector<16xi32>
        %mul3A_612 = arith.muli %add3A_599, %mul3A_611 : vector<16xi32>
        %add3A_613 = arith.constant 2 : i32
        %add3A_614 = vector.broadcast %add3A_613 : i32 to vector<16xi32>
        %add3A_615 = arith.addi %mul3A_612, %add3A_614 : vector<16xi32>
        %gather3A_616 = tpu.vector_load_idx %arg6[%add3A_615] : memref<6144xi32, #tpu.memory_space<vmem>>[vector<16xi32>], vector<16xi32>,
        %mul3A_617 = arith.constant 128 : i32
        %mul3A_618 = vector.broadcast %mul3A_617 : i32 to vector<16xi32>
        %mul3A_619 = arith.muli %gather3A, %mul3A_618 : vector<16xi32>
        %add3A_620 = arith.addi %mul3A_619, %gather3A_609 : vector<16xi32>
        %mul3A_621 = arith.constant 128 : i32
        %mul3A_622 = vector.broadcast %mul3A_621 : i32 to vector<16xi32>
        %mul3A_623 = arith.muli %add3A_620, %mul3A_622 : vector<16xi32>
        %add3A_624 = arith.addi %mul3A_623, %gather3A_616 : vector<16xi32>
        %sub3A_625 = arith.constant 0 : i32
        %sub3A_626 = vector.broadcast %sub3A_625 : i32 to vector<16xi32>
        %sub3A_627 = arith.subi %add3A_624, %sub3A_626 : vector<16xi32>
        %mul3A_628 = arith.constant 16 : i32
        %mul3A_629 = arith.muli %while3A_594, %mul3A_628 : i32
        %get3A = arith.index_cast %mul3A_629 : i32 to index
        %get3A_630 = tpu.vector_load %arg7[%get3A] {strides = array<i32>} : memref<2048xf32, #tpu.memory_space<vmem>>, vector<16xf32>,
        %shift_right_logical3A = arith.constant 3 : i32
        %shift_right_logical3A_631 = vector.broadcast %shift_right_logical3A : i32 to vector<16xi32>
        %shift_right_logical3A_632 = arith.shrui %add3A_599, %shift_right_logical3A_631 : vector<16xi32>
        %gather3A_633 = tpu.vector_load_idx %arg8[%shift_right_logical3A_632] : memref<256xf32, #tpu.memory_space<vmem>>[vector<16xi32>], vector<16xf32>,
        %mul3A_634 = arith.mulf %get3A_630, %gather3A_633 : vector<16xf32>
        %select_n3A_635 = arith.select %eq3A_3, %get3A_630, %mul3A_634 : vector<16xi1>, vector<16xf32>
        %ge3A = arith.constant 0 : i32
        %ge3A_636 = vector.broadcast %ge3A : i32 to vector<16xi32>
        %ge3A_637 = arith.cmpi sge, %sub3A_627, %ge3A_636 : vector<16xi32>
        %lt3A = arith.constant 1048576 : i32
        %lt3A_638 = vector.broadcast %lt3A : i32 to vector<16xi32>
        %lt3A_639 = arith.cmpi slt, %sub3A_627, %lt3A_638 : vector<16xi32>
        %and3A_640 = arith.andi %ge3A_637, %lt3A_639 : vector<16xi1>
        %shift_right_logical3A_641 = arith.constant 3 : i32
        %shift_right_logical3A_642 = arith.shrui %while3A_594, %shift_right_logical3A_641 : i32
        %and3A_643 = arith.constant 7 : i32
        %and3A_644 = arith.andi %while3A_594, %and3A_643 : i32
        %mul3A_645 = arith.constant 16 : i32
        %mul3A_646 = arith.muli %and3A_644, %mul3A_645 : i32
        %and3A_647 = arith.constant 1048575 : i32
        %and3A_648 = vector.broadcast %and3A_647 : i32 to vector<16xi32>
        %and3A_649 = arith.andi %sub3A_627, %and3A_648 : vector<16xi32>
        %swap3A = arith.index_cast %shift_right_logical3A_642 : i32 to index
        %swap3A_650 = arith.index_cast %mul3A_646 : i32 to index
        %swap3A_651 = tpu.vector_load %arg9[%swap3A, %swap3A_650] {strides = array<i32>} : memref<16x128xi32, #tpu.memory_space<vmem>>, vector<16xi32>,
        tpu.vector_store %arg9[%swap3A, %swap3A_650], %and3A_649 {strides = array<i32>} : memref<16x128xi32, #tpu.memory_space<vmem>>, vector<16xi32>,
        %jit3A_652 = arith.constant 0.000000e+00 : f64
        %convert_element_type3A_653 = arith.truncf %jit3A_652 : f64 to f32
        %broadcast_in_dim3A_654 = vector.broadcast %convert_element_type3A_653 : f32 to vector<16xf32>
        %select_n3A_655 = arith.select %and3A_640, %select_n3A_635, %broadcast_in_dim3A_654 : vector<16xi1>, vector<16xf32>
        %swap3A_656 = arith.index_cast %shift_right_logical3A_642 : i32 to index
        %swap3A_657 = arith.index_cast %mul3A_646 : i32 to index
        %swap3A_658 = tpu.vector_load %arg10[%swap3A_656, %swap3A_657] {strides = array<i32>} : memref<16x128xf32, #tpu.memory_space<vmem>>, vector<16xf32>,
        tpu.vector_store %arg10[%swap3A_656, %swap3A_657], %select_n3A_655 {strides = array<i32>} : memref<16x128xf32, #tpu.memory_space<vmem>>, vector<16xf32>,
        %while3A_659 = arith.constant 0 : i64
        scf.yield %while3A_659 : i64
      }
      %while3A_273 = arith.constant 1 : i32
      %while3A_274 = scf.for %while3A_594 = %while3A_270 to %while3A_266 step %while3A_273 iter_args(%while3A_595 = %while3A_272) -> (i64)  : i32 {
        %mul3A_596 = arith.constant 16 : i32
        %mul3A_597 = arith.muli %while3A_594, %mul3A_596 : i32
        %add3A_598 = vector.broadcast %mul3A_597 : i32 to vector<16xi32>
        %add3A_599 = arith.addi %add3A_598, %iota3A : vector<16xi32>
        %mul3A_600 = arith.constant 3 : i32
        %mul3A_601 = vector.broadcast %mul3A_600 : i32 to vector<16xi32>
        %mul3A_602 = arith.muli %add3A_599, %mul3A_601 : vector<16xi32>
        %gather3A = tpu.vector_load_idx %arg6[%mul3A_602] : memref<6144xi32, #tpu.memory_space<vmem>>[vector<16xi32>], vector<16xi32>,
        %mul3A_603 = arith.constant 3 : i32
        %mul3A_604 = vector.broadcast %mul3A_603 : i32 to vector<16xi32>
        %mul3A_605 = arith.muli %add3A_599, %mul3A_604 : vector<16xi32>
        %add3A_606 = arith.constant 1 : i32
        %add3A_607 = vector.broadcast %add3A_606 : i32 to vector<16xi32>
        %add3A_608 = arith.addi %mul3A_605, %add3A_607 : vector<16xi32>
        %gather3A_609 = tpu.vector_load_idx %arg6[%add3A_608] : memref<6144xi32, #tpu.memory_space<vmem>>[vector<16xi32>], vector<16xi32>,
        %mul3A_610 = arith.constant 3 : i32
        %mul3A_611 = vector.broadcast %mul3A_610 : i32 to vector<16xi32>
        %mul3A_612 = arith.muli %add3A_599, %mul3A_611 : vector<16xi32>
        %add3A_613 = arith.constant 2 : i32
        %add3A_614 = vector.broadcast %add3A_613 : i32 to vector<16xi32>
        %add3A_615 = arith.addi %mul3A_612, %add3A_614 : vector<16xi32>
        %gather3A_616 = tpu.vector_load_idx %arg6[%add3A_615] : memref<6144xi32, #tpu.memory_space<vmem>>[vector<16xi32>], vector<16xi32>,
        %mul3A_617 = arith.constant 128 : i32
        %mul3A_618 = vector.broadcast %mul3A_617 : i32 to vector<16xi32>
        %mul3A_619 = arith.muli %gather3A, %mul3A_618 : vector<16xi32>
        %add3A_620 = arith.addi %mul3A_619, %gather3A_609 : vector<16xi32>
        %mul3A_621 = arith.constant 128 : i32
        %mul3A_622 = vector.broadcast %mul3A_621 : i32 to vector<16xi32>
        %mul3A_623 = arith.muli %add3A_620, %mul3A_622 : vector<16xi32>
        %add3A_624 = arith.addi %mul3A_623, %gather3A_616 : vector<16xi32>
        %sub3A_625 = arith.constant 0 : i32
        %sub3A_626 = vector.broadcast %sub3A_625 : i32 to vector<16xi32>
        %sub3A_627 = arith.subi %add3A_624, %sub3A_626 : vector<16xi32>
        %mul3A_628 = arith.constant 16 : i32
        %mul3A_629 = arith.muli %while3A_594, %mul3A_628 : i32
        %get3A = arith.index_cast %mul3A_629 : i32 to index
        %get3A_630 = tpu.vector_load %arg7[%get3A] {strides = array<i32>} : memref<2048xf32, #tpu.memory_space<vmem>>, vector<16xf32>,
        %shift_right_logical3A = arith.constant 3 : i32
        %shift_right_logical3A_631 = vector.broadcast %shift_right_logical3A : i32 to vector<16xi32>
        %shift_right_logical3A_632 = arith.shrui %add3A_599, %shift_right_logical3A_631 : vector<16xi32>
        %gather3A_633 = tpu.vector_load_idx %arg8[%shift_right_logical3A_632] : memref<256xf32, #tpu.memory_space<vmem>>[vector<16xi32>], vector<16xf32>,
        %mul3A_634 = arith.mulf %get3A_630, %gather3A_633 : vector<16xf32>
        %select_n3A_635 = arith.select %eq3A_3, %get3A_630, %mul3A_634 : vector<16xi1>, vector<16xf32>
        %ge3A = arith.constant 0 : i32
        %ge3A_636 = vector.broadcast %ge3A : i32 to vector<16xi32>
        %ge3A_637 = arith.cmpi sge, %sub3A_627, %ge3A_636 : vector<16xi32>
        %lt3A = arith.constant 1048576 : i32
        %lt3A_638 = vector.broadcast %lt3A : i32 to vector<16xi32>
        %lt3A_639 = arith.cmpi slt, %sub3A_627, %lt3A_638 : vector<16xi32>
        %and3A_640 = arith.andi %ge3A_637, %lt3A_639 : vector<16xi1>
        %shift_right_logical3A_641 = arith.constant 3 : i32
        %shift_right_logical3A_642 = arith.shrui %while3A_594, %shift_right_logical3A_641 : i32
        %and3A_643 = arith.constant 7 : i32
        %and3A_644 = arith.andi %while3A_594, %and3A_643 : i32
        %mul3A_645 = arith.constant 16 : i32
        %mul3A_646 = arith.muli %and3A_644, %mul3A_645 : i32
        %and3A_647 = arith.constant 1048575 : i32
        %and3A_648 = vector.broadcast %and3A_647 : i32 to vector<16xi32>
        %and3A_649 = arith.andi %sub3A_627, %and3A_648 : vector<16xi32>
        %swap3A = arith.index_cast %shift_right_logical3A_642 : i32 to index
        %swap3A_650 = arith.index_cast %mul3A_646 : i32 to index
        %swap3A_651 = tpu.vector_load %arg9[%swap3A, %swap3A_650] {strides = array<i32>} : memref<16x128xi32, #tpu.memory_space<vmem>>, vector<16xi32>,
        tpu.vector_store %arg9[%swap3A, %swap3A_650], %and3A_649 {strides = array<i32>} : memref<16x128xi32, #tpu.memory_space<vmem>>, vector<16xi32>,
        %jit3A_652 = arith.constant 0.000000e+00 : f64
        %convert_element_type3A_653 = arith.truncf %jit3A_652 : f64 to f32
        %broadcast_in_dim3A_654 = vector.broadcast %convert_element_type3A_653 : f32 to vector<16xf32>
        %select_n3A_655 = arith.select %and3A_640, %select_n3A_635, %broadcast_in_dim3A_654 : vector<16xi1>, vector<16xf32>
        %swap3A_656 = arith.index_cast %shift_right_logical3A_642 : i32 to index
        %swap3A_657 = arith.index_cast %mul3A_646 : i32 to index
        %swap3A_658 = tpu.vector_load %arg10[%swap3A_656, %swap3A_657] {strides = array<i32>} : memref<16x128xf32, #tpu.memory_space<vmem>>, vector<16xf32>,
        tpu.vector_store %arg10[%swap3A_656, %swap3A_657], %select_n3A_655 {strides = array<i32>} : memref<16x128xf32, #tpu.memory_space<vmem>>, vector<16xf32>,
        %while3A_659 = arith.constant 0 : i64
        scf.yield %while3A_659 : i64
      }
      %dma_start3A = arith.constant 0 : i32
      %dma_start3A_275 = arith.constant 0 : i32
      %dma_start3A_276 = arith.constant 0 : i32
      %dma_start3A_277 = tpu.memref_slice %arg10[%dma_start3A, %dma_start3A_276] : memref<16x128xf32, #tpu.memory_space<vmem>> -> memref<1x128xf32, #tpu.memory_space<vmem>>
      %dma_start3A_278 = tpu.memref_squeeze %dma_start3A_277 : memref<1x128xf32, #tpu.memory_space<vmem>> -> memref<128xf32, #tpu.memory_space<vmem>>
      %dma_start3A_279 = arith.constant 0 : i32
      %dma_start3A_280 = tpu.memref_slice %arg9[%dma_start3A_275, %dma_start3A_279] : memref<16x128xi32, #tpu.memory_space<vmem>> -> memref<1x128xi32, #tpu.memory_space<vmem>>
      %dma_start3A_281 = tpu.memref_squeeze %dma_start3A_280 : memref<1x128xi32, #tpu.memory_space<vmem>> -> memref<128xi32, #tpu.memory_space<vmem>>
      %dma_start3A_282 = arith.constant 0 : i32
      %dma_start3A_283 = tpu.memref_slice %arg12[%dma_start3A_282] : memref<1048576xf32, #tpu.memory_space<vmem_shared>> -> memref<1048576xf32, #tpu.memory_space<vmem_shared>>
      tpu.enqueue_indirect_dma source(%dma_start3A_278 : memref<128xf32, #tpu.memory_space<vmem>>) target(%dma_start3A_283 : memref<1048576xf32, #tpu.memory_space<vmem_shared>>) offsets(%dma_start3A_281 : memref<128xi32, #tpu.memory_space<vmem>>) semaphore(%arg13 : memref<!tpu.dma_semaphore, #tpu.memory_space<semaphore_mem>>) {add = true}
      %dma_start3A_284 = arith.constant 1 : i32
      %dma_start3A_285 = arith.constant 1 : i32
      %dma_start3A_286 = arith.constant 0 : i32
      %dma_start3A_287 = tpu.memref_slice %arg10[%dma_start3A_284, %dma_start3A_286] : memref<16x128xf32, #tpu.memory_space<vmem>> -> memref<1x128xf32, #tpu.memory_space<vmem>>
      %dma_start3A_288 = tpu.memref_squeeze %dma_start3A_287 : memref<1x128xf32, #tpu.memory_space<vmem>> -> memref<128xf32, #tpu.memory_space<vmem>>
      %dma_start3A_289 = arith.constant 0 : i32
      %dma_start3A_290 = tpu.memref_slice %arg9[%dma_start3A_285, %dma_start3A_289] : memref<16x128xi32, #tpu.memory_space<vmem>> -> memref<1x128xi32, #tpu.memory_space<vmem>>
      %dma_start3A_291 = tpu.memref_squeeze %dma_start3A_290 : memref<1x128xi32, #tpu.memory_space<vmem>> -> memref<128xi32, #tpu.memory_space<vmem>>
      %dma_start3A_292 = arith.constant 0 : i32
      %dma_start3A_293 = tpu.memref_slice %arg12[%dma_start3A_292] : memref<1048576xf32, #tpu.memory_space<vmem_shared>> -> memref<1048576xf32, #tpu.memory_space<vmem_shared>>
      tpu.enqueue_indirect_dma source(%dma_start3A_288 : memref<128xf32, #tpu.memory_space<vmem>>) target(%dma_start3A_293 : memref<1048576xf32, #tpu.memory_space<vmem_shared>>) offsets(%dma_start3A_291 : memref<128xi32, #tpu.memory_space<vmem>>) semaphore(%arg13 : memref<!tpu.dma_semaphore, #tpu.memory_space<semaphore_mem>>) {add = true}
      %dma_start3A_294 = arith.constant 2 : i32
      %dma_start3A_295 = arith.constant 2 : i32
      %dma_start3A_296 = arith.constant 0 : i32
      %dma_start3A_297 = tpu.memref_slice %arg10[%dma_start3A_294, %dma_start3A_296] : memref<16x128xf32, #tpu.memory_space<vmem>> -> memref<1x128xf32, #tpu.memory_space<vmem>>
      %dma_start3A_298 = tpu.memref_squeeze %dma_start3A_297 : memref<1x128xf32, #tpu.memory_space<vmem>> -> memref<128xf32, #tpu.memory_space<vmem>>
      %dma_start3A_299 = arith.constant 0 : i32
      %dma_start3A_300 = tpu.memref_slice %arg9[%dma_start3A_295, %dma_start3A_299] : memref<16x128xi32, #tpu.memory_space<vmem>> -> memref<1x128xi32, #tpu.memory_space<vmem>>
      %dma_start3A_301 = tpu.memref_squeeze %dma_start3A_300 : memref<1x128xi32, #tpu.memory_space<vmem>> -> memref<128xi32, #tpu.memory_space<vmem>>
      %dma_start3A_302 = arith.constant 0 : i32
      %dma_start3A_303 = tpu.memref_slice %arg12[%dma_start3A_302] : memref<1048576xf32, #tpu.memory_space<vmem_shared>> -> memref<1048576xf32, #tpu.memory_space<vmem_shared>>
      tpu.enqueue_indirect_dma source(%dma_start3A_298 : memref<128xf32, #tpu.memory_space<vmem>>) target(%dma_start3A_303 : memref<1048576xf32, #tpu.memory_space<vmem_shared>>) offsets(%dma_start3A_301 : memref<128xi32, #tpu.memory_space<vmem>>) semaphore(%arg13 : memref<!tpu.dma_semaphore, #tpu.memory_space<semaphore_mem>>) {add = true}
      %dma_start3A_304 = arith.constant 3 : i32
      %dma_start3A_305 = arith.constant 3 : i32
      %dma_start3A_306 = arith.constant 0 : i32
      %dma_start3A_307 = tpu.memref_slice %arg10[%dma_start3A_304, %dma_start3A_306] : memref<16x128xf32, #tpu.memory_space<vmem>> -> memref<1x128xf32, #tpu.memory_space<vmem>>
      %dma_start3A_308 = tpu.memref_squeeze %dma_start3A_307 : memref<1x128xf32, #tpu.memory_space<vmem>> -> memref<128xf32, #tpu.memory_space<vmem>>
      %dma_start3A_309 = arith.constant 0 : i32
      %dma_start3A_310 = tpu.memref_slice %arg9[%dma_start3A_305, %dma_start3A_309] : memref<16x128xi32, #tpu.memory_space<vmem>> -> memref<1x128xi32, #tpu.memory_space<vmem>>
      %dma_start3A_311 = tpu.memref_squeeze %dma_start3A_310 : memref<1x128xi32, #tpu.memory_space<vmem>> -> memref<128xi32, #tpu.memory_space<vmem>>
      %dma_start3A_312 = arith.constant 0 : i32
      %dma_start3A_313 = tpu.memref_slice %arg12[%dma_start3A_312] : memref<1048576xf32, #tpu.memory_space<vmem_shared>> -> memref<1048576xf32, #tpu.memory_space<vmem_shared>>
      tpu.enqueue_indirect_dma source(%dma_start3A_308 : memref<128xf32, #tpu.memory_space<vmem>>) target(%dma_start3A_313 : memref<1048576xf32, #tpu.memory_space<vmem_shared>>) offsets(%dma_start3A_311 : memref<128xi32, #tpu.memory_space<vmem>>) semaphore(%arg13 : memref<!tpu.dma_semaphore, #tpu.memory_space<semaphore_mem>>) {add = true}
      %dma_start3A_314 = arith.constant 4 : i32
      %dma_start3A_315 = arith.constant 4 : i32
      %dma_start3A_316 = arith.constant 0 : i32
      %dma_start3A_317 = tpu.memref_slice %arg10[%dma_start3A_314, %dma_start3A_316] : memref<16x128xf32, #tpu.memory_space<vmem>> -> memref<1x128xf32, #tpu.memory_space<vmem>>
      %dma_start3A_318 = tpu.memref_squeeze %dma_start3A_317 : memref<1x128xf32, #tpu.memory_space<vmem>> -> memref<128xf32, #tpu.memory_space<vmem>>
      %dma_start3A_319 = arith.constant 0 : i32
      %dma_start3A_320 = tpu.memref_slice %arg9[%dma_start3A_315, %dma_start3A_319] : memref<16x128xi32, #tpu.memory_space<vmem>> -> memref<1x128xi32, #tpu.memory_space<vmem>>
      %dma_start3A_321 = tpu.memref_squeeze %dma_start3A_320 : memref<1x128xi32, #tpu.memory_space<vmem>> -> memref<128xi32, #tpu.memory_space<vmem>>
      %dma_start3A_322 = arith.constant 0 : i32
      %dma_start3A_323 = tpu.memref_slice %arg12[%dma_start3A_322] : memref<1048576xf32, #tpu.memory_space<vmem_shared>> -> memref<1048576xf32, #tpu.memory_space<vmem_shared>>
      tpu.enqueue_indirect_dma source(%dma_start3A_318 : memref<128xf32, #tpu.memory_space<vmem>>) target(%dma_start3A_323 : memref<1048576xf32, #tpu.memory_space<vmem_shared>>) offsets(%dma_start3A_321 : memref<128xi32, #tpu.memory_space<vmem>>) semaphore(%arg13 : memref<!tpu.dma_semaphore, #tpu.memory_space<semaphore_mem>>) {add = true}
      %dma_start3A_324 = arith.constant 5 : i32
      %dma_start3A_325 = arith.constant 5 : i32
      %dma_start3A_326 = arith.constant 0 : i32
      %dma_start3A_327 = tpu.memref_slice %arg10[%dma_start3A_324, %dma_start3A_326] : memref<16x128xf32, #tpu.memory_space<vmem>> -> memref<1x128xf32, #tpu.memory_space<vmem>>
      %dma_start3A_328 = tpu.memref_squeeze %dma_start3A_327 : memref<1x128xf32, #tpu.memory_space<vmem>> -> memref<128xf32, #tpu.memory_space<vmem>>
      %dma_start3A_329 = arith.constant 0 : i32
      %dma_start3A_330 = tpu.memref_slice %arg9[%dma_start3A_325, %dma_start3A_329] : memref<16x128xi32, #tpu.memory_space<vmem>> -> memref<1x128xi32, #tpu.memory_space<vmem>>
      %dma_start3A_331 = tpu.memref_squeeze %dma_start3A_330 : memref<1x128xi32, #tpu.memory_space<vmem>> -> memref<128xi32, #tpu.memory_space<vmem>>
      %dma_start3A_332 = arith.constant 0 : i32
      %dma_start3A_333 = tpu.memref_slice %arg12[%dma_start3A_332] : memref<1048576xf32, #tpu.memory_space<vmem_shared>> -> memref<1048576xf32, #tpu.memory_space<vmem_shared>>
      tpu.enqueue_indirect_dma source(%dma_start3A_328 : memref<128xf32, #tpu.memory_space<vmem>>) target(%dma_start3A_333 : memref<1048576xf32, #tpu.memory_space<vmem_shared>>) offsets(%dma_start3A_331 : memref<128xi32, #tpu.memory_space<vmem>>) semaphore(%arg13 : memref<!tpu.dma_semaphore, #tpu.memory_space<semaphore_mem>>) {add = true}
      %dma_start3A_334 = arith.constant 6 : i32
      %dma_start3A_335 = arith.constant 6 : i32
      %dma_start3A_336 = arith.constant 0 : i32
      %dma_start3A_337 = tpu.memref_slice %arg10[%dma_start3A_334, %dma_start3A_336] : memref<16x128xf32, #tpu.memory_space<vmem>> -> memref<1x128xf32, #tpu.memory_space<vmem>>
      %dma_start3A_338 = tpu.memref_squeeze %dma_start3A_337 : memref<1x128xf32, #tpu.memory_space<vmem>> -> memref<128xf32, #tpu.memory_space<vmem>>
      %dma_start3A_339 = arith.constant 0 : i32
      %dma_start3A_340 = tpu.memref_slice %arg9[%dma_start3A_335, %dma_start3A_339] : memref<16x128xi32, #tpu.memory_space<vmem>> -> memref<1x128xi32, #tpu.memory_space<vmem>>
      %dma_start3A_341 = tpu.memref_squeeze %dma_start3A_340 : memref<1x128xi32, #tpu.memory_space<vmem>> -> memref<128xi32, #tpu.memory_space<vmem>>
      %dma_start3A_342 = arith.constant 0 : i32
      %dma_start3A_343 = tpu.memref_slice %arg12[%dma_start3A_342] : memref<1048576xf32, #tpu.memory_space<vmem_shared>> -> memref<1048576xf32, #tpu.memory_space<vmem_shared>>
      tpu.enqueue_indirect_dma source(%dma_start3A_338 : memref<128xf32, #tpu.memory_space<vmem>>) target(%dma_start3A_343 : memref<1048576xf32, #tpu.memory_space<vmem_shared>>) offsets(%dma_start3A_341 : memref<128xi32, #tpu.memory_space<vmem>>) semaphore(%arg13 : memref<!tpu.dma_semaphore, #tpu.memory_space<semaphore_mem>>) {add = true}
      %dma_start3A_344 = arith.constant 7 : i32
      %dma_start3A_345 = arith.constant 7 : i32
      %dma_start3A_346 = arith.constant 0 : i32
      %dma_start3A_347 = tpu.memref_slice %arg10[%dma_start3A_344, %dma_start3A_346] : memref<16x128xf32, #tpu.memory_space<vmem>> -> memref<1x128xf32, #tpu.memory_space<vmem>>
      %dma_start3A_348 = tpu.memref_squeeze %dma_start3A_347 : memref<1x128xf32, #tpu.memory_space<vmem>> -> memref<128xf32, #tpu.memory_space<vmem>>
      %dma_start3A_349 = arith.constant 0 : i32
      %dma_start3A_350 = tpu.memref_slice %arg9[%dma_start3A_345, %dma_start3A_349] : memref<16x128xi32, #tpu.memory_space<vmem>> -> memref<1x128xi32, #tpu.memory_space<vmem>>
      %dma_start3A_351 = tpu.memref_squeeze %dma_start3A_350 : memref<1x128xi32, #tpu.memory_space<vmem>> -> memref<128xi32, #tpu.memory_space<vmem>>
      %dma_start3A_352 = arith.constant 0 : i32
      %dma_start3A_353 = tpu.memref_slice %arg12[%dma_start3A_352] : memref<1048576xf32, #tpu.memory_space<vmem_shared>> -> memref<1048576xf32, #tpu.memory_space<vmem_shared>>
      tpu.enqueue_indirect_dma source(%dma_start3A_348 : memref<128xf32, #tpu.memory_space<vmem>>) target(%dma_start3A_353 : memref<1048576xf32, #tpu.memory_space<vmem_shared>>) offsets(%dma_start3A_351 : memref<128xi32, #tpu.memory_space<vmem>>) semaphore(%arg13 : memref<!tpu.dma_semaphore, #tpu.memory_space<semaphore_mem>>) {add = true}
      %dma_start3A_354 = arith.constant 8 : i32
      %dma_start3A_355 = arith.constant 8 : i32
      %dma_start3A_356 = arith.constant 0 : i32
      %dma_start3A_357 = tpu.memref_slice %arg10[%dma_start3A_354, %dma_start3A_356] : memref<16x128xf32, #tpu.memory_space<vmem>> -> memref<1x128xf32, #tpu.memory_space<vmem>>
      %dma_start3A_358 = tpu.memref_squeeze %dma_start3A_357 : memref<1x128xf32, #tpu.memory_space<vmem>> -> memref<128xf32, #tpu.memory_space<vmem>>
      %dma_start3A_359 = arith.constant 0 : i32
      %dma_start3A_360 = tpu.memref_slice %arg9[%dma_start3A_355, %dma_start3A_359] : memref<16x128xi32, #tpu.memory_space<vmem>> -> memref<1x128xi32, #tpu.memory_space<vmem>>
      %dma_start3A_361 = tpu.memref_squeeze %dma_start3A_360 : memref<1x128xi32, #tpu.memory_space<vmem>> -> memref<128xi32, #tpu.memory_space<vmem>>
      %dma_start3A_362 = arith.constant 0 : i32
      %dma_start3A_363 = tpu.memref_slice %arg12[%dma_start3A_362] : memref<1048576xf32, #tpu.memory_space<vmem_shared>> -> memref<1048576xf32, #tpu.memory_space<vmem_shared>>
      tpu.enqueue_indirect_dma source(%dma_start3A_358 : memref<128xf32, #tpu.memory_space<vmem>>) target(%dma_start3A_363 : memref<1048576xf32, #tpu.memory_space<vmem_shared>>) offsets(%dma_start3A_361 : memref<128xi32, #tpu.memory_space<vmem>>) semaphore(%arg13 : memref<!tpu.dma_semaphore, #tpu.memory_space<semaphore_mem>>) {add = true}
      %dma_start3A_364 = arith.constant 9 : i32
      %dma_start3A_365 = arith.constant 9 : i32
      %dma_start3A_366 = arith.constant 0 : i32
      %dma_start3A_367 = tpu.memref_slice %arg10[%dma_start3A_364, %dma_start3A_366] : memref<16x128xf32, #tpu.memory_space<vmem>> -> memref<1x128xf32, #tpu.memory_space<vmem>>
      %dma_start3A_368 = tpu.memref_squeeze %dma_start3A_367 : memref<1x128xf32, #tpu.memory_space<vmem>> -> memref<128xf32, #tpu.memory_space<vmem>>
      %dma_start3A_369 = arith.constant 0 : i32
      %dma_start3A_370 = tpu.memref_slice %arg9[%dma_start3A_365, %dma_start3A_369] : memref<16x128xi32, #tpu.memory_space<vmem>> -> memref<1x128xi32, #tpu.memory_space<vmem>>
      %dma_start3A_371 = tpu.memref_squeeze %dma_start3A_370 : memref<1x128xi32, #tpu.memory_space<vmem>> -> memref<128xi32, #tpu.memory_space<vmem>>
      %dma_start3A_372 = arith.constant 0 : i32
      %dma_start3A_373 = tpu.memref_slice %arg12[%dma_start3A_372] : memref<1048576xf32, #tpu.memory_space<vmem_shared>> -> memref<1048576xf32, #tpu.memory_space<vmem_shared>>
      tpu.enqueue_indirect_dma source(%dma_start3A_368 : memref<128xf32, #tpu.memory_space<vmem>>) target(%dma_start3A_373 : memref<1048576xf32, #tpu.memory_space<vmem_shared>>) offsets(%dma_start3A_371 : memref<128xi32, #tpu.memory_space<vmem>>) semaphore(%arg13 : memref<!tpu.dma_semaphore, #tpu.memory_space<semaphore_mem>>) {add = true}
      %dma_start3A_374 = arith.constant 10 : i32
      %dma_start3A_375 = arith.constant 10 : i32
      %dma_start3A_376 = arith.constant 0 : i32
      %dma_start3A_377 = tpu.memref_slice %arg10[%dma_start3A_374, %dma_start3A_376] : memref<16x128xf32, #tpu.memory_space<vmem>> -> memref<1x128xf32, #tpu.memory_space<vmem>>
      %dma_start3A_378 = tpu.memref_squeeze %dma_start3A_377 : memref<1x128xf32, #tpu.memory_space<vmem>> -> memref<128xf32, #tpu.memory_space<vmem>>
      %dma_start3A_379 = arith.constant 0 : i32
      %dma_start3A_380 = tpu.memref_slice %arg9[%dma_start3A_375, %dma_start3A_379] : memref<16x128xi32, #tpu.memory_space<vmem>> -> memref<1x128xi32, #tpu.memory_space<vmem>>
      %dma_start3A_381 = tpu.memref_squeeze %dma_start3A_380 : memref<1x128xi32, #tpu.memory_space<vmem>> -> memref<128xi32, #tpu.memory_space<vmem>>
      %dma_start3A_382 = arith.constant 0 : i32
      %dma_start3A_383 = tpu.memref_slice %arg12[%dma_start3A_382] : memref<1048576xf32, #tpu.memory_space<vmem_shared>> -> memref<1048576xf32, #tpu.memory_space<vmem_shared>>
      tpu.enqueue_indirect_dma source(%dma_start3A_378 : memref<128xf32, #tpu.memory_space<vmem>>) target(%dma_start3A_383 : memref<1048576xf32, #tpu.memory_space<vmem_shared>>) offsets(%dma_start3A_381 : memref<128xi32, #tpu.memory_space<vmem>>) semaphore(%arg13 : memref<!tpu.dma_semaphore, #tpu.memory_space<semaphore_mem>>) {add = true}
      %dma_start3A_384 = arith.constant 11 : i32
      %dma_start3A_385 = arith.constant 11 : i32
      %dma_start3A_386 = arith.constant 0 : i32
      %dma_start3A_387 = tpu.memref_slice %arg10[%dma_start3A_384, %dma_start3A_386] : memref<16x128xf32, #tpu.memory_space<vmem>> -> memref<1x128xf32, #tpu.memory_space<vmem>>
      %dma_start3A_388 = tpu.memref_squeeze %dma_start3A_387 : memref<1x128xf32, #tpu.memory_space<vmem>> -> memref<128xf32, #tpu.memory_space<vmem>>
      %dma_start3A_389 = arith.constant 0 : i32
      %dma_start3A_390 = tpu.memref_slice %arg9[%dma_start3A_385, %dma_start3A_389] : memref<16x128xi32, #tpu.memory_space<vmem>> -> memref<1x128xi32, #tpu.memory_space<vmem>>
      %dma_start3A_391 = tpu.memref_squeeze %dma_start3A_390 : memref<1x128xi32, #tpu.memory_space<vmem>> -> memref<128xi32, #tpu.memory_space<vmem>>
      %dma_start3A_392 = arith.constant 0 : i32
      %dma_start3A_393 = tpu.memref_slice %arg12[%dma_start3A_392] : memref<1048576xf32, #tpu.memory_space<vmem_shared>> -> memref<1048576xf32, #tpu.memory_space<vmem_shared>>
      tpu.enqueue_indirect_dma source(%dma_start3A_388 : memref<128xf32, #tpu.memory_space<vmem>>) target(%dma_start3A_393 : memref<1048576xf32, #tpu.memory_space<vmem_shared>>) offsets(%dma_start3A_391 : memref<128xi32, #tpu.memory_space<vmem>>) semaphore(%arg13 : memref<!tpu.dma_semaphore, #tpu.memory_space<semaphore_mem>>) {add = true}
      %dma_start3A_394 = arith.constant 12 : i32
      %dma_start3A_395 = arith.constant 12 : i32
      %dma_start3A_396 = arith.constant 0 : i32
      %dma_start3A_397 = tpu.memref_slice %arg10[%dma_start3A_394, %dma_start3A_396] : memref<16x128xf32, #tpu.memory_space<vmem>> -> memref<1x128xf32, #tpu.memory_space<vmem>>
      %dma_start3A_398 = tpu.memref_squeeze %dma_start3A_397 : memref<1x128xf32, #tpu.memory_space<vmem>> -> memref<128xf32, #tpu.memory_space<vmem>>
      %dma_start3A_399 = arith.constant 0 : i32
      %dma_start3A_400 = tpu.memref_slice %arg9[%dma_start3A_395, %dma_start3A_399] : memref<16x128xi32, #tpu.memory_space<vmem>> -> memref<1x128xi32, #tpu.memory_space<vmem>>
      %dma_start3A_401 = tpu.memref_squeeze %dma_start3A_400 : memref<1x128xi32, #tpu.memory_space<vmem>> -> memref<128xi32, #tpu.memory_space<vmem>>
      %dma_start3A_402 = arith.constant 0 : i32
      %dma_start3A_403 = tpu.memref_slice %arg12[%dma_start3A_402] : memref<1048576xf32, #tpu.memory_space<vmem_shared>> -> memref<1048576xf32, #tpu.memory_space<vmem_shared>>
      tpu.enqueue_indirect_dma source(%dma_start3A_398 : memref<128xf32, #tpu.memory_space<vmem>>) target(%dma_start3A_403 : memref<1048576xf32, #tpu.memory_space<vmem_shared>>) offsets(%dma_start3A_401 : memref<128xi32, #tpu.memory_space<vmem>>) semaphore(%arg13 : memref<!tpu.dma_semaphore, #tpu.memory_space<semaphore_mem>>) {add = true}
      %dma_start3A_404 = arith.constant 13 : i32
      %dma_start3A_405 = arith.constant 13 : i32
      %dma_start3A_406 = arith.constant 0 : i32
      %dma_start3A_407 = tpu.memref_slice %arg10[%dma_start3A_404, %dma_start3A_406] : memref<16x128xf32, #tpu.memory_space<vmem>> -> memref<1x128xf32, #tpu.memory_space<vmem>>
      %dma_start3A_408 = tpu.memref_squeeze %dma_start3A_407 : memref<1x128xf32, #tpu.memory_space<vmem>> -> memref<128xf32, #tpu.memory_space<vmem>>
      %dma_start3A_409 = arith.constant 0 : i32
      %dma_start3A_410 = tpu.memref_slice %arg9[%dma_start3A_405, %dma_start3A_409] : memref<16x128xi32, #tpu.memory_space<vmem>> -> memref<1x128xi32, #tpu.memory_space<vmem>>
      %dma_start3A_411 = tpu.memref_squeeze %dma_start3A_410 : memref<1x128xi32, #tpu.memory_space<vmem>> -> memref<128xi32, #tpu.memory_space<vmem>>
      %dma_start3A_412 = arith.constant 0 : i32
      %dma_start3A_413 = tpu.memref_slice %arg12[%dma_start3A_412] : memref<1048576xf32, #tpu.memory_space<vmem_shared>> -> memref<1048576xf32, #tpu.memory_space<vmem_shared>>
      tpu.enqueue_indirect_dma source(%dma_start3A_408 : memref<128xf32, #tpu.memory_space<vmem>>) target(%dma_start3A_413 : memref<1048576xf32, #tpu.memory_space<vmem_shared>>) offsets(%dma_start3A_411 : memref<128xi32, #tpu.memory_space<vmem>>) semaphore(%arg13 : memref<!tpu.dma_semaphore, #tpu.memory_space<semaphore_mem>>) {add = true}
      %dma_start3A_414 = arith.constant 14 : i32
      %dma_start3A_415 = arith.constant 14 : i32
      %dma_start3A_416 = arith.constant 0 : i32
      %dma_start3A_417 = tpu.memref_slice %arg10[%dma_start3A_414, %dma_start3A_416] : memref<16x128xf32, #tpu.memory_space<vmem>> -> memref<1x128xf32, #tpu.memory_space<vmem>>
      %dma_start3A_418 = tpu.memref_squeeze %dma_start3A_417 : memref<1x128xf32, #tpu.memory_space<vmem>> -> memref<128xf32, #tpu.memory_space<vmem>>
      %dma_start3A_419 = arith.constant 0 : i32
      %dma_start3A_420 = tpu.memref_slice %arg9[%dma_start3A_415, %dma_start3A_419] : memref<16x128xi32, #tpu.memory_space<vmem>> -> memref<1x128xi32, #tpu.memory_space<vmem>>
      %dma_start3A_421 = tpu.memref_squeeze %dma_start3A_420 : memref<1x128xi32, #tpu.memory_space<vmem>> -> memref<128xi32, #tpu.memory_space<vmem>>
      %dma_start3A_422 = arith.constant 0 : i32
      %dma_start3A_423 = tpu.memref_slice %arg12[%dma_start3A_422] : memref<1048576xf32, #tpu.memory_space<vmem_shared>> -> memref<1048576xf32, #tpu.memory_space<vmem_shared>>
      tpu.enqueue_indirect_dma source(%dma_start3A_418 : memref<128xf32, #tpu.memory_space<vmem>>) target(%dma_start3A_423 : memref<1048576xf32, #tpu.memory_space<vmem_shared>>) offsets(%dma_start3A_421 : memref<128xi32, #tpu.memory_space<vmem>>) semaphore(%arg13 : memref<!tpu.dma_semaphore, #tpu.memory_space<semaphore_mem>>) {add = true}
      %dma_start3A_424 = arith.constant 15 : i32
      %dma_start3A_425 = arith.constant 15 : i32
      %dma_start3A_426 = arith.constant 0 : i32
      %dma_start3A_427 = tpu.memref_slice %arg10[%dma_start3A_424, %dma_start3A_426] : memref<16x128xf32, #tpu.memory_space<vmem>> -> memref<1x128xf32, #tpu.memory_space<vmem>>
      %dma_start3A_428 = tpu.memref_squeeze %dma_start3A_427 : memref<1x128xf32, #tpu.memory_space<vmem>> -> memref<128xf32, #tpu.memory_space<vmem>>
      %dma_start3A_429 = arith.constant 0 : i32
      %dma_start3A_430 = tpu.memref_slice %arg9[%dma_start3A_425, %dma_start3A_429] : memref<16x128xi32, #tpu.memory_space<vmem>> -> memref<1x128xi32, #tpu.memory_space<vmem>>
      %dma_start3A_431 = tpu.memref_squeeze %dma_start3A_430 : memref<1x128xi32, #tpu.memory_space<vmem>> -> memref<128xi32, #tpu.memory_space<vmem>>
      %dma_start3A_432 = arith.constant 0 : i32
      %dma_start3A_433 = tpu.memref_slice %arg12[%dma_start3A_432] : memref<1048576xf32, #tpu.memory_space<vmem_shared>> -> memref<1048576xf32, #tpu.memory_space<vmem_shared>>
      tpu.enqueue_indirect_dma source(%dma_start3A_428 : memref<128xf32, #tpu.memory_space<vmem>>) target(%dma_start3A_433 : memref<1048576xf32, #tpu.memory_space<vmem_shared>>) offsets(%dma_start3A_431 : memref<128xi32, #tpu.memory_space<vmem>>) semaphore(%arg13 : memref<!tpu.dma_semaphore, #tpu.memory_space<semaphore_mem>>) {add = true}
      %dma_wait3A = arith.constant 0 : i32
      %dma_wait3A_434 = arith.constant 0 : i32
      %dma_wait3A_435 = arith.constant 0 : i32
      %dma_wait3A_436 = tpu.memref_slice %arg10[%dma_wait3A, %dma_wait3A_435] : memref<16x128xf32, #tpu.memory_space<vmem>> -> memref<1x128xf32, #tpu.memory_space<vmem>>
      %dma_wait3A_437 = tpu.memref_squeeze %dma_wait3A_436 : memref<1x128xf32, #tpu.memory_space<vmem>> -> memref<128xf32, #tpu.memory_space<vmem>>
      %dma_wait3A_438 = arith.constant 0 : i32
      %dma_wait3A_439 = tpu.memref_slice %arg9[%dma_wait3A_434, %dma_wait3A_438] : memref<16x128xi32, #tpu.memory_space<vmem>> -> memref<1x128xi32, #tpu.memory_space<vmem>>
      %dma_wait3A_440 = tpu.memref_squeeze %dma_wait3A_439 : memref<1x128xi32, #tpu.memory_space<vmem>> -> memref<128xi32, #tpu.memory_space<vmem>>
      %dma_wait3A_441 = arith.constant 0 : i32
      %dma_wait3A_442 = tpu.memref_slice %arg12[%dma_wait3A_441] : memref<1048576xf32, #tpu.memory_space<vmem_shared>> -> memref<1048576xf32, #tpu.memory_space<vmem_shared>>
      tpu.wait_indirect_dma semaphore(%arg13 : memref<!tpu.dma_semaphore, #tpu.memory_space<semaphore_mem>>) src(%dma_wait3A_437 : memref<128xf32, #tpu.memory_space<vmem>>) dst(%dma_wait3A_442 : memref<1048576xf32, #tpu.memory_space<vmem_shared>>)
      %dma_wait3A_443 = arith.constant 1 : i32
      %dma_wait3A_444 = arith.constant 1 : i32
      %dma_wait3A_445 = arith.constant 0 : i32
      %dma_wait3A_446 = tpu.memref_slice %arg10[%dma_wait3A_443, %dma_wait3A_445] : memref<16x128xf32, #tpu.memory_space<vmem>> -> memref<1x128xf32, #tpu.memory_space<vmem>>
      %dma_wait3A_447 = tpu.memref_squeeze %dma_wait3A_446 : memref<1x128xf32, #tpu.memory_space<vmem>> -> memref<128xf32, #tpu.memory_space<vmem>>
      %dma_wait3A_448 = arith.constant 0 : i32
      %dma_wait3A_449 = tpu.memref_slice %arg9[%dma_wait3A_444, %dma_wait3A_448] : memref<16x128xi32, #tpu.memory_space<vmem>> -> memref<1x128xi32, #tpu.memory_space<vmem>>
      %dma_wait3A_450 = tpu.memref_squeeze %dma_wait3A_449 : memref<1x128xi32, #tpu.memory_space<vmem>> -> memref<128xi32, #tpu.memory_space<vmem>>
      %dma_wait3A_451 = arith.constant 0 : i32
      %dma_wait3A_452 = tpu.memref_slice %arg12[%dma_wait3A_451] : memref<1048576xf32, #tpu.memory_space<vmem_shared>> -> memref<1048576xf32, #tpu.memory_space<vmem_shared>>
      tpu.wait_indirect_dma semaphore(%arg13 : memref<!tpu.dma_semaphore, #tpu.memory_space<semaphore_mem>>) src(%dma_wait3A_447 : memref<128xf32, #tpu.memory_space<vmem>>) dst(%dma_wait3A_452 : memref<1048576xf32, #tpu.memory_space<vmem_shared>>)
      %dma_wait3A_453 = arith.constant 2 : i32
      %dma_wait3A_454 = arith.constant 2 : i32
      %dma_wait3A_455 = arith.constant 0 : i32
      %dma_wait3A_456 = tpu.memref_slice %arg10[%dma_wait3A_453, %dma_wait3A_455] : memref<16x128xf32, #tpu.memory_space<vmem>> -> memref<1x128xf32, #tpu.memory_space<vmem>>
      %dma_wait3A_457 = tpu.memref_squeeze %dma_wait3A_456 : memref<1x128xf32, #tpu.memory_space<vmem>> -> memref<128xf32, #tpu.memory_space<vmem>>
      %dma_wait3A_458 = arith.constant 0 : i32
      %dma_wait3A_459 = tpu.memref_slice %arg9[%dma_wait3A_454, %dma_wait3A_458] : memref<16x128xi32, #tpu.memory_space<vmem>> -> memref<1x128xi32, #tpu.memory_space<vmem>>
      %dma_wait3A_460 = tpu.memref_squeeze %dma_wait3A_459 : memref<1x128xi32, #tpu.memory_space<vmem>> -> memref<128xi32, #tpu.memory_space<vmem>>
      %dma_wait3A_461 = arith.constant 0 : i32
      %dma_wait3A_462 = tpu.memref_slice %arg12[%dma_wait3A_461] : memref<1048576xf32, #tpu.memory_space<vmem_shared>> -> memref<1048576xf32, #tpu.memory_space<vmem_shared>>
      tpu.wait_indirect_dma semaphore(%arg13 : memref<!tpu.dma_semaphore, #tpu.memory_space<semaphore_mem>>) src(%dma_wait3A_457 : memref<128xf32, #tpu.memory_space<vmem>>) dst(%dma_wait3A_462 : memref<1048576xf32, #tpu.memory_space<vmem_shared>>)
      %dma_wait3A_463 = arith.constant 3 : i32
      %dma_wait3A_464 = arith.constant 3 : i32
      %dma_wait3A_465 = arith.constant 0 : i32
      %dma_wait3A_466 = tpu.memref_slice %arg10[%dma_wait3A_463, %dma_wait3A_465] : memref<16x128xf32, #tpu.memory_space<vmem>> -> memref<1x128xf32, #tpu.memory_space<vmem>>
      %dma_wait3A_467 = tpu.memref_squeeze %dma_wait3A_466 : memref<1x128xf32, #tpu.memory_space<vmem>> -> memref<128xf32, #tpu.memory_space<vmem>>
      %dma_wait3A_468 = arith.constant 0 : i32
      %dma_wait3A_469 = tpu.memref_slice %arg9[%dma_wait3A_464, %dma_wait3A_468] : memref<16x128xi32, #tpu.memory_space<vmem>> -> memref<1x128xi32, #tpu.memory_space<vmem>>
      %dma_wait3A_470 = tpu.memref_squeeze %dma_wait3A_469 : memref<1x128xi32, #tpu.memory_space<vmem>> -> memref<128xi32, #tpu.memory_space<vmem>>
      %dma_wait3A_471 = arith.constant 0 : i32
      %dma_wait3A_472 = tpu.memref_slice %arg12[%dma_wait3A_471] : memref<1048576xf32, #tpu.memory_space<vmem_shared>> -> memref<1048576xf32, #tpu.memory_space<vmem_shared>>
      tpu.wait_indirect_dma semaphore(%arg13 : memref<!tpu.dma_semaphore, #tpu.memory_space<semaphore_mem>>) src(%dma_wait3A_467 : memref<128xf32, #tpu.memory_space<vmem>>) dst(%dma_wait3A_472 : memref<1048576xf32, #tpu.memory_space<vmem_shared>>)
      %dma_wait3A_473 = arith.constant 4 : i32
      %dma_wait3A_474 = arith.constant 4 : i32
      %dma_wait3A_475 = arith.constant 0 : i32
      %dma_wait3A_476 = tpu.memref_slice %arg10[%dma_wait3A_473, %dma_wait3A_475] : memref<16x128xf32, #tpu.memory_space<vmem>> -> memref<1x128xf32, #tpu.memory_space<vmem>>
      %dma_wait3A_477 = tpu.memref_squeeze %dma_wait3A_476 : memref<1x128xf32, #tpu.memory_space<vmem>> -> memref<128xf32, #tpu.memory_space<vmem>>
      %dma_wait3A_478 = arith.constant 0 : i32
      %dma_wait3A_479 = tpu.memref_slice %arg9[%dma_wait3A_474, %dma_wait3A_478] : memref<16x128xi32, #tpu.memory_space<vmem>> -> memref<1x128xi32, #tpu.memory_space<vmem>>
      %dma_wait3A_480 = tpu.memref_squeeze %dma_wait3A_479 : memref<1x128xi32, #tpu.memory_space<vmem>> -> memref<128xi32, #tpu.memory_space<vmem>>
      %dma_wait3A_481 = arith.constant 0 : i32
      %dma_wait3A_482 = tpu.memref_slice %arg12[%dma_wait3A_481] : memref<1048576xf32, #tpu.memory_space<vmem_shared>> -> memref<1048576xf32, #tpu.memory_space<vmem_shared>>
      tpu.wait_indirect_dma semaphore(%arg13 : memref<!tpu.dma_semaphore, #tpu.memory_space<semaphore_mem>>) src(%dma_wait3A_477 : memref<128xf32, #tpu.memory_space<vmem>>) dst(%dma_wait3A_482 : memref<1048576xf32, #tpu.memory_space<vmem_shared>>)
      %dma_wait3A_483 = arith.constant 5 : i32
      %dma_wait3A_484 = arith.constant 5 : i32
      %dma_wait3A_485 = arith.constant 0 : i32
      %dma_wait3A_486 = tpu.memref_slice %arg10[%dma_wait3A_483, %dma_wait3A_485] : memref<16x128xf32, #tpu.memory_space<vmem>> -> memref<1x128xf32, #tpu.memory_space<vmem>>
      %dma_wait3A_487 = tpu.memref_squeeze %dma_wait3A_486 : memref<1x128xf32, #tpu.memory_space<vmem>> -> memref<128xf32, #tpu.memory_space<vmem>>
      %dma_wait3A_488 = arith.constant 0 : i32
      %dma_wait3A_489 = tpu.memref_slice %arg9[%dma_wait3A_484, %dma_wait3A_488] : memref<16x128xi32, #tpu.memory_space<vmem>> -> memref<1x128xi32, #tpu.memory_space<vmem>>
      %dma_wait3A_490 = tpu.memref_squeeze %dma_wait3A_489 : memref<1x128xi32, #tpu.memory_space<vmem>> -> memref<128xi32, #tpu.memory_space<vmem>>
      %dma_wait3A_491 = arith.constant 0 : i32
      %dma_wait3A_492 = tpu.memref_slice %arg12[%dma_wait3A_491] : memref<1048576xf32, #tpu.memory_space<vmem_shared>> -> memref<1048576xf32, #tpu.memory_space<vmem_shared>>
      tpu.wait_indirect_dma semaphore(%arg13 : memref<!tpu.dma_semaphore, #tpu.memory_space<semaphore_mem>>) src(%dma_wait3A_487 : memref<128xf32, #tpu.memory_space<vmem>>) dst(%dma_wait3A_492 : memref<1048576xf32, #tpu.memory_space<vmem_shared>>)
      %dma_wait3A_493 = arith.constant 6 : i32
      %dma_wait3A_494 = arith.constant 6 : i32
      %dma_wait3A_495 = arith.constant 0 : i32
      %dma_wait3A_496 = tpu.memref_slice %arg10[%dma_wait3A_493, %dma_wait3A_495] : memref<16x128xf32, #tpu.memory_space<vmem>> -> memref<1x128xf32, #tpu.memory_space<vmem>>
      %dma_wait3A_497 = tpu.memref_squeeze %dma_wait3A_496 : memref<1x128xf32, #tpu.memory_space<vmem>> -> memref<128xf32, #tpu.memory_space<vmem>>
      %dma_wait3A_498 = arith.constant 0 : i32
      %dma_wait3A_499 = tpu.memref_slice %arg9[%dma_wait3A_494, %dma_wait3A_498] : memref<16x128xi32, #tpu.memory_space<vmem>> -> memref<1x128xi32, #tpu.memory_space<vmem>>
      %dma_wait3A_500 = tpu.memref_squeeze %dma_wait3A_499 : memref<1x128xi32, #tpu.memory_space<vmem>> -> memref<128xi32, #tpu.memory_space<vmem>>
      %dma_wait3A_501 = arith.constant 0 : i32
      %dma_wait3A_502 = tpu.memref_slice %arg12[%dma_wait3A_501] : memref<1048576xf32, #tpu.memory_space<vmem_shared>> -> memref<1048576xf32, #tpu.memory_space<vmem_shared>>
      tpu.wait_indirect_dma semaphore(%arg13 : memref<!tpu.dma_semaphore, #tpu.memory_space<semaphore_mem>>) src(%dma_wait3A_497 : memref<128xf32, #tpu.memory_space<vmem>>) dst(%dma_wait3A_502 : memref<1048576xf32, #tpu.memory_space<vmem_shared>>)
      %dma_wait3A_503 = arith.constant 7 : i32
      %dma_wait3A_504 = arith.constant 7 : i32
      %dma_wait3A_505 = arith.constant 0 : i32
      %dma_wait3A_506 = tpu.memref_slice %arg10[%dma_wait3A_503, %dma_wait3A_505] : memref<16x128xf32, #tpu.memory_space<vmem>> -> memref<1x128xf32, #tpu.memory_space<vmem>>
      %dma_wait3A_507 = tpu.memref_squeeze %dma_wait3A_506 : memref<1x128xf32, #tpu.memory_space<vmem>> -> memref<128xf32, #tpu.memory_space<vmem>>
      %dma_wait3A_508 = arith.constant 0 : i32
      %dma_wait3A_509 = tpu.memref_slice %arg9[%dma_wait3A_504, %dma_wait3A_508] : memref<16x128xi32, #tpu.memory_space<vmem>> -> memref<1x128xi32, #tpu.memory_space<vmem>>
      %dma_wait3A_510 = tpu.memref_squeeze %dma_wait3A_509 : memref<1x128xi32, #tpu.memory_space<vmem>> -> memref<128xi32, #tpu.memory_space<vmem>>
      %dma_wait3A_511 = arith.constant 0 : i32
      %dma_wait3A_512 = tpu.memref_slice %arg12[%dma_wait3A_511] : memref<1048576xf32, #tpu.memory_space<vmem_shared>> -> memref<1048576xf32, #tpu.memory_space<vmem_shared>>
      tpu.wait_indirect_dma semaphore(%arg13 : memref<!tpu.dma_semaphore, #tpu.memory_space<semaphore_mem>>) src(%dma_wait3A_507 : memref<128xf32, #tpu.memory_space<vmem>>) dst(%dma_wait3A_512 : memref<1048576xf32, #tpu.memory_space<vmem_shared>>)
      %dma_wait3A_513 = arith.constant 8 : i32
      %dma_wait3A_514 = arith.constant 8 : i32
      %dma_wait3A_515 = arith.constant 0 : i32
      %dma_wait3A_516 = tpu.memref_slice %arg10[%dma_wait3A_513, %dma_wait3A_515] : memref<16x128xf32, #tpu.memory_space<vmem>> -> memref<1x128xf32, #tpu.memory_space<vmem>>
      %dma_wait3A_517 = tpu.memref_squeeze %dma_wait3A_516 : memref<1x128xf32, #tpu.memory_space<vmem>> -> memref<128xf32, #tpu.memory_space<vmem>>
      %dma_wait3A_518 = arith.constant 0 : i32
      %dma_wait3A_519 = tpu.memref_slice %arg9[%dma_wait3A_514, %dma_wait3A_518] : memref<16x128xi32, #tpu.memory_space<vmem>> -> memref<1x128xi32, #tpu.memory_space<vmem>>
      %dma_wait3A_520 = tpu.memref_squeeze %dma_wait3A_519 : memref<1x128xi32, #tpu.memory_space<vmem>> -> memref<128xi32, #tpu.memory_space<vmem>>
      %dma_wait3A_521 = arith.constant 0 : i32
      %dma_wait3A_522 = tpu.memref_slice %arg12[%dma_wait3A_521] : memref<1048576xf32, #tpu.memory_space<vmem_shared>> -> memref<1048576xf32, #tpu.memory_space<vmem_shared>>
      tpu.wait_indirect_dma semaphore(%arg13 : memref<!tpu.dma_semaphore, #tpu.memory_space<semaphore_mem>>) src(%dma_wait3A_517 : memref<128xf32, #tpu.memory_space<vmem>>) dst(%dma_wait3A_522 : memref<1048576xf32, #tpu.memory_space<vmem_shared>>)
      %dma_wait3A_523 = arith.constant 9 : i32
      %dma_wait3A_524 = arith.constant 9 : i32
      %dma_wait3A_525 = arith.constant 0 : i32
      %dma_wait3A_526 = tpu.memref_slice %arg10[%dma_wait3A_523, %dma_wait3A_525] : memref<16x128xf32, #tpu.memory_space<vmem>> -> memref<1x128xf32, #tpu.memory_space<vmem>>
      %dma_wait3A_527 = tpu.memref_squeeze %dma_wait3A_526 : memref<1x128xf32, #tpu.memory_space<vmem>> -> memref<128xf32, #tpu.memory_space<vmem>>
      %dma_wait3A_528 = arith.constant 0 : i32
      %dma_wait3A_529 = tpu.memref_slice %arg9[%dma_wait3A_524, %dma_wait3A_528] : memref<16x128xi32, #tpu.memory_space<vmem>> -> memref<1x128xi32, #tpu.memory_space<vmem>>
      %dma_wait3A_530 = tpu.memref_squeeze %dma_wait3A_529 : memref<1x128xi32, #tpu.memory_space<vmem>> -> memref<128xi32, #tpu.memory_space<vmem>>
      %dma_wait3A_531 = arith.constant 0 : i32
      %dma_wait3A_532 = tpu.memref_slice %arg12[%dma_wait3A_531] : memref<1048576xf32, #tpu.memory_space<vmem_shared>> -> memref<1048576xf32, #tpu.memory_space<vmem_shared>>
      tpu.wait_indirect_dma semaphore(%arg13 : memref<!tpu.dma_semaphore, #tpu.memory_space<semaphore_mem>>) src(%dma_wait3A_527 : memref<128xf32, #tpu.memory_space<vmem>>) dst(%dma_wait3A_532 : memref<1048576xf32, #tpu.memory_space<vmem_shared>>)
      %dma_wait3A_533 = arith.constant 10 : i32
      %dma_wait3A_534 = arith.constant 10 : i32
      %dma_wait3A_535 = arith.constant 0 : i32
      %dma_wait3A_536 = tpu.memref_slice %arg10[%dma_wait3A_533, %dma_wait3A_535] : memref<16x128xf32, #tpu.memory_space<vmem>> -> memref<1x128xf32, #tpu.memory_space<vmem>>
      %dma_wait3A_537 = tpu.memref_squeeze %dma_wait3A_536 : memref<1x128xf32, #tpu.memory_space<vmem>> -> memref<128xf32, #tpu.memory_space<vmem>>
      %dma_wait3A_538 = arith.constant 0 : i32
      %dma_wait3A_539 = tpu.memref_slice %arg9[%dma_wait3A_534, %dma_wait3A_538] : memref<16x128xi32, #tpu.memory_space<vmem>> -> memref<1x128xi32, #tpu.memory_space<vmem>>
      %dma_wait3A_540 = tpu.memref_squeeze %dma_wait3A_539 : memref<1x128xi32, #tpu.memory_space<vmem>> -> memref<128xi32, #tpu.memory_space<vmem>>
      %dma_wait3A_541 = arith.constant 0 : i32
      %dma_wait3A_542 = tpu.memref_slice %arg12[%dma_wait3A_541] : memref<1048576xf32, #tpu.memory_space<vmem_shared>> -> memref<1048576xf32, #tpu.memory_space<vmem_shared>>
      tpu.wait_indirect_dma semaphore(%arg13 : memref<!tpu.dma_semaphore, #tpu.memory_space<semaphore_mem>>) src(%dma_wait3A_537 : memref<128xf32, #tpu.memory_space<vmem>>) dst(%dma_wait3A_542 : memref<1048576xf32, #tpu.memory_space<vmem_shared>>)
      %dma_wait3A_543 = arith.constant 11 : i32
      %dma_wait3A_544 = arith.constant 11 : i32
      %dma_wait3A_545 = arith.constant 0 : i32
      %dma_wait3A_546 = tpu.memref_slice %arg10[%dma_wait3A_543, %dma_wait3A_545] : memref<16x128xf32, #tpu.memory_space<vmem>> -> memref<1x128xf32, #tpu.memory_space<vmem>>
      %dma_wait3A_547 = tpu.memref_squeeze %dma_wait3A_546 : memref<1x128xf32, #tpu.memory_space<vmem>> -> memref<128xf32, #tpu.memory_space<vmem>>
      %dma_wait3A_548 = arith.constant 0 : i32
      %dma_wait3A_549 = tpu.memref_slice %arg9[%dma_wait3A_544, %dma_wait3A_548] : memref<16x128xi32, #tpu.memory_space<vmem>> -> memref<1x128xi32, #tpu.memory_space<vmem>>
      %dma_wait3A_550 = tpu.memref_squeeze %dma_wait3A_549 : memref<1x128xi32, #tpu.memory_space<vmem>> -> memref<128xi32, #tpu.memory_space<vmem>>
      %dma_wait3A_551 = arith.constant 0 : i32
      %dma_wait3A_552 = tpu.memref_slice %arg12[%dma_wait3A_551] : memref<1048576xf32, #tpu.memory_space<vmem_shared>> -> memref<1048576xf32, #tpu.memory_space<vmem_shared>>
      tpu.wait_indirect_dma semaphore(%arg13 : memref<!tpu.dma_semaphore, #tpu.memory_space<semaphore_mem>>) src(%dma_wait3A_547 : memref<128xf32, #tpu.memory_space<vmem>>) dst(%dma_wait3A_552 : memref<1048576xf32, #tpu.memory_space<vmem_shared>>)
      %dma_wait3A_553 = arith.constant 12 : i32
      %dma_wait3A_554 = arith.constant 12 : i32
      %dma_wait3A_555 = arith.constant 0 : i32
      %dma_wait3A_556 = tpu.memref_slice %arg10[%dma_wait3A_553, %dma_wait3A_555] : memref<16x128xf32, #tpu.memory_space<vmem>> -> memref<1x128xf32, #tpu.memory_space<vmem>>
      %dma_wait3A_557 = tpu.memref_squeeze %dma_wait3A_556 : memref<1x128xf32, #tpu.memory_space<vmem>> -> memref<128xf32, #tpu.memory_space<vmem>>
      %dma_wait3A_558 = arith.constant 0 : i32
      %dma_wait3A_559 = tpu.memref_slice %arg9[%dma_wait3A_554, %dma_wait3A_558] : memref<16x128xi32, #tpu.memory_space<vmem>> -> memref<1x128xi32, #tpu.memory_space<vmem>>
      %dma_wait3A_560 = tpu.memref_squeeze %dma_wait3A_559 : memref<1x128xi32, #tpu.memory_space<vmem>> -> memref<128xi32, #tpu.memory_space<vmem>>
      %dma_wait3A_561 = arith.constant 0 : i32
      %dma_wait3A_562 = tpu.memref_slice %arg12[%dma_wait3A_561] : memref<1048576xf32, #tpu.memory_space<vmem_shared>> -> memref<1048576xf32, #tpu.memory_space<vmem_shared>>
      tpu.wait_indirect_dma semaphore(%arg13 : memref<!tpu.dma_semaphore, #tpu.memory_space<semaphore_mem>>) src(%dma_wait3A_557 : memref<128xf32, #tpu.memory_space<vmem>>) dst(%dma_wait3A_562 : memref<1048576xf32, #tpu.memory_space<vmem_shared>>)
      %dma_wait3A_563 = arith.constant 13 : i32
      %dma_wait3A_564 = arith.constant 13 : i32
      %dma_wait3A_565 = arith.constant 0 : i32
      %dma_wait3A_566 = tpu.memref_slice %arg10[%dma_wait3A_563, %dma_wait3A_565] : memref<16x128xf32, #tpu.memory_space<vmem>> -> memref<1x128xf32, #tpu.memory_space<vmem>>
      %dma_wait3A_567 = tpu.memref_squeeze %dma_wait3A_566 : memref<1x128xf32, #tpu.memory_space<vmem>> -> memref<128xf32, #tpu.memory_space<vmem>>
      %dma_wait3A_568 = arith.constant 0 : i32
      %dma_wait3A_569 = tpu.memref_slice %arg9[%dma_wait3A_564, %dma_wait3A_568] : memref<16x128xi32, #tpu.memory_space<vmem>> -> memref<1x128xi32, #tpu.memory_space<vmem>>
      %dma_wait3A_570 = tpu.memref_squeeze %dma_wait3A_569 : memref<1x128xi32, #tpu.memory_space<vmem>> -> memref<128xi32, #tpu.memory_space<vmem>>
      %dma_wait3A_571 = arith.constant 0 : i32
      %dma_wait3A_572 = tpu.memref_slice %arg12[%dma_wait3A_571] : memref<1048576xf32, #tpu.memory_space<vmem_shared>> -> memref<1048576xf32, #tpu.memory_space<vmem_shared>>
      tpu.wait_indirect_dma semaphore(%arg13 : memref<!tpu.dma_semaphore, #tpu.memory_space<semaphore_mem>>) src(%dma_wait3A_567 : memref<128xf32, #tpu.memory_space<vmem>>) dst(%dma_wait3A_572 : memref<1048576xf32, #tpu.memory_space<vmem_shared>>)
      %dma_wait3A_573 = arith.constant 14 : i32
      %dma_wait3A_574 = arith.constant 14 : i32
      %dma_wait3A_575 = arith.constant 0 : i32
      %dma_wait3A_576 = tpu.memref_slice %arg10[%dma_wait3A_573, %dma_wait3A_575] : memref<16x128xf32, #tpu.memory_space<vmem>> -> memref<1x128xf32, #tpu.memory_space<vmem>>
      %dma_wait3A_577 = tpu.memref_squeeze %dma_wait3A_576 : memref<1x128xf32, #tpu.memory_space<vmem>> -> memref<128xf32, #tpu.memory_space<vmem>>
      %dma_wait3A_578 = arith.constant 0 : i32
      %dma_wait3A_579 = tpu.memref_slice %arg9[%dma_wait3A_574, %dma_wait3A_578] : memref<16x128xi32, #tpu.memory_space<vmem>> -> memref<1x128xi32, #tpu.memory_space<vmem>>
      %dma_wait3A_580 = tpu.memref_squeeze %dma_wait3A_579 : memref<1x128xi32, #tpu.memory_space<vmem>> -> memref<128xi32, #tpu.memory_space<vmem>>
      %dma_wait3A_581 = arith.constant 0 : i32
      %dma_wait3A_582 = tpu.memref_slice %arg12[%dma_wait3A_581] : memref<1048576xf32, #tpu.memory_space<vmem_shared>> -> memref<1048576xf32, #tpu.memory_space<vmem_shared>>
      tpu.wait_indirect_dma semaphore(%arg13 : memref<!tpu.dma_semaphore, #tpu.memory_space<semaphore_mem>>) src(%dma_wait3A_577 : memref<128xf32, #tpu.memory_space<vmem>>) dst(%dma_wait3A_582 : memref<1048576xf32, #tpu.memory_space<vmem_shared>>)
      %dma_wait3A_583 = arith.constant 15 : i32
      %dma_wait3A_584 = arith.constant 15 : i32
      %dma_wait3A_585 = arith.constant 0 : i32
      %dma_wait3A_586 = tpu.memref_slice %arg10[%dma_wait3A_583, %dma_wait3A_585] : memref<16x128xf32, #tpu.memory_space<vmem>> -> memref<1x128xf32, #tpu.memory_space<vmem>>
      %dma_wait3A_587 = tpu.memref_squeeze %dma_wait3A_586 : memref<1x128xf32, #tpu.memory_space<vmem>> -> memref<128xf32, #tpu.memory_space<vmem>>
      %dma_wait3A_588 = arith.constant 0 : i32
      %dma_wait3A_589 = tpu.memref_slice %arg9[%dma_wait3A_584, %dma_wait3A_588] : memref<16x128xi32, #tpu.memory_space<vmem>> -> memref<1x128xi32, #tpu.memory_space<vmem>>
      %dma_wait3A_590 = tpu.memref_squeeze %dma_wait3A_589 : memref<1x128xi32, #tpu.memory_space<vmem>> -> memref<128xi32, #tpu.memory_space<vmem>>
      %dma_wait3A_591 = arith.constant 0 : i32
      %dma_wait3A_592 = tpu.memref_slice %arg12[%dma_wait3A_591] : memref<1048576xf32, #tpu.memory_space<vmem_shared>> -> memref<1048576xf32, #tpu.memory_space<vmem_shared>>
      tpu.wait_indirect_dma semaphore(%arg13 : memref<!tpu.dma_semaphore, #tpu.memory_space<semaphore_mem>>) src(%dma_wait3A_587 : memref<128xf32, #tpu.memory_space<vmem>>) dst(%dma_wait3A_592 : memref<1048576xf32, #tpu.memory_space<vmem_shared>>)
      %while3A_593 = arith.constant 0 : i64
      scf.yield %while3A_593 : i64
    }
    %while3A_51 = arith.constant 1 : i32
    %while3A_52 = scf.for %while3A_234 = %while3A_48 to %while3A_44 step %while3A_51 iter_args(%while3A_235 = %while3A_50) -> (i64)  : i32 {
      %mul3A_236 = arith.constant 131072 : i32
      %mul3A_237 = arith.muli %arg1, %mul3A_236 : i32
      %mul3A_238 = arith.constant 2048 : i32
      %mul3A_239 = arith.muli %while3A_234, %mul3A_238 : i32
      %add3A_240 = arith.addi %mul3A_237, %mul3A_239 : i32
      %mul3A_241 = arith.constant 3 : i32
      %mul3A_242 = arith.muli %add3A_240, %mul3A_241 : i32
      %multiple_of3A_243 = tpu.assume_multiple %mul3A_242, 8 : i32
      "tpu.region"() ({
        %run_scoped3A = tpu.sem_alloc : memref<!tpu.dma_semaphore, #tpu.memory_space<semaphore_mem>>
        %dma_start3A_594 = tpu.memref_slice %arg4[%multiple_of3A_243] : memref<6291456xi32, #tpu.memory_space<hbm>> -> memref<6144xi32, #tpu.memory_space<hbm>>
        %dma_start3A_595 = tpu.memref_slice %arg4[%multiple_of3A_243] : memref<6291456xi32, #tpu.memory_space<hbm>> -> memref<6144xi32, #tpu.memory_space<hbm>>
        tpu.enqueue_dma source(%dma_start3A_595 : memref<6144xi32, #tpu.memory_space<hbm>>) target(%arg6 : memref<6144xi32, #tpu.memory_space<vmem>>) target_semaphore(%run_scoped3A : memref<!tpu.dma_semaphore, #tpu.memory_space<semaphore_mem>>)
        %dma_wait3A_596 = tpu.memref_slice %arg4[%multiple_of3A_243] : memref<6291456xi32, #tpu.memory_space<hbm>> -> memref<6144xi32, #tpu.memory_space<hbm>>
        %dma_wait3A_597 = tpu.memref_slice %arg4[%multiple_of3A_243] : memref<6291456xi32, #tpu.memory_space<hbm>> -> memref<6144xi32, #tpu.memory_space<hbm>>
        tpu.wait_dma2 semaphore(%run_scoped3A : memref<!tpu.dma_semaphore, #tpu.memory_space<semaphore_mem>>) src(%dma_wait3A_597 : memref<6144xi32, #tpu.memory_space<hbm>>) dst(%arg6 : memref<6144xi32, #tpu.memory_space<vmem>>)
        tpu.yield
      }) : () -> ()
      %multiple_of3A_244 = tpu.assume_multiple %add3A_240, 8 : i32
      "tpu.region"() ({
        %run_scoped3A = tpu.sem_alloc : memref<!tpu.dma_semaphore, #tpu.memory_space<semaphore_mem>>
        %dma_start3A_594 = tpu.memref_slice %arg3[%multiple_of3A_244] : memref<2097152xf32, #tpu.memory_space<hbm>> -> memref<2048xf32, #tpu.memory_space<hbm>>
        %dma_start3A_595 = tpu.memref_slice %arg3[%multiple_of3A_244] : memref<2097152xf32, #tpu.memory_space<hbm>> -> memref<2048xf32, #tpu.memory_space<hbm>>
        tpu.enqueue_dma source(%dma_start3A_595 : memref<2048xf32, #tpu.memory_space<hbm>>) target(%arg7 : memref<2048xf32, #tpu.memory_space<vmem>>) target_semaphore(%run_scoped3A : memref<!tpu.dma_semaphore, #tpu.memory_space<semaphore_mem>>)
        %dma_wait3A_596 = tpu.memref_slice %arg3[%multiple_of3A_244] : memref<2097152xf32, #tpu.memory_space<hbm>> -> memref<2048xf32, #tpu.memory_space<hbm>>
        %dma_wait3A_597 = tpu.memref_slice %arg3[%multiple_of3A_244] : memref<2097152xf32, #tpu.memory_space<hbm>> -> memref<2048xf32, #tpu.memory_space<hbm>>
        tpu.wait_dma2 semaphore(%run_scoped3A : memref<!tpu.dma_semaphore, #tpu.memory_space<semaphore_mem>>) src(%dma_wait3A_597 : memref<2048xf32, #tpu.memory_space<hbm>>) dst(%arg7 : memref<2048xf32, #tpu.memory_space<vmem>>)
        tpu.yield
      }) : () -> ()
      %jit3A = arith.constant 8 : i64
      %convert_element_type3A = arith.trunci %jit3A : i64 to i32
      %div3A = arith.divsi %add3A_240, %convert_element_type3A : i32
      %sign3A = arith.constant 0 : i32
      %sign3A_245 = arith.cmpi sgt, %add3A_240, %sign3A : i32
      %sign3A_246 = arith.extui %sign3A_245 : i1 to i32
      %sign3A_247 = arith.constant 0 : i32
      %sign3A_248 = arith.cmpi slt, %add3A_240, %sign3A_247 : i32
      %sign3A_249 = arith.extui %sign3A_248 : i1 to i32
      %sign3A_250 = arith.subi %sign3A_246, %sign3A_249 : i32
      %sign3A_251 = arith.constant 0 : i32
      %sign3A_252 = arith.cmpi sgt, %convert_element_type3A, %sign3A_251 : i32
      %sign3A_253 = arith.extui %sign3A_252 : i1 to i32
      %sign3A_254 = arith.constant 0 : i32
      %sign3A_255 = arith.cmpi slt, %convert_element_type3A, %sign3A_254 : i32
      %sign3A_256 = arith.extui %sign3A_255 : i1 to i32
      %sign3A_257 = arith.subi %sign3A_253, %sign3A_256 : i32
      %ne3A = arith.cmpi ne, %sign3A_250, %sign3A_257 : i32
      %rem3A = arith.remsi %add3A_240, %convert_element_type3A : i32
      %ne3A_258 = arith.constant 0 : i32
      %ne3A_259 = arith.cmpi ne, %rem3A, %ne3A_258 : i32
      %and3A = arith.andi %ne3A, %ne3A_259 : i1
      %sub3A = arith.constant 1 : i32
      %sub3A_260 = arith.subi %div3A, %sub3A : i32
      %select_n3A = arith.select %and3A, %sub3A_260, %div3A : i32
      %multiple_of3A_261 = tpu.assume_multiple %select_n3A, 8 : i32
      "tpu.region"() ({
        %run_scoped3A = tpu.sem_alloc : memref<!tpu.dma_semaphore, #tpu.memory_space<semaphore_mem>>
        %dma_start3A_594 = tpu.memref_slice %arg2[%multiple_of3A_261] : memref<262144xf32, #tpu.memory_space<hbm>> -> memref<256xf32, #tpu.memory_space<hbm>>
        %dma_start3A_595 = tpu.memref_slice %arg2[%multiple_of3A_261] : memref<262144xf32, #tpu.memory_space<hbm>> -> memref<256xf32, #tpu.memory_space<hbm>>
        tpu.enqueue_dma source(%dma_start3A_595 : memref<256xf32, #tpu.memory_space<hbm>>) target(%arg8 : memref<256xf32, #tpu.memory_space<vmem>>) target_semaphore(%run_scoped3A : memref<!tpu.dma_semaphore, #tpu.memory_space<semaphore_mem>>)
        %dma_wait3A_596 = tpu.memref_slice %arg2[%multiple_of3A_261] : memref<262144xf32, #tpu.memory_space<hbm>> -> memref<256xf32, #tpu.memory_space<hbm>>
        %dma_wait3A_597 = tpu.memref_slice %arg2[%multiple_of3A_261] : memref<262144xf32, #tpu.memory_space<hbm>> -> memref<256xf32, #tpu.memory_space<hbm>>
        tpu.wait_dma2 semaphore(%run_scoped3A : memref<!tpu.dma_semaphore, #tpu.memory_space<semaphore_mem>>) src(%dma_wait3A_597 : memref<256xf32, #tpu.memory_space<hbm>>) dst(%arg8 : memref<256xf32, #tpu.memory_space<vmem>>)
        tpu.yield
      }) : () -> ()
      %while3A_262 = arith.constant 0 : i32
      %while3A_263 = arith.constant 128 : i32
      %while3A_264 = arith.constant 0 : i64
      %while3A_265 = arith.subi %while3A_263, %while3A_262 : i32
      %while3A_266 = arith.addi %while3A_262, %while3A_265 : i32
      %while3A_267 = arith.constant 1 : i32
      %while3A_268 = arith.divsi %while3A_265, %while3A_267 : i32
      %while3A_269 = arith.muli %while3A_268, %while3A_267 : i32
      %while3A_270 = arith.addi %while3A_262, %while3A_269 : i32
      %while3A_271 = arith.constant 1 : i32
      %while3A_272 = scf.for %while3A_594 = %while3A_262 to %while3A_270 step %while3A_271 iter_args(%while3A_595 = %while3A_264) -> (i64)  : i32 {
        %mul3A_596 = arith.constant 16 : i32
        %mul3A_597 = arith.muli %while3A_594, %mul3A_596 : i32
        %add3A_598 = vector.broadcast %mul3A_597 : i32 to vector<16xi32>
        %add3A_599 = arith.addi %add3A_598, %iota3A : vector<16xi32>
        %mul3A_600 = arith.constant 3 : i32
        %mul3A_601 = vector.broadcast %mul3A_600 : i32 to vector<16xi32>
        %mul3A_602 = arith.muli %add3A_599, %mul3A_601 : vector<16xi32>
        %gather3A = tpu.vector_load_idx %arg6[%mul3A_602] : memref<6144xi32, #tpu.memory_space<vmem>>[vector<16xi32>], vector<16xi32>,
        %mul3A_603 = arith.constant 3 : i32
        %mul3A_604 = vector.broadcast %mul3A_603 : i32 to vector<16xi32>
        %mul3A_605 = arith.muli %add3A_599, %mul3A_604 : vector<16xi32>
        %add3A_606 = arith.constant 1 : i32
        %add3A_607 = vector.broadcast %add3A_606 : i32 to vector<16xi32>
        %add3A_608 = arith.addi %mul3A_605, %add3A_607 : vector<16xi32>
        %gather3A_609 = tpu.vector_load_idx %arg6[%add3A_608] : memref<6144xi32, #tpu.memory_space<vmem>>[vector<16xi32>], vector<16xi32>,
        %mul3A_610 = arith.constant 3 : i32
        %mul3A_611 = vector.broadcast %mul3A_610 : i32 to vector<16xi32>
        %mul3A_612 = arith.muli %add3A_599, %mul3A_611 : vector<16xi32>
        %add3A_613 = arith.constant 2 : i32
        %add3A_614 = vector.broadcast %add3A_613 : i32 to vector<16xi32>
        %add3A_615 = arith.addi %mul3A_612, %add3A_614 : vector<16xi32>
        %gather3A_616 = tpu.vector_load_idx %arg6[%add3A_615] : memref<6144xi32, #tpu.memory_space<vmem>>[vector<16xi32>], vector<16xi32>,
        %mul3A_617 = arith.constant 128 : i32
        %mul3A_618 = vector.broadcast %mul3A_617 : i32 to vector<16xi32>
        %mul3A_619 = arith.muli %gather3A, %mul3A_618 : vector<16xi32>
        %add3A_620 = arith.addi %mul3A_619, %gather3A_609 : vector<16xi32>
        %mul3A_621 = arith.constant 128 : i32
        %mul3A_622 = vector.broadcast %mul3A_621 : i32 to vector<16xi32>
        %mul3A_623 = arith.muli %add3A_620, %mul3A_622 : vector<16xi32>
        %add3A_624 = arith.addi %mul3A_623, %gather3A_616 : vector<16xi32>
        %sub3A_625 = arith.constant 0 : i32
        %sub3A_626 = vector.broadcast %sub3A_625 : i32 to vector<16xi32>
        %sub3A_627 = arith.subi %add3A_624, %sub3A_626 : vector<16xi32>
        %mul3A_628 = arith.constant 16 : i32
        %mul3A_629 = arith.muli %while3A_594, %mul3A_628 : i32
        %get3A = arith.index_cast %mul3A_629 : i32 to index
        %get3A_630 = tpu.vector_load %arg7[%get3A] {strides = array<i32>} : memref<2048xf32, #tpu.memory_space<vmem>>, vector<16xf32>,
        %shift_right_logical3A = arith.constant 3 : i32
        %shift_right_logical3A_631 = vector.broadcast %shift_right_logical3A : i32 to vector<16xi32>
        %shift_right_logical3A_632 = arith.shrui %add3A_599, %shift_right_logical3A_631 : vector<16xi32>
        %gather3A_633 = tpu.vector_load_idx %arg8[%shift_right_logical3A_632] : memref<256xf32, #tpu.memory_space<vmem>>[vector<16xi32>], vector<16xf32>,
        %mul3A_634 = arith.mulf %get3A_630, %gather3A_633 : vector<16xf32>
        %select_n3A_635 = arith.select %eq3A_3, %get3A_630, %mul3A_634 : vector<16xi1>, vector<16xf32>
        %ge3A = arith.constant 0 : i32
        %ge3A_636 = vector.broadcast %ge3A : i32 to vector<16xi32>
        %ge3A_637 = arith.cmpi sge, %sub3A_627, %ge3A_636 : vector<16xi32>
        %lt3A = arith.constant 1048576 : i32
        %lt3A_638 = vector.broadcast %lt3A : i32 to vector<16xi32>
        %lt3A_639 = arith.cmpi slt, %sub3A_627, %lt3A_638 : vector<16xi32>
        %and3A_640 = arith.andi %ge3A_637, %lt3A_639 : vector<16xi1>
        %shift_right_logical3A_641 = arith.constant 3 : i32
        %shift_right_logical3A_642 = arith.shrui %while3A_594, %shift_right_logical3A_641 : i32
        %and3A_643 = arith.constant 7 : i32
        %and3A_644 = arith.andi %while3A_594, %and3A_643 : i32
        %mul3A_645 = arith.constant 16 : i32
        %mul3A_646 = arith.muli %and3A_644, %mul3A_645 : i32
        %and3A_647 = arith.constant 1048575 : i32
        %and3A_648 = vector.broadcast %and3A_647 : i32 to vector<16xi32>
        %and3A_649 = arith.andi %sub3A_627, %and3A_648 : vector<16xi32>
        %swap3A = arith.index_cast %shift_right_logical3A_642 : i32 to index
        %swap3A_650 = arith.index_cast %mul3A_646 : i32 to index
        %swap3A_651 = tpu.vector_load %arg9[%swap3A, %swap3A_650] {strides = array<i32>} : memref<16x128xi32, #tpu.memory_space<vmem>>, vector<16xi32>,
        tpu.vector_store %arg9[%swap3A, %swap3A_650], %and3A_649 {strides = array<i32>} : memref<16x128xi32, #tpu.memory_space<vmem>>, vector<16xi32>,
        %jit3A_652 = arith.constant 0.000000e+00 : f64
        %convert_element_type3A_653 = arith.truncf %jit3A_652 : f64 to f32
        %broadcast_in_dim3A_654 = vector.broadcast %convert_element_type3A_653 : f32 to vector<16xf32>
        %select_n3A_655 = arith.select %and3A_640, %select_n3A_635, %broadcast_in_dim3A_654 : vector<16xi1>, vector<16xf32>
        %swap3A_656 = arith.index_cast %shift_right_logical3A_642 : i32 to index
        %swap3A_657 = arith.index_cast %mul3A_646 : i32 to index
        %swap3A_658 = tpu.vector_load %arg10[%swap3A_656, %swap3A_657] {strides = array<i32>} : memref<16x128xf32, #tpu.memory_space<vmem>>, vector<16xf32>,
        tpu.vector_store %arg10[%swap3A_656, %swap3A_657], %select_n3A_655 {strides = array<i32>} : memref<16x128xf32, #tpu.memory_space<vmem>>, vector<16xf32>,
        %while3A_659 = arith.constant 0 : i64
        scf.yield %while3A_659 : i64
      }
      %while3A_273 = arith.constant 1 : i32
      %while3A_274 = scf.for %while3A_594 = %while3A_270 to %while3A_266 step %while3A_273 iter_args(%while3A_595 = %while3A_272) -> (i64)  : i32 {
        %mul3A_596 = arith.constant 16 : i32
        %mul3A_597 = arith.muli %while3A_594, %mul3A_596 : i32
        %add3A_598 = vector.broadcast %mul3A_597 : i32 to vector<16xi32>
        %add3A_599 = arith.addi %add3A_598, %iota3A : vector<16xi32>
        %mul3A_600 = arith.constant 3 : i32
        %mul3A_601 = vector.broadcast %mul3A_600 : i32 to vector<16xi32>
        %mul3A_602 = arith.muli %add3A_599, %mul3A_601 : vector<16xi32>
        %gather3A = tpu.vector_load_idx %arg6[%mul3A_602] : memref<6144xi32, #tpu.memory_space<vmem>>[vector<16xi32>], vector<16xi32>,
        %mul3A_603 = arith.constant 3 : i32
        %mul3A_604 = vector.broadcast %mul3A_603 : i32 to vector<16xi32>
        %mul3A_605 = arith.muli %add3A_599, %mul3A_604 : vector<16xi32>
        %add3A_606 = arith.constant 1 : i32
        %add3A_607 = vector.broadcast %add3A_606 : i32 to vector<16xi32>
        %add3A_608 = arith.addi %mul3A_605, %add3A_607 : vector<16xi32>
        %gather3A_609 = tpu.vector_load_idx %arg6[%add3A_608] : memref<6144xi32, #tpu.memory_space<vmem>>[vector<16xi32>], vector<16xi32>,
        %mul3A_610 = arith.constant 3 : i32
        %mul3A_611 = vector.broadcast %mul3A_610 : i32 to vector<16xi32>
        %mul3A_612 = arith.muli %add3A_599, %mul3A_611 : vector<16xi32>
        %add3A_613 = arith.constant 2 : i32
        %add3A_614 = vector.broadcast %add3A_613 : i32 to vector<16xi32>
        %add3A_615 = arith.addi %mul3A_612, %add3A_614 : vector<16xi32>
        %gather3A_616 = tpu.vector_load_idx %arg6[%add3A_615] : memref<6144xi32, #tpu.memory_space<vmem>>[vector<16xi32>], vector<16xi32>,
        %mul3A_617 = arith.constant 128 : i32
        %mul3A_618 = vector.broadcast %mul3A_617 : i32 to vector<16xi32>
        %mul3A_619 = arith.muli %gather3A, %mul3A_618 : vector<16xi32>
        %add3A_620 = arith.addi %mul3A_619, %gather3A_609 : vector<16xi32>
        %mul3A_621 = arith.constant 128 : i32
        %mul3A_622 = vector.broadcast %mul3A_621 : i32 to vector<16xi32>
        %mul3A_623 = arith.muli %add3A_620, %mul3A_622 : vector<16xi32>
        %add3A_624 = arith.addi %mul3A_623, %gather3A_616 : vector<16xi32>
        %sub3A_625 = arith.constant 0 : i32
        %sub3A_626 = vector.broadcast %sub3A_625 : i32 to vector<16xi32>
        %sub3A_627 = arith.subi %add3A_624, %sub3A_626 : vector<16xi32>
        %mul3A_628 = arith.constant 16 : i32
        %mul3A_629 = arith.muli %while3A_594, %mul3A_628 : i32
        %get3A = arith.index_cast %mul3A_629 : i32 to index
        %get3A_630 = tpu.vector_load %arg7[%get3A] {strides = array<i32>} : memref<2048xf32, #tpu.memory_space<vmem>>, vector<16xf32>,
        %shift_right_logical3A = arith.constant 3 : i32
        %shift_right_logical3A_631 = vector.broadcast %shift_right_logical3A : i32 to vector<16xi32>
        %shift_right_logical3A_632 = arith.shrui %add3A_599, %shift_right_logical3A_631 : vector<16xi32>
        %gather3A_633 = tpu.vector_load_idx %arg8[%shift_right_logical3A_632] : memref<256xf32, #tpu.memory_space<vmem>>[vector<16xi32>], vector<16xf32>,
        %mul3A_634 = arith.mulf %get3A_630, %gather3A_633 : vector<16xf32>
        %select_n3A_635 = arith.select %eq3A_3, %get3A_630, %mul3A_634 : vector<16xi1>, vector<16xf32>
        %ge3A = arith.constant 0 : i32
        %ge3A_636 = vector.broadcast %ge3A : i32 to vector<16xi32>
        %ge3A_637 = arith.cmpi sge, %sub3A_627, %ge3A_636 : vector<16xi32>
        %lt3A = arith.constant 1048576 : i32
        %lt3A_638 = vector.broadcast %lt3A : i32 to vector<16xi32>
        %lt3A_639 = arith.cmpi slt, %sub3A_627, %lt3A_638 : vector<16xi32>
        %and3A_640 = arith.andi %ge3A_637, %lt3A_639 : vector<16xi1>
        %shift_right_logical3A_641 = arith.constant 3 : i32
        %shift_right_logical3A_642 = arith.shrui %while3A_594, %shift_right_logical3A_641 : i32
        %and3A_643 = arith.constant 7 : i32
        %and3A_644 = arith.andi %while3A_594, %and3A_643 : i32
        %mul3A_645 = arith.constant 16 : i32
        %mul3A_646 = arith.muli %and3A_644, %mul3A_645 : i32
        %and3A_647 = arith.constant 1048575 : i32
        %and3A_648 = vector.broadcast %and3A_647 : i32 to vector<16xi32>
        %and3A_649 = arith.andi %sub3A_627, %and3A_648 : vector<16xi32>
        %swap3A = arith.index_cast %shift_right_logical3A_642 : i32 to index
        %swap3A_650 = arith.index_cast %mul3A_646 : i32 to index
        %swap3A_651 = tpu.vector_load %arg9[%swap3A, %swap3A_650] {strides = array<i32>} : memref<16x128xi32, #tpu.memory_space<vmem>>, vector<16xi32>,
        tpu.vector_store %arg9[%swap3A, %swap3A_650], %and3A_649 {strides = array<i32>} : memref<16x128xi32, #tpu.memory_space<vmem>>, vector<16xi32>,
        %jit3A_652 = arith.constant 0.000000e+00 : f64
        %convert_element_type3A_653 = arith.truncf %jit3A_652 : f64 to f32
        %broadcast_in_dim3A_654 = vector.broadcast %convert_element_type3A_653 : f32 to vector<16xf32>
        %select_n3A_655 = arith.select %and3A_640, %select_n3A_635, %broadcast_in_dim3A_654 : vector<16xi1>, vector<16xf32>
        %swap3A_656 = arith.index_cast %shift_right_logical3A_642 : i32 to index
        %swap3A_657 = arith.index_cast %mul3A_646 : i32 to index
        %swap3A_658 = tpu.vector_load %arg10[%swap3A_656, %swap3A_657] {strides = array<i32>} : memref<16x128xf32, #tpu.memory_space<vmem>>, vector<16xf32>,
        tpu.vector_store %arg10[%swap3A_656, %swap3A_657], %select_n3A_655 {strides = array<i32>} : memref<16x128xf32, #tpu.memory_space<vmem>>, vector<16xf32>,
        %while3A_659 = arith.constant 0 : i64
        scf.yield %while3A_659 : i64
      }
      %dma_start3A = arith.constant 0 : i32
      %dma_start3A_275 = arith.constant 0 : i32
      %dma_start3A_276 = arith.constant 0 : i32
      %dma_start3A_277 = tpu.memref_slice %arg10[%dma_start3A, %dma_start3A_276] : memref<16x128xf32, #tpu.memory_space<vmem>> -> memref<1x128xf32, #tpu.memory_space<vmem>>
      %dma_start3A_278 = tpu.memref_squeeze %dma_start3A_277 : memref<1x128xf32, #tpu.memory_space<vmem>> -> memref<128xf32, #tpu.memory_space<vmem>>
      %dma_start3A_279 = arith.constant 0 : i32
      %dma_start3A_280 = tpu.memref_slice %arg9[%dma_start3A_275, %dma_start3A_279] : memref<16x128xi32, #tpu.memory_space<vmem>> -> memref<1x128xi32, #tpu.memory_space<vmem>>
      %dma_start3A_281 = tpu.memref_squeeze %dma_start3A_280 : memref<1x128xi32, #tpu.memory_space<vmem>> -> memref<128xi32, #tpu.memory_space<vmem>>
      %dma_start3A_282 = arith.constant 0 : i32
      %dma_start3A_283 = tpu.memref_slice %arg12[%dma_start3A_282] : memref<1048576xf32, #tpu.memory_space<vmem_shared>> -> memref<1048576xf32, #tpu.memory_space<vmem_shared>>
      tpu.enqueue_indirect_dma source(%dma_start3A_278 : memref<128xf32, #tpu.memory_space<vmem>>) target(%dma_start3A_283 : memref<1048576xf32, #tpu.memory_space<vmem_shared>>) offsets(%dma_start3A_281 : memref<128xi32, #tpu.memory_space<vmem>>) semaphore(%arg13 : memref<!tpu.dma_semaphore, #tpu.memory_space<semaphore_mem>>) {add = true}
      %dma_start3A_284 = arith.constant 1 : i32
      %dma_start3A_285 = arith.constant 1 : i32
      %dma_start3A_286 = arith.constant 0 : i32
      %dma_start3A_287 = tpu.memref_slice %arg10[%dma_start3A_284, %dma_start3A_286] : memref<16x128xf32, #tpu.memory_space<vmem>> -> memref<1x128xf32, #tpu.memory_space<vmem>>
      %dma_start3A_288 = tpu.memref_squeeze %dma_start3A_287 : memref<1x128xf32, #tpu.memory_space<vmem>> -> memref<128xf32, #tpu.memory_space<vmem>>
      %dma_start3A_289 = arith.constant 0 : i32
      %dma_start3A_290 = tpu.memref_slice %arg9[%dma_start3A_285, %dma_start3A_289] : memref<16x128xi32, #tpu.memory_space<vmem>> -> memref<1x128xi32, #tpu.memory_space<vmem>>
      %dma_start3A_291 = tpu.memref_squeeze %dma_start3A_290 : memref<1x128xi32, #tpu.memory_space<vmem>> -> memref<128xi32, #tpu.memory_space<vmem>>
      %dma_start3A_292 = arith.constant 0 : i32
      %dma_start3A_293 = tpu.memref_slice %arg12[%dma_start3A_292] : memref<1048576xf32, #tpu.memory_space<vmem_shared>> -> memref<1048576xf32, #tpu.memory_space<vmem_shared>>
      tpu.enqueue_indirect_dma source(%dma_start3A_288 : memref<128xf32, #tpu.memory_space<vmem>>) target(%dma_start3A_293 : memref<1048576xf32, #tpu.memory_space<vmem_shared>>) offsets(%dma_start3A_291 : memref<128xi32, #tpu.memory_space<vmem>>) semaphore(%arg13 : memref<!tpu.dma_semaphore, #tpu.memory_space<semaphore_mem>>) {add = true}
      %dma_start3A_294 = arith.constant 2 : i32
      %dma_start3A_295 = arith.constant 2 : i32
      %dma_start3A_296 = arith.constant 0 : i32
      %dma_start3A_297 = tpu.memref_slice %arg10[%dma_start3A_294, %dma_start3A_296] : memref<16x128xf32, #tpu.memory_space<vmem>> -> memref<1x128xf32, #tpu.memory_space<vmem>>
      %dma_start3A_298 = tpu.memref_squeeze %dma_start3A_297 : memref<1x128xf32, #tpu.memory_space<vmem>> -> memref<128xf32, #tpu.memory_space<vmem>>
      %dma_start3A_299 = arith.constant 0 : i32
      %dma_start3A_300 = tpu.memref_slice %arg9[%dma_start3A_295, %dma_start3A_299] : memref<16x128xi32, #tpu.memory_space<vmem>> -> memref<1x128xi32, #tpu.memory_space<vmem>>
      %dma_start3A_301 = tpu.memref_squeeze %dma_start3A_300 : memref<1x128xi32, #tpu.memory_space<vmem>> -> memref<128xi32, #tpu.memory_space<vmem>>
      %dma_start3A_302 = arith.constant 0 : i32
      %dma_start3A_303 = tpu.memref_slice %arg12[%dma_start3A_302] : memref<1048576xf32, #tpu.memory_space<vmem_shared>> -> memref<1048576xf32, #tpu.memory_space<vmem_shared>>
      tpu.enqueue_indirect_dma source(%dma_start3A_298 : memref<128xf32, #tpu.memory_space<vmem>>) target(%dma_start3A_303 : memref<1048576xf32, #tpu.memory_space<vmem_shared>>) offsets(%dma_start3A_301 : memref<128xi32, #tpu.memory_space<vmem>>) semaphore(%arg13 : memref<!tpu.dma_semaphore, #tpu.memory_space<semaphore_mem>>) {add = true}
      %dma_start3A_304 = arith.constant 3 : i32
      %dma_start3A_305 = arith.constant 3 : i32
      %dma_start3A_306 = arith.constant 0 : i32
      %dma_start3A_307 = tpu.memref_slice %arg10[%dma_start3A_304, %dma_start3A_306] : memref<16x128xf32, #tpu.memory_space<vmem>> -> memref<1x128xf32, #tpu.memory_space<vmem>>
      %dma_start3A_308 = tpu.memref_squeeze %dma_start3A_307 : memref<1x128xf32, #tpu.memory_space<vmem>> -> memref<128xf32, #tpu.memory_space<vmem>>
      %dma_start3A_309 = arith.constant 0 : i32
      %dma_start3A_310 = tpu.memref_slice %arg9[%dma_start3A_305, %dma_start3A_309] : memref<16x128xi32, #tpu.memory_space<vmem>> -> memref<1x128xi32, #tpu.memory_space<vmem>>
      %dma_start3A_311 = tpu.memref_squeeze %dma_start3A_310 : memref<1x128xi32, #tpu.memory_space<vmem>> -> memref<128xi32, #tpu.memory_space<vmem>>
      %dma_start3A_312 = arith.constant 0 : i32
      %dma_start3A_313 = tpu.memref_slice %arg12[%dma_start3A_312] : memref<1048576xf32, #tpu.memory_space<vmem_shared>> -> memref<1048576xf32, #tpu.memory_space<vmem_shared>>
      tpu.enqueue_indirect_dma source(%dma_start3A_308 : memref<128xf32, #tpu.memory_space<vmem>>) target(%dma_start3A_313 : memref<1048576xf32, #tpu.memory_space<vmem_shared>>) offsets(%dma_start3A_311 : memref<128xi32, #tpu.memory_space<vmem>>) semaphore(%arg13 : memref<!tpu.dma_semaphore, #tpu.memory_space<semaphore_mem>>) {add = true}
      %dma_start3A_314 = arith.constant 4 : i32
      %dma_start3A_315 = arith.constant 4 : i32
      %dma_start3A_316 = arith.constant 0 : i32
      %dma_start3A_317 = tpu.memref_slice %arg10[%dma_start3A_314, %dma_start3A_316] : memref<16x128xf32, #tpu.memory_space<vmem>> -> memref<1x128xf32, #tpu.memory_space<vmem>>
      %dma_start3A_318 = tpu.memref_squeeze %dma_start3A_317 : memref<1x128xf32, #tpu.memory_space<vmem>> -> memref<128xf32, #tpu.memory_space<vmem>>
      %dma_start3A_319 = arith.constant 0 : i32
      %dma_start3A_320 = tpu.memref_slice %arg9[%dma_start3A_315, %dma_start3A_319] : memref<16x128xi32, #tpu.memory_space<vmem>> -> memref<1x128xi32, #tpu.memory_space<vmem>>
      %dma_start3A_321 = tpu.memref_squeeze %dma_start3A_320 : memref<1x128xi32, #tpu.memory_space<vmem>> -> memref<128xi32, #tpu.memory_space<vmem>>
      %dma_start3A_322 = arith.constant 0 : i32
      %dma_start3A_323 = tpu.memref_slice %arg12[%dma_start3A_322] : memref<1048576xf32, #tpu.memory_space<vmem_shared>> -> memref<1048576xf32, #tpu.memory_space<vmem_shared>>
      tpu.enqueue_indirect_dma source(%dma_start3A_318 : memref<128xf32, #tpu.memory_space<vmem>>) target(%dma_start3A_323 : memref<1048576xf32, #tpu.memory_space<vmem_shared>>) offsets(%dma_start3A_321 : memref<128xi32, #tpu.memory_space<vmem>>) semaphore(%arg13 : memref<!tpu.dma_semaphore, #tpu.memory_space<semaphore_mem>>) {add = true}
      %dma_start3A_324 = arith.constant 5 : i32
      %dma_start3A_325 = arith.constant 5 : i32
      %dma_start3A_326 = arith.constant 0 : i32
      %dma_start3A_327 = tpu.memref_slice %arg10[%dma_start3A_324, %dma_start3A_326] : memref<16x128xf32, #tpu.memory_space<vmem>> -> memref<1x128xf32, #tpu.memory_space<vmem>>
      %dma_start3A_328 = tpu.memref_squeeze %dma_start3A_327 : memref<1x128xf32, #tpu.memory_space<vmem>> -> memref<128xf32, #tpu.memory_space<vmem>>
      %dma_start3A_329 = arith.constant 0 : i32
      %dma_start3A_330 = tpu.memref_slice %arg9[%dma_start3A_325, %dma_start3A_329] : memref<16x128xi32, #tpu.memory_space<vmem>> -> memref<1x128xi32, #tpu.memory_space<vmem>>
      %dma_start3A_331 = tpu.memref_squeeze %dma_start3A_330 : memref<1x128xi32, #tpu.memory_space<vmem>> -> memref<128xi32, #tpu.memory_space<vmem>>
      %dma_start3A_332 = arith.constant 0 : i32
      %dma_start3A_333 = tpu.memref_slice %arg12[%dma_start3A_332] : memref<1048576xf32, #tpu.memory_space<vmem_shared>> -> memref<1048576xf32, #tpu.memory_space<vmem_shared>>
      tpu.enqueue_indirect_dma source(%dma_start3A_328 : memref<128xf32, #tpu.memory_space<vmem>>) target(%dma_start3A_333 : memref<1048576xf32, #tpu.memory_space<vmem_shared>>) offsets(%dma_start3A_331 : memref<128xi32, #tpu.memory_space<vmem>>) semaphore(%arg13 : memref<!tpu.dma_semaphore, #tpu.memory_space<semaphore_mem>>) {add = true}
      %dma_start3A_334 = arith.constant 6 : i32
      %dma_start3A_335 = arith.constant 6 : i32
      %dma_start3A_336 = arith.constant 0 : i32
      %dma_start3A_337 = tpu.memref_slice %arg10[%dma_start3A_334, %dma_start3A_336] : memref<16x128xf32, #tpu.memory_space<vmem>> -> memref<1x128xf32, #tpu.memory_space<vmem>>
      %dma_start3A_338 = tpu.memref_squeeze %dma_start3A_337 : memref<1x128xf32, #tpu.memory_space<vmem>> -> memref<128xf32, #tpu.memory_space<vmem>>
      %dma_start3A_339 = arith.constant 0 : i32
      %dma_start3A_340 = tpu.memref_slice %arg9[%dma_start3A_335, %dma_start3A_339] : memref<16x128xi32, #tpu.memory_space<vmem>> -> memref<1x128xi32, #tpu.memory_space<vmem>>
      %dma_start3A_341 = tpu.memref_squeeze %dma_start3A_340 : memref<1x128xi32, #tpu.memory_space<vmem>> -> memref<128xi32, #tpu.memory_space<vmem>>
      %dma_start3A_342 = arith.constant 0 : i32
      %dma_start3A_343 = tpu.memref_slice %arg12[%dma_start3A_342] : memref<1048576xf32, #tpu.memory_space<vmem_shared>> -> memref<1048576xf32, #tpu.memory_space<vmem_shared>>
      tpu.enqueue_indirect_dma source(%dma_start3A_338 : memref<128xf32, #tpu.memory_space<vmem>>) target(%dma_start3A_343 : memref<1048576xf32, #tpu.memory_space<vmem_shared>>) offsets(%dma_start3A_341 : memref<128xi32, #tpu.memory_space<vmem>>) semaphore(%arg13 : memref<!tpu.dma_semaphore, #tpu.memory_space<semaphore_mem>>) {add = true}
      %dma_start3A_344 = arith.constant 7 : i32
      %dma_start3A_345 = arith.constant 7 : i32
      %dma_start3A_346 = arith.constant 0 : i32
      %dma_start3A_347 = tpu.memref_slice %arg10[%dma_start3A_344, %dma_start3A_346] : memref<16x128xf32, #tpu.memory_space<vmem>> -> memref<1x128xf32, #tpu.memory_space<vmem>>
      %dma_start3A_348 = tpu.memref_squeeze %dma_start3A_347 : memref<1x128xf32, #tpu.memory_space<vmem>> -> memref<128xf32, #tpu.memory_space<vmem>>
      %dma_start3A_349 = arith.constant 0 : i32
      %dma_start3A_350 = tpu.memref_slice %arg9[%dma_start3A_345, %dma_start3A_349] : memref<16x128xi32, #tpu.memory_space<vmem>> -> memref<1x128xi32, #tpu.memory_space<vmem>>
      %dma_start3A_351 = tpu.memref_squeeze %dma_start3A_350 : memref<1x128xi32, #tpu.memory_space<vmem>> -> memref<128xi32, #tpu.memory_space<vmem>>
      %dma_start3A_352 = arith.constant 0 : i32
      %dma_start3A_353 = tpu.memref_slice %arg12[%dma_start3A_352] : memref<1048576xf32, #tpu.memory_space<vmem_shared>> -> memref<1048576xf32, #tpu.memory_space<vmem_shared>>
      tpu.enqueue_indirect_dma source(%dma_start3A_348 : memref<128xf32, #tpu.memory_space<vmem>>) target(%dma_start3A_353 : memref<1048576xf32, #tpu.memory_space<vmem_shared>>) offsets(%dma_start3A_351 : memref<128xi32, #tpu.memory_space<vmem>>) semaphore(%arg13 : memref<!tpu.dma_semaphore, #tpu.memory_space<semaphore_mem>>) {add = true}
      %dma_start3A_354 = arith.constant 8 : i32
      %dma_start3A_355 = arith.constant 8 : i32
      %dma_start3A_356 = arith.constant 0 : i32
      %dma_start3A_357 = tpu.memref_slice %arg10[%dma_start3A_354, %dma_start3A_356] : memref<16x128xf32, #tpu.memory_space<vmem>> -> memref<1x128xf32, #tpu.memory_space<vmem>>
      %dma_start3A_358 = tpu.memref_squeeze %dma_start3A_357 : memref<1x128xf32, #tpu.memory_space<vmem>> -> memref<128xf32, #tpu.memory_space<vmem>>
      %dma_start3A_359 = arith.constant 0 : i32
      %dma_start3A_360 = tpu.memref_slice %arg9[%dma_start3A_355, %dma_start3A_359] : memref<16x128xi32, #tpu.memory_space<vmem>> -> memref<1x128xi32, #tpu.memory_space<vmem>>
      %dma_start3A_361 = tpu.memref_squeeze %dma_start3A_360 : memref<1x128xi32, #tpu.memory_space<vmem>> -> memref<128xi32, #tpu.memory_space<vmem>>
      %dma_start3A_362 = arith.constant 0 : i32
      %dma_start3A_363 = tpu.memref_slice %arg12[%dma_start3A_362] : memref<1048576xf32, #tpu.memory_space<vmem_shared>> -> memref<1048576xf32, #tpu.memory_space<vmem_shared>>
      tpu.enqueue_indirect_dma source(%dma_start3A_358 : memref<128xf32, #tpu.memory_space<vmem>>) target(%dma_start3A_363 : memref<1048576xf32, #tpu.memory_space<vmem_shared>>) offsets(%dma_start3A_361 : memref<128xi32, #tpu.memory_space<vmem>>) semaphore(%arg13 : memref<!tpu.dma_semaphore, #tpu.memory_space<semaphore_mem>>) {add = true}
      %dma_start3A_364 = arith.constant 9 : i32
      %dma_start3A_365 = arith.constant 9 : i32
      %dma_start3A_366 = arith.constant 0 : i32
      %dma_start3A_367 = tpu.memref_slice %arg10[%dma_start3A_364, %dma_start3A_366] : memref<16x128xf32, #tpu.memory_space<vmem>> -> memref<1x128xf32, #tpu.memory_space<vmem>>
      %dma_start3A_368 = tpu.memref_squeeze %dma_start3A_367 : memref<1x128xf32, #tpu.memory_space<vmem>> -> memref<128xf32, #tpu.memory_space<vmem>>
      %dma_start3A_369 = arith.constant 0 : i32
      %dma_start3A_370 = tpu.memref_slice %arg9[%dma_start3A_365, %dma_start3A_369] : memref<16x128xi32, #tpu.memory_space<vmem>> -> memref<1x128xi32, #tpu.memory_space<vmem>>
      %dma_start3A_371 = tpu.memref_squeeze %dma_start3A_370 : memref<1x128xi32, #tpu.memory_space<vmem>> -> memref<128xi32, #tpu.memory_space<vmem>>
      %dma_start3A_372 = arith.constant 0 : i32
      %dma_start3A_373 = tpu.memref_slice %arg12[%dma_start3A_372] : memref<1048576xf32, #tpu.memory_space<vmem_shared>> -> memref<1048576xf32, #tpu.memory_space<vmem_shared>>
      tpu.enqueue_indirect_dma source(%dma_start3A_368 : memref<128xf32, #tpu.memory_space<vmem>>) target(%dma_start3A_373 : memref<1048576xf32, #tpu.memory_space<vmem_shared>>) offsets(%dma_start3A_371 : memref<128xi32, #tpu.memory_space<vmem>>) semaphore(%arg13 : memref<!tpu.dma_semaphore, #tpu.memory_space<semaphore_mem>>) {add = true}
      %dma_start3A_374 = arith.constant 10 : i32
      %dma_start3A_375 = arith.constant 10 : i32
      %dma_start3A_376 = arith.constant 0 : i32
      %dma_start3A_377 = tpu.memref_slice %arg10[%dma_start3A_374, %dma_start3A_376] : memref<16x128xf32, #tpu.memory_space<vmem>> -> memref<1x128xf32, #tpu.memory_space<vmem>>
      %dma_start3A_378 = tpu.memref_squeeze %dma_start3A_377 : memref<1x128xf32, #tpu.memory_space<vmem>> -> memref<128xf32, #tpu.memory_space<vmem>>
      %dma_start3A_379 = arith.constant 0 : i32
      %dma_start3A_380 = tpu.memref_slice %arg9[%dma_start3A_375, %dma_start3A_379] : memref<16x128xi32, #tpu.memory_space<vmem>> -> memref<1x128xi32, #tpu.memory_space<vmem>>
      %dma_start3A_381 = tpu.memref_squeeze %dma_start3A_380 : memref<1x128xi32, #tpu.memory_space<vmem>> -> memref<128xi32, #tpu.memory_space<vmem>>
      %dma_start3A_382 = arith.constant 0 : i32
      %dma_start3A_383 = tpu.memref_slice %arg12[%dma_start3A_382] : memref<1048576xf32, #tpu.memory_space<vmem_shared>> -> memref<1048576xf32, #tpu.memory_space<vmem_shared>>
      tpu.enqueue_indirect_dma source(%dma_start3A_378 : memref<128xf32, #tpu.memory_space<vmem>>) target(%dma_start3A_383 : memref<1048576xf32, #tpu.memory_space<vmem_shared>>) offsets(%dma_start3A_381 : memref<128xi32, #tpu.memory_space<vmem>>) semaphore(%arg13 : memref<!tpu.dma_semaphore, #tpu.memory_space<semaphore_mem>>) {add = true}
      %dma_start3A_384 = arith.constant 11 : i32
      %dma_start3A_385 = arith.constant 11 : i32
      %dma_start3A_386 = arith.constant 0 : i32
      %dma_start3A_387 = tpu.memref_slice %arg10[%dma_start3A_384, %dma_start3A_386] : memref<16x128xf32, #tpu.memory_space<vmem>> -> memref<1x128xf32, #tpu.memory_space<vmem>>
      %dma_start3A_388 = tpu.memref_squeeze %dma_start3A_387 : memref<1x128xf32, #tpu.memory_space<vmem>> -> memref<128xf32, #tpu.memory_space<vmem>>
      %dma_start3A_389 = arith.constant 0 : i32
      %dma_start3A_390 = tpu.memref_slice %arg9[%dma_start3A_385, %dma_start3A_389] : memref<16x128xi32, #tpu.memory_space<vmem>> -> memref<1x128xi32, #tpu.memory_space<vmem>>
      %dma_start3A_391 = tpu.memref_squeeze %dma_start3A_390 : memref<1x128xi32, #tpu.memory_space<vmem>> -> memref<128xi32, #tpu.memory_space<vmem>>
      %dma_start3A_392 = arith.constant 0 : i32
      %dma_start3A_393 = tpu.memref_slice %arg12[%dma_start3A_392] : memref<1048576xf32, #tpu.memory_space<vmem_shared>> -> memref<1048576xf32, #tpu.memory_space<vmem_shared>>
      tpu.enqueue_indirect_dma source(%dma_start3A_388 : memref<128xf32, #tpu.memory_space<vmem>>) target(%dma_start3A_393 : memref<1048576xf32, #tpu.memory_space<vmem_shared>>) offsets(%dma_start3A_391 : memref<128xi32, #tpu.memory_space<vmem>>) semaphore(%arg13 : memref<!tpu.dma_semaphore, #tpu.memory_space<semaphore_mem>>) {add = true}
      %dma_start3A_394 = arith.constant 12 : i32
      %dma_start3A_395 = arith.constant 12 : i32
      %dma_start3A_396 = arith.constant 0 : i32
      %dma_start3A_397 = tpu.memref_slice %arg10[%dma_start3A_394, %dma_start3A_396] : memref<16x128xf32, #tpu.memory_space<vmem>> -> memref<1x128xf32, #tpu.memory_space<vmem>>
      %dma_start3A_398 = tpu.memref_squeeze %dma_start3A_397 : memref<1x128xf32, #tpu.memory_space<vmem>> -> memref<128xf32, #tpu.memory_space<vmem>>
      %dma_start3A_399 = arith.constant 0 : i32
      %dma_start3A_400 = tpu.memref_slice %arg9[%dma_start3A_395, %dma_start3A_399] : memref<16x128xi32, #tpu.memory_space<vmem>> -> memref<1x128xi32, #tpu.memory_space<vmem>>
      %dma_start3A_401 = tpu.memref_squeeze %dma_start3A_400 : memref<1x128xi32, #tpu.memory_space<vmem>> -> memref<128xi32, #tpu.memory_space<vmem>>
      %dma_start3A_402 = arith.constant 0 : i32
      %dma_start3A_403 = tpu.memref_slice %arg12[%dma_start3A_402] : memref<1048576xf32, #tpu.memory_space<vmem_shared>> -> memref<1048576xf32, #tpu.memory_space<vmem_shared>>
      tpu.enqueue_indirect_dma source(%dma_start3A_398 : memref<128xf32, #tpu.memory_space<vmem>>) target(%dma_start3A_403 : memref<1048576xf32, #tpu.memory_space<vmem_shared>>) offsets(%dma_start3A_401 : memref<128xi32, #tpu.memory_space<vmem>>) semaphore(%arg13 : memref<!tpu.dma_semaphore, #tpu.memory_space<semaphore_mem>>) {add = true}
      %dma_start3A_404 = arith.constant 13 : i32
      %dma_start3A_405 = arith.constant 13 : i32
      %dma_start3A_406 = arith.constant 0 : i32
      %dma_start3A_407 = tpu.memref_slice %arg10[%dma_start3A_404, %dma_start3A_406] : memref<16x128xf32, #tpu.memory_space<vmem>> -> memref<1x128xf32, #tpu.memory_space<vmem>>
      %dma_start3A_408 = tpu.memref_squeeze %dma_start3A_407 : memref<1x128xf32, #tpu.memory_space<vmem>> -> memref<128xf32, #tpu.memory_space<vmem>>
      %dma_start3A_409 = arith.constant 0 : i32
      %dma_start3A_410 = tpu.memref_slice %arg9[%dma_start3A_405, %dma_start3A_409] : memref<16x128xi32, #tpu.memory_space<vmem>> -> memref<1x128xi32, #tpu.memory_space<vmem>>
      %dma_start3A_411 = tpu.memref_squeeze %dma_start3A_410 : memref<1x128xi32, #tpu.memory_space<vmem>> -> memref<128xi32, #tpu.memory_space<vmem>>
      %dma_start3A_412 = arith.constant 0 : i32
      %dma_start3A_413 = tpu.memref_slice %arg12[%dma_start3A_412] : memref<1048576xf32, #tpu.memory_space<vmem_shared>> -> memref<1048576xf32, #tpu.memory_space<vmem_shared>>
      tpu.enqueue_indirect_dma source(%dma_start3A_408 : memref<128xf32, #tpu.memory_space<vmem>>) target(%dma_start3A_413 : memref<1048576xf32, #tpu.memory_space<vmem_shared>>) offsets(%dma_start3A_411 : memref<128xi32, #tpu.memory_space<vmem>>) semaphore(%arg13 : memref<!tpu.dma_semaphore, #tpu.memory_space<semaphore_mem>>) {add = true}
      %dma_start3A_414 = arith.constant 14 : i32
      %dma_start3A_415 = arith.constant 14 : i32
      %dma_start3A_416 = arith.constant 0 : i32
      %dma_start3A_417 = tpu.memref_slice %arg10[%dma_start3A_414, %dma_start3A_416] : memref<16x128xf32, #tpu.memory_space<vmem>> -> memref<1x128xf32, #tpu.memory_space<vmem>>
      %dma_start3A_418 = tpu.memref_squeeze %dma_start3A_417 : memref<1x128xf32, #tpu.memory_space<vmem>> -> memref<128xf32, #tpu.memory_space<vmem>>
      %dma_start3A_419 = arith.constant 0 : i32
      %dma_start3A_420 = tpu.memref_slice %arg9[%dma_start3A_415, %dma_start3A_419] : memref<16x128xi32, #tpu.memory_space<vmem>> -> memref<1x128xi32, #tpu.memory_space<vmem>>
      %dma_start3A_421 = tpu.memref_squeeze %dma_start3A_420 : memref<1x128xi32, #tpu.memory_space<vmem>> -> memref<128xi32, #tpu.memory_space<vmem>>
      %dma_start3A_422 = arith.constant 0 : i32
      %dma_start3A_423 = tpu.memref_slice %arg12[%dma_start3A_422] : memref<1048576xf32, #tpu.memory_space<vmem_shared>> -> memref<1048576xf32, #tpu.memory_space<vmem_shared>>
      tpu.enqueue_indirect_dma source(%dma_start3A_418 : memref<128xf32, #tpu.memory_space<vmem>>) target(%dma_start3A_423 : memref<1048576xf32, #tpu.memory_space<vmem_shared>>) offsets(%dma_start3A_421 : memref<128xi32, #tpu.memory_space<vmem>>) semaphore(%arg13 : memref<!tpu.dma_semaphore, #tpu.memory_space<semaphore_mem>>) {add = true}
      %dma_start3A_424 = arith.constant 15 : i32
      %dma_start3A_425 = arith.constant 15 : i32
      %dma_start3A_426 = arith.constant 0 : i32
      %dma_start3A_427 = tpu.memref_slice %arg10[%dma_start3A_424, %dma_start3A_426] : memref<16x128xf32, #tpu.memory_space<vmem>> -> memref<1x128xf32, #tpu.memory_space<vmem>>
      %dma_start3A_428 = tpu.memref_squeeze %dma_start3A_427 : memref<1x128xf32, #tpu.memory_space<vmem>> -> memref<128xf32, #tpu.memory_space<vmem>>
      %dma_start3A_429 = arith.constant 0 : i32
      %dma_start3A_430 = tpu.memref_slice %arg9[%dma_start3A_425, %dma_start3A_429] : memref<16x128xi32, #tpu.memory_space<vmem>> -> memref<1x128xi32, #tpu.memory_space<vmem>>
      %dma_start3A_431 = tpu.memref_squeeze %dma_start3A_430 : memref<1x128xi32, #tpu.memory_space<vmem>> -> memref<128xi32, #tpu.memory_space<vmem>>
      %dma_start3A_432 = arith.constant 0 : i32
      %dma_start3A_433 = tpu.memref_slice %arg12[%dma_start3A_432] : memref<1048576xf32, #tpu.memory_space<vmem_shared>> -> memref<1048576xf32, #tpu.memory_space<vmem_shared>>
      tpu.enqueue_indirect_dma source(%dma_start3A_428 : memref<128xf32, #tpu.memory_space<vmem>>) target(%dma_start3A_433 : memref<1048576xf32, #tpu.memory_space<vmem_shared>>) offsets(%dma_start3A_431 : memref<128xi32, #tpu.memory_space<vmem>>) semaphore(%arg13 : memref<!tpu.dma_semaphore, #tpu.memory_space<semaphore_mem>>) {add = true}
      %dma_wait3A = arith.constant 0 : i32
      %dma_wait3A_434 = arith.constant 0 : i32
      %dma_wait3A_435 = arith.constant 0 : i32
      %dma_wait3A_436 = tpu.memref_slice %arg10[%dma_wait3A, %dma_wait3A_435] : memref<16x128xf32, #tpu.memory_space<vmem>> -> memref<1x128xf32, #tpu.memory_space<vmem>>
      %dma_wait3A_437 = tpu.memref_squeeze %dma_wait3A_436 : memref<1x128xf32, #tpu.memory_space<vmem>> -> memref<128xf32, #tpu.memory_space<vmem>>
      %dma_wait3A_438 = arith.constant 0 : i32
      %dma_wait3A_439 = tpu.memref_slice %arg9[%dma_wait3A_434, %dma_wait3A_438] : memref<16x128xi32, #tpu.memory_space<vmem>> -> memref<1x128xi32, #tpu.memory_space<vmem>>
      %dma_wait3A_440 = tpu.memref_squeeze %dma_wait3A_439 : memref<1x128xi32, #tpu.memory_space<vmem>> -> memref<128xi32, #tpu.memory_space<vmem>>
      %dma_wait3A_441 = arith.constant 0 : i32
      %dma_wait3A_442 = tpu.memref_slice %arg12[%dma_wait3A_441] : memref<1048576xf32, #tpu.memory_space<vmem_shared>> -> memref<1048576xf32, #tpu.memory_space<vmem_shared>>
      tpu.wait_indirect_dma semaphore(%arg13 : memref<!tpu.dma_semaphore, #tpu.memory_space<semaphore_mem>>) src(%dma_wait3A_437 : memref<128xf32, #tpu.memory_space<vmem>>) dst(%dma_wait3A_442 : memref<1048576xf32, #tpu.memory_space<vmem_shared>>)
      %dma_wait3A_443 = arith.constant 1 : i32
      %dma_wait3A_444 = arith.constant 1 : i32
      %dma_wait3A_445 = arith.constant 0 : i32
      %dma_wait3A_446 = tpu.memref_slice %arg10[%dma_wait3A_443, %dma_wait3A_445] : memref<16x128xf32, #tpu.memory_space<vmem>> -> memref<1x128xf32, #tpu.memory_space<vmem>>
      %dma_wait3A_447 = tpu.memref_squeeze %dma_wait3A_446 : memref<1x128xf32, #tpu.memory_space<vmem>> -> memref<128xf32, #tpu.memory_space<vmem>>
      %dma_wait3A_448 = arith.constant 0 : i32
      %dma_wait3A_449 = tpu.memref_slice %arg9[%dma_wait3A_444, %dma_wait3A_448] : memref<16x128xi32, #tpu.memory_space<vmem>> -> memref<1x128xi32, #tpu.memory_space<vmem>>
      %dma_wait3A_450 = tpu.memref_squeeze %dma_wait3A_449 : memref<1x128xi32, #tpu.memory_space<vmem>> -> memref<128xi32, #tpu.memory_space<vmem>>
      %dma_wait3A_451 = arith.constant 0 : i32
      %dma_wait3A_452 = tpu.memref_slice %arg12[%dma_wait3A_451] : memref<1048576xf32, #tpu.memory_space<vmem_shared>> -> memref<1048576xf32, #tpu.memory_space<vmem_shared>>
      tpu.wait_indirect_dma semaphore(%arg13 : memref<!tpu.dma_semaphore, #tpu.memory_space<semaphore_mem>>) src(%dma_wait3A_447 : memref<128xf32, #tpu.memory_space<vmem>>) dst(%dma_wait3A_452 : memref<1048576xf32, #tpu.memory_space<vmem_shared>>)
      %dma_wait3A_453 = arith.constant 2 : i32
      %dma_wait3A_454 = arith.constant 2 : i32
      %dma_wait3A_455 = arith.constant 0 : i32
      %dma_wait3A_456 = tpu.memref_slice %arg10[%dma_wait3A_453, %dma_wait3A_455] : memref<16x128xf32, #tpu.memory_space<vmem>> -> memref<1x128xf32, #tpu.memory_space<vmem>>
      %dma_wait3A_457 = tpu.memref_squeeze %dma_wait3A_456 : memref<1x128xf32, #tpu.memory_space<vmem>> -> memref<128xf32, #tpu.memory_space<vmem>>
      %dma_wait3A_458 = arith.constant 0 : i32
      %dma_wait3A_459 = tpu.memref_slice %arg9[%dma_wait3A_454, %dma_wait3A_458] : memref<16x128xi32, #tpu.memory_space<vmem>> -> memref<1x128xi32, #tpu.memory_space<vmem>>
      %dma_wait3A_460 = tpu.memref_squeeze %dma_wait3A_459 : memref<1x128xi32, #tpu.memory_space<vmem>> -> memref<128xi32, #tpu.memory_space<vmem>>
      %dma_wait3A_461 = arith.constant 0 : i32
      %dma_wait3A_462 = tpu.memref_slice %arg12[%dma_wait3A_461] : memref<1048576xf32, #tpu.memory_space<vmem_shared>> -> memref<1048576xf32, #tpu.memory_space<vmem_shared>>
      tpu.wait_indirect_dma semaphore(%arg13 : memref<!tpu.dma_semaphore, #tpu.memory_space<semaphore_mem>>) src(%dma_wait3A_457 : memref<128xf32, #tpu.memory_space<vmem>>) dst(%dma_wait3A_462 : memref<1048576xf32, #tpu.memory_space<vmem_shared>>)
      %dma_wait3A_463 = arith.constant 3 : i32
      %dma_wait3A_464 = arith.constant 3 : i32
      %dma_wait3A_465 = arith.constant 0 : i32
      %dma_wait3A_466 = tpu.memref_slice %arg10[%dma_wait3A_463, %dma_wait3A_465] : memref<16x128xf32, #tpu.memory_space<vmem>> -> memref<1x128xf32, #tpu.memory_space<vmem>>
      %dma_wait3A_467 = tpu.memref_squeeze %dma_wait3A_466 : memref<1x128xf32, #tpu.memory_space<vmem>> -> memref<128xf32, #tpu.memory_space<vmem>>
      %dma_wait3A_468 = arith.constant 0 : i32
      %dma_wait3A_469 = tpu.memref_slice %arg9[%dma_wait3A_464, %dma_wait3A_468] : memref<16x128xi32, #tpu.memory_space<vmem>> -> memref<1x128xi32, #tpu.memory_space<vmem>>
      %dma_wait3A_470 = tpu.memref_squeeze %dma_wait3A_469 : memref<1x128xi32, #tpu.memory_space<vmem>> -> memref<128xi32, #tpu.memory_space<vmem>>
      %dma_wait3A_471 = arith.constant 0 : i32
      %dma_wait3A_472 = tpu.memref_slice %arg12[%dma_wait3A_471] : memref<1048576xf32, #tpu.memory_space<vmem_shared>> -> memref<1048576xf32, #tpu.memory_space<vmem_shared>>
      tpu.wait_indirect_dma semaphore(%arg13 : memref<!tpu.dma_semaphore, #tpu.memory_space<semaphore_mem>>) src(%dma_wait3A_467 : memref<128xf32, #tpu.memory_space<vmem>>) dst(%dma_wait3A_472 : memref<1048576xf32, #tpu.memory_space<vmem_shared>>)
      %dma_wait3A_473 = arith.constant 4 : i32
      %dma_wait3A_474 = arith.constant 4 : i32
      %dma_wait3A_475 = arith.constant 0 : i32
      %dma_wait3A_476 = tpu.memref_slice %arg10[%dma_wait3A_473, %dma_wait3A_475] : memref<16x128xf32, #tpu.memory_space<vmem>> -> memref<1x128xf32, #tpu.memory_space<vmem>>
      %dma_wait3A_477 = tpu.memref_squeeze %dma_wait3A_476 : memref<1x128xf32, #tpu.memory_space<vmem>> -> memref<128xf32, #tpu.memory_space<vmem>>
      %dma_wait3A_478 = arith.constant 0 : i32
      %dma_wait3A_479 = tpu.memref_slice %arg9[%dma_wait3A_474, %dma_wait3A_478] : memref<16x128xi32, #tpu.memory_space<vmem>> -> memref<1x128xi32, #tpu.memory_space<vmem>>
      %dma_wait3A_480 = tpu.memref_squeeze %dma_wait3A_479 : memref<1x128xi32, #tpu.memory_space<vmem>> -> memref<128xi32, #tpu.memory_space<vmem>>
      %dma_wait3A_481 = arith.constant 0 : i32
      %dma_wait3A_482 = tpu.memref_slice %arg12[%dma_wait3A_481] : memref<1048576xf32, #tpu.memory_space<vmem_shared>> -> memref<1048576xf32, #tpu.memory_space<vmem_shared>>
      tpu.wait_indirect_dma semaphore(%arg13 : memref<!tpu.dma_semaphore, #tpu.memory_space<semaphore_mem>>) src(%dma_wait3A_477 : memref<128xf32, #tpu.memory_space<vmem>>) dst(%dma_wait3A_482 : memref<1048576xf32, #tpu.memory_space<vmem_shared>>)
      %dma_wait3A_483 = arith.constant 5 : i32
      %dma_wait3A_484 = arith.constant 5 : i32
      %dma_wait3A_485 = arith.constant 0 : i32
      %dma_wait3A_486 = tpu.memref_slice %arg10[%dma_wait3A_483, %dma_wait3A_485] : memref<16x128xf32, #tpu.memory_space<vmem>> -> memref<1x128xf32, #tpu.memory_space<vmem>>
      %dma_wait3A_487 = tpu.memref_squeeze %dma_wait3A_486 : memref<1x128xf32, #tpu.memory_space<vmem>> -> memref<128xf32, #tpu.memory_space<vmem>>
      %dma_wait3A_488 = arith.constant 0 : i32
      %dma_wait3A_489 = tpu.memref_slice %arg9[%dma_wait3A_484, %dma_wait3A_488] : memref<16x128xi32, #tpu.memory_space<vmem>> -> memref<1x128xi32, #tpu.memory_space<vmem>>
      %dma_wait3A_490 = tpu.memref_squeeze %dma_wait3A_489 : memref<1x128xi32, #tpu.memory_space<vmem>> -> memref<128xi32, #tpu.memory_space<vmem>>
      %dma_wait3A_491 = arith.constant 0 : i32
      %dma_wait3A_492 = tpu.memref_slice %arg12[%dma_wait3A_491] : memref<1048576xf32, #tpu.memory_space<vmem_shared>> -> memref<1048576xf32, #tpu.memory_space<vmem_shared>>
      tpu.wait_indirect_dma semaphore(%arg13 : memref<!tpu.dma_semaphore, #tpu.memory_space<semaphore_mem>>) src(%dma_wait3A_487 : memref<128xf32, #tpu.memory_space<vmem>>) dst(%dma_wait3A_492 : memref<1048576xf32, #tpu.memory_space<vmem_shared>>)
      %dma_wait3A_493 = arith.constant 6 : i32
      %dma_wait3A_494 = arith.constant 6 : i32
      %dma_wait3A_495 = arith.constant 0 : i32
      %dma_wait3A_496 = tpu.memref_slice %arg10[%dma_wait3A_493, %dma_wait3A_495] : memref<16x128xf32, #tpu.memory_space<vmem>> -> memref<1x128xf32, #tpu.memory_space<vmem>>
      %dma_wait3A_497 = tpu.memref_squeeze %dma_wait3A_496 : memref<1x128xf32, #tpu.memory_space<vmem>> -> memref<128xf32, #tpu.memory_space<vmem>>
      %dma_wait3A_498 = arith.constant 0 : i32
      %dma_wait3A_499 = tpu.memref_slice %arg9[%dma_wait3A_494, %dma_wait3A_498] : memref<16x128xi32, #tpu.memory_space<vmem>> -> memref<1x128xi32, #tpu.memory_space<vmem>>
      %dma_wait3A_500 = tpu.memref_squeeze %dma_wait3A_499 : memref<1x128xi32, #tpu.memory_space<vmem>> -> memref<128xi32, #tpu.memory_space<vmem>>
      %dma_wait3A_501 = arith.constant 0 : i32
      %dma_wait3A_502 = tpu.memref_slice %arg12[%dma_wait3A_501] : memref<1048576xf32, #tpu.memory_space<vmem_shared>> -> memref<1048576xf32, #tpu.memory_space<vmem_shared>>
      tpu.wait_indirect_dma semaphore(%arg13 : memref<!tpu.dma_semaphore, #tpu.memory_space<semaphore_mem>>) src(%dma_wait3A_497 : memref<128xf32, #tpu.memory_space<vmem>>) dst(%dma_wait3A_502 : memref<1048576xf32, #tpu.memory_space<vmem_shared>>)
      %dma_wait3A_503 = arith.constant 7 : i32
      %dma_wait3A_504 = arith.constant 7 : i32
      %dma_wait3A_505 = arith.constant 0 : i32
      %dma_wait3A_506 = tpu.memref_slice %arg10[%dma_wait3A_503, %dma_wait3A_505] : memref<16x128xf32, #tpu.memory_space<vmem>> -> memref<1x128xf32, #tpu.memory_space<vmem>>
      %dma_wait3A_507 = tpu.memref_squeeze %dma_wait3A_506 : memref<1x128xf32, #tpu.memory_space<vmem>> -> memref<128xf32, #tpu.memory_space<vmem>>
      %dma_wait3A_508 = arith.constant 0 : i32
      %dma_wait3A_509 = tpu.memref_slice %arg9[%dma_wait3A_504, %dma_wait3A_508] : memref<16x128xi32, #tpu.memory_space<vmem>> -> memref<1x128xi32, #tpu.memory_space<vmem>>
      %dma_wait3A_510 = tpu.memref_squeeze %dma_wait3A_509 : memref<1x128xi32, #tpu.memory_space<vmem>> -> memref<128xi32, #tpu.memory_space<vmem>>
      %dma_wait3A_511 = arith.constant 0 : i32
      %dma_wait3A_512 = tpu.memref_slice %arg12[%dma_wait3A_511] : memref<1048576xf32, #tpu.memory_space<vmem_shared>> -> memref<1048576xf32, #tpu.memory_space<vmem_shared>>
      tpu.wait_indirect_dma semaphore(%arg13 : memref<!tpu.dma_semaphore, #tpu.memory_space<semaphore_mem>>) src(%dma_wait3A_507 : memref<128xf32, #tpu.memory_space<vmem>>) dst(%dma_wait3A_512 : memref<1048576xf32, #tpu.memory_space<vmem_shared>>)
      %dma_wait3A_513 = arith.constant 8 : i32
      %dma_wait3A_514 = arith.constant 8 : i32
      %dma_wait3A_515 = arith.constant 0 : i32
      %dma_wait3A_516 = tpu.memref_slice %arg10[%dma_wait3A_513, %dma_wait3A_515] : memref<16x128xf32, #tpu.memory_space<vmem>> -> memref<1x128xf32, #tpu.memory_space<vmem>>
      %dma_wait3A_517 = tpu.memref_squeeze %dma_wait3A_516 : memref<1x128xf32, #tpu.memory_space<vmem>> -> memref<128xf32, #tpu.memory_space<vmem>>
      %dma_wait3A_518 = arith.constant 0 : i32
      %dma_wait3A_519 = tpu.memref_slice %arg9[%dma_wait3A_514, %dma_wait3A_518] : memref<16x128xi32, #tpu.memory_space<vmem>> -> memref<1x128xi32, #tpu.memory_space<vmem>>
      %dma_wait3A_520 = tpu.memref_squeeze %dma_wait3A_519 : memref<1x128xi32, #tpu.memory_space<vmem>> -> memref<128xi32, #tpu.memory_space<vmem>>
      %dma_wait3A_521 = arith.constant 0 : i32
      %dma_wait3A_522 = tpu.memref_slice %arg12[%dma_wait3A_521] : memref<1048576xf32, #tpu.memory_space<vmem_shared>> -> memref<1048576xf32, #tpu.memory_space<vmem_shared>>
      tpu.wait_indirect_dma semaphore(%arg13 : memref<!tpu.dma_semaphore, #tpu.memory_space<semaphore_mem>>) src(%dma_wait3A_517 : memref<128xf32, #tpu.memory_space<vmem>>) dst(%dma_wait3A_522 : memref<1048576xf32, #tpu.memory_space<vmem_shared>>)
      %dma_wait3A_523 = arith.constant 9 : i32
      %dma_wait3A_524 = arith.constant 9 : i32
      %dma_wait3A_525 = arith.constant 0 : i32
      %dma_wait3A_526 = tpu.memref_slice %arg10[%dma_wait3A_523, %dma_wait3A_525] : memref<16x128xf32, #tpu.memory_space<vmem>> -> memref<1x128xf32, #tpu.memory_space<vmem>>
      %dma_wait3A_527 = tpu.memref_squeeze %dma_wait3A_526 : memref<1x128xf32, #tpu.memory_space<vmem>> -> memref<128xf32, #tpu.memory_space<vmem>>
      %dma_wait3A_528 = arith.constant 0 : i32
      %dma_wait3A_529 = tpu.memref_slice %arg9[%dma_wait3A_524, %dma_wait3A_528] : memref<16x128xi32, #tpu.memory_space<vmem>> -> memref<1x128xi32, #tpu.memory_space<vmem>>
      %dma_wait3A_530 = tpu.memref_squeeze %dma_wait3A_529 : memref<1x128xi32, #tpu.memory_space<vmem>> -> memref<128xi32, #tpu.memory_space<vmem>>
      %dma_wait3A_531 = arith.constant 0 : i32
      %dma_wait3A_532 = tpu.memref_slice %arg12[%dma_wait3A_531] : memref<1048576xf32, #tpu.memory_space<vmem_shared>> -> memref<1048576xf32, #tpu.memory_space<vmem_shared>>
      tpu.wait_indirect_dma semaphore(%arg13 : memref<!tpu.dma_semaphore, #tpu.memory_space<semaphore_mem>>) src(%dma_wait3A_527 : memref<128xf32, #tpu.memory_space<vmem>>) dst(%dma_wait3A_532 : memref<1048576xf32, #tpu.memory_space<vmem_shared>>)
      %dma_wait3A_533 = arith.constant 10 : i32
      %dma_wait3A_534 = arith.constant 10 : i32
      %dma_wait3A_535 = arith.constant 0 : i32
      %dma_wait3A_536 = tpu.memref_slice %arg10[%dma_wait3A_533, %dma_wait3A_535] : memref<16x128xf32, #tpu.memory_space<vmem>> -> memref<1x128xf32, #tpu.memory_space<vmem>>
      %dma_wait3A_537 = tpu.memref_squeeze %dma_wait3A_536 : memref<1x128xf32, #tpu.memory_space<vmem>> -> memref<128xf32, #tpu.memory_space<vmem>>
      %dma_wait3A_538 = arith.constant 0 : i32
      %dma_wait3A_539 = tpu.memref_slice %arg9[%dma_wait3A_534, %dma_wait3A_538] : memref<16x128xi32, #tpu.memory_space<vmem>> -> memref<1x128xi32, #tpu.memory_space<vmem>>
      %dma_wait3A_540 = tpu.memref_squeeze %dma_wait3A_539 : memref<1x128xi32, #tpu.memory_space<vmem>> -> memref<128xi32, #tpu.memory_space<vmem>>
      %dma_wait3A_541 = arith.constant 0 : i32
      %dma_wait3A_542 = tpu.memref_slice %arg12[%dma_wait3A_541] : memref<1048576xf32, #tpu.memory_space<vmem_shared>> -> memref<1048576xf32, #tpu.memory_space<vmem_shared>>
      tpu.wait_indirect_dma semaphore(%arg13 : memref<!tpu.dma_semaphore, #tpu.memory_space<semaphore_mem>>) src(%dma_wait3A_537 : memref<128xf32, #tpu.memory_space<vmem>>) dst(%dma_wait3A_542 : memref<1048576xf32, #tpu.memory_space<vmem_shared>>)
      %dma_wait3A_543 = arith.constant 11 : i32
      %dma_wait3A_544 = arith.constant 11 : i32
      %dma_wait3A_545 = arith.constant 0 : i32
      %dma_wait3A_546 = tpu.memref_slice %arg10[%dma_wait3A_543, %dma_wait3A_545] : memref<16x128xf32, #tpu.memory_space<vmem>> -> memref<1x128xf32, #tpu.memory_space<vmem>>
      %dma_wait3A_547 = tpu.memref_squeeze %dma_wait3A_546 : memref<1x128xf32, #tpu.memory_space<vmem>> -> memref<128xf32, #tpu.memory_space<vmem>>
      %dma_wait3A_548 = arith.constant 0 : i32
      %dma_wait3A_549 = tpu.memref_slice %arg9[%dma_wait3A_544, %dma_wait3A_548] : memref<16x128xi32, #tpu.memory_space<vmem>> -> memref<1x128xi32, #tpu.memory_space<vmem>>
      %dma_wait3A_550 = tpu.memref_squeeze %dma_wait3A_549 : memref<1x128xi32, #tpu.memory_space<vmem>> -> memref<128xi32, #tpu.memory_space<vmem>>
      %dma_wait3A_551 = arith.constant 0 : i32
      %dma_wait3A_552 = tpu.memref_slice %arg12[%dma_wait3A_551] : memref<1048576xf32, #tpu.memory_space<vmem_shared>> -> memref<1048576xf32, #tpu.memory_space<vmem_shared>>
      tpu.wait_indirect_dma semaphore(%arg13 : memref<!tpu.dma_semaphore, #tpu.memory_space<semaphore_mem>>) src(%dma_wait3A_547 : memref<128xf32, #tpu.memory_space<vmem>>) dst(%dma_wait3A_552 : memref<1048576xf32, #tpu.memory_space<vmem_shared>>)
      %dma_wait3A_553 = arith.constant 12 : i32
      %dma_wait3A_554 = arith.constant 12 : i32
      %dma_wait3A_555 = arith.constant 0 : i32
      %dma_wait3A_556 = tpu.memref_slice %arg10[%dma_wait3A_553, %dma_wait3A_555] : memref<16x128xf32, #tpu.memory_space<vmem>> -> memref<1x128xf32, #tpu.memory_space<vmem>>
      %dma_wait3A_557 = tpu.memref_squeeze %dma_wait3A_556 : memref<1x128xf32, #tpu.memory_space<vmem>> -> memref<128xf32, #tpu.memory_space<vmem>>
      %dma_wait3A_558 = arith.constant 0 : i32
      %dma_wait3A_559 = tpu.memref_slice %arg9[%dma_wait3A_554, %dma_wait3A_558] : memref<16x128xi32, #tpu.memory_space<vmem>> -> memref<1x128xi32, #tpu.memory_space<vmem>>
      %dma_wait3A_560 = tpu.memref_squeeze %dma_wait3A_559 : memref<1x128xi32, #tpu.memory_space<vmem>> -> memref<128xi32, #tpu.memory_space<vmem>>
      %dma_wait3A_561 = arith.constant 0 : i32
      %dma_wait3A_562 = tpu.memref_slice %arg12[%dma_wait3A_561] : memref<1048576xf32, #tpu.memory_space<vmem_shared>> -> memref<1048576xf32, #tpu.memory_space<vmem_shared>>
      tpu.wait_indirect_dma semaphore(%arg13 : memref<!tpu.dma_semaphore, #tpu.memory_space<semaphore_mem>>) src(%dma_wait3A_557 : memref<128xf32, #tpu.memory_space<vmem>>) dst(%dma_wait3A_562 : memref<1048576xf32, #tpu.memory_space<vmem_shared>>)
      %dma_wait3A_563 = arith.constant 13 : i32
      %dma_wait3A_564 = arith.constant 13 : i32
      %dma_wait3A_565 = arith.constant 0 : i32
      %dma_wait3A_566 = tpu.memref_slice %arg10[%dma_wait3A_563, %dma_wait3A_565] : memref<16x128xf32, #tpu.memory_space<vmem>> -> memref<1x128xf32, #tpu.memory_space<vmem>>
      %dma_wait3A_567 = tpu.memref_squeeze %dma_wait3A_566 : memref<1x128xf32, #tpu.memory_space<vmem>> -> memref<128xf32, #tpu.memory_space<vmem>>
      %dma_wait3A_568 = arith.constant 0 : i32
      %dma_wait3A_569 = tpu.memref_slice %arg9[%dma_wait3A_564, %dma_wait3A_568] : memref<16x128xi32, #tpu.memory_space<vmem>> -> memref<1x128xi32, #tpu.memory_space<vmem>>
      %dma_wait3A_570 = tpu.memref_squeeze %dma_wait3A_569 : memref<1x128xi32, #tpu.memory_space<vmem>> -> memref<128xi32, #tpu.memory_space<vmem>>
      %dma_wait3A_571 = arith.constant 0 : i32
      %dma_wait3A_572 = tpu.memref_slice %arg12[%dma_wait3A_571] : memref<1048576xf32, #tpu.memory_space<vmem_shared>> -> memref<1048576xf32, #tpu.memory_space<vmem_shared>>
      tpu.wait_indirect_dma semaphore(%arg13 : memref<!tpu.dma_semaphore, #tpu.memory_space<semaphore_mem>>) src(%dma_wait3A_567 : memref<128xf32, #tpu.memory_space<vmem>>) dst(%dma_wait3A_572 : memref<1048576xf32, #tpu.memory_space<vmem_shared>>)
      %dma_wait3A_573 = arith.constant 14 : i32
      %dma_wait3A_574 = arith.constant 14 : i32
      %dma_wait3A_575 = arith.constant 0 : i32
      %dma_wait3A_576 = tpu.memref_slice %arg10[%dma_wait3A_573, %dma_wait3A_575] : memref<16x128xf32, #tpu.memory_space<vmem>> -> memref<1x128xf32, #tpu.memory_space<vmem>>
      %dma_wait3A_577 = tpu.memref_squeeze %dma_wait3A_576 : memref<1x128xf32, #tpu.memory_space<vmem>> -> memref<128xf32, #tpu.memory_space<vmem>>
      %dma_wait3A_578 = arith.constant 0 : i32
      %dma_wait3A_579 = tpu.memref_slice %arg9[%dma_wait3A_574, %dma_wait3A_578] : memref<16x128xi32, #tpu.memory_space<vmem>> -> memref<1x128xi32, #tpu.memory_space<vmem>>
      %dma_wait3A_580 = tpu.memref_squeeze %dma_wait3A_579 : memref<1x128xi32, #tpu.memory_space<vmem>> -> memref<128xi32, #tpu.memory_space<vmem>>
      %dma_wait3A_581 = arith.constant 0 : i32
      %dma_wait3A_582 = tpu.memref_slice %arg12[%dma_wait3A_581] : memref<1048576xf32, #tpu.memory_space<vmem_shared>> -> memref<1048576xf32, #tpu.memory_space<vmem_shared>>
      tpu.wait_indirect_dma semaphore(%arg13 : memref<!tpu.dma_semaphore, #tpu.memory_space<semaphore_mem>>) src(%dma_wait3A_577 : memref<128xf32, #tpu.memory_space<vmem>>) dst(%dma_wait3A_582 : memref<1048576xf32, #tpu.memory_space<vmem_shared>>)
      %dma_wait3A_583 = arith.constant 15 : i32
      %dma_wait3A_584 = arith.constant 15 : i32
      %dma_wait3A_585 = arith.constant 0 : i32
      %dma_wait3A_586 = tpu.memref_slice %arg10[%dma_wait3A_583, %dma_wait3A_585] : memref<16x128xf32, #tpu.memory_space<vmem>> -> memref<1x128xf32, #tpu.memory_space<vmem>>
      %dma_wait3A_587 = tpu.memref_squeeze %dma_wait3A_586 : memref<1x128xf32, #tpu.memory_space<vmem>> -> memref<128xf32, #tpu.memory_space<vmem>>
      %dma_wait3A_588 = arith.constant 0 : i32
      %dma_wait3A_589 = tpu.memref_slice %arg9[%dma_wait3A_584, %dma_wait3A_588] : memref<16x128xi32, #tpu.memory_space<vmem>> -> memref<1x128xi32, #tpu.memory_space<vmem>>
      %dma_wait3A_590 = tpu.memref_squeeze %dma_wait3A_589 : memref<1x128xi32, #tpu.memory_space<vmem>> -> memref<128xi32, #tpu.memory_space<vmem>>
      %dma_wait3A_591 = arith.constant 0 : i32
      %dma_wait3A_592 = tpu.memref_slice %arg12[%dma_wait3A_591] : memref<1048576xf32, #tpu.memory_space<vmem_shared>> -> memref<1048576xf32, #tpu.memory_space<vmem_shared>>
      tpu.wait_indirect_dma semaphore(%arg13 : memref<!tpu.dma_semaphore, #tpu.memory_space<semaphore_mem>>) src(%dma_wait3A_587 : memref<128xf32, #tpu.memory_space<vmem>>) dst(%dma_wait3A_592 : memref<1048576xf32, #tpu.memory_space<vmem_shared>>)
      %while3A_593 = arith.constant 0 : i64
      scf.yield %while3A_593 : i64
    }
    %barrier3A_53 = arith.constant 0 : index
    tpu.barrier barrier_id(%barrier3A_53)
    %add3A_54 = arith.constant 0 : i32
    %add3A_55 = arith.addi %multiple_of3A, %add3A_54 : i32
    %multiple_of3A_56 = tpu.assume_multiple %add3A_55, 8 : i32
    %add3A_57 = arith.constant 0 : i32
    %add3A_58 = arith.addi %multiple_of3A, %add3A_57 : i32
    %add3A_59 = arith.constant 0 : i32
    %add3A_60 = arith.addi %add3A_58, %add3A_59 : i32
    %multiple_of3A_61 = tpu.assume_multiple %add3A_60, 8 : i32
    "tpu.region"() ({
      %run_scoped3A = tpu.sem_alloc : memref<!tpu.dma_semaphore, #tpu.memory_space<semaphore_mem>>
      %dma_start3A = tpu.memref_slice %arg12[%multiple_of3A_56] : memref<1048576xf32, #tpu.memory_space<vmem_shared>> -> memref<8192xf32, #tpu.memory_space<vmem_shared>>
      %dma_start3A_234 = tpu.memref_slice %arg12[%multiple_of3A_56] : memref<1048576xf32, #tpu.memory_space<vmem_shared>> -> memref<8192xf32, #tpu.memory_space<vmem_shared>>
      tpu.enqueue_dma source(%dma_start3A_234 : memref<8192xf32, #tpu.memory_space<vmem_shared>>) target(%arg11 : memref<8192xf32, #tpu.memory_space<vmem>>) target_semaphore(%run_scoped3A : memref<!tpu.dma_semaphore, #tpu.memory_space<semaphore_mem>>)
      %dma_wait3A = tpu.memref_slice %arg12[%multiple_of3A_56] : memref<1048576xf32, #tpu.memory_space<vmem_shared>> -> memref<8192xf32, #tpu.memory_space<vmem_shared>>
      %dma_wait3A_235 = tpu.memref_slice %arg12[%multiple_of3A_56] : memref<1048576xf32, #tpu.memory_space<vmem_shared>> -> memref<8192xf32, #tpu.memory_space<vmem_shared>>
      tpu.wait_dma2 semaphore(%run_scoped3A : memref<!tpu.dma_semaphore, #tpu.memory_space<semaphore_mem>>) src(%dma_wait3A_235 : memref<8192xf32, #tpu.memory_space<vmem_shared>>) dst(%arg11 : memref<8192xf32, #tpu.memory_space<vmem>>)
      tpu.yield
    }) : () -> ()
    "tpu.region"() ({
      %run_scoped3A = tpu.sem_alloc : memref<!tpu.dma_semaphore, #tpu.memory_space<semaphore_mem>>
      %dma_start3A = tpu.memref_slice %arg5[%arg0, %multiple_of3A_61] : memref<2x2097152xf32, #tpu.memory_space<hbm>> -> memref<1x8192xf32, #tpu.memory_space<hbm>>
      %dma_start3A_234 = tpu.memref_squeeze %dma_start3A : memref<1x8192xf32, #tpu.memory_space<hbm>> -> memref<8192xf32, #tpu.memory_space<hbm>>
      %dma_start3A_235 = tpu.memref_slice %arg5[%arg0, %multiple_of3A_61] : memref<2x2097152xf32, #tpu.memory_space<hbm>> -> memref<1x8192xf32, #tpu.memory_space<hbm>>
      %dma_start3A_236 = tpu.memref_squeeze %dma_start3A_235 : memref<1x8192xf32, #tpu.memory_space<hbm>> -> memref<8192xf32, #tpu.memory_space<hbm>>
      tpu.enqueue_dma source(%arg11 : memref<8192xf32, #tpu.memory_space<vmem>>) target(%dma_start3A_236 : memref<8192xf32, #tpu.memory_space<hbm>>) target_semaphore(%run_scoped3A : memref<!tpu.dma_semaphore, #tpu.memory_space<semaphore_mem>>)
      %dma_wait3A = tpu.memref_slice %arg5[%arg0, %multiple_of3A_61] : memref<2x2097152xf32, #tpu.memory_space<hbm>> -> memref<1x8192xf32, #tpu.memory_space<hbm>>
      %dma_wait3A_237 = tpu.memref_squeeze %dma_wait3A : memref<1x8192xf32, #tpu.memory_space<hbm>> -> memref<8192xf32, #tpu.memory_space<hbm>>
      %dma_wait3A_238 = tpu.memref_slice %arg5[%arg0, %multiple_of3A_61] : memref<2x2097152xf32, #tpu.memory_space<hbm>> -> memref<1x8192xf32, #tpu.memory_space<hbm>>
      %dma_wait3A_239 = tpu.memref_squeeze %dma_wait3A_238 : memref<1x8192xf32, #tpu.memory_space<hbm>> -> memref<8192xf32, #tpu.memory_space<hbm>>
      tpu.wait_dma2 semaphore(%run_scoped3A : memref<!tpu.dma_semaphore, #tpu.memory_space<semaphore_mem>>) src(%arg11 : memref<8192xf32, #tpu.memory_space<vmem>>) dst(%dma_wait3A_239 : memref<8192xf32, #tpu.memory_space<hbm>>)
      tpu.yield
    }) : () -> ()
    %add3A_62 = arith.constant 8192 : i32
    %add3A_63 = arith.addi %multiple_of3A, %add3A_62 : i32
    %multiple_of3A_64 = tpu.assume_multiple %add3A_63, 8 : i32
    %add3A_65 = arith.constant 8192 : i32
    %add3A_66 = arith.addi %multiple_of3A, %add3A_65 : i32
    %add3A_67 = arith.constant 0 : i32
    %add3A_68 = arith.addi %add3A_66, %add3A_67 : i32
    %multiple_of3A_69 = tpu.assume_multiple %add3A_68, 8 : i32
    "tpu.region"() ({
      %run_scoped3A = tpu.sem_alloc : memref<!tpu.dma_semaphore, #tpu.memory_space<semaphore_mem>>
      %dma_start3A = tpu.memref_slice %arg12[%multiple_of3A_64] : memref<1048576xf32, #tpu.memory_space<vmem_shared>> -> memref<8192xf32, #tpu.memory_space<vmem_shared>>
      %dma_start3A_234 = tpu.memref_slice %arg12[%multiple_of3A_64] : memref<1048576xf32, #tpu.memory_space<vmem_shared>> -> memref<8192xf32, #tpu.memory_space<vmem_shared>>
      tpu.enqueue_dma source(%dma_start3A_234 : memref<8192xf32, #tpu.memory_space<vmem_shared>>) target(%arg11 : memref<8192xf32, #tpu.memory_space<vmem>>) target_semaphore(%run_scoped3A : memref<!tpu.dma_semaphore, #tpu.memory_space<semaphore_mem>>)
      %dma_wait3A = tpu.memref_slice %arg12[%multiple_of3A_64] : memref<1048576xf32, #tpu.memory_space<vmem_shared>> -> memref<8192xf32, #tpu.memory_space<vmem_shared>>
      %dma_wait3A_235 = tpu.memref_slice %arg12[%multiple_of3A_64] : memref<1048576xf32, #tpu.memory_space<vmem_shared>> -> memref<8192xf32, #tpu.memory_space<vmem_shared>>
      tpu.wait_dma2 semaphore(%run_scoped3A : memref<!tpu.dma_semaphore, #tpu.memory_space<semaphore_mem>>) src(%dma_wait3A_235 : memref<8192xf32, #tpu.memory_space<vmem_shared>>) dst(%arg11 : memref<8192xf32, #tpu.memory_space<vmem>>)
      tpu.yield
    }) : () -> ()
    "tpu.region"() ({
      %run_scoped3A = tpu.sem_alloc : memref<!tpu.dma_semaphore, #tpu.memory_space<semaphore_mem>>
      %dma_start3A = tpu.memref_slice %arg5[%arg0, %multiple_of3A_69] : memref<2x2097152xf32, #tpu.memory_space<hbm>> -> memref<1x8192xf32, #tpu.memory_space<hbm>>
      %dma_start3A_234 = tpu.memref_squeeze %dma_start3A : memref<1x8192xf32, #tpu.memory_space<hbm>> -> memref<8192xf32, #tpu.memory_space<hbm>>
      %dma_start3A_235 = tpu.memref_slice %arg5[%arg0, %multiple_of3A_69] : memref<2x2097152xf32, #tpu.memory_space<hbm>> -> memref<1x8192xf32, #tpu.memory_space<hbm>>
      %dma_start3A_236 = tpu.memref_squeeze %dma_start3A_235 : memref<1x8192xf32, #tpu.memory_space<hbm>> -> memref<8192xf32, #tpu.memory_space<hbm>>
      tpu.enqueue_dma source(%arg11 : memref<8192xf32, #tpu.memory_space<vmem>>) target(%dma_start3A_236 : memref<8192xf32, #tpu.memory_space<hbm>>) target_semaphore(%run_scoped3A : memref<!tpu.dma_semaphore, #tpu.memory_space<semaphore_mem>>)
      %dma_wait3A = tpu.memref_slice %arg5[%arg0, %multiple_of3A_69] : memref<2x2097152xf32, #tpu.memory_space<hbm>> -> memref<1x8192xf32, #tpu.memory_space<hbm>>
      %dma_wait3A_237 = tpu.memref_squeeze %dma_wait3A : memref<1x8192xf32, #tpu.memory_space<hbm>> -> memref<8192xf32, #tpu.memory_space<hbm>>
      %dma_wait3A_238 = tpu.memref_slice %arg5[%arg0, %multiple_of3A_69] : memref<2x2097152xf32, #tpu.memory_space<hbm>> -> memref<1x8192xf32, #tpu.memory_space<hbm>>
      %dma_wait3A_239 = tpu.memref_squeeze %dma_wait3A_238 : memref<1x8192xf32, #tpu.memory_space<hbm>> -> memref<8192xf32, #tpu.memory_space<hbm>>
      tpu.wait_dma2 semaphore(%run_scoped3A : memref<!tpu.dma_semaphore, #tpu.memory_space<semaphore_mem>>) src(%arg11 : memref<8192xf32, #tpu.memory_space<vmem>>) dst(%dma_wait3A_239 : memref<8192xf32, #tpu.memory_space<hbm>>)
      tpu.yield
    }) : () -> ()
    %add3A_70 = arith.constant 16384 : i32
    %add3A_71 = arith.addi %multiple_of3A, %add3A_70 : i32
    %multiple_of3A_72 = tpu.assume_multiple %add3A_71, 8 : i32
    %add3A_73 = arith.constant 16384 : i32
    %add3A_74 = arith.addi %multiple_of3A, %add3A_73 : i32
    %add3A_75 = arith.constant 0 : i32
    %add3A_76 = arith.addi %add3A_74, %add3A_75 : i32
    %multiple_of3A_77 = tpu.assume_multiple %add3A_76, 8 : i32
    "tpu.region"() ({
      %run_scoped3A = tpu.sem_alloc : memref<!tpu.dma_semaphore, #tpu.memory_space<semaphore_mem>>
      %dma_start3A = tpu.memref_slice %arg12[%multiple_of3A_72] : memref<1048576xf32, #tpu.memory_space<vmem_shared>> -> memref<8192xf32, #tpu.memory_space<vmem_shared>>
      %dma_start3A_234 = tpu.memref_slice %arg12[%multiple_of3A_72] : memref<1048576xf32, #tpu.memory_space<vmem_shared>> -> memref<8192xf32, #tpu.memory_space<vmem_shared>>
      tpu.enqueue_dma source(%dma_start3A_234 : memref<8192xf32, #tpu.memory_space<vmem_shared>>) target(%arg11 : memref<8192xf32, #tpu.memory_space<vmem>>) target_semaphore(%run_scoped3A : memref<!tpu.dma_semaphore, #tpu.memory_space<semaphore_mem>>)
      %dma_wait3A = tpu.memref_slice %arg12[%multiple_of3A_72] : memref<1048576xf32, #tpu.memory_space<vmem_shared>> -> memref<8192xf32, #tpu.memory_space<vmem_shared>>
      %dma_wait3A_235 = tpu.memref_slice %arg12[%multiple_of3A_72] : memref<1048576xf32, #tpu.memory_space<vmem_shared>> -> memref<8192xf32, #tpu.memory_space<vmem_shared>>
      tpu.wait_dma2 semaphore(%run_scoped3A : memref<!tpu.dma_semaphore, #tpu.memory_space<semaphore_mem>>) src(%dma_wait3A_235 : memref<8192xf32, #tpu.memory_space<vmem_shared>>) dst(%arg11 : memref<8192xf32, #tpu.memory_space<vmem>>)
      tpu.yield
    }) : () -> ()
    "tpu.region"() ({
      %run_scoped3A = tpu.sem_alloc : memref<!tpu.dma_semaphore, #tpu.memory_space<semaphore_mem>>
      %dma_start3A = tpu.memref_slice %arg5[%arg0, %multiple_of3A_77] : memref<2x2097152xf32, #tpu.memory_space<hbm>> -> memref<1x8192xf32, #tpu.memory_space<hbm>>
      %dma_start3A_234 = tpu.memref_squeeze %dma_start3A : memref<1x8192xf32, #tpu.memory_space<hbm>> -> memref<8192xf32, #tpu.memory_space<hbm>>
      %dma_start3A_235 = tpu.memref_slice %arg5[%arg0, %multiple_of3A_77] : memref<2x2097152xf32, #tpu.memory_space<hbm>> -> memref<1x8192xf32, #tpu.memory_space<hbm>>
      %dma_start3A_236 = tpu.memref_squeeze %dma_start3A_235 : memref<1x8192xf32, #tpu.memory_space<hbm>> -> memref<8192xf32, #tpu.memory_space<hbm>>
      tpu.enqueue_dma source(%arg11 : memref<8192xf32, #tpu.memory_space<vmem>>) target(%dma_start3A_236 : memref<8192xf32, #tpu.memory_space<hbm>>) target_semaphore(%run_scoped3A : memref<!tpu.dma_semaphore, #tpu.memory_space<semaphore_mem>>)
      %dma_wait3A = tpu.memref_slice %arg5[%arg0, %multiple_of3A_77] : memref<2x2097152xf32, #tpu.memory_space<hbm>> -> memref<1x8192xf32, #tpu.memory_space<hbm>>
      %dma_wait3A_237 = tpu.memref_squeeze %dma_wait3A : memref<1x8192xf32, #tpu.memory_space<hbm>> -> memref<8192xf32, #tpu.memory_space<hbm>>
      %dma_wait3A_238 = tpu.memref_slice %arg5[%arg0, %multiple_of3A_77] : memref<2x2097152xf32, #tpu.memory_space<hbm>> -> memref<1x8192xf32, #tpu.memory_space<hbm>>
      %dma_wait3A_239 = tpu.memref_squeeze %dma_wait3A_238 : memref<1x8192xf32, #tpu.memory_space<hbm>> -> memref<8192xf32, #tpu.memory_space<hbm>>
      tpu.wait_dma2 semaphore(%run_scoped3A : memref<!tpu.dma_semaphore, #tpu.memory_space<semaphore_mem>>) src(%arg11 : memref<8192xf32, #tpu.memory_space<vmem>>) dst(%dma_wait3A_239 : memref<8192xf32, #tpu.memory_space<hbm>>)
      tpu.yield
    }) : () -> ()
    %add3A_78 = arith.constant 24576 : i32
    %add3A_79 = arith.addi %multiple_of3A, %add3A_78 : i32
    %multiple_of3A_80 = tpu.assume_multiple %add3A_79, 8 : i32
    %add3A_81 = arith.constant 24576 : i32
    %add3A_82 = arith.addi %multiple_of3A, %add3A_81 : i32
    %add3A_83 = arith.constant 0 : i32
    %add3A_84 = arith.addi %add3A_82, %add3A_83 : i32
    %multiple_of3A_85 = tpu.assume_multiple %add3A_84, 8 : i32
    "tpu.region"() ({
      %run_scoped3A = tpu.sem_alloc : memref<!tpu.dma_semaphore, #tpu.memory_space<semaphore_mem>>
      %dma_start3A = tpu.memref_slice %arg12[%multiple_of3A_80] : memref<1048576xf32, #tpu.memory_space<vmem_shared>> -> memref<8192xf32, #tpu.memory_space<vmem_shared>>
      %dma_start3A_234 = tpu.memref_slice %arg12[%multiple_of3A_80] : memref<1048576xf32, #tpu.memory_space<vmem_shared>> -> memref<8192xf32, #tpu.memory_space<vmem_shared>>
      tpu.enqueue_dma source(%dma_start3A_234 : memref<8192xf32, #tpu.memory_space<vmem_shared>>) target(%arg11 : memref<8192xf32, #tpu.memory_space<vmem>>) target_semaphore(%run_scoped3A : memref<!tpu.dma_semaphore, #tpu.memory_space<semaphore_mem>>)
      %dma_wait3A = tpu.memref_slice %arg12[%multiple_of3A_80] : memref<1048576xf32, #tpu.memory_space<vmem_shared>> -> memref<8192xf32, #tpu.memory_space<vmem_shared>>
      %dma_wait3A_235 = tpu.memref_slice %arg12[%multiple_of3A_80] : memref<1048576xf32, #tpu.memory_space<vmem_shared>> -> memref<8192xf32, #tpu.memory_space<vmem_shared>>
      tpu.wait_dma2 semaphore(%run_scoped3A : memref<!tpu.dma_semaphore, #tpu.memory_space<semaphore_mem>>) src(%dma_wait3A_235 : memref<8192xf32, #tpu.memory_space<vmem_shared>>) dst(%arg11 : memref<8192xf32, #tpu.memory_space<vmem>>)
      tpu.yield
    }) : () -> ()
    "tpu.region"() ({
      %run_scoped3A = tpu.sem_alloc : memref<!tpu.dma_semaphore, #tpu.memory_space<semaphore_mem>>
      %dma_start3A = tpu.memref_slice %arg5[%arg0, %multiple_of3A_85] : memref<2x2097152xf32, #tpu.memory_space<hbm>> -> memref<1x8192xf32, #tpu.memory_space<hbm>>
      %dma_start3A_234 = tpu.memref_squeeze %dma_start3A : memref<1x8192xf32, #tpu.memory_space<hbm>> -> memref<8192xf32, #tpu.memory_space<hbm>>
      %dma_start3A_235 = tpu.memref_slice %arg5[%arg0, %multiple_of3A_85] : memref<2x2097152xf32, #tpu.memory_space<hbm>> -> memref<1x8192xf32, #tpu.memory_space<hbm>>
      %dma_start3A_236 = tpu.memref_squeeze %dma_start3A_235 : memref<1x8192xf32, #tpu.memory_space<hbm>> -> memref<8192xf32, #tpu.memory_space<hbm>>
      tpu.enqueue_dma source(%arg11 : memref<8192xf32, #tpu.memory_space<vmem>>) target(%dma_start3A_236 : memref<8192xf32, #tpu.memory_space<hbm>>) target_semaphore(%run_scoped3A : memref<!tpu.dma_semaphore, #tpu.memory_space<semaphore_mem>>)
      %dma_wait3A = tpu.memref_slice %arg5[%arg0, %multiple_of3A_85] : memref<2x2097152xf32, #tpu.memory_space<hbm>> -> memref<1x8192xf32, #tpu.memory_space<hbm>>
      %dma_wait3A_237 = tpu.memref_squeeze %dma_wait3A : memref<1x8192xf32, #tpu.memory_space<hbm>> -> memref<8192xf32, #tpu.memory_space<hbm>>
      %dma_wait3A_238 = tpu.memref_slice %arg5[%arg0, %multiple_of3A_85] : memref<2x2097152xf32, #tpu.memory_space<hbm>> -> memref<1x8192xf32, #tpu.memory_space<hbm>>
      %dma_wait3A_239 = tpu.memref_squeeze %dma_wait3A_238 : memref<1x8192xf32, #tpu.memory_space<hbm>> -> memref<8192xf32, #tpu.memory_space<hbm>>
      tpu.wait_dma2 semaphore(%run_scoped3A : memref<!tpu.dma_semaphore, #tpu.memory_space<semaphore_mem>>) src(%arg11 : memref<8192xf32, #tpu.memory_space<vmem>>) dst(%dma_wait3A_239 : memref<8192xf32, #tpu.memory_space<hbm>>)
      tpu.yield
    }) : () -> ()
    %add3A_86 = arith.constant 32768 : i32
    %add3A_87 = arith.addi %multiple_of3A, %add3A_86 : i32
    %multiple_of3A_88 = tpu.assume_multiple %add3A_87, 8 : i32
    %add3A_89 = arith.constant 32768 : i32
    %add3A_90 = arith.addi %multiple_of3A, %add3A_89 : i32
    %add3A_91 = arith.constant 0 : i32
    %add3A_92 = arith.addi %add3A_90, %add3A_91 : i32
    %multiple_of3A_93 = tpu.assume_multiple %add3A_92, 8 : i32
    "tpu.region"() ({
      %run_scoped3A = tpu.sem_alloc : memref<!tpu.dma_semaphore, #tpu.memory_space<semaphore_mem>>
      %dma_start3A = tpu.memref_slice %arg12[%multiple_of3A_88] : memref<1048576xf32, #tpu.memory_space<vmem_shared>> -> memref<8192xf32, #tpu.memory_space<vmem_shared>>
      %dma_start3A_234 = tpu.memref_slice %arg12[%multiple_of3A_88] : memref<1048576xf32, #tpu.memory_space<vmem_shared>> -> memref<8192xf32, #tpu.memory_space<vmem_shared>>
      tpu.enqueue_dma source(%dma_start3A_234 : memref<8192xf32, #tpu.memory_space<vmem_shared>>) target(%arg11 : memref<8192xf32, #tpu.memory_space<vmem>>) target_semaphore(%run_scoped3A : memref<!tpu.dma_semaphore, #tpu.memory_space<semaphore_mem>>)
      %dma_wait3A = tpu.memref_slice %arg12[%multiple_of3A_88] : memref<1048576xf32, #tpu.memory_space<vmem_shared>> -> memref<8192xf32, #tpu.memory_space<vmem_shared>>
      %dma_wait3A_235 = tpu.memref_slice %arg12[%multiple_of3A_88] : memref<1048576xf32, #tpu.memory_space<vmem_shared>> -> memref<8192xf32, #tpu.memory_space<vmem_shared>>
      tpu.wait_dma2 semaphore(%run_scoped3A : memref<!tpu.dma_semaphore, #tpu.memory_space<semaphore_mem>>) src(%dma_wait3A_235 : memref<8192xf32, #tpu.memory_space<vmem_shared>>) dst(%arg11 : memref<8192xf32, #tpu.memory_space<vmem>>)
      tpu.yield
    }) : () -> ()
    "tpu.region"() ({
      %run_scoped3A = tpu.sem_alloc : memref<!tpu.dma_semaphore, #tpu.memory_space<semaphore_mem>>
      %dma_start3A = tpu.memref_slice %arg5[%arg0, %multiple_of3A_93] : memref<2x2097152xf32, #tpu.memory_space<hbm>> -> memref<1x8192xf32, #tpu.memory_space<hbm>>
      %dma_start3A_234 = tpu.memref_squeeze %dma_start3A : memref<1x8192xf32, #tpu.memory_space<hbm>> -> memref<8192xf32, #tpu.memory_space<hbm>>
      %dma_start3A_235 = tpu.memref_slice %arg5[%arg0, %multiple_of3A_93] : memref<2x2097152xf32, #tpu.memory_space<hbm>> -> memref<1x8192xf32, #tpu.memory_space<hbm>>
      %dma_start3A_236 = tpu.memref_squeeze %dma_start3A_235 : memref<1x8192xf32, #tpu.memory_space<hbm>> -> memref<8192xf32, #tpu.memory_space<hbm>>
      tpu.enqueue_dma source(%arg11 : memref<8192xf32, #tpu.memory_space<vmem>>) target(%dma_start3A_236 : memref<8192xf32, #tpu.memory_space<hbm>>) target_semaphore(%run_scoped3A : memref<!tpu.dma_semaphore, #tpu.memory_space<semaphore_mem>>)
      %dma_wait3A = tpu.memref_slice %arg5[%arg0, %multiple_of3A_93] : memref<2x2097152xf32, #tpu.memory_space<hbm>> -> memref<1x8192xf32, #tpu.memory_space<hbm>>
      %dma_wait3A_237 = tpu.memref_squeeze %dma_wait3A : memref<1x8192xf32, #tpu.memory_space<hbm>> -> memref<8192xf32, #tpu.memory_space<hbm>>
      %dma_wait3A_238 = tpu.memref_slice %arg5[%arg0, %multiple_of3A_93] : memref<2x2097152xf32, #tpu.memory_space<hbm>> -> memref<1x8192xf32, #tpu.memory_space<hbm>>
      %dma_wait3A_239 = tpu.memref_squeeze %dma_wait3A_238 : memref<1x8192xf32, #tpu.memory_space<hbm>> -> memref<8192xf32, #tpu.memory_space<hbm>>
      tpu.wait_dma2 semaphore(%run_scoped3A : memref<!tpu.dma_semaphore, #tpu.memory_space<semaphore_mem>>) src(%arg11 : memref<8192xf32, #tpu.memory_space<vmem>>) dst(%dma_wait3A_239 : memref<8192xf32, #tpu.memory_space<hbm>>)
      tpu.yield
    }) : () -> ()
    %add3A_94 = arith.constant 40960 : i32
    %add3A_95 = arith.addi %multiple_of3A, %add3A_94 : i32
    %multiple_of3A_96 = tpu.assume_multiple %add3A_95, 8 : i32
    %add3A_97 = arith.constant 40960 : i32
    %add3A_98 = arith.addi %multiple_of3A, %add3A_97 : i32
    %add3A_99 = arith.constant 0 : i32
    %add3A_100 = arith.addi %add3A_98, %add3A_99 : i32
    %multiple_of3A_101 = tpu.assume_multiple %add3A_100, 8 : i32
    "tpu.region"() ({
      %run_scoped3A = tpu.sem_alloc : memref<!tpu.dma_semaphore, #tpu.memory_space<semaphore_mem>>
      %dma_start3A = tpu.memref_slice %arg12[%multiple_of3A_96] : memref<1048576xf32, #tpu.memory_space<vmem_shared>> -> memref<8192xf32, #tpu.memory_space<vmem_shared>>
      %dma_start3A_234 = tpu.memref_slice %arg12[%multiple_of3A_96] : memref<1048576xf32, #tpu.memory_space<vmem_shared>> -> memref<8192xf32, #tpu.memory_space<vmem_shared>>
      tpu.enqueue_dma source(%dma_start3A_234 : memref<8192xf32, #tpu.memory_space<vmem_shared>>) target(%arg11 : memref<8192xf32, #tpu.memory_space<vmem>>) target_semaphore(%run_scoped3A : memref<!tpu.dma_semaphore, #tpu.memory_space<semaphore_mem>>)
      %dma_wait3A = tpu.memref_slice %arg12[%multiple_of3A_96] : memref<1048576xf32, #tpu.memory_space<vmem_shared>> -> memref<8192xf32, #tpu.memory_space<vmem_shared>>
      %dma_wait3A_235 = tpu.memref_slice %arg12[%multiple_of3A_96] : memref<1048576xf32, #tpu.memory_space<vmem_shared>> -> memref<8192xf32, #tpu.memory_space<vmem_shared>>
      tpu.wait_dma2 semaphore(%run_scoped3A : memref<!tpu.dma_semaphore, #tpu.memory_space<semaphore_mem>>) src(%dma_wait3A_235 : memref<8192xf32, #tpu.memory_space<vmem_shared>>) dst(%arg11 : memref<8192xf32, #tpu.memory_space<vmem>>)
      tpu.yield
    }) : () -> ()
    "tpu.region"() ({
      %run_scoped3A = tpu.sem_alloc : memref<!tpu.dma_semaphore, #tpu.memory_space<semaphore_mem>>
      %dma_start3A = tpu.memref_slice %arg5[%arg0, %multiple_of3A_101] : memref<2x2097152xf32, #tpu.memory_space<hbm>> -> memref<1x8192xf32, #tpu.memory_space<hbm>>
      %dma_start3A_234 = tpu.memref_squeeze %dma_start3A : memref<1x8192xf32, #tpu.memory_space<hbm>> -> memref<8192xf32, #tpu.memory_space<hbm>>
      %dma_start3A_235 = tpu.memref_slice %arg5[%arg0, %multiple_of3A_101] : memref<2x2097152xf32, #tpu.memory_space<hbm>> -> memref<1x8192xf32, #tpu.memory_space<hbm>>
      %dma_start3A_236 = tpu.memref_squeeze %dma_start3A_235 : memref<1x8192xf32, #tpu.memory_space<hbm>> -> memref<8192xf32, #tpu.memory_space<hbm>>
      tpu.enqueue_dma source(%arg11 : memref<8192xf32, #tpu.memory_space<vmem>>) target(%dma_start3A_236 : memref<8192xf32, #tpu.memory_space<hbm>>) target_semaphore(%run_scoped3A : memref<!tpu.dma_semaphore, #tpu.memory_space<semaphore_mem>>)
      %dma_wait3A = tpu.memref_slice %arg5[%arg0, %multiple_of3A_101] : memref<2x2097152xf32, #tpu.memory_space<hbm>> -> memref<1x8192xf32, #tpu.memory_space<hbm>>
      %dma_wait3A_237 = tpu.memref_squeeze %dma_wait3A : memref<1x8192xf32, #tpu.memory_space<hbm>> -> memref<8192xf32, #tpu.memory_space<hbm>>
      %dma_wait3A_238 = tpu.memref_slice %arg5[%arg0, %multiple_of3A_101] : memref<2x2097152xf32, #tpu.memory_space<hbm>> -> memref<1x8192xf32, #tpu.memory_space<hbm>>
      %dma_wait3A_239 = tpu.memref_squeeze %dma_wait3A_238 : memref<1x8192xf32, #tpu.memory_space<hbm>> -> memref<8192xf32, #tpu.memory_space<hbm>>
      tpu.wait_dma2 semaphore(%run_scoped3A : memref<!tpu.dma_semaphore, #tpu.memory_space<semaphore_mem>>) src(%arg11 : memref<8192xf32, #tpu.memory_space<vmem>>) dst(%dma_wait3A_239 : memref<8192xf32, #tpu.memory_space<hbm>>)
      tpu.yield
    }) : () -> ()
    %add3A_102 = arith.constant 49152 : i32
    %add3A_103 = arith.addi %multiple_of3A, %add3A_102 : i32
    %multiple_of3A_104 = tpu.assume_multiple %add3A_103, 8 : i32
    %add3A_105 = arith.constant 49152 : i32
    %add3A_106 = arith.addi %multiple_of3A, %add3A_105 : i32
    %add3A_107 = arith.constant 0 : i32
    %add3A_108 = arith.addi %add3A_106, %add3A_107 : i32
    %multiple_of3A_109 = tpu.assume_multiple %add3A_108, 8 : i32
    "tpu.region"() ({
      %run_scoped3A = tpu.sem_alloc : memref<!tpu.dma_semaphore, #tpu.memory_space<semaphore_mem>>
      %dma_start3A = tpu.memref_slice %arg12[%multiple_of3A_104] : memref<1048576xf32, #tpu.memory_space<vmem_shared>> -> memref<8192xf32, #tpu.memory_space<vmem_shared>>
      %dma_start3A_234 = tpu.memref_slice %arg12[%multiple_of3A_104] : memref<1048576xf32, #tpu.memory_space<vmem_shared>> -> memref<8192xf32, #tpu.memory_space<vmem_shared>>
      tpu.enqueue_dma source(%dma_start3A_234 : memref<8192xf32, #tpu.memory_space<vmem_shared>>) target(%arg11 : memref<8192xf32, #tpu.memory_space<vmem>>) target_semaphore(%run_scoped3A : memref<!tpu.dma_semaphore, #tpu.memory_space<semaphore_mem>>)
      %dma_wait3A = tpu.memref_slice %arg12[%multiple_of3A_104] : memref<1048576xf32, #tpu.memory_space<vmem_shared>> -> memref<8192xf32, #tpu.memory_space<vmem_shared>>
      %dma_wait3A_235 = tpu.memref_slice %arg12[%multiple_of3A_104] : memref<1048576xf32, #tpu.memory_space<vmem_shared>> -> memref<8192xf32, #tpu.memory_space<vmem_shared>>
      tpu.wait_dma2 semaphore(%run_scoped3A : memref<!tpu.dma_semaphore, #tpu.memory_space<semaphore_mem>>) src(%dma_wait3A_235 : memref<8192xf32, #tpu.memory_space<vmem_shared>>) dst(%arg11 : memref<8192xf32, #tpu.memory_space<vmem>>)
      tpu.yield
    }) : () -> ()
    "tpu.region"() ({
      %run_scoped3A = tpu.sem_alloc : memref<!tpu.dma_semaphore, #tpu.memory_space<semaphore_mem>>
      %dma_start3A = tpu.memref_slice %arg5[%arg0, %multiple_of3A_109] : memref<2x2097152xf32, #tpu.memory_space<hbm>> -> memref<1x8192xf32, #tpu.memory_space<hbm>>
      %dma_start3A_234 = tpu.memref_squeeze %dma_start3A : memref<1x8192xf32, #tpu.memory_space<hbm>> -> memref<8192xf32, #tpu.memory_space<hbm>>
      %dma_start3A_235 = tpu.memref_slice %arg5[%arg0, %multiple_of3A_109] : memref<2x2097152xf32, #tpu.memory_space<hbm>> -> memref<1x8192xf32, #tpu.memory_space<hbm>>
      %dma_start3A_236 = tpu.memref_squeeze %dma_start3A_235 : memref<1x8192xf32, #tpu.memory_space<hbm>> -> memref<8192xf32, #tpu.memory_space<hbm>>
      tpu.enqueue_dma source(%arg11 : memref<8192xf32, #tpu.memory_space<vmem>>) target(%dma_start3A_236 : memref<8192xf32, #tpu.memory_space<hbm>>) target_semaphore(%run_scoped3A : memref<!tpu.dma_semaphore, #tpu.memory_space<semaphore_mem>>)
      %dma_wait3A = tpu.memref_slice %arg5[%arg0, %multiple_of3A_109] : memref<2x2097152xf32, #tpu.memory_space<hbm>> -> memref<1x8192xf32, #tpu.memory_space<hbm>>
      %dma_wait3A_237 = tpu.memref_squeeze %dma_wait3A : memref<1x8192xf32, #tpu.memory_space<hbm>> -> memref<8192xf32, #tpu.memory_space<hbm>>
      %dma_wait3A_238 = tpu.memref_slice %arg5[%arg0, %multiple_of3A_109] : memref<2x2097152xf32, #tpu.memory_space<hbm>> -> memref<1x8192xf32, #tpu.memory_space<hbm>>
      %dma_wait3A_239 = tpu.memref_squeeze %dma_wait3A_238 : memref<1x8192xf32, #tpu.memory_space<hbm>> -> memref<8192xf32, #tpu.memory_space<hbm>>
      tpu.wait_dma2 semaphore(%run_scoped3A : memref<!tpu.dma_semaphore, #tpu.memory_space<semaphore_mem>>) src(%arg11 : memref<8192xf32, #tpu.memory_space<vmem>>) dst(%dma_wait3A_239 : memref<8192xf32, #tpu.memory_space<hbm>>)
      tpu.yield
    }) : () -> ()
    %add3A_110 = arith.constant 57344 : i32
    %add3A_111 = arith.addi %multiple_of3A, %add3A_110 : i32
    %multiple_of3A_112 = tpu.assume_multiple %add3A_111, 8 : i32
    %add3A_113 = arith.constant 57344 : i32
    %add3A_114 = arith.addi %multiple_of3A, %add3A_113 : i32
    %add3A_115 = arith.constant 0 : i32
    %add3A_116 = arith.addi %add3A_114, %add3A_115 : i32
    %multiple_of3A_117 = tpu.assume_multiple %add3A_116, 8 : i32
    "tpu.region"() ({
      %run_scoped3A = tpu.sem_alloc : memref<!tpu.dma_semaphore, #tpu.memory_space<semaphore_mem>>
      %dma_start3A = tpu.memref_slice %arg12[%multiple_of3A_112] : memref<1048576xf32, #tpu.memory_space<vmem_shared>> -> memref<8192xf32, #tpu.memory_space<vmem_shared>>
      %dma_start3A_234 = tpu.memref_slice %arg12[%multiple_of3A_112] : memref<1048576xf32, #tpu.memory_space<vmem_shared>> -> memref<8192xf32, #tpu.memory_space<vmem_shared>>
      tpu.enqueue_dma source(%dma_start3A_234 : memref<8192xf32, #tpu.memory_space<vmem_shared>>) target(%arg11 : memref<8192xf32, #tpu.memory_space<vmem>>) target_semaphore(%run_scoped3A : memref<!tpu.dma_semaphore, #tpu.memory_space<semaphore_mem>>)
      %dma_wait3A = tpu.memref_slice %arg12[%multiple_of3A_112] : memref<1048576xf32, #tpu.memory_space<vmem_shared>> -> memref<8192xf32, #tpu.memory_space<vmem_shared>>
      %dma_wait3A_235 = tpu.memref_slice %arg12[%multiple_of3A_112] : memref<1048576xf32, #tpu.memory_space<vmem_shared>> -> memref<8192xf32, #tpu.memory_space<vmem_shared>>
      tpu.wait_dma2 semaphore(%run_scoped3A : memref<!tpu.dma_semaphore, #tpu.memory_space<semaphore_mem>>) src(%dma_wait3A_235 : memref<8192xf32, #tpu.memory_space<vmem_shared>>) dst(%arg11 : memref<8192xf32, #tpu.memory_space<vmem>>)
      tpu.yield
    }) : () -> ()
    "tpu.region"() ({
      %run_scoped3A = tpu.sem_alloc : memref<!tpu.dma_semaphore, #tpu.memory_space<semaphore_mem>>
      %dma_start3A = tpu.memref_slice %arg5[%arg0, %multiple_of3A_117] : memref<2x2097152xf32, #tpu.memory_space<hbm>> -> memref<1x8192xf32, #tpu.memory_space<hbm>>
      %dma_start3A_234 = tpu.memref_squeeze %dma_start3A : memref<1x8192xf32, #tpu.memory_space<hbm>> -> memref<8192xf32, #tpu.memory_space<hbm>>
      %dma_start3A_235 = tpu.memref_slice %arg5[%arg0, %multiple_of3A_117] : memref<2x2097152xf32, #tpu.memory_space<hbm>> -> memref<1x8192xf32, #tpu.memory_space<hbm>>
      %dma_start3A_236 = tpu.memref_squeeze %dma_start3A_235 : memref<1x8192xf32, #tpu.memory_space<hbm>> -> memref<8192xf32, #tpu.memory_space<hbm>>
      tpu.enqueue_dma source(%arg11 : memref<8192xf32, #tpu.memory_space<vmem>>) target(%dma_start3A_236 : memref<8192xf32, #tpu.memory_space<hbm>>) target_semaphore(%run_scoped3A : memref<!tpu.dma_semaphore, #tpu.memory_space<semaphore_mem>>)
      %dma_wait3A = tpu.memref_slice %arg5[%arg0, %multiple_of3A_117] : memref<2x2097152xf32, #tpu.memory_space<hbm>> -> memref<1x8192xf32, #tpu.memory_space<hbm>>
      %dma_wait3A_237 = tpu.memref_squeeze %dma_wait3A : memref<1x8192xf32, #tpu.memory_space<hbm>> -> memref<8192xf32, #tpu.memory_space<hbm>>
      %dma_wait3A_238 = tpu.memref_slice %arg5[%arg0, %multiple_of3A_117] : memref<2x2097152xf32, #tpu.memory_space<hbm>> -> memref<1x8192xf32, #tpu.memory_space<hbm>>
      %dma_wait3A_239 = tpu.memref_squeeze %dma_wait3A_238 : memref<1x8192xf32, #tpu.memory_space<hbm>> -> memref<8192xf32, #tpu.memory_space<hbm>>
      tpu.wait_dma2 semaphore(%run_scoped3A : memref<!tpu.dma_semaphore, #tpu.memory_space<semaphore_mem>>) src(%arg11 : memref<8192xf32, #tpu.memory_space<vmem>>) dst(%dma_wait3A_239 : memref<8192xf32, #tpu.memory_space<hbm>>)
      tpu.yield
    }) : () -> ()
    %while3A_118 = arith.constant 0 : i32
    %while3A_119 = arith.constant 512 : i32
    %while3A_120 = arith.constant 0 : i64
    %while3A_121 = arith.subi %while3A_119, %while3A_118 : i32
    %while3A_122 = arith.addi %while3A_118, %while3A_121 : i32
    %while3A_123 = arith.constant 1 : i32
    %while3A_124 = arith.divsi %while3A_121, %while3A_123 : i32
    %while3A_125 = arith.muli %while3A_124, %while3A_123 : i32
    %while3A_126 = arith.addi %while3A_118, %while3A_125 : i32
    %while3A_127 = arith.constant 1 : i32
    %while3A_128 = scf.for %while3A_234 = %while3A_118 to %while3A_126 step %while3A_127 iter_args(%while3A_235 = %while3A_120) -> (i64)  : i32 {
      %mul3A_236 = arith.constant 16 : i32
      %mul3A_237 = arith.muli %while3A_234, %mul3A_236 : i32
      %swap3A = arith.index_cast %mul3A_237 : i32 to index
      %swap3A_238 = tpu.vector_load %arg11[%swap3A] {strides = array<i32>} : memref<8192xf32, #tpu.memory_space<vmem>>, vector<16xf32>,
      tpu.vector_store %arg11[%swap3A], %broadcast_in_dim3A_0 {strides = array<i32>} : memref<8192xf32, #tpu.memory_space<vmem>>, vector<16xf32>,
      %while3A_239 = arith.constant 0 : i64
      scf.yield %while3A_239 : i64
    }
    %while3A_129 = arith.constant 1 : i32
    %while3A_130 = scf.for %while3A_234 = %while3A_126 to %while3A_122 step %while3A_129 iter_args(%while3A_235 = %while3A_128) -> (i64)  : i32 {
      %mul3A_236 = arith.constant 16 : i32
      %mul3A_237 = arith.muli %while3A_234, %mul3A_236 : i32
      %swap3A = arith.index_cast %mul3A_237 : i32 to index
      %swap3A_238 = tpu.vector_load %arg11[%swap3A] {strides = array<i32>} : memref<8192xf32, #tpu.memory_space<vmem>>, vector<16xf32>,
      tpu.vector_store %arg11[%swap3A], %broadcast_in_dim3A_0 {strides = array<i32>} : memref<8192xf32, #tpu.memory_space<vmem>>, vector<16xf32>,
      %while3A_239 = arith.constant 0 : i64
      scf.yield %while3A_239 : i64
    }
    %add3A_131 = arith.constant 0 : i32
    %add3A_132 = arith.addi %multiple_of3A, %add3A_131 : i32
    %multiple_of3A_133 = tpu.assume_multiple %add3A_132, 8 : i32
    "tpu.region"() ({
      %run_scoped3A = tpu.sem_alloc : memref<!tpu.dma_semaphore, #tpu.memory_space<semaphore_mem>>
      %dma_start3A = tpu.memref_slice %arg12[%multiple_of3A_133] : memref<1048576xf32, #tpu.memory_space<vmem_shared>> -> memref<8192xf32, #tpu.memory_space<vmem_shared>>
      %dma_start3A_234 = tpu.memref_slice %arg12[%multiple_of3A_133] : memref<1048576xf32, #tpu.memory_space<vmem_shared>> -> memref<8192xf32, #tpu.memory_space<vmem_shared>>
      tpu.enqueue_dma source(%arg11 : memref<8192xf32, #tpu.memory_space<vmem>>) target(%dma_start3A_234 : memref<8192xf32, #tpu.memory_space<vmem_shared>>) target_semaphore(%run_scoped3A : memref<!tpu.dma_semaphore, #tpu.memory_space<semaphore_mem>>)
      %dma_wait3A = tpu.memref_slice %arg12[%multiple_of3A_133] : memref<1048576xf32, #tpu.memory_space<vmem_shared>> -> memref<8192xf32, #tpu.memory_space<vmem_shared>>
      %dma_wait3A_235 = tpu.memref_slice %arg12[%multiple_of3A_133] : memref<1048576xf32, #tpu.memory_space<vmem_shared>> -> memref<8192xf32, #tpu.memory_space<vmem_shared>>
      tpu.wait_dma2 semaphore(%run_scoped3A : memref<!tpu.dma_semaphore, #tpu.memory_space<semaphore_mem>>) src(%arg11 : memref<8192xf32, #tpu.memory_space<vmem>>) dst(%dma_wait3A_235 : memref<8192xf32, #tpu.memory_space<vmem_shared>>)
      tpu.yield
    }) : () -> ()
    %add3A_134 = arith.constant 8192 : i32
    %add3A_135 = arith.addi %multiple_of3A, %add3A_134 : i32
    %multiple_of3A_136 = tpu.assume_multiple %add3A_135, 8 : i32
    "tpu.region"() ({
      %run_scoped3A = tpu.sem_alloc : memref<!tpu.dma_semaphore, #tpu.memory_space<semaphore_mem>>
      %dma_start3A = tpu.memref_slice %arg12[%multiple_of3A_136] : memref<1048576xf32, #tpu.memory_space<vmem_shared>> -> memref<8192xf32, #tpu.memory_space<vmem_shared>>
      %dma_start3A_234 = tpu.memref_slice %arg12[%multiple_of3A_136] : memref<1048576xf32, #tpu.memory_space<vmem_shared>> -> memref<8192xf32, #tpu.memory_space<vmem_shared>>
      tpu.enqueue_dma source(%arg11 : memref<8192xf32, #tpu.memory_space<vmem>>) target(%dma_start3A_234 : memref<8192xf32, #tpu.memory_space<vmem_shared>>) target_semaphore(%run_scoped3A : memref<!tpu.dma_semaphore, #tpu.memory_space<semaphore_mem>>)
      %dma_wait3A = tpu.memref_slice %arg12[%multiple_of3A_136] : memref<1048576xf32, #tpu.memory_space<vmem_shared>> -> memref<8192xf32, #tpu.memory_space<vmem_shared>>
      %dma_wait3A_235 = tpu.memref_slice %arg12[%multiple_of3A_136] : memref<1048576xf32, #tpu.memory_space<vmem_shared>> -> memref<8192xf32, #tpu.memory_space<vmem_shared>>
      tpu.wait_dma2 semaphore(%run_scoped3A : memref<!tpu.dma_semaphore, #tpu.memory_space<semaphore_mem>>) src(%arg11 : memref<8192xf32, #tpu.memory_space<vmem>>) dst(%dma_wait3A_235 : memref<8192xf32, #tpu.memory_space<vmem_shared>>)
      tpu.yield
    }) : () -> ()
    %add3A_137 = arith.constant 16384 : i32
    %add3A_138 = arith.addi %multiple_of3A, %add3A_137 : i32
    %multiple_of3A_139 = tpu.assume_multiple %add3A_138, 8 : i32
    "tpu.region"() ({
      %run_scoped3A = tpu.sem_alloc : memref<!tpu.dma_semaphore, #tpu.memory_space<semaphore_mem>>
      %dma_start3A = tpu.memref_slice %arg12[%multiple_of3A_139] : memref<1048576xf32, #tpu.memory_space<vmem_shared>> -> memref<8192xf32, #tpu.memory_space<vmem_shared>>
      %dma_start3A_234 = tpu.memref_slice %arg12[%multiple_of3A_139] : memref<1048576xf32, #tpu.memory_space<vmem_shared>> -> memref<8192xf32, #tpu.memory_space<vmem_shared>>
      tpu.enqueue_dma source(%arg11 : memref<8192xf32, #tpu.memory_space<vmem>>) target(%dma_start3A_234 : memref<8192xf32, #tpu.memory_space<vmem_shared>>) target_semaphore(%run_scoped3A : memref<!tpu.dma_semaphore, #tpu.memory_space<semaphore_mem>>)
      %dma_wait3A = tpu.memref_slice %arg12[%multiple_of3A_139] : memref<1048576xf32, #tpu.memory_space<vmem_shared>> -> memref<8192xf32, #tpu.memory_space<vmem_shared>>
      %dma_wait3A_235 = tpu.memref_slice %arg12[%multiple_of3A_139] : memref<1048576xf32, #tpu.memory_space<vmem_shared>> -> memref<8192xf32, #tpu.memory_space<vmem_shared>>
      tpu.wait_dma2 semaphore(%run_scoped3A : memref<!tpu.dma_semaphore, #tpu.memory_space<semaphore_mem>>) src(%arg11 : memref<8192xf32, #tpu.memory_space<vmem>>) dst(%dma_wait3A_235 : memref<8192xf32, #tpu.memory_space<vmem_shared>>)
      tpu.yield
    }) : () -> ()
    %add3A_140 = arith.constant 24576 : i32
    %add3A_141 = arith.addi %multiple_of3A, %add3A_140 : i32
    %multiple_of3A_142 = tpu.assume_multiple %add3A_141, 8 : i32
    "tpu.region"() ({
      %run_scoped3A = tpu.sem_alloc : memref<!tpu.dma_semaphore, #tpu.memory_space<semaphore_mem>>
      %dma_start3A = tpu.memref_slice %arg12[%multiple_of3A_142] : memref<1048576xf32, #tpu.memory_space<vmem_shared>> -> memref<8192xf32, #tpu.memory_space<vmem_shared>>
      %dma_start3A_234 = tpu.memref_slice %arg12[%multiple_of3A_142] : memref<1048576xf32, #tpu.memory_space<vmem_shared>> -> memref<8192xf32, #tpu.memory_space<vmem_shared>>
      tpu.enqueue_dma source(%arg11 : memref<8192xf32, #tpu.memory_space<vmem>>) target(%dma_start3A_234 : memref<8192xf32, #tpu.memory_space<vmem_shared>>) target_semaphore(%run_scoped3A : memref<!tpu.dma_semaphore, #tpu.memory_space<semaphore_mem>>)
      %dma_wait3A = tpu.memref_slice %arg12[%multiple_of3A_142] : memref<1048576xf32, #tpu.memory_space<vmem_shared>> -> memref<8192xf32, #tpu.memory_space<vmem_shared>>
      %dma_wait3A_235 = tpu.memref_slice %arg12[%multiple_of3A_142] : memref<1048576xf32, #tpu.memory_space<vmem_shared>> -> memref<8192xf32, #tpu.memory_space<vmem_shared>>
      tpu.wait_dma2 semaphore(%run_scoped3A : memref<!tpu.dma_semaphore, #tpu.memory_space<semaphore_mem>>) src(%arg11 : memref<8192xf32, #tpu.memory_space<vmem>>) dst(%dma_wait3A_235 : memref<8192xf32, #tpu.memory_space<vmem_shared>>)
      tpu.yield
    }) : () -> ()
    %add3A_143 = arith.constant 32768 : i32
    %add3A_144 = arith.addi %multiple_of3A, %add3A_143 : i32
    %multiple_of3A_145 = tpu.assume_multiple %add3A_144, 8 : i32
    "tpu.region"() ({
      %run_scoped3A = tpu.sem_alloc : memref<!tpu.dma_semaphore, #tpu.memory_space<semaphore_mem>>
      %dma_start3A = tpu.memref_slice %arg12[%multiple_of3A_145] : memref<1048576xf32, #tpu.memory_space<vmem_shared>> -> memref<8192xf32, #tpu.memory_space<vmem_shared>>
      %dma_start3A_234 = tpu.memref_slice %arg12[%multiple_of3A_145] : memref<1048576xf32, #tpu.memory_space<vmem_shared>> -> memref<8192xf32, #tpu.memory_space<vmem_shared>>
      tpu.enqueue_dma source(%arg11 : memref<8192xf32, #tpu.memory_space<vmem>>) target(%dma_start3A_234 : memref<8192xf32, #tpu.memory_space<vmem_shared>>) target_semaphore(%run_scoped3A : memref<!tpu.dma_semaphore, #tpu.memory_space<semaphore_mem>>)
      %dma_wait3A = tpu.memref_slice %arg12[%multiple_of3A_145] : memref<1048576xf32, #tpu.memory_space<vmem_shared>> -> memref<8192xf32, #tpu.memory_space<vmem_shared>>
      %dma_wait3A_235 = tpu.memref_slice %arg12[%multiple_of3A_145] : memref<1048576xf32, #tpu.memory_space<vmem_shared>> -> memref<8192xf32, #tpu.memory_space<vmem_shared>>
      tpu.wait_dma2 semaphore(%run_scoped3A : memref<!tpu.dma_semaphore, #tpu.memory_space<semaphore_mem>>) src(%arg11 : memref<8192xf32, #tpu.memory_space<vmem>>) dst(%dma_wait3A_235 : memref<8192xf32, #tpu.memory_space<vmem_shared>>)
      tpu.yield
    }) : () -> ()
    %add3A_146 = arith.constant 40960 : i32
    %add3A_147 = arith.addi %multiple_of3A, %add3A_146 : i32
    %multiple_of3A_148 = tpu.assume_multiple %add3A_147, 8 : i32
    "tpu.region"() ({
      %run_scoped3A = tpu.sem_alloc : memref<!tpu.dma_semaphore, #tpu.memory_space<semaphore_mem>>
      %dma_start3A = tpu.memref_slice %arg12[%multiple_of3A_148] : memref<1048576xf32, #tpu.memory_space<vmem_shared>> -> memref<8192xf32, #tpu.memory_space<vmem_shared>>
      %dma_start3A_234 = tpu.memref_slice %arg12[%multiple_of3A_148] : memref<1048576xf32, #tpu.memory_space<vmem_shared>> -> memref<8192xf32, #tpu.memory_space<vmem_shared>>
      tpu.enqueue_dma source(%arg11 : memref<8192xf32, #tpu.memory_space<vmem>>) target(%dma_start3A_234 : memref<8192xf32, #tpu.memory_space<vmem_shared>>) target_semaphore(%run_scoped3A : memref<!tpu.dma_semaphore, #tpu.memory_space<semaphore_mem>>)
      %dma_wait3A = tpu.memref_slice %arg12[%multiple_of3A_148] : memref<1048576xf32, #tpu.memory_space<vmem_shared>> -> memref<8192xf32, #tpu.memory_space<vmem_shared>>
      %dma_wait3A_235 = tpu.memref_slice %arg12[%multiple_of3A_148] : memref<1048576xf32, #tpu.memory_space<vmem_shared>> -> memref<8192xf32, #tpu.memory_space<vmem_shared>>
      tpu.wait_dma2 semaphore(%run_scoped3A : memref<!tpu.dma_semaphore, #tpu.memory_space<semaphore_mem>>) src(%arg11 : memref<8192xf32, #tpu.memory_space<vmem>>) dst(%dma_wait3A_235 : memref<8192xf32, #tpu.memory_space<vmem_shared>>)
      tpu.yield
    }) : () -> ()
    %add3A_149 = arith.constant 49152 : i32
    %add3A_150 = arith.addi %multiple_of3A, %add3A_149 : i32
    %multiple_of3A_151 = tpu.assume_multiple %add3A_150, 8 : i32
    "tpu.region"() ({
      %run_scoped3A = tpu.sem_alloc : memref<!tpu.dma_semaphore, #tpu.memory_space<semaphore_mem>>
      %dma_start3A = tpu.memref_slice %arg12[%multiple_of3A_151] : memref<1048576xf32, #tpu.memory_space<vmem_shared>> -> memref<8192xf32, #tpu.memory_space<vmem_shared>>
      %dma_start3A_234 = tpu.memref_slice %arg12[%multiple_of3A_151] : memref<1048576xf32, #tpu.memory_space<vmem_shared>> -> memref<8192xf32, #tpu.memory_space<vmem_shared>>
      tpu.enqueue_dma source(%arg11 : memref<8192xf32, #tpu.memory_space<vmem>>) target(%dma_start3A_234 : memref<8192xf32, #tpu.memory_space<vmem_shared>>) target_semaphore(%run_scoped3A : memref<!tpu.dma_semaphore, #tpu.memory_space<semaphore_mem>>)
      %dma_wait3A = tpu.memref_slice %arg12[%multiple_of3A_151] : memref<1048576xf32, #tpu.memory_space<vmem_shared>> -> memref<8192xf32, #tpu.memory_space<vmem_shared>>
      %dma_wait3A_235 = tpu.memref_slice %arg12[%multiple_of3A_151] : memref<1048576xf32, #tpu.memory_space<vmem_shared>> -> memref<8192xf32, #tpu.memory_space<vmem_shared>>
      tpu.wait_dma2 semaphore(%run_scoped3A : memref<!tpu.dma_semaphore, #tpu.memory_space<semaphore_mem>>) src(%arg11 : memref<8192xf32, #tpu.memory_space<vmem>>) dst(%dma_wait3A_235 : memref<8192xf32, #tpu.memory_space<vmem_shared>>)
      tpu.yield
    }) : () -> ()
    %add3A_152 = arith.constant 57344 : i32
    %add3A_153 = arith.addi %multiple_of3A, %add3A_152 : i32
    %multiple_of3A_154 = tpu.assume_multiple %add3A_153, 8 : i32
    "tpu.region"() ({
      %run_scoped3A = tpu.sem_alloc : memref<!tpu.dma_semaphore, #tpu.memory_space<semaphore_mem>>
      %dma_start3A = tpu.memref_slice %arg12[%multiple_of3A_154] : memref<1048576xf32, #tpu.memory_space<vmem_shared>> -> memref<8192xf32, #tpu.memory_space<vmem_shared>>
      %dma_start3A_234 = tpu.memref_slice %arg12[%multiple_of3A_154] : memref<1048576xf32, #tpu.memory_space<vmem_shared>> -> memref<8192xf32, #tpu.memory_space<vmem_shared>>
      tpu.enqueue_dma source(%arg11 : memref<8192xf32, #tpu.memory_space<vmem>>) target(%dma_start3A_234 : memref<8192xf32, #tpu.memory_space<vmem_shared>>) target_semaphore(%run_scoped3A : memref<!tpu.dma_semaphore, #tpu.memory_space<semaphore_mem>>)
      %dma_wait3A = tpu.memref_slice %arg12[%multiple_of3A_154] : memref<1048576xf32, #tpu.memory_space<vmem_shared>> -> memref<8192xf32, #tpu.memory_space<vmem_shared>>
      %dma_wait3A_235 = tpu.memref_slice %arg12[%multiple_of3A_154] : memref<1048576xf32, #tpu.memory_space<vmem_shared>> -> memref<8192xf32, #tpu.memory_space<vmem_shared>>
      tpu.wait_dma2 semaphore(%run_scoped3A : memref<!tpu.dma_semaphore, #tpu.memory_space<semaphore_mem>>) src(%arg11 : memref<8192xf32, #tpu.memory_space<vmem>>) dst(%dma_wait3A_235 : memref<8192xf32, #tpu.memory_space<vmem_shared>>)
      tpu.yield
    }) : () -> ()
    %barrier3A_155 = arith.constant 0 : index
    tpu.barrier barrier_id(%barrier3A_155)
    %while3A_156 = arith.constant 0 : i32
    %while3A_157 = arith.constant 64 : i32
    %while3A_158 = arith.constant 0 : i64
    %while3A_159 = arith.subi %while3A_157, %while3A_156 : i32
    %while3A_160 = arith.addi %while3A_156, %while3A_159 : i32
    %while3A_161 = arith.constant 1 : i32
    %while3A_162 = arith.divsi %while3A_159, %while3A_161 : i32
    %while3A_163 = arith.muli %while3A_162, %while3A_161 : i32
    %while3A_164 = arith.addi %while3A_156, %while3A_163 : i32
    %while3A_165 = arith.constant 1 : i32
    %while3A_166 = scf.for %while3A_234 = %while3A_156 to %while3A_164 step %while3A_165 iter_args(%while3A_235 = %while3A_158) -> (i64)  : i32 {
      %mul3A_236 = arith.constant 131072 : i32
      %mul3A_237 = arith.muli %arg1, %mul3A_236 : i32
      %mul3A_238 = arith.constant 2048 : i32
      %mul3A_239 = arith.muli %while3A_234, %mul3A_238 : i32
      %add3A_240 = arith.addi %mul3A_237, %mul3A_239 : i32
      %mul3A_241 = arith.constant 3 : i32
      %mul3A_242 = arith.muli %add3A_240, %mul3A_241 : i32
      %multiple_of3A_243 = tpu.assume_multiple %mul3A_242, 8 : i32
      "tpu.region"() ({
        %run_scoped3A = tpu.sem_alloc : memref<!tpu.dma_semaphore, #tpu.memory_space<semaphore_mem>>
        %dma_start3A_594 = tpu.memref_slice %arg4[%multiple_of3A_243] : memref<6291456xi32, #tpu.memory_space<hbm>> -> memref<6144xi32, #tpu.memory_space<hbm>>
        %dma_start3A_595 = tpu.memref_slice %arg4[%multiple_of3A_243] : memref<6291456xi32, #tpu.memory_space<hbm>> -> memref<6144xi32, #tpu.memory_space<hbm>>
        tpu.enqueue_dma source(%dma_start3A_595 : memref<6144xi32, #tpu.memory_space<hbm>>) target(%arg6 : memref<6144xi32, #tpu.memory_space<vmem>>) target_semaphore(%run_scoped3A : memref<!tpu.dma_semaphore, #tpu.memory_space<semaphore_mem>>)
        %dma_wait3A_596 = tpu.memref_slice %arg4[%multiple_of3A_243] : memref<6291456xi32, #tpu.memory_space<hbm>> -> memref<6144xi32, #tpu.memory_space<hbm>>
        %dma_wait3A_597 = tpu.memref_slice %arg4[%multiple_of3A_243] : memref<6291456xi32, #tpu.memory_space<hbm>> -> memref<6144xi32, #tpu.memory_space<hbm>>
        tpu.wait_dma2 semaphore(%run_scoped3A : memref<!tpu.dma_semaphore, #tpu.memory_space<semaphore_mem>>) src(%dma_wait3A_597 : memref<6144xi32, #tpu.memory_space<hbm>>) dst(%arg6 : memref<6144xi32, #tpu.memory_space<vmem>>)
        tpu.yield
      }) : () -> ()
      %multiple_of3A_244 = tpu.assume_multiple %add3A_240, 8 : i32
      "tpu.region"() ({
        %run_scoped3A = tpu.sem_alloc : memref<!tpu.dma_semaphore, #tpu.memory_space<semaphore_mem>>
        %dma_start3A_594 = tpu.memref_slice %arg3[%multiple_of3A_244] : memref<2097152xf32, #tpu.memory_space<hbm>> -> memref<2048xf32, #tpu.memory_space<hbm>>
        %dma_start3A_595 = tpu.memref_slice %arg3[%multiple_of3A_244] : memref<2097152xf32, #tpu.memory_space<hbm>> -> memref<2048xf32, #tpu.memory_space<hbm>>
        tpu.enqueue_dma source(%dma_start3A_595 : memref<2048xf32, #tpu.memory_space<hbm>>) target(%arg7 : memref<2048xf32, #tpu.memory_space<vmem>>) target_semaphore(%run_scoped3A : memref<!tpu.dma_semaphore, #tpu.memory_space<semaphore_mem>>)
        %dma_wait3A_596 = tpu.memref_slice %arg3[%multiple_of3A_244] : memref<2097152xf32, #tpu.memory_space<hbm>> -> memref<2048xf32, #tpu.memory_space<hbm>>
        %dma_wait3A_597 = tpu.memref_slice %arg3[%multiple_of3A_244] : memref<2097152xf32, #tpu.memory_space<hbm>> -> memref<2048xf32, #tpu.memory_space<hbm>>
        tpu.wait_dma2 semaphore(%run_scoped3A : memref<!tpu.dma_semaphore, #tpu.memory_space<semaphore_mem>>) src(%dma_wait3A_597 : memref<2048xf32, #tpu.memory_space<hbm>>) dst(%arg7 : memref<2048xf32, #tpu.memory_space<vmem>>)
        tpu.yield
      }) : () -> ()
      %jit3A = arith.constant 8 : i64
      %convert_element_type3A = arith.trunci %jit3A : i64 to i32
      %div3A = arith.divsi %add3A_240, %convert_element_type3A : i32
      %sign3A = arith.constant 0 : i32
      %sign3A_245 = arith.cmpi sgt, %add3A_240, %sign3A : i32
      %sign3A_246 = arith.extui %sign3A_245 : i1 to i32
      %sign3A_247 = arith.constant 0 : i32
      %sign3A_248 = arith.cmpi slt, %add3A_240, %sign3A_247 : i32
      %sign3A_249 = arith.extui %sign3A_248 : i1 to i32
      %sign3A_250 = arith.subi %sign3A_246, %sign3A_249 : i32
      %sign3A_251 = arith.constant 0 : i32
      %sign3A_252 = arith.cmpi sgt, %convert_element_type3A, %sign3A_251 : i32
      %sign3A_253 = arith.extui %sign3A_252 : i1 to i32
      %sign3A_254 = arith.constant 0 : i32
      %sign3A_255 = arith.cmpi slt, %convert_element_type3A, %sign3A_254 : i32
      %sign3A_256 = arith.extui %sign3A_255 : i1 to i32
      %sign3A_257 = arith.subi %sign3A_253, %sign3A_256 : i32
      %ne3A = arith.cmpi ne, %sign3A_250, %sign3A_257 : i32
      %rem3A = arith.remsi %add3A_240, %convert_element_type3A : i32
      %ne3A_258 = arith.constant 0 : i32
      %ne3A_259 = arith.cmpi ne, %rem3A, %ne3A_258 : i32
      %and3A = arith.andi %ne3A, %ne3A_259 : i1
      %sub3A = arith.constant 1 : i32
      %sub3A_260 = arith.subi %div3A, %sub3A : i32
      %select_n3A = arith.select %and3A, %sub3A_260, %div3A : i32
      %multiple_of3A_261 = tpu.assume_multiple %select_n3A, 8 : i32
      "tpu.region"() ({
        %run_scoped3A = tpu.sem_alloc : memref<!tpu.dma_semaphore, #tpu.memory_space<semaphore_mem>>
        %dma_start3A_594 = tpu.memref_slice %arg2[%multiple_of3A_261] : memref<262144xf32, #tpu.memory_space<hbm>> -> memref<256xf32, #tpu.memory_space<hbm>>
        %dma_start3A_595 = tpu.memref_slice %arg2[%multiple_of3A_261] : memref<262144xf32, #tpu.memory_space<hbm>> -> memref<256xf32, #tpu.memory_space<hbm>>
        tpu.enqueue_dma source(%dma_start3A_595 : memref<256xf32, #tpu.memory_space<hbm>>) target(%arg8 : memref<256xf32, #tpu.memory_space<vmem>>) target_semaphore(%run_scoped3A : memref<!tpu.dma_semaphore, #tpu.memory_space<semaphore_mem>>)
        %dma_wait3A_596 = tpu.memref_slice %arg2[%multiple_of3A_261] : memref<262144xf32, #tpu.memory_space<hbm>> -> memref<256xf32, #tpu.memory_space<hbm>>
        %dma_wait3A_597 = tpu.memref_slice %arg2[%multiple_of3A_261] : memref<262144xf32, #tpu.memory_space<hbm>> -> memref<256xf32, #tpu.memory_space<hbm>>
        tpu.wait_dma2 semaphore(%run_scoped3A : memref<!tpu.dma_semaphore, #tpu.memory_space<semaphore_mem>>) src(%dma_wait3A_597 : memref<256xf32, #tpu.memory_space<hbm>>) dst(%arg8 : memref<256xf32, #tpu.memory_space<vmem>>)
        tpu.yield
      }) : () -> ()
      %while3A_262 = arith.constant 0 : i32
      %while3A_263 = arith.constant 128 : i32
      %while3A_264 = arith.constant 0 : i64
      %while3A_265 = arith.subi %while3A_263, %while3A_262 : i32
      %while3A_266 = arith.addi %while3A_262, %while3A_265 : i32
      %while3A_267 = arith.constant 1 : i32
      %while3A_268 = arith.divsi %while3A_265, %while3A_267 : i32
      %while3A_269 = arith.muli %while3A_268, %while3A_267 : i32
      %while3A_270 = arith.addi %while3A_262, %while3A_269 : i32
      %while3A_271 = arith.constant 1 : i32
      %while3A_272 = scf.for %while3A_594 = %while3A_262 to %while3A_270 step %while3A_271 iter_args(%while3A_595 = %while3A_264) -> (i64)  : i32 {
        %mul3A_596 = arith.constant 16 : i32
        %mul3A_597 = arith.muli %while3A_594, %mul3A_596 : i32
        %add3A_598 = vector.broadcast %mul3A_597 : i32 to vector<16xi32>
        %add3A_599 = arith.addi %add3A_598, %iota3A : vector<16xi32>
        %mul3A_600 = arith.constant 3 : i32
        %mul3A_601 = vector.broadcast %mul3A_600 : i32 to vector<16xi32>
        %mul3A_602 = arith.muli %add3A_599, %mul3A_601 : vector<16xi32>
        %gather3A = tpu.vector_load_idx %arg6[%mul3A_602] : memref<6144xi32, #tpu.memory_space<vmem>>[vector<16xi32>], vector<16xi32>,
        %mul3A_603 = arith.constant 3 : i32
        %mul3A_604 = vector.broadcast %mul3A_603 : i32 to vector<16xi32>
        %mul3A_605 = arith.muli %add3A_599, %mul3A_604 : vector<16xi32>
        %add3A_606 = arith.constant 1 : i32
        %add3A_607 = vector.broadcast %add3A_606 : i32 to vector<16xi32>
        %add3A_608 = arith.addi %mul3A_605, %add3A_607 : vector<16xi32>
        %gather3A_609 = tpu.vector_load_idx %arg6[%add3A_608] : memref<6144xi32, #tpu.memory_space<vmem>>[vector<16xi32>], vector<16xi32>,
        %mul3A_610 = arith.constant 3 : i32
        %mul3A_611 = vector.broadcast %mul3A_610 : i32 to vector<16xi32>
        %mul3A_612 = arith.muli %add3A_599, %mul3A_611 : vector<16xi32>
        %add3A_613 = arith.constant 2 : i32
        %add3A_614 = vector.broadcast %add3A_613 : i32 to vector<16xi32>
        %add3A_615 = arith.addi %mul3A_612, %add3A_614 : vector<16xi32>
        %gather3A_616 = tpu.vector_load_idx %arg6[%add3A_615] : memref<6144xi32, #tpu.memory_space<vmem>>[vector<16xi32>], vector<16xi32>,
        %mul3A_617 = arith.constant 128 : i32
        %mul3A_618 = vector.broadcast %mul3A_617 : i32 to vector<16xi32>
        %mul3A_619 = arith.muli %gather3A, %mul3A_618 : vector<16xi32>
        %add3A_620 = arith.addi %mul3A_619, %gather3A_609 : vector<16xi32>
        %mul3A_621 = arith.constant 128 : i32
        %mul3A_622 = vector.broadcast %mul3A_621 : i32 to vector<16xi32>
        %mul3A_623 = arith.muli %add3A_620, %mul3A_622 : vector<16xi32>
        %add3A_624 = arith.addi %mul3A_623, %gather3A_616 : vector<16xi32>
        %sub3A_625 = arith.constant 1048576 : i32
        %sub3A_626 = vector.broadcast %sub3A_625 : i32 to vector<16xi32>
        %sub3A_627 = arith.subi %add3A_624, %sub3A_626 : vector<16xi32>
        %mul3A_628 = arith.constant 16 : i32
        %mul3A_629 = arith.muli %while3A_594, %mul3A_628 : i32
        %get3A = arith.index_cast %mul3A_629 : i32 to index
        %get3A_630 = tpu.vector_load %arg7[%get3A] {strides = array<i32>} : memref<2048xf32, #tpu.memory_space<vmem>>, vector<16xf32>,
        %shift_right_logical3A = arith.constant 3 : i32
        %shift_right_logical3A_631 = vector.broadcast %shift_right_logical3A : i32 to vector<16xi32>
        %shift_right_logical3A_632 = arith.shrui %add3A_599, %shift_right_logical3A_631 : vector<16xi32>
        %gather3A_633 = tpu.vector_load_idx %arg8[%shift_right_logical3A_632] : memref<256xf32, #tpu.memory_space<vmem>>[vector<16xi32>], vector<16xf32>,
        %mul3A_634 = arith.mulf %get3A_630, %gather3A_633 : vector<16xf32>
        %select_n3A_635 = arith.select %eq3A_3, %get3A_630, %mul3A_634 : vector<16xi1>, vector<16xf32>
        %ge3A = arith.constant 0 : i32
        %ge3A_636 = vector.broadcast %ge3A : i32 to vector<16xi32>
        %ge3A_637 = arith.cmpi sge, %sub3A_627, %ge3A_636 : vector<16xi32>
        %lt3A = arith.constant 1048576 : i32
        %lt3A_638 = vector.broadcast %lt3A : i32 to vector<16xi32>
        %lt3A_639 = arith.cmpi slt, %sub3A_627, %lt3A_638 : vector<16xi32>
        %and3A_640 = arith.andi %ge3A_637, %lt3A_639 : vector<16xi1>
        %shift_right_logical3A_641 = arith.constant 3 : i32
        %shift_right_logical3A_642 = arith.shrui %while3A_594, %shift_right_logical3A_641 : i32
        %and3A_643 = arith.constant 7 : i32
        %and3A_644 = arith.andi %while3A_594, %and3A_643 : i32
        %mul3A_645 = arith.constant 16 : i32
        %mul3A_646 = arith.muli %and3A_644, %mul3A_645 : i32
        %and3A_647 = arith.constant 1048575 : i32
        %and3A_648 = vector.broadcast %and3A_647 : i32 to vector<16xi32>
        %and3A_649 = arith.andi %sub3A_627, %and3A_648 : vector<16xi32>
        %swap3A = arith.index_cast %shift_right_logical3A_642 : i32 to index
        %swap3A_650 = arith.index_cast %mul3A_646 : i32 to index
        %swap3A_651 = tpu.vector_load %arg9[%swap3A, %swap3A_650] {strides = array<i32>} : memref<16x128xi32, #tpu.memory_space<vmem>>, vector<16xi32>,
        tpu.vector_store %arg9[%swap3A, %swap3A_650], %and3A_649 {strides = array<i32>} : memref<16x128xi32, #tpu.memory_space<vmem>>, vector<16xi32>,
        %jit3A_652 = arith.constant 0.000000e+00 : f64
        %convert_element_type3A_653 = arith.truncf %jit3A_652 : f64 to f32
        %broadcast_in_dim3A_654 = vector.broadcast %convert_element_type3A_653 : f32 to vector<16xf32>
        %select_n3A_655 = arith.select %and3A_640, %select_n3A_635, %broadcast_in_dim3A_654 : vector<16xi1>, vector<16xf32>
        %swap3A_656 = arith.index_cast %shift_right_logical3A_642 : i32 to index
        %swap3A_657 = arith.index_cast %mul3A_646 : i32 to index
        %swap3A_658 = tpu.vector_load %arg10[%swap3A_656, %swap3A_657] {strides = array<i32>} : memref<16x128xf32, #tpu.memory_space<vmem>>, vector<16xf32>,
        tpu.vector_store %arg10[%swap3A_656, %swap3A_657], %select_n3A_655 {strides = array<i32>} : memref<16x128xf32, #tpu.memory_space<vmem>>, vector<16xf32>,
        %while3A_659 = arith.constant 0 : i64
        scf.yield %while3A_659 : i64
      }
      %while3A_273 = arith.constant 1 : i32
      %while3A_274 = scf.for %while3A_594 = %while3A_270 to %while3A_266 step %while3A_273 iter_args(%while3A_595 = %while3A_272) -> (i64)  : i32 {
        %mul3A_596 = arith.constant 16 : i32
        %mul3A_597 = arith.muli %while3A_594, %mul3A_596 : i32
        %add3A_598 = vector.broadcast %mul3A_597 : i32 to vector<16xi32>
        %add3A_599 = arith.addi %add3A_598, %iota3A : vector<16xi32>
        %mul3A_600 = arith.constant 3 : i32
        %mul3A_601 = vector.broadcast %mul3A_600 : i32 to vector<16xi32>
        %mul3A_602 = arith.muli %add3A_599, %mul3A_601 : vector<16xi32>
        %gather3A = tpu.vector_load_idx %arg6[%mul3A_602] : memref<6144xi32, #tpu.memory_space<vmem>>[vector<16xi32>], vector<16xi32>,
        %mul3A_603 = arith.constant 3 : i32
        %mul3A_604 = vector.broadcast %mul3A_603 : i32 to vector<16xi32>
        %mul3A_605 = arith.muli %add3A_599, %mul3A_604 : vector<16xi32>
        %add3A_606 = arith.constant 1 : i32
        %add3A_607 = vector.broadcast %add3A_606 : i32 to vector<16xi32>
        %add3A_608 = arith.addi %mul3A_605, %add3A_607 : vector<16xi32>
        %gather3A_609 = tpu.vector_load_idx %arg6[%add3A_608] : memref<6144xi32, #tpu.memory_space<vmem>>[vector<16xi32>], vector<16xi32>,
        %mul3A_610 = arith.constant 3 : i32
        %mul3A_611 = vector.broadcast %mul3A_610 : i32 to vector<16xi32>
        %mul3A_612 = arith.muli %add3A_599, %mul3A_611 : vector<16xi32>
        %add3A_613 = arith.constant 2 : i32
        %add3A_614 = vector.broadcast %add3A_613 : i32 to vector<16xi32>
        %add3A_615 = arith.addi %mul3A_612, %add3A_614 : vector<16xi32>
        %gather3A_616 = tpu.vector_load_idx %arg6[%add3A_615] : memref<6144xi32, #tpu.memory_space<vmem>>[vector<16xi32>], vector<16xi32>,
        %mul3A_617 = arith.constant 128 : i32
        %mul3A_618 = vector.broadcast %mul3A_617 : i32 to vector<16xi32>
        %mul3A_619 = arith.muli %gather3A, %mul3A_618 : vector<16xi32>
        %add3A_620 = arith.addi %mul3A_619, %gather3A_609 : vector<16xi32>
        %mul3A_621 = arith.constant 128 : i32
        %mul3A_622 = vector.broadcast %mul3A_621 : i32 to vector<16xi32>
        %mul3A_623 = arith.muli %add3A_620, %mul3A_622 : vector<16xi32>
        %add3A_624 = arith.addi %mul3A_623, %gather3A_616 : vector<16xi32>
        %sub3A_625 = arith.constant 1048576 : i32
        %sub3A_626 = vector.broadcast %sub3A_625 : i32 to vector<16xi32>
        %sub3A_627 = arith.subi %add3A_624, %sub3A_626 : vector<16xi32>
        %mul3A_628 = arith.constant 16 : i32
        %mul3A_629 = arith.muli %while3A_594, %mul3A_628 : i32
        %get3A = arith.index_cast %mul3A_629 : i32 to index
        %get3A_630 = tpu.vector_load %arg7[%get3A] {strides = array<i32>} : memref<2048xf32, #tpu.memory_space<vmem>>, vector<16xf32>,
        %shift_right_logical3A = arith.constant 3 : i32
        %shift_right_logical3A_631 = vector.broadcast %shift_right_logical3A : i32 to vector<16xi32>
        %shift_right_logical3A_632 = arith.shrui %add3A_599, %shift_right_logical3A_631 : vector<16xi32>
        %gather3A_633 = tpu.vector_load_idx %arg8[%shift_right_logical3A_632] : memref<256xf32, #tpu.memory_space<vmem>>[vector<16xi32>], vector<16xf32>,
        %mul3A_634 = arith.mulf %get3A_630, %gather3A_633 : vector<16xf32>
        %select_n3A_635 = arith.select %eq3A_3, %get3A_630, %mul3A_634 : vector<16xi1>, vector<16xf32>
        %ge3A = arith.constant 0 : i32
        %ge3A_636 = vector.broadcast %ge3A : i32 to vector<16xi32>
        %ge3A_637 = arith.cmpi sge, %sub3A_627, %ge3A_636 : vector<16xi32>
        %lt3A = arith.constant 1048576 : i32
        %lt3A_638 = vector.broadcast %lt3A : i32 to vector<16xi32>
        %lt3A_639 = arith.cmpi slt, %sub3A_627, %lt3A_638 : vector<16xi32>
        %and3A_640 = arith.andi %ge3A_637, %lt3A_639 : vector<16xi1>
        %shift_right_logical3A_641 = arith.constant 3 : i32
        %shift_right_logical3A_642 = arith.shrui %while3A_594, %shift_right_logical3A_641 : i32
        %and3A_643 = arith.constant 7 : i32
        %and3A_644 = arith.andi %while3A_594, %and3A_643 : i32
        %mul3A_645 = arith.constant 16 : i32
        %mul3A_646 = arith.muli %and3A_644, %mul3A_645 : i32
        %and3A_647 = arith.constant 1048575 : i32
        %and3A_648 = vector.broadcast %and3A_647 : i32 to vector<16xi32>
        %and3A_649 = arith.andi %sub3A_627, %and3A_648 : vector<16xi32>
        %swap3A = arith.index_cast %shift_right_logical3A_642 : i32 to index
        %swap3A_650 = arith.index_cast %mul3A_646 : i32 to index
        %swap3A_651 = tpu.vector_load %arg9[%swap3A, %swap3A_650] {strides = array<i32>} : memref<16x128xi32, #tpu.memory_space<vmem>>, vector<16xi32>,
        tpu.vector_store %arg9[%swap3A, %swap3A_650], %and3A_649 {strides = array<i32>} : memref<16x128xi32, #tpu.memory_space<vmem>>, vector<16xi32>,
        %jit3A_652 = arith.constant 0.000000e+00 : f64
        %convert_element_type3A_653 = arith.truncf %jit3A_652 : f64 to f32
        %broadcast_in_dim3A_654 = vector.broadcast %convert_element_type3A_653 : f32 to vector<16xf32>
        %select_n3A_655 = arith.select %and3A_640, %select_n3A_635, %broadcast_in_dim3A_654 : vector<16xi1>, vector<16xf32>
        %swap3A_656 = arith.index_cast %shift_right_logical3A_642 : i32 to index
        %swap3A_657 = arith.index_cast %mul3A_646 : i32 to index
        %swap3A_658 = tpu.vector_load %arg10[%swap3A_656, %swap3A_657] {strides = array<i32>} : memref<16x128xf32, #tpu.memory_space<vmem>>, vector<16xf32>,
        tpu.vector_store %arg10[%swap3A_656, %swap3A_657], %select_n3A_655 {strides = array<i32>} : memref<16x128xf32, #tpu.memory_space<vmem>>, vector<16xf32>,
        %while3A_659 = arith.constant 0 : i64
        scf.yield %while3A_659 : i64
      }
      %dma_start3A = arith.constant 0 : i32
      %dma_start3A_275 = arith.constant 0 : i32
      %dma_start3A_276 = arith.constant 0 : i32
      %dma_start3A_277 = tpu.memref_slice %arg10[%dma_start3A, %dma_start3A_276] : memref<16x128xf32, #tpu.memory_space<vmem>> -> memref<1x128xf32, #tpu.memory_space<vmem>>
      %dma_start3A_278 = tpu.memref_squeeze %dma_start3A_277 : memref<1x128xf32, #tpu.memory_space<vmem>> -> memref<128xf32, #tpu.memory_space<vmem>>
      %dma_start3A_279 = arith.constant 0 : i32
      %dma_start3A_280 = tpu.memref_slice %arg9[%dma_start3A_275, %dma_start3A_279] : memref<16x128xi32, #tpu.memory_space<vmem>> -> memref<1x128xi32, #tpu.memory_space<vmem>>
      %dma_start3A_281 = tpu.memref_squeeze %dma_start3A_280 : memref<1x128xi32, #tpu.memory_space<vmem>> -> memref<128xi32, #tpu.memory_space<vmem>>
      %dma_start3A_282 = arith.constant 0 : i32
      %dma_start3A_283 = tpu.memref_slice %arg12[%dma_start3A_282] : memref<1048576xf32, #tpu.memory_space<vmem_shared>> -> memref<1048576xf32, #tpu.memory_space<vmem_shared>>
      tpu.enqueue_indirect_dma source(%dma_start3A_278 : memref<128xf32, #tpu.memory_space<vmem>>) target(%dma_start3A_283 : memref<1048576xf32, #tpu.memory_space<vmem_shared>>) offsets(%dma_start3A_281 : memref<128xi32, #tpu.memory_space<vmem>>) semaphore(%arg13 : memref<!tpu.dma_semaphore, #tpu.memory_space<semaphore_mem>>) {add = true}
      %dma_start3A_284 = arith.constant 1 : i32
      %dma_start3A_285 = arith.constant 1 : i32
      %dma_start3A_286 = arith.constant 0 : i32
      %dma_start3A_287 = tpu.memref_slice %arg10[%dma_start3A_284, %dma_start3A_286] : memref<16x128xf32, #tpu.memory_space<vmem>> -> memref<1x128xf32, #tpu.memory_space<vmem>>
      %dma_start3A_288 = tpu.memref_squeeze %dma_start3A_287 : memref<1x128xf32, #tpu.memory_space<vmem>> -> memref<128xf32, #tpu.memory_space<vmem>>
      %dma_start3A_289 = arith.constant 0 : i32
      %dma_start3A_290 = tpu.memref_slice %arg9[%dma_start3A_285, %dma_start3A_289] : memref<16x128xi32, #tpu.memory_space<vmem>> -> memref<1x128xi32, #tpu.memory_space<vmem>>
      %dma_start3A_291 = tpu.memref_squeeze %dma_start3A_290 : memref<1x128xi32, #tpu.memory_space<vmem>> -> memref<128xi32, #tpu.memory_space<vmem>>
      %dma_start3A_292 = arith.constant 0 : i32
      %dma_start3A_293 = tpu.memref_slice %arg12[%dma_start3A_292] : memref<1048576xf32, #tpu.memory_space<vmem_shared>> -> memref<1048576xf32, #tpu.memory_space<vmem_shared>>
      tpu.enqueue_indirect_dma source(%dma_start3A_288 : memref<128xf32, #tpu.memory_space<vmem>>) target(%dma_start3A_293 : memref<1048576xf32, #tpu.memory_space<vmem_shared>>) offsets(%dma_start3A_291 : memref<128xi32, #tpu.memory_space<vmem>>) semaphore(%arg13 : memref<!tpu.dma_semaphore, #tpu.memory_space<semaphore_mem>>) {add = true}
      %dma_start3A_294 = arith.constant 2 : i32
      %dma_start3A_295 = arith.constant 2 : i32
      %dma_start3A_296 = arith.constant 0 : i32
      %dma_start3A_297 = tpu.memref_slice %arg10[%dma_start3A_294, %dma_start3A_296] : memref<16x128xf32, #tpu.memory_space<vmem>> -> memref<1x128xf32, #tpu.memory_space<vmem>>
      %dma_start3A_298 = tpu.memref_squeeze %dma_start3A_297 : memref<1x128xf32, #tpu.memory_space<vmem>> -> memref<128xf32, #tpu.memory_space<vmem>>
      %dma_start3A_299 = arith.constant 0 : i32
      %dma_start3A_300 = tpu.memref_slice %arg9[%dma_start3A_295, %dma_start3A_299] : memref<16x128xi32, #tpu.memory_space<vmem>> -> memref<1x128xi32, #tpu.memory_space<vmem>>
      %dma_start3A_301 = tpu.memref_squeeze %dma_start3A_300 : memref<1x128xi32, #tpu.memory_space<vmem>> -> memref<128xi32, #tpu.memory_space<vmem>>
      %dma_start3A_302 = arith.constant 0 : i32
      %dma_start3A_303 = tpu.memref_slice %arg12[%dma_start3A_302] : memref<1048576xf32, #tpu.memory_space<vmem_shared>> -> memref<1048576xf32, #tpu.memory_space<vmem_shared>>
      tpu.enqueue_indirect_dma source(%dma_start3A_298 : memref<128xf32, #tpu.memory_space<vmem>>) target(%dma_start3A_303 : memref<1048576xf32, #tpu.memory_space<vmem_shared>>) offsets(%dma_start3A_301 : memref<128xi32, #tpu.memory_space<vmem>>) semaphore(%arg13 : memref<!tpu.dma_semaphore, #tpu.memory_space<semaphore_mem>>) {add = true}
      %dma_start3A_304 = arith.constant 3 : i32
      %dma_start3A_305 = arith.constant 3 : i32
      %dma_start3A_306 = arith.constant 0 : i32
      %dma_start3A_307 = tpu.memref_slice %arg10[%dma_start3A_304, %dma_start3A_306] : memref<16x128xf32, #tpu.memory_space<vmem>> -> memref<1x128xf32, #tpu.memory_space<vmem>>
      %dma_start3A_308 = tpu.memref_squeeze %dma_start3A_307 : memref<1x128xf32, #tpu.memory_space<vmem>> -> memref<128xf32, #tpu.memory_space<vmem>>
      %dma_start3A_309 = arith.constant 0 : i32
      %dma_start3A_310 = tpu.memref_slice %arg9[%dma_start3A_305, %dma_start3A_309] : memref<16x128xi32, #tpu.memory_space<vmem>> -> memref<1x128xi32, #tpu.memory_space<vmem>>
      %dma_start3A_311 = tpu.memref_squeeze %dma_start3A_310 : memref<1x128xi32, #tpu.memory_space<vmem>> -> memref<128xi32, #tpu.memory_space<vmem>>
      %dma_start3A_312 = arith.constant 0 : i32
      %dma_start3A_313 = tpu.memref_slice %arg12[%dma_start3A_312] : memref<1048576xf32, #tpu.memory_space<vmem_shared>> -> memref<1048576xf32, #tpu.memory_space<vmem_shared>>
      tpu.enqueue_indirect_dma source(%dma_start3A_308 : memref<128xf32, #tpu.memory_space<vmem>>) target(%dma_start3A_313 : memref<1048576xf32, #tpu.memory_space<vmem_shared>>) offsets(%dma_start3A_311 : memref<128xi32, #tpu.memory_space<vmem>>) semaphore(%arg13 : memref<!tpu.dma_semaphore, #tpu.memory_space<semaphore_mem>>) {add = true}
      %dma_start3A_314 = arith.constant 4 : i32
      %dma_start3A_315 = arith.constant 4 : i32
      %dma_start3A_316 = arith.constant 0 : i32
      %dma_start3A_317 = tpu.memref_slice %arg10[%dma_start3A_314, %dma_start3A_316] : memref<16x128xf32, #tpu.memory_space<vmem>> -> memref<1x128xf32, #tpu.memory_space<vmem>>
      %dma_start3A_318 = tpu.memref_squeeze %dma_start3A_317 : memref<1x128xf32, #tpu.memory_space<vmem>> -> memref<128xf32, #tpu.memory_space<vmem>>
      %dma_start3A_319 = arith.constant 0 : i32
      %dma_start3A_320 = tpu.memref_slice %arg9[%dma_start3A_315, %dma_start3A_319] : memref<16x128xi32, #tpu.memory_space<vmem>> -> memref<1x128xi32, #tpu.memory_space<vmem>>
      %dma_start3A_321 = tpu.memref_squeeze %dma_start3A_320 : memref<1x128xi32, #tpu.memory_space<vmem>> -> memref<128xi32, #tpu.memory_space<vmem>>
      %dma_start3A_322 = arith.constant 0 : i32
      %dma_start3A_323 = tpu.memref_slice %arg12[%dma_start3A_322] : memref<1048576xf32, #tpu.memory_space<vmem_shared>> -> memref<1048576xf32, #tpu.memory_space<vmem_shared>>
      tpu.enqueue_indirect_dma source(%dma_start3A_318 : memref<128xf32, #tpu.memory_space<vmem>>) target(%dma_start3A_323 : memref<1048576xf32, #tpu.memory_space<vmem_shared>>) offsets(%dma_start3A_321 : memref<128xi32, #tpu.memory_space<vmem>>) semaphore(%arg13 : memref<!tpu.dma_semaphore, #tpu.memory_space<semaphore_mem>>) {add = true}
      %dma_start3A_324 = arith.constant 5 : i32
      %dma_start3A_325 = arith.constant 5 : i32
      %dma_start3A_326 = arith.constant 0 : i32
      %dma_start3A_327 = tpu.memref_slice %arg10[%dma_start3A_324, %dma_start3A_326] : memref<16x128xf32, #tpu.memory_space<vmem>> -> memref<1x128xf32, #tpu.memory_space<vmem>>
      %dma_start3A_328 = tpu.memref_squeeze %dma_start3A_327 : memref<1x128xf32, #tpu.memory_space<vmem>> -> memref<128xf32, #tpu.memory_space<vmem>>
      %dma_start3A_329 = arith.constant 0 : i32
      %dma_start3A_330 = tpu.memref_slice %arg9[%dma_start3A_325, %dma_start3A_329] : memref<16x128xi32, #tpu.memory_space<vmem>> -> memref<1x128xi32, #tpu.memory_space<vmem>>
      %dma_start3A_331 = tpu.memref_squeeze %dma_start3A_330 : memref<1x128xi32, #tpu.memory_space<vmem>> -> memref<128xi32, #tpu.memory_space<vmem>>
      %dma_start3A_332 = arith.constant 0 : i32
      %dma_start3A_333 = tpu.memref_slice %arg12[%dma_start3A_332] : memref<1048576xf32, #tpu.memory_space<vmem_shared>> -> memref<1048576xf32, #tpu.memory_space<vmem_shared>>
      tpu.enqueue_indirect_dma source(%dma_start3A_328 : memref<128xf32, #tpu.memory_space<vmem>>) target(%dma_start3A_333 : memref<1048576xf32, #tpu.memory_space<vmem_shared>>) offsets(%dma_start3A_331 : memref<128xi32, #tpu.memory_space<vmem>>) semaphore(%arg13 : memref<!tpu.dma_semaphore, #tpu.memory_space<semaphore_mem>>) {add = true}
      %dma_start3A_334 = arith.constant 6 : i32
      %dma_start3A_335 = arith.constant 6 : i32
      %dma_start3A_336 = arith.constant 0 : i32
      %dma_start3A_337 = tpu.memref_slice %arg10[%dma_start3A_334, %dma_start3A_336] : memref<16x128xf32, #tpu.memory_space<vmem>> -> memref<1x128xf32, #tpu.memory_space<vmem>>
      %dma_start3A_338 = tpu.memref_squeeze %dma_start3A_337 : memref<1x128xf32, #tpu.memory_space<vmem>> -> memref<128xf32, #tpu.memory_space<vmem>>
      %dma_start3A_339 = arith.constant 0 : i32
      %dma_start3A_340 = tpu.memref_slice %arg9[%dma_start3A_335, %dma_start3A_339] : memref<16x128xi32, #tpu.memory_space<vmem>> -> memref<1x128xi32, #tpu.memory_space<vmem>>
      %dma_start3A_341 = tpu.memref_squeeze %dma_start3A_340 : memref<1x128xi32, #tpu.memory_space<vmem>> -> memref<128xi32, #tpu.memory_space<vmem>>
      %dma_start3A_342 = arith.constant 0 : i32
      %dma_start3A_343 = tpu.memref_slice %arg12[%dma_start3A_342] : memref<1048576xf32, #tpu.memory_space<vmem_shared>> -> memref<1048576xf32, #tpu.memory_space<vmem_shared>>
      tpu.enqueue_indirect_dma source(%dma_start3A_338 : memref<128xf32, #tpu.memory_space<vmem>>) target(%dma_start3A_343 : memref<1048576xf32, #tpu.memory_space<vmem_shared>>) offsets(%dma_start3A_341 : memref<128xi32, #tpu.memory_space<vmem>>) semaphore(%arg13 : memref<!tpu.dma_semaphore, #tpu.memory_space<semaphore_mem>>) {add = true}
      %dma_start3A_344 = arith.constant 7 : i32
      %dma_start3A_345 = arith.constant 7 : i32
      %dma_start3A_346 = arith.constant 0 : i32
      %dma_start3A_347 = tpu.memref_slice %arg10[%dma_start3A_344, %dma_start3A_346] : memref<16x128xf32, #tpu.memory_space<vmem>> -> memref<1x128xf32, #tpu.memory_space<vmem>>
      %dma_start3A_348 = tpu.memref_squeeze %dma_start3A_347 : memref<1x128xf32, #tpu.memory_space<vmem>> -> memref<128xf32, #tpu.memory_space<vmem>>
      %dma_start3A_349 = arith.constant 0 : i32
      %dma_start3A_350 = tpu.memref_slice %arg9[%dma_start3A_345, %dma_start3A_349] : memref<16x128xi32, #tpu.memory_space<vmem>> -> memref<1x128xi32, #tpu.memory_space<vmem>>
      %dma_start3A_351 = tpu.memref_squeeze %dma_start3A_350 : memref<1x128xi32, #tpu.memory_space<vmem>> -> memref<128xi32, #tpu.memory_space<vmem>>
      %dma_start3A_352 = arith.constant 0 : i32
      %dma_start3A_353 = tpu.memref_slice %arg12[%dma_start3A_352] : memref<1048576xf32, #tpu.memory_space<vmem_shared>> -> memref<1048576xf32, #tpu.memory_space<vmem_shared>>
      tpu.enqueue_indirect_dma source(%dma_start3A_348 : memref<128xf32, #tpu.memory_space<vmem>>) target(%dma_start3A_353 : memref<1048576xf32, #tpu.memory_space<vmem_shared>>) offsets(%dma_start3A_351 : memref<128xi32, #tpu.memory_space<vmem>>) semaphore(%arg13 : memref<!tpu.dma_semaphore, #tpu.memory_space<semaphore_mem>>) {add = true}
      %dma_start3A_354 = arith.constant 8 : i32
      %dma_start3A_355 = arith.constant 8 : i32
      %dma_start3A_356 = arith.constant 0 : i32
      %dma_start3A_357 = tpu.memref_slice %arg10[%dma_start3A_354, %dma_start3A_356] : memref<16x128xf32, #tpu.memory_space<vmem>> -> memref<1x128xf32, #tpu.memory_space<vmem>>
      %dma_start3A_358 = tpu.memref_squeeze %dma_start3A_357 : memref<1x128xf32, #tpu.memory_space<vmem>> -> memref<128xf32, #tpu.memory_space<vmem>>
      %dma_start3A_359 = arith.constant 0 : i32
      %dma_start3A_360 = tpu.memref_slice %arg9[%dma_start3A_355, %dma_start3A_359] : memref<16x128xi32, #tpu.memory_space<vmem>> -> memref<1x128xi32, #tpu.memory_space<vmem>>
      %dma_start3A_361 = tpu.memref_squeeze %dma_start3A_360 : memref<1x128xi32, #tpu.memory_space<vmem>> -> memref<128xi32, #tpu.memory_space<vmem>>
      %dma_start3A_362 = arith.constant 0 : i32
      %dma_start3A_363 = tpu.memref_slice %arg12[%dma_start3A_362] : memref<1048576xf32, #tpu.memory_space<vmem_shared>> -> memref<1048576xf32, #tpu.memory_space<vmem_shared>>
      tpu.enqueue_indirect_dma source(%dma_start3A_358 : memref<128xf32, #tpu.memory_space<vmem>>) target(%dma_start3A_363 : memref<1048576xf32, #tpu.memory_space<vmem_shared>>) offsets(%dma_start3A_361 : memref<128xi32, #tpu.memory_space<vmem>>) semaphore(%arg13 : memref<!tpu.dma_semaphore, #tpu.memory_space<semaphore_mem>>) {add = true}
      %dma_start3A_364 = arith.constant 9 : i32
      %dma_start3A_365 = arith.constant 9 : i32
      %dma_start3A_366 = arith.constant 0 : i32
      %dma_start3A_367 = tpu.memref_slice %arg10[%dma_start3A_364, %dma_start3A_366] : memref<16x128xf32, #tpu.memory_space<vmem>> -> memref<1x128xf32, #tpu.memory_space<vmem>>
      %dma_start3A_368 = tpu.memref_squeeze %dma_start3A_367 : memref<1x128xf32, #tpu.memory_space<vmem>> -> memref<128xf32, #tpu.memory_space<vmem>>
      %dma_start3A_369 = arith.constant 0 : i32
      %dma_start3A_370 = tpu.memref_slice %arg9[%dma_start3A_365, %dma_start3A_369] : memref<16x128xi32, #tpu.memory_space<vmem>> -> memref<1x128xi32, #tpu.memory_space<vmem>>
      %dma_start3A_371 = tpu.memref_squeeze %dma_start3A_370 : memref<1x128xi32, #tpu.memory_space<vmem>> -> memref<128xi32, #tpu.memory_space<vmem>>
      %dma_start3A_372 = arith.constant 0 : i32
      %dma_start3A_373 = tpu.memref_slice %arg12[%dma_start3A_372] : memref<1048576xf32, #tpu.memory_space<vmem_shared>> -> memref<1048576xf32, #tpu.memory_space<vmem_shared>>
      tpu.enqueue_indirect_dma source(%dma_start3A_368 : memref<128xf32, #tpu.memory_space<vmem>>) target(%dma_start3A_373 : memref<1048576xf32, #tpu.memory_space<vmem_shared>>) offsets(%dma_start3A_371 : memref<128xi32, #tpu.memory_space<vmem>>) semaphore(%arg13 : memref<!tpu.dma_semaphore, #tpu.memory_space<semaphore_mem>>) {add = true}
      %dma_start3A_374 = arith.constant 10 : i32
      %dma_start3A_375 = arith.constant 10 : i32
      %dma_start3A_376 = arith.constant 0 : i32
      %dma_start3A_377 = tpu.memref_slice %arg10[%dma_start3A_374, %dma_start3A_376] : memref<16x128xf32, #tpu.memory_space<vmem>> -> memref<1x128xf32, #tpu.memory_space<vmem>>
      %dma_start3A_378 = tpu.memref_squeeze %dma_start3A_377 : memref<1x128xf32, #tpu.memory_space<vmem>> -> memref<128xf32, #tpu.memory_space<vmem>>
      %dma_start3A_379 = arith.constant 0 : i32
      %dma_start3A_380 = tpu.memref_slice %arg9[%dma_start3A_375, %dma_start3A_379] : memref<16x128xi32, #tpu.memory_space<vmem>> -> memref<1x128xi32, #tpu.memory_space<vmem>>
      %dma_start3A_381 = tpu.memref_squeeze %dma_start3A_380 : memref<1x128xi32, #tpu.memory_space<vmem>> -> memref<128xi32, #tpu.memory_space<vmem>>
      %dma_start3A_382 = arith.constant 0 : i32
      %dma_start3A_383 = tpu.memref_slice %arg12[%dma_start3A_382] : memref<1048576xf32, #tpu.memory_space<vmem_shared>> -> memref<1048576xf32, #tpu.memory_space<vmem_shared>>
      tpu.enqueue_indirect_dma source(%dma_start3A_378 : memref<128xf32, #tpu.memory_space<vmem>>) target(%dma_start3A_383 : memref<1048576xf32, #tpu.memory_space<vmem_shared>>) offsets(%dma_start3A_381 : memref<128xi32, #tpu.memory_space<vmem>>) semaphore(%arg13 : memref<!tpu.dma_semaphore, #tpu.memory_space<semaphore_mem>>) {add = true}
      %dma_start3A_384 = arith.constant 11 : i32
      %dma_start3A_385 = arith.constant 11 : i32
      %dma_start3A_386 = arith.constant 0 : i32
      %dma_start3A_387 = tpu.memref_slice %arg10[%dma_start3A_384, %dma_start3A_386] : memref<16x128xf32, #tpu.memory_space<vmem>> -> memref<1x128xf32, #tpu.memory_space<vmem>>
      %dma_start3A_388 = tpu.memref_squeeze %dma_start3A_387 : memref<1x128xf32, #tpu.memory_space<vmem>> -> memref<128xf32, #tpu.memory_space<vmem>>
      %dma_start3A_389 = arith.constant 0 : i32
      %dma_start3A_390 = tpu.memref_slice %arg9[%dma_start3A_385, %dma_start3A_389] : memref<16x128xi32, #tpu.memory_space<vmem>> -> memref<1x128xi32, #tpu.memory_space<vmem>>
      %dma_start3A_391 = tpu.memref_squeeze %dma_start3A_390 : memref<1x128xi32, #tpu.memory_space<vmem>> -> memref<128xi32, #tpu.memory_space<vmem>>
      %dma_start3A_392 = arith.constant 0 : i32
      %dma_start3A_393 = tpu.memref_slice %arg12[%dma_start3A_392] : memref<1048576xf32, #tpu.memory_space<vmem_shared>> -> memref<1048576xf32, #tpu.memory_space<vmem_shared>>
      tpu.enqueue_indirect_dma source(%dma_start3A_388 : memref<128xf32, #tpu.memory_space<vmem>>) target(%dma_start3A_393 : memref<1048576xf32, #tpu.memory_space<vmem_shared>>) offsets(%dma_start3A_391 : memref<128xi32, #tpu.memory_space<vmem>>) semaphore(%arg13 : memref<!tpu.dma_semaphore, #tpu.memory_space<semaphore_mem>>) {add = true}
      %dma_start3A_394 = arith.constant 12 : i32
      %dma_start3A_395 = arith.constant 12 : i32
      %dma_start3A_396 = arith.constant 0 : i32
      %dma_start3A_397 = tpu.memref_slice %arg10[%dma_start3A_394, %dma_start3A_396] : memref<16x128xf32, #tpu.memory_space<vmem>> -> memref<1x128xf32, #tpu.memory_space<vmem>>
      %dma_start3A_398 = tpu.memref_squeeze %dma_start3A_397 : memref<1x128xf32, #tpu.memory_space<vmem>> -> memref<128xf32, #tpu.memory_space<vmem>>
      %dma_start3A_399 = arith.constant 0 : i32
      %dma_start3A_400 = tpu.memref_slice %arg9[%dma_start3A_395, %dma_start3A_399] : memref<16x128xi32, #tpu.memory_space<vmem>> -> memref<1x128xi32, #tpu.memory_space<vmem>>
      %dma_start3A_401 = tpu.memref_squeeze %dma_start3A_400 : memref<1x128xi32, #tpu.memory_space<vmem>> -> memref<128xi32, #tpu.memory_space<vmem>>
      %dma_start3A_402 = arith.constant 0 : i32
      %dma_start3A_403 = tpu.memref_slice %arg12[%dma_start3A_402] : memref<1048576xf32, #tpu.memory_space<vmem_shared>> -> memref<1048576xf32, #tpu.memory_space<vmem_shared>>
      tpu.enqueue_indirect_dma source(%dma_start3A_398 : memref<128xf32, #tpu.memory_space<vmem>>) target(%dma_start3A_403 : memref<1048576xf32, #tpu.memory_space<vmem_shared>>) offsets(%dma_start3A_401 : memref<128xi32, #tpu.memory_space<vmem>>) semaphore(%arg13 : memref<!tpu.dma_semaphore, #tpu.memory_space<semaphore_mem>>) {add = true}
      %dma_start3A_404 = arith.constant 13 : i32
      %dma_start3A_405 = arith.constant 13 : i32
      %dma_start3A_406 = arith.constant 0 : i32
      %dma_start3A_407 = tpu.memref_slice %arg10[%dma_start3A_404, %dma_start3A_406] : memref<16x128xf32, #tpu.memory_space<vmem>> -> memref<1x128xf32, #tpu.memory_space<vmem>>
      %dma_start3A_408 = tpu.memref_squeeze %dma_start3A_407 : memref<1x128xf32, #tpu.memory_space<vmem>> -> memref<128xf32, #tpu.memory_space<vmem>>
      %dma_start3A_409 = arith.constant 0 : i32
      %dma_start3A_410 = tpu.memref_slice %arg9[%dma_start3A_405, %dma_start3A_409] : memref<16x128xi32, #tpu.memory_space<vmem>> -> memref<1x128xi32, #tpu.memory_space<vmem>>
      %dma_start3A_411 = tpu.memref_squeeze %dma_start3A_410 : memref<1x128xi32, #tpu.memory_space<vmem>> -> memref<128xi32, #tpu.memory_space<vmem>>
      %dma_start3A_412 = arith.constant 0 : i32
      %dma_start3A_413 = tpu.memref_slice %arg12[%dma_start3A_412] : memref<1048576xf32, #tpu.memory_space<vmem_shared>> -> memref<1048576xf32, #tpu.memory_space<vmem_shared>>
      tpu.enqueue_indirect_dma source(%dma_start3A_408 : memref<128xf32, #tpu.memory_space<vmem>>) target(%dma_start3A_413 : memref<1048576xf32, #tpu.memory_space<vmem_shared>>) offsets(%dma_start3A_411 : memref<128xi32, #tpu.memory_space<vmem>>) semaphore(%arg13 : memref<!tpu.dma_semaphore, #tpu.memory_space<semaphore_mem>>) {add = true}
      %dma_start3A_414 = arith.constant 14 : i32
      %dma_start3A_415 = arith.constant 14 : i32
      %dma_start3A_416 = arith.constant 0 : i32
      %dma_start3A_417 = tpu.memref_slice %arg10[%dma_start3A_414, %dma_start3A_416] : memref<16x128xf32, #tpu.memory_space<vmem>> -> memref<1x128xf32, #tpu.memory_space<vmem>>
      %dma_start3A_418 = tpu.memref_squeeze %dma_start3A_417 : memref<1x128xf32, #tpu.memory_space<vmem>> -> memref<128xf32, #tpu.memory_space<vmem>>
      %dma_start3A_419 = arith.constant 0 : i32
      %dma_start3A_420 = tpu.memref_slice %arg9[%dma_start3A_415, %dma_start3A_419] : memref<16x128xi32, #tpu.memory_space<vmem>> -> memref<1x128xi32, #tpu.memory_space<vmem>>
      %dma_start3A_421 = tpu.memref_squeeze %dma_start3A_420 : memref<1x128xi32, #tpu.memory_space<vmem>> -> memref<128xi32, #tpu.memory_space<vmem>>
      %dma_start3A_422 = arith.constant 0 : i32
      %dma_start3A_423 = tpu.memref_slice %arg12[%dma_start3A_422] : memref<1048576xf32, #tpu.memory_space<vmem_shared>> -> memref<1048576xf32, #tpu.memory_space<vmem_shared>>
      tpu.enqueue_indirect_dma source(%dma_start3A_418 : memref<128xf32, #tpu.memory_space<vmem>>) target(%dma_start3A_423 : memref<1048576xf32, #tpu.memory_space<vmem_shared>>) offsets(%dma_start3A_421 : memref<128xi32, #tpu.memory_space<vmem>>) semaphore(%arg13 : memref<!tpu.dma_semaphore, #tpu.memory_space<semaphore_mem>>) {add = true}
      %dma_start3A_424 = arith.constant 15 : i32
      %dma_start3A_425 = arith.constant 15 : i32
      %dma_start3A_426 = arith.constant 0 : i32
      %dma_start3A_427 = tpu.memref_slice %arg10[%dma_start3A_424, %dma_start3A_426] : memref<16x128xf32, #tpu.memory_space<vmem>> -> memref<1x128xf32, #tpu.memory_space<vmem>>
      %dma_start3A_428 = tpu.memref_squeeze %dma_start3A_427 : memref<1x128xf32, #tpu.memory_space<vmem>> -> memref<128xf32, #tpu.memory_space<vmem>>
      %dma_start3A_429 = arith.constant 0 : i32
      %dma_start3A_430 = tpu.memref_slice %arg9[%dma_start3A_425, %dma_start3A_429] : memref<16x128xi32, #tpu.memory_space<vmem>> -> memref<1x128xi32, #tpu.memory_space<vmem>>
      %dma_start3A_431 = tpu.memref_squeeze %dma_start3A_430 : memref<1x128xi32, #tpu.memory_space<vmem>> -> memref<128xi32, #tpu.memory_space<vmem>>
      %dma_start3A_432 = arith.constant 0 : i32
      %dma_start3A_433 = tpu.memref_slice %arg12[%dma_start3A_432] : memref<1048576xf32, #tpu.memory_space<vmem_shared>> -> memref<1048576xf32, #tpu.memory_space<vmem_shared>>
      tpu.enqueue_indirect_dma source(%dma_start3A_428 : memref<128xf32, #tpu.memory_space<vmem>>) target(%dma_start3A_433 : memref<1048576xf32, #tpu.memory_space<vmem_shared>>) offsets(%dma_start3A_431 : memref<128xi32, #tpu.memory_space<vmem>>) semaphore(%arg13 : memref<!tpu.dma_semaphore, #tpu.memory_space<semaphore_mem>>) {add = true}
      %dma_wait3A = arith.constant 0 : i32
      %dma_wait3A_434 = arith.constant 0 : i32
      %dma_wait3A_435 = arith.constant 0 : i32
      %dma_wait3A_436 = tpu.memref_slice %arg10[%dma_wait3A, %dma_wait3A_435] : memref<16x128xf32, #tpu.memory_space<vmem>> -> memref<1x128xf32, #tpu.memory_space<vmem>>
      %dma_wait3A_437 = tpu.memref_squeeze %dma_wait3A_436 : memref<1x128xf32, #tpu.memory_space<vmem>> -> memref<128xf32, #tpu.memory_space<vmem>>
      %dma_wait3A_438 = arith.constant 0 : i32
      %dma_wait3A_439 = tpu.memref_slice %arg9[%dma_wait3A_434, %dma_wait3A_438] : memref<16x128xi32, #tpu.memory_space<vmem>> -> memref<1x128xi32, #tpu.memory_space<vmem>>
      %dma_wait3A_440 = tpu.memref_squeeze %dma_wait3A_439 : memref<1x128xi32, #tpu.memory_space<vmem>> -> memref<128xi32, #tpu.memory_space<vmem>>
      %dma_wait3A_441 = arith.constant 0 : i32
      %dma_wait3A_442 = tpu.memref_slice %arg12[%dma_wait3A_441] : memref<1048576xf32, #tpu.memory_space<vmem_shared>> -> memref<1048576xf32, #tpu.memory_space<vmem_shared>>
      tpu.wait_indirect_dma semaphore(%arg13 : memref<!tpu.dma_semaphore, #tpu.memory_space<semaphore_mem>>) src(%dma_wait3A_437 : memref<128xf32, #tpu.memory_space<vmem>>) dst(%dma_wait3A_442 : memref<1048576xf32, #tpu.memory_space<vmem_shared>>)
      %dma_wait3A_443 = arith.constant 1 : i32
      %dma_wait3A_444 = arith.constant 1 : i32
      %dma_wait3A_445 = arith.constant 0 : i32
      %dma_wait3A_446 = tpu.memref_slice %arg10[%dma_wait3A_443, %dma_wait3A_445] : memref<16x128xf32, #tpu.memory_space<vmem>> -> memref<1x128xf32, #tpu.memory_space<vmem>>
      %dma_wait3A_447 = tpu.memref_squeeze %dma_wait3A_446 : memref<1x128xf32, #tpu.memory_space<vmem>> -> memref<128xf32, #tpu.memory_space<vmem>>
      %dma_wait3A_448 = arith.constant 0 : i32
      %dma_wait3A_449 = tpu.memref_slice %arg9[%dma_wait3A_444, %dma_wait3A_448] : memref<16x128xi32, #tpu.memory_space<vmem>> -> memref<1x128xi32, #tpu.memory_space<vmem>>
      %dma_wait3A_450 = tpu.memref_squeeze %dma_wait3A_449 : memref<1x128xi32, #tpu.memory_space<vmem>> -> memref<128xi32, #tpu.memory_space<vmem>>
      %dma_wait3A_451 = arith.constant 0 : i32
      %dma_wait3A_452 = tpu.memref_slice %arg12[%dma_wait3A_451] : memref<1048576xf32, #tpu.memory_space<vmem_shared>> -> memref<1048576xf32, #tpu.memory_space<vmem_shared>>
      tpu.wait_indirect_dma semaphore(%arg13 : memref<!tpu.dma_semaphore, #tpu.memory_space<semaphore_mem>>) src(%dma_wait3A_447 : memref<128xf32, #tpu.memory_space<vmem>>) dst(%dma_wait3A_452 : memref<1048576xf32, #tpu.memory_space<vmem_shared>>)
      %dma_wait3A_453 = arith.constant 2 : i32
      %dma_wait3A_454 = arith.constant 2 : i32
      %dma_wait3A_455 = arith.constant 0 : i32
      %dma_wait3A_456 = tpu.memref_slice %arg10[%dma_wait3A_453, %dma_wait3A_455] : memref<16x128xf32, #tpu.memory_space<vmem>> -> memref<1x128xf32, #tpu.memory_space<vmem>>
      %dma_wait3A_457 = tpu.memref_squeeze %dma_wait3A_456 : memref<1x128xf32, #tpu.memory_space<vmem>> -> memref<128xf32, #tpu.memory_space<vmem>>
      %dma_wait3A_458 = arith.constant 0 : i32
      %dma_wait3A_459 = tpu.memref_slice %arg9[%dma_wait3A_454, %dma_wait3A_458] : memref<16x128xi32, #tpu.memory_space<vmem>> -> memref<1x128xi32, #tpu.memory_space<vmem>>
      %dma_wait3A_460 = tpu.memref_squeeze %dma_wait3A_459 : memref<1x128xi32, #tpu.memory_space<vmem>> -> memref<128xi32, #tpu.memory_space<vmem>>
      %dma_wait3A_461 = arith.constant 0 : i32
      %dma_wait3A_462 = tpu.memref_slice %arg12[%dma_wait3A_461] : memref<1048576xf32, #tpu.memory_space<vmem_shared>> -> memref<1048576xf32, #tpu.memory_space<vmem_shared>>
      tpu.wait_indirect_dma semaphore(%arg13 : memref<!tpu.dma_semaphore, #tpu.memory_space<semaphore_mem>>) src(%dma_wait3A_457 : memref<128xf32, #tpu.memory_space<vmem>>) dst(%dma_wait3A_462 : memref<1048576xf32, #tpu.memory_space<vmem_shared>>)
      %dma_wait3A_463 = arith.constant 3 : i32
      %dma_wait3A_464 = arith.constant 3 : i32
      %dma_wait3A_465 = arith.constant 0 : i32
      %dma_wait3A_466 = tpu.memref_slice %arg10[%dma_wait3A_463, %dma_wait3A_465] : memref<16x128xf32, #tpu.memory_space<vmem>> -> memref<1x128xf32, #tpu.memory_space<vmem>>
      %dma_wait3A_467 = tpu.memref_squeeze %dma_wait3A_466 : memref<1x128xf32, #tpu.memory_space<vmem>> -> memref<128xf32, #tpu.memory_space<vmem>>
      %dma_wait3A_468 = arith.constant 0 : i32
      %dma_wait3A_469 = tpu.memref_slice %arg9[%dma_wait3A_464, %dma_wait3A_468] : memref<16x128xi32, #tpu.memory_space<vmem>> -> memref<1x128xi32, #tpu.memory_space<vmem>>
      %dma_wait3A_470 = tpu.memref_squeeze %dma_wait3A_469 : memref<1x128xi32, #tpu.memory_space<vmem>> -> memref<128xi32, #tpu.memory_space<vmem>>
      %dma_wait3A_471 = arith.constant 0 : i32
      %dma_wait3A_472 = tpu.memref_slice %arg12[%dma_wait3A_471] : memref<1048576xf32, #tpu.memory_space<vmem_shared>> -> memref<1048576xf32, #tpu.memory_space<vmem_shared>>
      tpu.wait_indirect_dma semaphore(%arg13 : memref<!tpu.dma_semaphore, #tpu.memory_space<semaphore_mem>>) src(%dma_wait3A_467 : memref<128xf32, #tpu.memory_space<vmem>>) dst(%dma_wait3A_472 : memref<1048576xf32, #tpu.memory_space<vmem_shared>>)
      %dma_wait3A_473 = arith.constant 4 : i32
      %dma_wait3A_474 = arith.constant 4 : i32
      %dma_wait3A_475 = arith.constant 0 : i32
      %dma_wait3A_476 = tpu.memref_slice %arg10[%dma_wait3A_473, %dma_wait3A_475] : memref<16x128xf32, #tpu.memory_space<vmem>> -> memref<1x128xf32, #tpu.memory_space<vmem>>
      %dma_wait3A_477 = tpu.memref_squeeze %dma_wait3A_476 : memref<1x128xf32, #tpu.memory_space<vmem>> -> memref<128xf32, #tpu.memory_space<vmem>>
      %dma_wait3A_478 = arith.constant 0 : i32
      %dma_wait3A_479 = tpu.memref_slice %arg9[%dma_wait3A_474, %dma_wait3A_478] : memref<16x128xi32, #tpu.memory_space<vmem>> -> memref<1x128xi32, #tpu.memory_space<vmem>>
      %dma_wait3A_480 = tpu.memref_squeeze %dma_wait3A_479 : memref<1x128xi32, #tpu.memory_space<vmem>> -> memref<128xi32, #tpu.memory_space<vmem>>
      %dma_wait3A_481 = arith.constant 0 : i32
      %dma_wait3A_482 = tpu.memref_slice %arg12[%dma_wait3A_481] : memref<1048576xf32, #tpu.memory_space<vmem_shared>> -> memref<1048576xf32, #tpu.memory_space<vmem_shared>>
      tpu.wait_indirect_dma semaphore(%arg13 : memref<!tpu.dma_semaphore, #tpu.memory_space<semaphore_mem>>) src(%dma_wait3A_477 : memref<128xf32, #tpu.memory_space<vmem>>) dst(%dma_wait3A_482 : memref<1048576xf32, #tpu.memory_space<vmem_shared>>)
      %dma_wait3A_483 = arith.constant 5 : i32
      %dma_wait3A_484 = arith.constant 5 : i32
      %dma_wait3A_485 = arith.constant 0 : i32
      %dma_wait3A_486 = tpu.memref_slice %arg10[%dma_wait3A_483, %dma_wait3A_485] : memref<16x128xf32, #tpu.memory_space<vmem>> -> memref<1x128xf32, #tpu.memory_space<vmem>>
      %dma_wait3A_487 = tpu.memref_squeeze %dma_wait3A_486 : memref<1x128xf32, #tpu.memory_space<vmem>> -> memref<128xf32, #tpu.memory_space<vmem>>
      %dma_wait3A_488 = arith.constant 0 : i32
      %dma_wait3A_489 = tpu.memref_slice %arg9[%dma_wait3A_484, %dma_wait3A_488] : memref<16x128xi32, #tpu.memory_space<vmem>> -> memref<1x128xi32, #tpu.memory_space<vmem>>
      %dma_wait3A_490 = tpu.memref_squeeze %dma_wait3A_489 : memref<1x128xi32, #tpu.memory_space<vmem>> -> memref<128xi32, #tpu.memory_space<vmem>>
      %dma_wait3A_491 = arith.constant 0 : i32
      %dma_wait3A_492 = tpu.memref_slice %arg12[%dma_wait3A_491] : memref<1048576xf32, #tpu.memory_space<vmem_shared>> -> memref<1048576xf32, #tpu.memory_space<vmem_shared>>
      tpu.wait_indirect_dma semaphore(%arg13 : memref<!tpu.dma_semaphore, #tpu.memory_space<semaphore_mem>>) src(%dma_wait3A_487 : memref<128xf32, #tpu.memory_space<vmem>>) dst(%dma_wait3A_492 : memref<1048576xf32, #tpu.memory_space<vmem_shared>>)
      %dma_wait3A_493 = arith.constant 6 : i32
      %dma_wait3A_494 = arith.constant 6 : i32
      %dma_wait3A_495 = arith.constant 0 : i32
      %dma_wait3A_496 = tpu.memref_slice %arg10[%dma_wait3A_493, %dma_wait3A_495] : memref<16x128xf32, #tpu.memory_space<vmem>> -> memref<1x128xf32, #tpu.memory_space<vmem>>
      %dma_wait3A_497 = tpu.memref_squeeze %dma_wait3A_496 : memref<1x128xf32, #tpu.memory_space<vmem>> -> memref<128xf32, #tpu.memory_space<vmem>>
      %dma_wait3A_498 = arith.constant 0 : i32
      %dma_wait3A_499 = tpu.memref_slice %arg9[%dma_wait3A_494, %dma_wait3A_498] : memref<16x128xi32, #tpu.memory_space<vmem>> -> memref<1x128xi32, #tpu.memory_space<vmem>>
      %dma_wait3A_500 = tpu.memref_squeeze %dma_wait3A_499 : memref<1x128xi32, #tpu.memory_space<vmem>> -> memref<128xi32, #tpu.memory_space<vmem>>
      %dma_wait3A_501 = arith.constant 0 : i32
      %dma_wait3A_502 = tpu.memref_slice %arg12[%dma_wait3A_501] : memref<1048576xf32, #tpu.memory_space<vmem_shared>> -> memref<1048576xf32, #tpu.memory_space<vmem_shared>>
      tpu.wait_indirect_dma semaphore(%arg13 : memref<!tpu.dma_semaphore, #tpu.memory_space<semaphore_mem>>) src(%dma_wait3A_497 : memref<128xf32, #tpu.memory_space<vmem>>) dst(%dma_wait3A_502 : memref<1048576xf32, #tpu.memory_space<vmem_shared>>)
      %dma_wait3A_503 = arith.constant 7 : i32
      %dma_wait3A_504 = arith.constant 7 : i32
      %dma_wait3A_505 = arith.constant 0 : i32
      %dma_wait3A_506 = tpu.memref_slice %arg10[%dma_wait3A_503, %dma_wait3A_505] : memref<16x128xf32, #tpu.memory_space<vmem>> -> memref<1x128xf32, #tpu.memory_space<vmem>>
      %dma_wait3A_507 = tpu.memref_squeeze %dma_wait3A_506 : memref<1x128xf32, #tpu.memory_space<vmem>> -> memref<128xf32, #tpu.memory_space<vmem>>
      %dma_wait3A_508 = arith.constant 0 : i32
      %dma_wait3A_509 = tpu.memref_slice %arg9[%dma_wait3A_504, %dma_wait3A_508] : memref<16x128xi32, #tpu.memory_space<vmem>> -> memref<1x128xi32, #tpu.memory_space<vmem>>
      %dma_wait3A_510 = tpu.memref_squeeze %dma_wait3A_509 : memref<1x128xi32, #tpu.memory_space<vmem>> -> memref<128xi32, #tpu.memory_space<vmem>>
      %dma_wait3A_511 = arith.constant 0 : i32
      %dma_wait3A_512 = tpu.memref_slice %arg12[%dma_wait3A_511] : memref<1048576xf32, #tpu.memory_space<vmem_shared>> -> memref<1048576xf32, #tpu.memory_space<vmem_shared>>
      tpu.wait_indirect_dma semaphore(%arg13 : memref<!tpu.dma_semaphore, #tpu.memory_space<semaphore_mem>>) src(%dma_wait3A_507 : memref<128xf32, #tpu.memory_space<vmem>>) dst(%dma_wait3A_512 : memref<1048576xf32, #tpu.memory_space<vmem_shared>>)
      %dma_wait3A_513 = arith.constant 8 : i32
      %dma_wait3A_514 = arith.constant 8 : i32
      %dma_wait3A_515 = arith.constant 0 : i32
      %dma_wait3A_516 = tpu.memref_slice %arg10[%dma_wait3A_513, %dma_wait3A_515] : memref<16x128xf32, #tpu.memory_space<vmem>> -> memref<1x128xf32, #tpu.memory_space<vmem>>
      %dma_wait3A_517 = tpu.memref_squeeze %dma_wait3A_516 : memref<1x128xf32, #tpu.memory_space<vmem>> -> memref<128xf32, #tpu.memory_space<vmem>>
      %dma_wait3A_518 = arith.constant 0 : i32
      %dma_wait3A_519 = tpu.memref_slice %arg9[%dma_wait3A_514, %dma_wait3A_518] : memref<16x128xi32, #tpu.memory_space<vmem>> -> memref<1x128xi32, #tpu.memory_space<vmem>>
      %dma_wait3A_520 = tpu.memref_squeeze %dma_wait3A_519 : memref<1x128xi32, #tpu.memory_space<vmem>> -> memref<128xi32, #tpu.memory_space<vmem>>
      %dma_wait3A_521 = arith.constant 0 : i32
      %dma_wait3A_522 = tpu.memref_slice %arg12[%dma_wait3A_521] : memref<1048576xf32, #tpu.memory_space<vmem_shared>> -> memref<1048576xf32, #tpu.memory_space<vmem_shared>>
      tpu.wait_indirect_dma semaphore(%arg13 : memref<!tpu.dma_semaphore, #tpu.memory_space<semaphore_mem>>) src(%dma_wait3A_517 : memref<128xf32, #tpu.memory_space<vmem>>) dst(%dma_wait3A_522 : memref<1048576xf32, #tpu.memory_space<vmem_shared>>)
      %dma_wait3A_523 = arith.constant 9 : i32
      %dma_wait3A_524 = arith.constant 9 : i32
      %dma_wait3A_525 = arith.constant 0 : i32
      %dma_wait3A_526 = tpu.memref_slice %arg10[%dma_wait3A_523, %dma_wait3A_525] : memref<16x128xf32, #tpu.memory_space<vmem>> -> memref<1x128xf32, #tpu.memory_space<vmem>>
      %dma_wait3A_527 = tpu.memref_squeeze %dma_wait3A_526 : memref<1x128xf32, #tpu.memory_space<vmem>> -> memref<128xf32, #tpu.memory_space<vmem>>
      %dma_wait3A_528 = arith.constant 0 : i32
      %dma_wait3A_529 = tpu.memref_slice %arg9[%dma_wait3A_524, %dma_wait3A_528] : memref<16x128xi32, #tpu.memory_space<vmem>> -> memref<1x128xi32, #tpu.memory_space<vmem>>
      %dma_wait3A_530 = tpu.memref_squeeze %dma_wait3A_529 : memref<1x128xi32, #tpu.memory_space<vmem>> -> memref<128xi32, #tpu.memory_space<vmem>>
      %dma_wait3A_531 = arith.constant 0 : i32
      %dma_wait3A_532 = tpu.memref_slice %arg12[%dma_wait3A_531] : memref<1048576xf32, #tpu.memory_space<vmem_shared>> -> memref<1048576xf32, #tpu.memory_space<vmem_shared>>
      tpu.wait_indirect_dma semaphore(%arg13 : memref<!tpu.dma_semaphore, #tpu.memory_space<semaphore_mem>>) src(%dma_wait3A_527 : memref<128xf32, #tpu.memory_space<vmem>>) dst(%dma_wait3A_532 : memref<1048576xf32, #tpu.memory_space<vmem_shared>>)
      %dma_wait3A_533 = arith.constant 10 : i32
      %dma_wait3A_534 = arith.constant 10 : i32
      %dma_wait3A_535 = arith.constant 0 : i32
      %dma_wait3A_536 = tpu.memref_slice %arg10[%dma_wait3A_533, %dma_wait3A_535] : memref<16x128xf32, #tpu.memory_space<vmem>> -> memref<1x128xf32, #tpu.memory_space<vmem>>
      %dma_wait3A_537 = tpu.memref_squeeze %dma_wait3A_536 : memref<1x128xf32, #tpu.memory_space<vmem>> -> memref<128xf32, #tpu.memory_space<vmem>>
      %dma_wait3A_538 = arith.constant 0 : i32
      %dma_wait3A_539 = tpu.memref_slice %arg9[%dma_wait3A_534, %dma_wait3A_538] : memref<16x128xi32, #tpu.memory_space<vmem>> -> memref<1x128xi32, #tpu.memory_space<vmem>>
      %dma_wait3A_540 = tpu.memref_squeeze %dma_wait3A_539 : memref<1x128xi32, #tpu.memory_space<vmem>> -> memref<128xi32, #tpu.memory_space<vmem>>
      %dma_wait3A_541 = arith.constant 0 : i32
      %dma_wait3A_542 = tpu.memref_slice %arg12[%dma_wait3A_541] : memref<1048576xf32, #tpu.memory_space<vmem_shared>> -> memref<1048576xf32, #tpu.memory_space<vmem_shared>>
      tpu.wait_indirect_dma semaphore(%arg13 : memref<!tpu.dma_semaphore, #tpu.memory_space<semaphore_mem>>) src(%dma_wait3A_537 : memref<128xf32, #tpu.memory_space<vmem>>) dst(%dma_wait3A_542 : memref<1048576xf32, #tpu.memory_space<vmem_shared>>)
      %dma_wait3A_543 = arith.constant 11 : i32
      %dma_wait3A_544 = arith.constant 11 : i32
      %dma_wait3A_545 = arith.constant 0 : i32
      %dma_wait3A_546 = tpu.memref_slice %arg10[%dma_wait3A_543, %dma_wait3A_545] : memref<16x128xf32, #tpu.memory_space<vmem>> -> memref<1x128xf32, #tpu.memory_space<vmem>>
      %dma_wait3A_547 = tpu.memref_squeeze %dma_wait3A_546 : memref<1x128xf32, #tpu.memory_space<vmem>> -> memref<128xf32, #tpu.memory_space<vmem>>
      %dma_wait3A_548 = arith.constant 0 : i32
      %dma_wait3A_549 = tpu.memref_slice %arg9[%dma_wait3A_544, %dma_wait3A_548] : memref<16x128xi32, #tpu.memory_space<vmem>> -> memref<1x128xi32, #tpu.memory_space<vmem>>
      %dma_wait3A_550 = tpu.memref_squeeze %dma_wait3A_549 : memref<1x128xi32, #tpu.memory_space<vmem>> -> memref<128xi32, #tpu.memory_space<vmem>>
      %dma_wait3A_551 = arith.constant 0 : i32
      %dma_wait3A_552 = tpu.memref_slice %arg12[%dma_wait3A_551] : memref<1048576xf32, #tpu.memory_space<vmem_shared>> -> memref<1048576xf32, #tpu.memory_space<vmem_shared>>
      tpu.wait_indirect_dma semaphore(%arg13 : memref<!tpu.dma_semaphore, #tpu.memory_space<semaphore_mem>>) src(%dma_wait3A_547 : memref<128xf32, #tpu.memory_space<vmem>>) dst(%dma_wait3A_552 : memref<1048576xf32, #tpu.memory_space<vmem_shared>>)
      %dma_wait3A_553 = arith.constant 12 : i32
      %dma_wait3A_554 = arith.constant 12 : i32
      %dma_wait3A_555 = arith.constant 0 : i32
      %dma_wait3A_556 = tpu.memref_slice %arg10[%dma_wait3A_553, %dma_wait3A_555] : memref<16x128xf32, #tpu.memory_space<vmem>> -> memref<1x128xf32, #tpu.memory_space<vmem>>
      %dma_wait3A_557 = tpu.memref_squeeze %dma_wait3A_556 : memref<1x128xf32, #tpu.memory_space<vmem>> -> memref<128xf32, #tpu.memory_space<vmem>>
      %dma_wait3A_558 = arith.constant 0 : i32
      %dma_wait3A_559 = tpu.memref_slice %arg9[%dma_wait3A_554, %dma_wait3A_558] : memref<16x128xi32, #tpu.memory_space<vmem>> -> memref<1x128xi32, #tpu.memory_space<vmem>>
      %dma_wait3A_560 = tpu.memref_squeeze %dma_wait3A_559 : memref<1x128xi32, #tpu.memory_space<vmem>> -> memref<128xi32, #tpu.memory_space<vmem>>
      %dma_wait3A_561 = arith.constant 0 : i32
      %dma_wait3A_562 = tpu.memref_slice %arg12[%dma_wait3A_561] : memref<1048576xf32, #tpu.memory_space<vmem_shared>> -> memref<1048576xf32, #tpu.memory_space<vmem_shared>>
      tpu.wait_indirect_dma semaphore(%arg13 : memref<!tpu.dma_semaphore, #tpu.memory_space<semaphore_mem>>) src(%dma_wait3A_557 : memref<128xf32, #tpu.memory_space<vmem>>) dst(%dma_wait3A_562 : memref<1048576xf32, #tpu.memory_space<vmem_shared>>)
      %dma_wait3A_563 = arith.constant 13 : i32
      %dma_wait3A_564 = arith.constant 13 : i32
      %dma_wait3A_565 = arith.constant 0 : i32
      %dma_wait3A_566 = tpu.memref_slice %arg10[%dma_wait3A_563, %dma_wait3A_565] : memref<16x128xf32, #tpu.memory_space<vmem>> -> memref<1x128xf32, #tpu.memory_space<vmem>>
      %dma_wait3A_567 = tpu.memref_squeeze %dma_wait3A_566 : memref<1x128xf32, #tpu.memory_space<vmem>> -> memref<128xf32, #tpu.memory_space<vmem>>
      %dma_wait3A_568 = arith.constant 0 : i32
      %dma_wait3A_569 = tpu.memref_slice %arg9[%dma_wait3A_564, %dma_wait3A_568] : memref<16x128xi32, #tpu.memory_space<vmem>> -> memref<1x128xi32, #tpu.memory_space<vmem>>
      %dma_wait3A_570 = tpu.memref_squeeze %dma_wait3A_569 : memref<1x128xi32, #tpu.memory_space<vmem>> -> memref<128xi32, #tpu.memory_space<vmem>>
      %dma_wait3A_571 = arith.constant 0 : i32
      %dma_wait3A_572 = tpu.memref_slice %arg12[%dma_wait3A_571] : memref<1048576xf32, #tpu.memory_space<vmem_shared>> -> memref<1048576xf32, #tpu.memory_space<vmem_shared>>
      tpu.wait_indirect_dma semaphore(%arg13 : memref<!tpu.dma_semaphore, #tpu.memory_space<semaphore_mem>>) src(%dma_wait3A_567 : memref<128xf32, #tpu.memory_space<vmem>>) dst(%dma_wait3A_572 : memref<1048576xf32, #tpu.memory_space<vmem_shared>>)
      %dma_wait3A_573 = arith.constant 14 : i32
      %dma_wait3A_574 = arith.constant 14 : i32
      %dma_wait3A_575 = arith.constant 0 : i32
      %dma_wait3A_576 = tpu.memref_slice %arg10[%dma_wait3A_573, %dma_wait3A_575] : memref<16x128xf32, #tpu.memory_space<vmem>> -> memref<1x128xf32, #tpu.memory_space<vmem>>
      %dma_wait3A_577 = tpu.memref_squeeze %dma_wait3A_576 : memref<1x128xf32, #tpu.memory_space<vmem>> -> memref<128xf32, #tpu.memory_space<vmem>>
      %dma_wait3A_578 = arith.constant 0 : i32
      %dma_wait3A_579 = tpu.memref_slice %arg9[%dma_wait3A_574, %dma_wait3A_578] : memref<16x128xi32, #tpu.memory_space<vmem>> -> memref<1x128xi32, #tpu.memory_space<vmem>>
      %dma_wait3A_580 = tpu.memref_squeeze %dma_wait3A_579 : memref<1x128xi32, #tpu.memory_space<vmem>> -> memref<128xi32, #tpu.memory_space<vmem>>
      %dma_wait3A_581 = arith.constant 0 : i32
      %dma_wait3A_582 = tpu.memref_slice %arg12[%dma_wait3A_581] : memref<1048576xf32, #tpu.memory_space<vmem_shared>> -> memref<1048576xf32, #tpu.memory_space<vmem_shared>>
      tpu.wait_indirect_dma semaphore(%arg13 : memref<!tpu.dma_semaphore, #tpu.memory_space<semaphore_mem>>) src(%dma_wait3A_577 : memref<128xf32, #tpu.memory_space<vmem>>) dst(%dma_wait3A_582 : memref<1048576xf32, #tpu.memory_space<vmem_shared>>)
      %dma_wait3A_583 = arith.constant 15 : i32
      %dma_wait3A_584 = arith.constant 15 : i32
      %dma_wait3A_585 = arith.constant 0 : i32
      %dma_wait3A_586 = tpu.memref_slice %arg10[%dma_wait3A_583, %dma_wait3A_585] : memref<16x128xf32, #tpu.memory_space<vmem>> -> memref<1x128xf32, #tpu.memory_space<vmem>>
      %dma_wait3A_587 = tpu.memref_squeeze %dma_wait3A_586 : memref<1x128xf32, #tpu.memory_space<vmem>> -> memref<128xf32, #tpu.memory_space<vmem>>
      %dma_wait3A_588 = arith.constant 0 : i32
      %dma_wait3A_589 = tpu.memref_slice %arg9[%dma_wait3A_584, %dma_wait3A_588] : memref<16x128xi32, #tpu.memory_space<vmem>> -> memref<1x128xi32, #tpu.memory_space<vmem>>
      %dma_wait3A_590 = tpu.memref_squeeze %dma_wait3A_589 : memref<1x128xi32, #tpu.memory_space<vmem>> -> memref<128xi32, #tpu.memory_space<vmem>>
      %dma_wait3A_591 = arith.constant 0 : i32
      %dma_wait3A_592 = tpu.memref_slice %arg12[%dma_wait3A_591] : memref<1048576xf32, #tpu.memory_space<vmem_shared>> -> memref<1048576xf32, #tpu.memory_space<vmem_shared>>
      tpu.wait_indirect_dma semaphore(%arg13 : memref<!tpu.dma_semaphore, #tpu.memory_space<semaphore_mem>>) src(%dma_wait3A_587 : memref<128xf32, #tpu.memory_space<vmem>>) dst(%dma_wait3A_592 : memref<1048576xf32, #tpu.memory_space<vmem_shared>>)
      %while3A_593 = arith.constant 0 : i64
      scf.yield %while3A_593 : i64
    }
    %while3A_167 = arith.constant 1 : i32
    %while3A_168 = scf.for %while3A_234 = %while3A_164 to %while3A_160 step %while3A_167 iter_args(%while3A_235 = %while3A_166) -> (i64)  : i32 {
      %mul3A_236 = arith.constant 131072 : i32
      %mul3A_237 = arith.muli %arg1, %mul3A_236 : i32
      %mul3A_238 = arith.constant 2048 : i32
      %mul3A_239 = arith.muli %while3A_234, %mul3A_238 : i32
      %add3A_240 = arith.addi %mul3A_237, %mul3A_239 : i32
      %mul3A_241 = arith.constant 3 : i32
      %mul3A_242 = arith.muli %add3A_240, %mul3A_241 : i32
      %multiple_of3A_243 = tpu.assume_multiple %mul3A_242, 8 : i32
      "tpu.region"() ({
        %run_scoped3A = tpu.sem_alloc : memref<!tpu.dma_semaphore, #tpu.memory_space<semaphore_mem>>
        %dma_start3A_594 = tpu.memref_slice %arg4[%multiple_of3A_243] : memref<6291456xi32, #tpu.memory_space<hbm>> -> memref<6144xi32, #tpu.memory_space<hbm>>
        %dma_start3A_595 = tpu.memref_slice %arg4[%multiple_of3A_243] : memref<6291456xi32, #tpu.memory_space<hbm>> -> memref<6144xi32, #tpu.memory_space<hbm>>
        tpu.enqueue_dma source(%dma_start3A_595 : memref<6144xi32, #tpu.memory_space<hbm>>) target(%arg6 : memref<6144xi32, #tpu.memory_space<vmem>>) target_semaphore(%run_scoped3A : memref<!tpu.dma_semaphore, #tpu.memory_space<semaphore_mem>>)
        %dma_wait3A_596 = tpu.memref_slice %arg4[%multiple_of3A_243] : memref<6291456xi32, #tpu.memory_space<hbm>> -> memref<6144xi32, #tpu.memory_space<hbm>>
        %dma_wait3A_597 = tpu.memref_slice %arg4[%multiple_of3A_243] : memref<6291456xi32, #tpu.memory_space<hbm>> -> memref<6144xi32, #tpu.memory_space<hbm>>
        tpu.wait_dma2 semaphore(%run_scoped3A : memref<!tpu.dma_semaphore, #tpu.memory_space<semaphore_mem>>) src(%dma_wait3A_597 : memref<6144xi32, #tpu.memory_space<hbm>>) dst(%arg6 : memref<6144xi32, #tpu.memory_space<vmem>>)
        tpu.yield
      }) : () -> ()
      %multiple_of3A_244 = tpu.assume_multiple %add3A_240, 8 : i32
      "tpu.region"() ({
        %run_scoped3A = tpu.sem_alloc : memref<!tpu.dma_semaphore, #tpu.memory_space<semaphore_mem>>
        %dma_start3A_594 = tpu.memref_slice %arg3[%multiple_of3A_244] : memref<2097152xf32, #tpu.memory_space<hbm>> -> memref<2048xf32, #tpu.memory_space<hbm>>
        %dma_start3A_595 = tpu.memref_slice %arg3[%multiple_of3A_244] : memref<2097152xf32, #tpu.memory_space<hbm>> -> memref<2048xf32, #tpu.memory_space<hbm>>
        tpu.enqueue_dma source(%dma_start3A_595 : memref<2048xf32, #tpu.memory_space<hbm>>) target(%arg7 : memref<2048xf32, #tpu.memory_space<vmem>>) target_semaphore(%run_scoped3A : memref<!tpu.dma_semaphore, #tpu.memory_space<semaphore_mem>>)
        %dma_wait3A_596 = tpu.memref_slice %arg3[%multiple_of3A_244] : memref<2097152xf32, #tpu.memory_space<hbm>> -> memref<2048xf32, #tpu.memory_space<hbm>>
        %dma_wait3A_597 = tpu.memref_slice %arg3[%multiple_of3A_244] : memref<2097152xf32, #tpu.memory_space<hbm>> -> memref<2048xf32, #tpu.memory_space<hbm>>
        tpu.wait_dma2 semaphore(%run_scoped3A : memref<!tpu.dma_semaphore, #tpu.memory_space<semaphore_mem>>) src(%dma_wait3A_597 : memref<2048xf32, #tpu.memory_space<hbm>>) dst(%arg7 : memref<2048xf32, #tpu.memory_space<vmem>>)
        tpu.yield
      }) : () -> ()
      %jit3A = arith.constant 8 : i64
      %convert_element_type3A = arith.trunci %jit3A : i64 to i32
      %div3A = arith.divsi %add3A_240, %convert_element_type3A : i32
      %sign3A = arith.constant 0 : i32
      %sign3A_245 = arith.cmpi sgt, %add3A_240, %sign3A : i32
      %sign3A_246 = arith.extui %sign3A_245 : i1 to i32
      %sign3A_247 = arith.constant 0 : i32
      %sign3A_248 = arith.cmpi slt, %add3A_240, %sign3A_247 : i32
      %sign3A_249 = arith.extui %sign3A_248 : i1 to i32
      %sign3A_250 = arith.subi %sign3A_246, %sign3A_249 : i32
      %sign3A_251 = arith.constant 0 : i32
      %sign3A_252 = arith.cmpi sgt, %convert_element_type3A, %sign3A_251 : i32
      %sign3A_253 = arith.extui %sign3A_252 : i1 to i32
      %sign3A_254 = arith.constant 0 : i32
      %sign3A_255 = arith.cmpi slt, %convert_element_type3A, %sign3A_254 : i32
      %sign3A_256 = arith.extui %sign3A_255 : i1 to i32
      %sign3A_257 = arith.subi %sign3A_253, %sign3A_256 : i32
      %ne3A = arith.cmpi ne, %sign3A_250, %sign3A_257 : i32
      %rem3A = arith.remsi %add3A_240, %convert_element_type3A : i32
      %ne3A_258 = arith.constant 0 : i32
      %ne3A_259 = arith.cmpi ne, %rem3A, %ne3A_258 : i32
      %and3A = arith.andi %ne3A, %ne3A_259 : i1
      %sub3A = arith.constant 1 : i32
      %sub3A_260 = arith.subi %div3A, %sub3A : i32
      %select_n3A = arith.select %and3A, %sub3A_260, %div3A : i32
      %multiple_of3A_261 = tpu.assume_multiple %select_n3A, 8 : i32
      "tpu.region"() ({
        %run_scoped3A = tpu.sem_alloc : memref<!tpu.dma_semaphore, #tpu.memory_space<semaphore_mem>>
        %dma_start3A_594 = tpu.memref_slice %arg2[%multiple_of3A_261] : memref<262144xf32, #tpu.memory_space<hbm>> -> memref<256xf32, #tpu.memory_space<hbm>>
        %dma_start3A_595 = tpu.memref_slice %arg2[%multiple_of3A_261] : memref<262144xf32, #tpu.memory_space<hbm>> -> memref<256xf32, #tpu.memory_space<hbm>>
        tpu.enqueue_dma source(%dma_start3A_595 : memref<256xf32, #tpu.memory_space<hbm>>) target(%arg8 : memref<256xf32, #tpu.memory_space<vmem>>) target_semaphore(%run_scoped3A : memref<!tpu.dma_semaphore, #tpu.memory_space<semaphore_mem>>)
        %dma_wait3A_596 = tpu.memref_slice %arg2[%multiple_of3A_261] : memref<262144xf32, #tpu.memory_space<hbm>> -> memref<256xf32, #tpu.memory_space<hbm>>
        %dma_wait3A_597 = tpu.memref_slice %arg2[%multiple_of3A_261] : memref<262144xf32, #tpu.memory_space<hbm>> -> memref<256xf32, #tpu.memory_space<hbm>>
        tpu.wait_dma2 semaphore(%run_scoped3A : memref<!tpu.dma_semaphore, #tpu.memory_space<semaphore_mem>>) src(%dma_wait3A_597 : memref<256xf32, #tpu.memory_space<hbm>>) dst(%arg8 : memref<256xf32, #tpu.memory_space<vmem>>)
        tpu.yield
      }) : () -> ()
      %while3A_262 = arith.constant 0 : i32
      %while3A_263 = arith.constant 128 : i32
      %while3A_264 = arith.constant 0 : i64
      %while3A_265 = arith.subi %while3A_263, %while3A_262 : i32
      %while3A_266 = arith.addi %while3A_262, %while3A_265 : i32
      %while3A_267 = arith.constant 1 : i32
      %while3A_268 = arith.divsi %while3A_265, %while3A_267 : i32
      %while3A_269 = arith.muli %while3A_268, %while3A_267 : i32
      %while3A_270 = arith.addi %while3A_262, %while3A_269 : i32
      %while3A_271 = arith.constant 1 : i32
      %while3A_272 = scf.for %while3A_594 = %while3A_262 to %while3A_270 step %while3A_271 iter_args(%while3A_595 = %while3A_264) -> (i64)  : i32 {
        %mul3A_596 = arith.constant 16 : i32
        %mul3A_597 = arith.muli %while3A_594, %mul3A_596 : i32
        %add3A_598 = vector.broadcast %mul3A_597 : i32 to vector<16xi32>
        %add3A_599 = arith.addi %add3A_598, %iota3A : vector<16xi32>
        %mul3A_600 = arith.constant 3 : i32
        %mul3A_601 = vector.broadcast %mul3A_600 : i32 to vector<16xi32>
        %mul3A_602 = arith.muli %add3A_599, %mul3A_601 : vector<16xi32>
        %gather3A = tpu.vector_load_idx %arg6[%mul3A_602] : memref<6144xi32, #tpu.memory_space<vmem>>[vector<16xi32>], vector<16xi32>,
        %mul3A_603 = arith.constant 3 : i32
        %mul3A_604 = vector.broadcast %mul3A_603 : i32 to vector<16xi32>
        %mul3A_605 = arith.muli %add3A_599, %mul3A_604 : vector<16xi32>
        %add3A_606 = arith.constant 1 : i32
        %add3A_607 = vector.broadcast %add3A_606 : i32 to vector<16xi32>
        %add3A_608 = arith.addi %mul3A_605, %add3A_607 : vector<16xi32>
        %gather3A_609 = tpu.vector_load_idx %arg6[%add3A_608] : memref<6144xi32, #tpu.memory_space<vmem>>[vector<16xi32>], vector<16xi32>,
        %mul3A_610 = arith.constant 3 : i32
        %mul3A_611 = vector.broadcast %mul3A_610 : i32 to vector<16xi32>
        %mul3A_612 = arith.muli %add3A_599, %mul3A_611 : vector<16xi32>
        %add3A_613 = arith.constant 2 : i32
        %add3A_614 = vector.broadcast %add3A_613 : i32 to vector<16xi32>
        %add3A_615 = arith.addi %mul3A_612, %add3A_614 : vector<16xi32>
        %gather3A_616 = tpu.vector_load_idx %arg6[%add3A_615] : memref<6144xi32, #tpu.memory_space<vmem>>[vector<16xi32>], vector<16xi32>,
        %mul3A_617 = arith.constant 128 : i32
        %mul3A_618 = vector.broadcast %mul3A_617 : i32 to vector<16xi32>
        %mul3A_619 = arith.muli %gather3A, %mul3A_618 : vector<16xi32>
        %add3A_620 = arith.addi %mul3A_619, %gather3A_609 : vector<16xi32>
        %mul3A_621 = arith.constant 128 : i32
        %mul3A_622 = vector.broadcast %mul3A_621 : i32 to vector<16xi32>
        %mul3A_623 = arith.muli %add3A_620, %mul3A_622 : vector<16xi32>
        %add3A_624 = arith.addi %mul3A_623, %gather3A_616 : vector<16xi32>
        %sub3A_625 = arith.constant 1048576 : i32
        %sub3A_626 = vector.broadcast %sub3A_625 : i32 to vector<16xi32>
        %sub3A_627 = arith.subi %add3A_624, %sub3A_626 : vector<16xi32>
        %mul3A_628 = arith.constant 16 : i32
        %mul3A_629 = arith.muli %while3A_594, %mul3A_628 : i32
        %get3A = arith.index_cast %mul3A_629 : i32 to index
        %get3A_630 = tpu.vector_load %arg7[%get3A] {strides = array<i32>} : memref<2048xf32, #tpu.memory_space<vmem>>, vector<16xf32>,
        %shift_right_logical3A = arith.constant 3 : i32
        %shift_right_logical3A_631 = vector.broadcast %shift_right_logical3A : i32 to vector<16xi32>
        %shift_right_logical3A_632 = arith.shrui %add3A_599, %shift_right_logical3A_631 : vector<16xi32>
        %gather3A_633 = tpu.vector_load_idx %arg8[%shift_right_logical3A_632] : memref<256xf32, #tpu.memory_space<vmem>>[vector<16xi32>], vector<16xf32>,
        %mul3A_634 = arith.mulf %get3A_630, %gather3A_633 : vector<16xf32>
        %select_n3A_635 = arith.select %eq3A_3, %get3A_630, %mul3A_634 : vector<16xi1>, vector<16xf32>
        %ge3A = arith.constant 0 : i32
        %ge3A_636 = vector.broadcast %ge3A : i32 to vector<16xi32>
        %ge3A_637 = arith.cmpi sge, %sub3A_627, %ge3A_636 : vector<16xi32>
        %lt3A = arith.constant 1048576 : i32
        %lt3A_638 = vector.broadcast %lt3A : i32 to vector<16xi32>
        %lt3A_639 = arith.cmpi slt, %sub3A_627, %lt3A_638 : vector<16xi32>
        %and3A_640 = arith.andi %ge3A_637, %lt3A_639 : vector<16xi1>
        %shift_right_logical3A_641 = arith.constant 3 : i32
        %shift_right_logical3A_642 = arith.shrui %while3A_594, %shift_right_logical3A_641 : i32
        %and3A_643 = arith.constant 7 : i32
        %and3A_644 = arith.andi %while3A_594, %and3A_643 : i32
        %mul3A_645 = arith.constant 16 : i32
        %mul3A_646 = arith.muli %and3A_644, %mul3A_645 : i32
        %and3A_647 = arith.constant 1048575 : i32
        %and3A_648 = vector.broadcast %and3A_647 : i32 to vector<16xi32>
        %and3A_649 = arith.andi %sub3A_627, %and3A_648 : vector<16xi32>
        %swap3A = arith.index_cast %shift_right_logical3A_642 : i32 to index
        %swap3A_650 = arith.index_cast %mul3A_646 : i32 to index
        %swap3A_651 = tpu.vector_load %arg9[%swap3A, %swap3A_650] {strides = array<i32>} : memref<16x128xi32, #tpu.memory_space<vmem>>, vector<16xi32>,
        tpu.vector_store %arg9[%swap3A, %swap3A_650], %and3A_649 {strides = array<i32>} : memref<16x128xi32, #tpu.memory_space<vmem>>, vector<16xi32>,
        %jit3A_652 = arith.constant 0.000000e+00 : f64
        %convert_element_type3A_653 = arith.truncf %jit3A_652 : f64 to f32
        %broadcast_in_dim3A_654 = vector.broadcast %convert_element_type3A_653 : f32 to vector<16xf32>
        %select_n3A_655 = arith.select %and3A_640, %select_n3A_635, %broadcast_in_dim3A_654 : vector<16xi1>, vector<16xf32>
        %swap3A_656 = arith.index_cast %shift_right_logical3A_642 : i32 to index
        %swap3A_657 = arith.index_cast %mul3A_646 : i32 to index
        %swap3A_658 = tpu.vector_load %arg10[%swap3A_656, %swap3A_657] {strides = array<i32>} : memref<16x128xf32, #tpu.memory_space<vmem>>, vector<16xf32>,
        tpu.vector_store %arg10[%swap3A_656, %swap3A_657], %select_n3A_655 {strides = array<i32>} : memref<16x128xf32, #tpu.memory_space<vmem>>, vector<16xf32>,
        %while3A_659 = arith.constant 0 : i64
        scf.yield %while3A_659 : i64
      }
      %while3A_273 = arith.constant 1 : i32
      %while3A_274 = scf.for %while3A_594 = %while3A_270 to %while3A_266 step %while3A_273 iter_args(%while3A_595 = %while3A_272) -> (i64)  : i32 {
        %mul3A_596 = arith.constant 16 : i32
        %mul3A_597 = arith.muli %while3A_594, %mul3A_596 : i32
        %add3A_598 = vector.broadcast %mul3A_597 : i32 to vector<16xi32>
        %add3A_599 = arith.addi %add3A_598, %iota3A : vector<16xi32>
        %mul3A_600 = arith.constant 3 : i32
        %mul3A_601 = vector.broadcast %mul3A_600 : i32 to vector<16xi32>
        %mul3A_602 = arith.muli %add3A_599, %mul3A_601 : vector<16xi32>
        %gather3A = tpu.vector_load_idx %arg6[%mul3A_602] : memref<6144xi32, #tpu.memory_space<vmem>>[vector<16xi32>], vector<16xi32>,
        %mul3A_603 = arith.constant 3 : i32
        %mul3A_604 = vector.broadcast %mul3A_603 : i32 to vector<16xi32>
        %mul3A_605 = arith.muli %add3A_599, %mul3A_604 : vector<16xi32>
        %add3A_606 = arith.constant 1 : i32
        %add3A_607 = vector.broadcast %add3A_606 : i32 to vector<16xi32>
        %add3A_608 = arith.addi %mul3A_605, %add3A_607 : vector<16xi32>
        %gather3A_609 = tpu.vector_load_idx %arg6[%add3A_608] : memref<6144xi32, #tpu.memory_space<vmem>>[vector<16xi32>], vector<16xi32>,
        %mul3A_610 = arith.constant 3 : i32
        %mul3A_611 = vector.broadcast %mul3A_610 : i32 to vector<16xi32>
        %mul3A_612 = arith.muli %add3A_599, %mul3A_611 : vector<16xi32>
        %add3A_613 = arith.constant 2 : i32
        %add3A_614 = vector.broadcast %add3A_613 : i32 to vector<16xi32>
        %add3A_615 = arith.addi %mul3A_612, %add3A_614 : vector<16xi32>
        %gather3A_616 = tpu.vector_load_idx %arg6[%add3A_615] : memref<6144xi32, #tpu.memory_space<vmem>>[vector<16xi32>], vector<16xi32>,
        %mul3A_617 = arith.constant 128 : i32
        %mul3A_618 = vector.broadcast %mul3A_617 : i32 to vector<16xi32>
        %mul3A_619 = arith.muli %gather3A, %mul3A_618 : vector<16xi32>
        %add3A_620 = arith.addi %mul3A_619, %gather3A_609 : vector<16xi32>
        %mul3A_621 = arith.constant 128 : i32
        %mul3A_622 = vector.broadcast %mul3A_621 : i32 to vector<16xi32>
        %mul3A_623 = arith.muli %add3A_620, %mul3A_622 : vector<16xi32>
        %add3A_624 = arith.addi %mul3A_623, %gather3A_616 : vector<16xi32>
        %sub3A_625 = arith.constant 1048576 : i32
        %sub3A_626 = vector.broadcast %sub3A_625 : i32 to vector<16xi32>
        %sub3A_627 = arith.subi %add3A_624, %sub3A_626 : vector<16xi32>
        %mul3A_628 = arith.constant 16 : i32
        %mul3A_629 = arith.muli %while3A_594, %mul3A_628 : i32
        %get3A = arith.index_cast %mul3A_629 : i32 to index
        %get3A_630 = tpu.vector_load %arg7[%get3A] {strides = array<i32>} : memref<2048xf32, #tpu.memory_space<vmem>>, vector<16xf32>,
        %shift_right_logical3A = arith.constant 3 : i32
        %shift_right_logical3A_631 = vector.broadcast %shift_right_logical3A : i32 to vector<16xi32>
        %shift_right_logical3A_632 = arith.shrui %add3A_599, %shift_right_logical3A_631 : vector<16xi32>
        %gather3A_633 = tpu.vector_load_idx %arg8[%shift_right_logical3A_632] : memref<256xf32, #tpu.memory_space<vmem>>[vector<16xi32>], vector<16xf32>,
        %mul3A_634 = arith.mulf %get3A_630, %gather3A_633 : vector<16xf32>
        %select_n3A_635 = arith.select %eq3A_3, %get3A_630, %mul3A_634 : vector<16xi1>, vector<16xf32>
        %ge3A = arith.constant 0 : i32
        %ge3A_636 = vector.broadcast %ge3A : i32 to vector<16xi32>
        %ge3A_637 = arith.cmpi sge, %sub3A_627, %ge3A_636 : vector<16xi32>
        %lt3A = arith.constant 1048576 : i32
        %lt3A_638 = vector.broadcast %lt3A : i32 to vector<16xi32>
        %lt3A_639 = arith.cmpi slt, %sub3A_627, %lt3A_638 : vector<16xi32>
        %and3A_640 = arith.andi %ge3A_637, %lt3A_639 : vector<16xi1>
        %shift_right_logical3A_641 = arith.constant 3 : i32
        %shift_right_logical3A_642 = arith.shrui %while3A_594, %shift_right_logical3A_641 : i32
        %and3A_643 = arith.constant 7 : i32
        %and3A_644 = arith.andi %while3A_594, %and3A_643 : i32
        %mul3A_645 = arith.constant 16 : i32
        %mul3A_646 = arith.muli %and3A_644, %mul3A_645 : i32
        %and3A_647 = arith.constant 1048575 : i32
        %and3A_648 = vector.broadcast %and3A_647 : i32 to vector<16xi32>
        %and3A_649 = arith.andi %sub3A_627, %and3A_648 : vector<16xi32>
        %swap3A = arith.index_cast %shift_right_logical3A_642 : i32 to index
        %swap3A_650 = arith.index_cast %mul3A_646 : i32 to index
        %swap3A_651 = tpu.vector_load %arg9[%swap3A, %swap3A_650] {strides = array<i32>} : memref<16x128xi32, #tpu.memory_space<vmem>>, vector<16xi32>,
        tpu.vector_store %arg9[%swap3A, %swap3A_650], %and3A_649 {strides = array<i32>} : memref<16x128xi32, #tpu.memory_space<vmem>>, vector<16xi32>,
        %jit3A_652 = arith.constant 0.000000e+00 : f64
        %convert_element_type3A_653 = arith.truncf %jit3A_652 : f64 to f32
        %broadcast_in_dim3A_654 = vector.broadcast %convert_element_type3A_653 : f32 to vector<16xf32>
        %select_n3A_655 = arith.select %and3A_640, %select_n3A_635, %broadcast_in_dim3A_654 : vector<16xi1>, vector<16xf32>
        %swap3A_656 = arith.index_cast %shift_right_logical3A_642 : i32 to index
        %swap3A_657 = arith.index_cast %mul3A_646 : i32 to index
        %swap3A_658 = tpu.vector_load %arg10[%swap3A_656, %swap3A_657] {strides = array<i32>} : memref<16x128xf32, #tpu.memory_space<vmem>>, vector<16xf32>,
        tpu.vector_store %arg10[%swap3A_656, %swap3A_657], %select_n3A_655 {strides = array<i32>} : memref<16x128xf32, #tpu.memory_space<vmem>>, vector<16xf32>,
        %while3A_659 = arith.constant 0 : i64
        scf.yield %while3A_659 : i64
      }
      %dma_start3A = arith.constant 0 : i32
      %dma_start3A_275 = arith.constant 0 : i32
      %dma_start3A_276 = arith.constant 0 : i32
      %dma_start3A_277 = tpu.memref_slice %arg10[%dma_start3A, %dma_start3A_276] : memref<16x128xf32, #tpu.memory_space<vmem>> -> memref<1x128xf32, #tpu.memory_space<vmem>>
      %dma_start3A_278 = tpu.memref_squeeze %dma_start3A_277 : memref<1x128xf32, #tpu.memory_space<vmem>> -> memref<128xf32, #tpu.memory_space<vmem>>
      %dma_start3A_279 = arith.constant 0 : i32
      %dma_start3A_280 = tpu.memref_slice %arg9[%dma_start3A_275, %dma_start3A_279] : memref<16x128xi32, #tpu.memory_space<vmem>> -> memref<1x128xi32, #tpu.memory_space<vmem>>
      %dma_start3A_281 = tpu.memref_squeeze %dma_start3A_280 : memref<1x128xi32, #tpu.memory_space<vmem>> -> memref<128xi32, #tpu.memory_space<vmem>>
      %dma_start3A_282 = arith.constant 0 : i32
      %dma_start3A_283 = tpu.memref_slice %arg12[%dma_start3A_282] : memref<1048576xf32, #tpu.memory_space<vmem_shared>> -> memref<1048576xf32, #tpu.memory_space<vmem_shared>>
      tpu.enqueue_indirect_dma source(%dma_start3A_278 : memref<128xf32, #tpu.memory_space<vmem>>) target(%dma_start3A_283 : memref<1048576xf32, #tpu.memory_space<vmem_shared>>) offsets(%dma_start3A_281 : memref<128xi32, #tpu.memory_space<vmem>>) semaphore(%arg13 : memref<!tpu.dma_semaphore, #tpu.memory_space<semaphore_mem>>) {add = true}
      %dma_start3A_284 = arith.constant 1 : i32
      %dma_start3A_285 = arith.constant 1 : i32
      %dma_start3A_286 = arith.constant 0 : i32
      %dma_start3A_287 = tpu.memref_slice %arg10[%dma_start3A_284, %dma_start3A_286] : memref<16x128xf32, #tpu.memory_space<vmem>> -> memref<1x128xf32, #tpu.memory_space<vmem>>
      %dma_start3A_288 = tpu.memref_squeeze %dma_start3A_287 : memref<1x128xf32, #tpu.memory_space<vmem>> -> memref<128xf32, #tpu.memory_space<vmem>>
      %dma_start3A_289 = arith.constant 0 : i32
      %dma_start3A_290 = tpu.memref_slice %arg9[%dma_start3A_285, %dma_start3A_289] : memref<16x128xi32, #tpu.memory_space<vmem>> -> memref<1x128xi32, #tpu.memory_space<vmem>>
      %dma_start3A_291 = tpu.memref_squeeze %dma_start3A_290 : memref<1x128xi32, #tpu.memory_space<vmem>> -> memref<128xi32, #tpu.memory_space<vmem>>
      %dma_start3A_292 = arith.constant 0 : i32
      %dma_start3A_293 = tpu.memref_slice %arg12[%dma_start3A_292] : memref<1048576xf32, #tpu.memory_space<vmem_shared>> -> memref<1048576xf32, #tpu.memory_space<vmem_shared>>
      tpu.enqueue_indirect_dma source(%dma_start3A_288 : memref<128xf32, #tpu.memory_space<vmem>>) target(%dma_start3A_293 : memref<1048576xf32, #tpu.memory_space<vmem_shared>>) offsets(%dma_start3A_291 : memref<128xi32, #tpu.memory_space<vmem>>) semaphore(%arg13 : memref<!tpu.dma_semaphore, #tpu.memory_space<semaphore_mem>>) {add = true}
      %dma_start3A_294 = arith.constant 2 : i32
      %dma_start3A_295 = arith.constant 2 : i32
      %dma_start3A_296 = arith.constant 0 : i32
      %dma_start3A_297 = tpu.memref_slice %arg10[%dma_start3A_294, %dma_start3A_296] : memref<16x128xf32, #tpu.memory_space<vmem>> -> memref<1x128xf32, #tpu.memory_space<vmem>>
      %dma_start3A_298 = tpu.memref_squeeze %dma_start3A_297 : memref<1x128xf32, #tpu.memory_space<vmem>> -> memref<128xf32, #tpu.memory_space<vmem>>
      %dma_start3A_299 = arith.constant 0 : i32
      %dma_start3A_300 = tpu.memref_slice %arg9[%dma_start3A_295, %dma_start3A_299] : memref<16x128xi32, #tpu.memory_space<vmem>> -> memref<1x128xi32, #tpu.memory_space<vmem>>
      %dma_start3A_301 = tpu.memref_squeeze %dma_start3A_300 : memref<1x128xi32, #tpu.memory_space<vmem>> -> memref<128xi32, #tpu.memory_space<vmem>>
      %dma_start3A_302 = arith.constant 0 : i32
      %dma_start3A_303 = tpu.memref_slice %arg12[%dma_start3A_302] : memref<1048576xf32, #tpu.memory_space<vmem_shared>> -> memref<1048576xf32, #tpu.memory_space<vmem_shared>>
      tpu.enqueue_indirect_dma source(%dma_start3A_298 : memref<128xf32, #tpu.memory_space<vmem>>) target(%dma_start3A_303 : memref<1048576xf32, #tpu.memory_space<vmem_shared>>) offsets(%dma_start3A_301 : memref<128xi32, #tpu.memory_space<vmem>>) semaphore(%arg13 : memref<!tpu.dma_semaphore, #tpu.memory_space<semaphore_mem>>) {add = true}
      %dma_start3A_304 = arith.constant 3 : i32
      %dma_start3A_305 = arith.constant 3 : i32
      %dma_start3A_306 = arith.constant 0 : i32
      %dma_start3A_307 = tpu.memref_slice %arg10[%dma_start3A_304, %dma_start3A_306] : memref<16x128xf32, #tpu.memory_space<vmem>> -> memref<1x128xf32, #tpu.memory_space<vmem>>
      %dma_start3A_308 = tpu.memref_squeeze %dma_start3A_307 : memref<1x128xf32, #tpu.memory_space<vmem>> -> memref<128xf32, #tpu.memory_space<vmem>>
      %dma_start3A_309 = arith.constant 0 : i32
      %dma_start3A_310 = tpu.memref_slice %arg9[%dma_start3A_305, %dma_start3A_309] : memref<16x128xi32, #tpu.memory_space<vmem>> -> memref<1x128xi32, #tpu.memory_space<vmem>>
      %dma_start3A_311 = tpu.memref_squeeze %dma_start3A_310 : memref<1x128xi32, #tpu.memory_space<vmem>> -> memref<128xi32, #tpu.memory_space<vmem>>
      %dma_start3A_312 = arith.constant 0 : i32
      %dma_start3A_313 = tpu.memref_slice %arg12[%dma_start3A_312] : memref<1048576xf32, #tpu.memory_space<vmem_shared>> -> memref<1048576xf32, #tpu.memory_space<vmem_shared>>
      tpu.enqueue_indirect_dma source(%dma_start3A_308 : memref<128xf32, #tpu.memory_space<vmem>>) target(%dma_start3A_313 : memref<1048576xf32, #tpu.memory_space<vmem_shared>>) offsets(%dma_start3A_311 : memref<128xi32, #tpu.memory_space<vmem>>) semaphore(%arg13 : memref<!tpu.dma_semaphore, #tpu.memory_space<semaphore_mem>>) {add = true}
      %dma_start3A_314 = arith.constant 4 : i32
      %dma_start3A_315 = arith.constant 4 : i32
      %dma_start3A_316 = arith.constant 0 : i32
      %dma_start3A_317 = tpu.memref_slice %arg10[%dma_start3A_314, %dma_start3A_316] : memref<16x128xf32, #tpu.memory_space<vmem>> -> memref<1x128xf32, #tpu.memory_space<vmem>>
      %dma_start3A_318 = tpu.memref_squeeze %dma_start3A_317 : memref<1x128xf32, #tpu.memory_space<vmem>> -> memref<128xf32, #tpu.memory_space<vmem>>
      %dma_start3A_319 = arith.constant 0 : i32
      %dma_start3A_320 = tpu.memref_slice %arg9[%dma_start3A_315, %dma_start3A_319] : memref<16x128xi32, #tpu.memory_space<vmem>> -> memref<1x128xi32, #tpu.memory_space<vmem>>
      %dma_start3A_321 = tpu.memref_squeeze %dma_start3A_320 : memref<1x128xi32, #tpu.memory_space<vmem>> -> memref<128xi32, #tpu.memory_space<vmem>>
      %dma_start3A_322 = arith.constant 0 : i32
      %dma_start3A_323 = tpu.memref_slice %arg12[%dma_start3A_322] : memref<1048576xf32, #tpu.memory_space<vmem_shared>> -> memref<1048576xf32, #tpu.memory_space<vmem_shared>>
      tpu.enqueue_indirect_dma source(%dma_start3A_318 : memref<128xf32, #tpu.memory_space<vmem>>) target(%dma_start3A_323 : memref<1048576xf32, #tpu.memory_space<vmem_shared>>) offsets(%dma_start3A_321 : memref<128xi32, #tpu.memory_space<vmem>>) semaphore(%arg13 : memref<!tpu.dma_semaphore, #tpu.memory_space<semaphore_mem>>) {add = true}
      %dma_start3A_324 = arith.constant 5 : i32
      %dma_start3A_325 = arith.constant 5 : i32
      %dma_start3A_326 = arith.constant 0 : i32
      %dma_start3A_327 = tpu.memref_slice %arg10[%dma_start3A_324, %dma_start3A_326] : memref<16x128xf32, #tpu.memory_space<vmem>> -> memref<1x128xf32, #tpu.memory_space<vmem>>
      %dma_start3A_328 = tpu.memref_squeeze %dma_start3A_327 : memref<1x128xf32, #tpu.memory_space<vmem>> -> memref<128xf32, #tpu.memory_space<vmem>>
      %dma_start3A_329 = arith.constant 0 : i32
      %dma_start3A_330 = tpu.memref_slice %arg9[%dma_start3A_325, %dma_start3A_329] : memref<16x128xi32, #tpu.memory_space<vmem>> -> memref<1x128xi32, #tpu.memory_space<vmem>>
      %dma_start3A_331 = tpu.memref_squeeze %dma_start3A_330 : memref<1x128xi32, #tpu.memory_space<vmem>> -> memref<128xi32, #tpu.memory_space<vmem>>
      %dma_start3A_332 = arith.constant 0 : i32
      %dma_start3A_333 = tpu.memref_slice %arg12[%dma_start3A_332] : memref<1048576xf32, #tpu.memory_space<vmem_shared>> -> memref<1048576xf32, #tpu.memory_space<vmem_shared>>
      tpu.enqueue_indirect_dma source(%dma_start3A_328 : memref<128xf32, #tpu.memory_space<vmem>>) target(%dma_start3A_333 : memref<1048576xf32, #tpu.memory_space<vmem_shared>>) offsets(%dma_start3A_331 : memref<128xi32, #tpu.memory_space<vmem>>) semaphore(%arg13 : memref<!tpu.dma_semaphore, #tpu.memory_space<semaphore_mem>>) {add = true}
      %dma_start3A_334 = arith.constant 6 : i32
      %dma_start3A_335 = arith.constant 6 : i32
      %dma_start3A_336 = arith.constant 0 : i32
      %dma_start3A_337 = tpu.memref_slice %arg10[%dma_start3A_334, %dma_start3A_336] : memref<16x128xf32, #tpu.memory_space<vmem>> -> memref<1x128xf32, #tpu.memory_space<vmem>>
      %dma_start3A_338 = tpu.memref_squeeze %dma_start3A_337 : memref<1x128xf32, #tpu.memory_space<vmem>> -> memref<128xf32, #tpu.memory_space<vmem>>
      %dma_start3A_339 = arith.constant 0 : i32
      %dma_start3A_340 = tpu.memref_slice %arg9[%dma_start3A_335, %dma_start3A_339] : memref<16x128xi32, #tpu.memory_space<vmem>> -> memref<1x128xi32, #tpu.memory_space<vmem>>
      %dma_start3A_341 = tpu.memref_squeeze %dma_start3A_340 : memref<1x128xi32, #tpu.memory_space<vmem>> -> memref<128xi32, #tpu.memory_space<vmem>>
      %dma_start3A_342 = arith.constant 0 : i32
      %dma_start3A_343 = tpu.memref_slice %arg12[%dma_start3A_342] : memref<1048576xf32, #tpu.memory_space<vmem_shared>> -> memref<1048576xf32, #tpu.memory_space<vmem_shared>>
      tpu.enqueue_indirect_dma source(%dma_start3A_338 : memref<128xf32, #tpu.memory_space<vmem>>) target(%dma_start3A_343 : memref<1048576xf32, #tpu.memory_space<vmem_shared>>) offsets(%dma_start3A_341 : memref<128xi32, #tpu.memory_space<vmem>>) semaphore(%arg13 : memref<!tpu.dma_semaphore, #tpu.memory_space<semaphore_mem>>) {add = true}
      %dma_start3A_344 = arith.constant 7 : i32
      %dma_start3A_345 = arith.constant 7 : i32
      %dma_start3A_346 = arith.constant 0 : i32
      %dma_start3A_347 = tpu.memref_slice %arg10[%dma_start3A_344, %dma_start3A_346] : memref<16x128xf32, #tpu.memory_space<vmem>> -> memref<1x128xf32, #tpu.memory_space<vmem>>
      %dma_start3A_348 = tpu.memref_squeeze %dma_start3A_347 : memref<1x128xf32, #tpu.memory_space<vmem>> -> memref<128xf32, #tpu.memory_space<vmem>>
      %dma_start3A_349 = arith.constant 0 : i32
      %dma_start3A_350 = tpu.memref_slice %arg9[%dma_start3A_345, %dma_start3A_349] : memref<16x128xi32, #tpu.memory_space<vmem>> -> memref<1x128xi32, #tpu.memory_space<vmem>>
      %dma_start3A_351 = tpu.memref_squeeze %dma_start3A_350 : memref<1x128xi32, #tpu.memory_space<vmem>> -> memref<128xi32, #tpu.memory_space<vmem>>
      %dma_start3A_352 = arith.constant 0 : i32
      %dma_start3A_353 = tpu.memref_slice %arg12[%dma_start3A_352] : memref<1048576xf32, #tpu.memory_space<vmem_shared>> -> memref<1048576xf32, #tpu.memory_space<vmem_shared>>
      tpu.enqueue_indirect_dma source(%dma_start3A_348 : memref<128xf32, #tpu.memory_space<vmem>>) target(%dma_start3A_353 : memref<1048576xf32, #tpu.memory_space<vmem_shared>>) offsets(%dma_start3A_351 : memref<128xi32, #tpu.memory_space<vmem>>) semaphore(%arg13 : memref<!tpu.dma_semaphore, #tpu.memory_space<semaphore_mem>>) {add = true}
      %dma_start3A_354 = arith.constant 8 : i32
      %dma_start3A_355 = arith.constant 8 : i32
      %dma_start3A_356 = arith.constant 0 : i32
      %dma_start3A_357 = tpu.memref_slice %arg10[%dma_start3A_354, %dma_start3A_356] : memref<16x128xf32, #tpu.memory_space<vmem>> -> memref<1x128xf32, #tpu.memory_space<vmem>>
      %dma_start3A_358 = tpu.memref_squeeze %dma_start3A_357 : memref<1x128xf32, #tpu.memory_space<vmem>> -> memref<128xf32, #tpu.memory_space<vmem>>
      %dma_start3A_359 = arith.constant 0 : i32
      %dma_start3A_360 = tpu.memref_slice %arg9[%dma_start3A_355, %dma_start3A_359] : memref<16x128xi32, #tpu.memory_space<vmem>> -> memref<1x128xi32, #tpu.memory_space<vmem>>
      %dma_start3A_361 = tpu.memref_squeeze %dma_start3A_360 : memref<1x128xi32, #tpu.memory_space<vmem>> -> memref<128xi32, #tpu.memory_space<vmem>>
      %dma_start3A_362 = arith.constant 0 : i32
      %dma_start3A_363 = tpu.memref_slice %arg12[%dma_start3A_362] : memref<1048576xf32, #tpu.memory_space<vmem_shared>> -> memref<1048576xf32, #tpu.memory_space<vmem_shared>>
      tpu.enqueue_indirect_dma source(%dma_start3A_358 : memref<128xf32, #tpu.memory_space<vmem>>) target(%dma_start3A_363 : memref<1048576xf32, #tpu.memory_space<vmem_shared>>) offsets(%dma_start3A_361 : memref<128xi32, #tpu.memory_space<vmem>>) semaphore(%arg13 : memref<!tpu.dma_semaphore, #tpu.memory_space<semaphore_mem>>) {add = true}
      %dma_start3A_364 = arith.constant 9 : i32
      %dma_start3A_365 = arith.constant 9 : i32
      %dma_start3A_366 = arith.constant 0 : i32
      %dma_start3A_367 = tpu.memref_slice %arg10[%dma_start3A_364, %dma_start3A_366] : memref<16x128xf32, #tpu.memory_space<vmem>> -> memref<1x128xf32, #tpu.memory_space<vmem>>
      %dma_start3A_368 = tpu.memref_squeeze %dma_start3A_367 : memref<1x128xf32, #tpu.memory_space<vmem>> -> memref<128xf32, #tpu.memory_space<vmem>>
      %dma_start3A_369 = arith.constant 0 : i32
      %dma_start3A_370 = tpu.memref_slice %arg9[%dma_start3A_365, %dma_start3A_369] : memref<16x128xi32, #tpu.memory_space<vmem>> -> memref<1x128xi32, #tpu.memory_space<vmem>>
      %dma_start3A_371 = tpu.memref_squeeze %dma_start3A_370 : memref<1x128xi32, #tpu.memory_space<vmem>> -> memref<128xi32, #tpu.memory_space<vmem>>
      %dma_start3A_372 = arith.constant 0 : i32
      %dma_start3A_373 = tpu.memref_slice %arg12[%dma_start3A_372] : memref<1048576xf32, #tpu.memory_space<vmem_shared>> -> memref<1048576xf32, #tpu.memory_space<vmem_shared>>
      tpu.enqueue_indirect_dma source(%dma_start3A_368 : memref<128xf32, #tpu.memory_space<vmem>>) target(%dma_start3A_373 : memref<1048576xf32, #tpu.memory_space<vmem_shared>>) offsets(%dma_start3A_371 : memref<128xi32, #tpu.memory_space<vmem>>) semaphore(%arg13 : memref<!tpu.dma_semaphore, #tpu.memory_space<semaphore_mem>>) {add = true}
      %dma_start3A_374 = arith.constant 10 : i32
      %dma_start3A_375 = arith.constant 10 : i32
      %dma_start3A_376 = arith.constant 0 : i32
      %dma_start3A_377 = tpu.memref_slice %arg10[%dma_start3A_374, %dma_start3A_376] : memref<16x128xf32, #tpu.memory_space<vmem>> -> memref<1x128xf32, #tpu.memory_space<vmem>>
      %dma_start3A_378 = tpu.memref_squeeze %dma_start3A_377 : memref<1x128xf32, #tpu.memory_space<vmem>> -> memref<128xf32, #tpu.memory_space<vmem>>
      %dma_start3A_379 = arith.constant 0 : i32
      %dma_start3A_380 = tpu.memref_slice %arg9[%dma_start3A_375, %dma_start3A_379] : memref<16x128xi32, #tpu.memory_space<vmem>> -> memref<1x128xi32, #tpu.memory_space<vmem>>
      %dma_start3A_381 = tpu.memref_squeeze %dma_start3A_380 : memref<1x128xi32, #tpu.memory_space<vmem>> -> memref<128xi32, #tpu.memory_space<vmem>>
      %dma_start3A_382 = arith.constant 0 : i32
      %dma_start3A_383 = tpu.memref_slice %arg12[%dma_start3A_382] : memref<1048576xf32, #tpu.memory_space<vmem_shared>> -> memref<1048576xf32, #tpu.memory_space<vmem_shared>>
      tpu.enqueue_indirect_dma source(%dma_start3A_378 : memref<128xf32, #tpu.memory_space<vmem>>) target(%dma_start3A_383 : memref<1048576xf32, #tpu.memory_space<vmem_shared>>) offsets(%dma_start3A_381 : memref<128xi32, #tpu.memory_space<vmem>>) semaphore(%arg13 : memref<!tpu.dma_semaphore, #tpu.memory_space<semaphore_mem>>) {add = true}
      %dma_start3A_384 = arith.constant 11 : i32
      %dma_start3A_385 = arith.constant 11 : i32
      %dma_start3A_386 = arith.constant 0 : i32
      %dma_start3A_387 = tpu.memref_slice %arg10[%dma_start3A_384, %dma_start3A_386] : memref<16x128xf32, #tpu.memory_space<vmem>> -> memref<1x128xf32, #tpu.memory_space<vmem>>
      %dma_start3A_388 = tpu.memref_squeeze %dma_start3A_387 : memref<1x128xf32, #tpu.memory_space<vmem>> -> memref<128xf32, #tpu.memory_space<vmem>>
      %dma_start3A_389 = arith.constant 0 : i32
      %dma_start3A_390 = tpu.memref_slice %arg9[%dma_start3A_385, %dma_start3A_389] : memref<16x128xi32, #tpu.memory_space<vmem>> -> memref<1x128xi32, #tpu.memory_space<vmem>>
      %dma_start3A_391 = tpu.memref_squeeze %dma_start3A_390 : memref<1x128xi32, #tpu.memory_space<vmem>> -> memref<128xi32, #tpu.memory_space<vmem>>
      %dma_start3A_392 = arith.constant 0 : i32
      %dma_start3A_393 = tpu.memref_slice %arg12[%dma_start3A_392] : memref<1048576xf32, #tpu.memory_space<vmem_shared>> -> memref<1048576xf32, #tpu.memory_space<vmem_shared>>
      tpu.enqueue_indirect_dma source(%dma_start3A_388 : memref<128xf32, #tpu.memory_space<vmem>>) target(%dma_start3A_393 : memref<1048576xf32, #tpu.memory_space<vmem_shared>>) offsets(%dma_start3A_391 : memref<128xi32, #tpu.memory_space<vmem>>) semaphore(%arg13 : memref<!tpu.dma_semaphore, #tpu.memory_space<semaphore_mem>>) {add = true}
      %dma_start3A_394 = arith.constant 12 : i32
      %dma_start3A_395 = arith.constant 12 : i32
      %dma_start3A_396 = arith.constant 0 : i32
      %dma_start3A_397 = tpu.memref_slice %arg10[%dma_start3A_394, %dma_start3A_396] : memref<16x128xf32, #tpu.memory_space<vmem>> -> memref<1x128xf32, #tpu.memory_space<vmem>>
      %dma_start3A_398 = tpu.memref_squeeze %dma_start3A_397 : memref<1x128xf32, #tpu.memory_space<vmem>> -> memref<128xf32, #tpu.memory_space<vmem>>
      %dma_start3A_399 = arith.constant 0 : i32
      %dma_start3A_400 = tpu.memref_slice %arg9[%dma_start3A_395, %dma_start3A_399] : memref<16x128xi32, #tpu.memory_space<vmem>> -> memref<1x128xi32, #tpu.memory_space<vmem>>
      %dma_start3A_401 = tpu.memref_squeeze %dma_start3A_400 : memref<1x128xi32, #tpu.memory_space<vmem>> -> memref<128xi32, #tpu.memory_space<vmem>>
      %dma_start3A_402 = arith.constant 0 : i32
      %dma_start3A_403 = tpu.memref_slice %arg12[%dma_start3A_402] : memref<1048576xf32, #tpu.memory_space<vmem_shared>> -> memref<1048576xf32, #tpu.memory_space<vmem_shared>>
      tpu.enqueue_indirect_dma source(%dma_start3A_398 : memref<128xf32, #tpu.memory_space<vmem>>) target(%dma_start3A_403 : memref<1048576xf32, #tpu.memory_space<vmem_shared>>) offsets(%dma_start3A_401 : memref<128xi32, #tpu.memory_space<vmem>>) semaphore(%arg13 : memref<!tpu.dma_semaphore, #tpu.memory_space<semaphore_mem>>) {add = true}
      %dma_start3A_404 = arith.constant 13 : i32
      %dma_start3A_405 = arith.constant 13 : i32
      %dma_start3A_406 = arith.constant 0 : i32
      %dma_start3A_407 = tpu.memref_slice %arg10[%dma_start3A_404, %dma_start3A_406] : memref<16x128xf32, #tpu.memory_space<vmem>> -> memref<1x128xf32, #tpu.memory_space<vmem>>
      %dma_start3A_408 = tpu.memref_squeeze %dma_start3A_407 : memref<1x128xf32, #tpu.memory_space<vmem>> -> memref<128xf32, #tpu.memory_space<vmem>>
      %dma_start3A_409 = arith.constant 0 : i32
      %dma_start3A_410 = tpu.memref_slice %arg9[%dma_start3A_405, %dma_start3A_409] : memref<16x128xi32, #tpu.memory_space<vmem>> -> memref<1x128xi32, #tpu.memory_space<vmem>>
      %dma_start3A_411 = tpu.memref_squeeze %dma_start3A_410 : memref<1x128xi32, #tpu.memory_space<vmem>> -> memref<128xi32, #tpu.memory_space<vmem>>
      %dma_start3A_412 = arith.constant 0 : i32
      %dma_start3A_413 = tpu.memref_slice %arg12[%dma_start3A_412] : memref<1048576xf32, #tpu.memory_space<vmem_shared>> -> memref<1048576xf32, #tpu.memory_space<vmem_shared>>
      tpu.enqueue_indirect_dma source(%dma_start3A_408 : memref<128xf32, #tpu.memory_space<vmem>>) target(%dma_start3A_413 : memref<1048576xf32, #tpu.memory_space<vmem_shared>>) offsets(%dma_start3A_411 : memref<128xi32, #tpu.memory_space<vmem>>) semaphore(%arg13 : memref<!tpu.dma_semaphore, #tpu.memory_space<semaphore_mem>>) {add = true}
      %dma_start3A_414 = arith.constant 14 : i32
      %dma_start3A_415 = arith.constant 14 : i32
      %dma_start3A_416 = arith.constant 0 : i32
      %dma_start3A_417 = tpu.memref_slice %arg10[%dma_start3A_414, %dma_start3A_416] : memref<16x128xf32, #tpu.memory_space<vmem>> -> memref<1x128xf32, #tpu.memory_space<vmem>>
      %dma_start3A_418 = tpu.memref_squeeze %dma_start3A_417 : memref<1x128xf32, #tpu.memory_space<vmem>> -> memref<128xf32, #tpu.memory_space<vmem>>
      %dma_start3A_419 = arith.constant 0 : i32
      %dma_start3A_420 = tpu.memref_slice %arg9[%dma_start3A_415, %dma_start3A_419] : memref<16x128xi32, #tpu.memory_space<vmem>> -> memref<1x128xi32, #tpu.memory_space<vmem>>
      %dma_start3A_421 = tpu.memref_squeeze %dma_start3A_420 : memref<1x128xi32, #tpu.memory_space<vmem>> -> memref<128xi32, #tpu.memory_space<vmem>>
      %dma_start3A_422 = arith.constant 0 : i32
      %dma_start3A_423 = tpu.memref_slice %arg12[%dma_start3A_422] : memref<1048576xf32, #tpu.memory_space<vmem_shared>> -> memref<1048576xf32, #tpu.memory_space<vmem_shared>>
      tpu.enqueue_indirect_dma source(%dma_start3A_418 : memref<128xf32, #tpu.memory_space<vmem>>) target(%dma_start3A_423 : memref<1048576xf32, #tpu.memory_space<vmem_shared>>) offsets(%dma_start3A_421 : memref<128xi32, #tpu.memory_space<vmem>>) semaphore(%arg13 : memref<!tpu.dma_semaphore, #tpu.memory_space<semaphore_mem>>) {add = true}
      %dma_start3A_424 = arith.constant 15 : i32
      %dma_start3A_425 = arith.constant 15 : i32
      %dma_start3A_426 = arith.constant 0 : i32
      %dma_start3A_427 = tpu.memref_slice %arg10[%dma_start3A_424, %dma_start3A_426] : memref<16x128xf32, #tpu.memory_space<vmem>> -> memref<1x128xf32, #tpu.memory_space<vmem>>
      %dma_start3A_428 = tpu.memref_squeeze %dma_start3A_427 : memref<1x128xf32, #tpu.memory_space<vmem>> -> memref<128xf32, #tpu.memory_space<vmem>>
      %dma_start3A_429 = arith.constant 0 : i32
      %dma_start3A_430 = tpu.memref_slice %arg9[%dma_start3A_425, %dma_start3A_429] : memref<16x128xi32, #tpu.memory_space<vmem>> -> memref<1x128xi32, #tpu.memory_space<vmem>>
      %dma_start3A_431 = tpu.memref_squeeze %dma_start3A_430 : memref<1x128xi32, #tpu.memory_space<vmem>> -> memref<128xi32, #tpu.memory_space<vmem>>
      %dma_start3A_432 = arith.constant 0 : i32
      %dma_start3A_433 = tpu.memref_slice %arg12[%dma_start3A_432] : memref<1048576xf32, #tpu.memory_space<vmem_shared>> -> memref<1048576xf32, #tpu.memory_space<vmem_shared>>
      tpu.enqueue_indirect_dma source(%dma_start3A_428 : memref<128xf32, #tpu.memory_space<vmem>>) target(%dma_start3A_433 : memref<1048576xf32, #tpu.memory_space<vmem_shared>>) offsets(%dma_start3A_431 : memref<128xi32, #tpu.memory_space<vmem>>) semaphore(%arg13 : memref<!tpu.dma_semaphore, #tpu.memory_space<semaphore_mem>>) {add = true}
      %dma_wait3A = arith.constant 0 : i32
      %dma_wait3A_434 = arith.constant 0 : i32
      %dma_wait3A_435 = arith.constant 0 : i32
      %dma_wait3A_436 = tpu.memref_slice %arg10[%dma_wait3A, %dma_wait3A_435] : memref<16x128xf32, #tpu.memory_space<vmem>> -> memref<1x128xf32, #tpu.memory_space<vmem>>
      %dma_wait3A_437 = tpu.memref_squeeze %dma_wait3A_436 : memref<1x128xf32, #tpu.memory_space<vmem>> -> memref<128xf32, #tpu.memory_space<vmem>>
      %dma_wait3A_438 = arith.constant 0 : i32
      %dma_wait3A_439 = tpu.memref_slice %arg9[%dma_wait3A_434, %dma_wait3A_438] : memref<16x128xi32, #tpu.memory_space<vmem>> -> memref<1x128xi32, #tpu.memory_space<vmem>>
      %dma_wait3A_440 = tpu.memref_squeeze %dma_wait3A_439 : memref<1x128xi32, #tpu.memory_space<vmem>> -> memref<128xi32, #tpu.memory_space<vmem>>
      %dma_wait3A_441 = arith.constant 0 : i32
      %dma_wait3A_442 = tpu.memref_slice %arg12[%dma_wait3A_441] : memref<1048576xf32, #tpu.memory_space<vmem_shared>> -> memref<1048576xf32, #tpu.memory_space<vmem_shared>>
      tpu.wait_indirect_dma semaphore(%arg13 : memref<!tpu.dma_semaphore, #tpu.memory_space<semaphore_mem>>) src(%dma_wait3A_437 : memref<128xf32, #tpu.memory_space<vmem>>) dst(%dma_wait3A_442 : memref<1048576xf32, #tpu.memory_space<vmem_shared>>)
      %dma_wait3A_443 = arith.constant 1 : i32
      %dma_wait3A_444 = arith.constant 1 : i32
      %dma_wait3A_445 = arith.constant 0 : i32
      %dma_wait3A_446 = tpu.memref_slice %arg10[%dma_wait3A_443, %dma_wait3A_445] : memref<16x128xf32, #tpu.memory_space<vmem>> -> memref<1x128xf32, #tpu.memory_space<vmem>>
      %dma_wait3A_447 = tpu.memref_squeeze %dma_wait3A_446 : memref<1x128xf32, #tpu.memory_space<vmem>> -> memref<128xf32, #tpu.memory_space<vmem>>
      %dma_wait3A_448 = arith.constant 0 : i32
      %dma_wait3A_449 = tpu.memref_slice %arg9[%dma_wait3A_444, %dma_wait3A_448] : memref<16x128xi32, #tpu.memory_space<vmem>> -> memref<1x128xi32, #tpu.memory_space<vmem>>
      %dma_wait3A_450 = tpu.memref_squeeze %dma_wait3A_449 : memref<1x128xi32, #tpu.memory_space<vmem>> -> memref<128xi32, #tpu.memory_space<vmem>>
      %dma_wait3A_451 = arith.constant 0 : i32
      %dma_wait3A_452 = tpu.memref_slice %arg12[%dma_wait3A_451] : memref<1048576xf32, #tpu.memory_space<vmem_shared>> -> memref<1048576xf32, #tpu.memory_space<vmem_shared>>
      tpu.wait_indirect_dma semaphore(%arg13 : memref<!tpu.dma_semaphore, #tpu.memory_space<semaphore_mem>>) src(%dma_wait3A_447 : memref<128xf32, #tpu.memory_space<vmem>>) dst(%dma_wait3A_452 : memref<1048576xf32, #tpu.memory_space<vmem_shared>>)
      %dma_wait3A_453 = arith.constant 2 : i32
      %dma_wait3A_454 = arith.constant 2 : i32
      %dma_wait3A_455 = arith.constant 0 : i32
      %dma_wait3A_456 = tpu.memref_slice %arg10[%dma_wait3A_453, %dma_wait3A_455] : memref<16x128xf32, #tpu.memory_space<vmem>> -> memref<1x128xf32, #tpu.memory_space<vmem>>
      %dma_wait3A_457 = tpu.memref_squeeze %dma_wait3A_456 : memref<1x128xf32, #tpu.memory_space<vmem>> -> memref<128xf32, #tpu.memory_space<vmem>>
      %dma_wait3A_458 = arith.constant 0 : i32
      %dma_wait3A_459 = tpu.memref_slice %arg9[%dma_wait3A_454, %dma_wait3A_458] : memref<16x128xi32, #tpu.memory_space<vmem>> -> memref<1x128xi32, #tpu.memory_space<vmem>>
      %dma_wait3A_460 = tpu.memref_squeeze %dma_wait3A_459 : memref<1x128xi32, #tpu.memory_space<vmem>> -> memref<128xi32, #tpu.memory_space<vmem>>
      %dma_wait3A_461 = arith.constant 0 : i32
      %dma_wait3A_462 = tpu.memref_slice %arg12[%dma_wait3A_461] : memref<1048576xf32, #tpu.memory_space<vmem_shared>> -> memref<1048576xf32, #tpu.memory_space<vmem_shared>>
      tpu.wait_indirect_dma semaphore(%arg13 : memref<!tpu.dma_semaphore, #tpu.memory_space<semaphore_mem>>) src(%dma_wait3A_457 : memref<128xf32, #tpu.memory_space<vmem>>) dst(%dma_wait3A_462 : memref<1048576xf32, #tpu.memory_space<vmem_shared>>)
      %dma_wait3A_463 = arith.constant 3 : i32
      %dma_wait3A_464 = arith.constant 3 : i32
      %dma_wait3A_465 = arith.constant 0 : i32
      %dma_wait3A_466 = tpu.memref_slice %arg10[%dma_wait3A_463, %dma_wait3A_465] : memref<16x128xf32, #tpu.memory_space<vmem>> -> memref<1x128xf32, #tpu.memory_space<vmem>>
      %dma_wait3A_467 = tpu.memref_squeeze %dma_wait3A_466 : memref<1x128xf32, #tpu.memory_space<vmem>> -> memref<128xf32, #tpu.memory_space<vmem>>
      %dma_wait3A_468 = arith.constant 0 : i32
      %dma_wait3A_469 = tpu.memref_slice %arg9[%dma_wait3A_464, %dma_wait3A_468] : memref<16x128xi32, #tpu.memory_space<vmem>> -> memref<1x128xi32, #tpu.memory_space<vmem>>
      %dma_wait3A_470 = tpu.memref_squeeze %dma_wait3A_469 : memref<1x128xi32, #tpu.memory_space<vmem>> -> memref<128xi32, #tpu.memory_space<vmem>>
      %dma_wait3A_471 = arith.constant 0 : i32
      %dma_wait3A_472 = tpu.memref_slice %arg12[%dma_wait3A_471] : memref<1048576xf32, #tpu.memory_space<vmem_shared>> -> memref<1048576xf32, #tpu.memory_space<vmem_shared>>
      tpu.wait_indirect_dma semaphore(%arg13 : memref<!tpu.dma_semaphore, #tpu.memory_space<semaphore_mem>>) src(%dma_wait3A_467 : memref<128xf32, #tpu.memory_space<vmem>>) dst(%dma_wait3A_472 : memref<1048576xf32, #tpu.memory_space<vmem_shared>>)
      %dma_wait3A_473 = arith.constant 4 : i32
      %dma_wait3A_474 = arith.constant 4 : i32
      %dma_wait3A_475 = arith.constant 0 : i32
      %dma_wait3A_476 = tpu.memref_slice %arg10[%dma_wait3A_473, %dma_wait3A_475] : memref<16x128xf32, #tpu.memory_space<vmem>> -> memref<1x128xf32, #tpu.memory_space<vmem>>
      %dma_wait3A_477 = tpu.memref_squeeze %dma_wait3A_476 : memref<1x128xf32, #tpu.memory_space<vmem>> -> memref<128xf32, #tpu.memory_space<vmem>>
      %dma_wait3A_478 = arith.constant 0 : i32
      %dma_wait3A_479 = tpu.memref_slice %arg9[%dma_wait3A_474, %dma_wait3A_478] : memref<16x128xi32, #tpu.memory_space<vmem>> -> memref<1x128xi32, #tpu.memory_space<vmem>>
      %dma_wait3A_480 = tpu.memref_squeeze %dma_wait3A_479 : memref<1x128xi32, #tpu.memory_space<vmem>> -> memref<128xi32, #tpu.memory_space<vmem>>
      %dma_wait3A_481 = arith.constant 0 : i32
      %dma_wait3A_482 = tpu.memref_slice %arg12[%dma_wait3A_481] : memref<1048576xf32, #tpu.memory_space<vmem_shared>> -> memref<1048576xf32, #tpu.memory_space<vmem_shared>>
      tpu.wait_indirect_dma semaphore(%arg13 : memref<!tpu.dma_semaphore, #tpu.memory_space<semaphore_mem>>) src(%dma_wait3A_477 : memref<128xf32, #tpu.memory_space<vmem>>) dst(%dma_wait3A_482 : memref<1048576xf32, #tpu.memory_space<vmem_shared>>)
      %dma_wait3A_483 = arith.constant 5 : i32
      %dma_wait3A_484 = arith.constant 5 : i32
      %dma_wait3A_485 = arith.constant 0 : i32
      %dma_wait3A_486 = tpu.memref_slice %arg10[%dma_wait3A_483, %dma_wait3A_485] : memref<16x128xf32, #tpu.memory_space<vmem>> -> memref<1x128xf32, #tpu.memory_space<vmem>>
      %dma_wait3A_487 = tpu.memref_squeeze %dma_wait3A_486 : memref<1x128xf32, #tpu.memory_space<vmem>> -> memref<128xf32, #tpu.memory_space<vmem>>
      %dma_wait3A_488 = arith.constant 0 : i32
      %dma_wait3A_489 = tpu.memref_slice %arg9[%dma_wait3A_484, %dma_wait3A_488] : memref<16x128xi32, #tpu.memory_space<vmem>> -> memref<1x128xi32, #tpu.memory_space<vmem>>
      %dma_wait3A_490 = tpu.memref_squeeze %dma_wait3A_489 : memref<1x128xi32, #tpu.memory_space<vmem>> -> memref<128xi32, #tpu.memory_space<vmem>>
      %dma_wait3A_491 = arith.constant 0 : i32
      %dma_wait3A_492 = tpu.memref_slice %arg12[%dma_wait3A_491] : memref<1048576xf32, #tpu.memory_space<vmem_shared>> -> memref<1048576xf32, #tpu.memory_space<vmem_shared>>
      tpu.wait_indirect_dma semaphore(%arg13 : memref<!tpu.dma_semaphore, #tpu.memory_space<semaphore_mem>>) src(%dma_wait3A_487 : memref<128xf32, #tpu.memory_space<vmem>>) dst(%dma_wait3A_492 : memref<1048576xf32, #tpu.memory_space<vmem_shared>>)
      %dma_wait3A_493 = arith.constant 6 : i32
      %dma_wait3A_494 = arith.constant 6 : i32
      %dma_wait3A_495 = arith.constant 0 : i32
      %dma_wait3A_496 = tpu.memref_slice %arg10[%dma_wait3A_493, %dma_wait3A_495] : memref<16x128xf32, #tpu.memory_space<vmem>> -> memref<1x128xf32, #tpu.memory_space<vmem>>
      %dma_wait3A_497 = tpu.memref_squeeze %dma_wait3A_496 : memref<1x128xf32, #tpu.memory_space<vmem>> -> memref<128xf32, #tpu.memory_space<vmem>>
      %dma_wait3A_498 = arith.constant 0 : i32
      %dma_wait3A_499 = tpu.memref_slice %arg9[%dma_wait3A_494, %dma_wait3A_498] : memref<16x128xi32, #tpu.memory_space<vmem>> -> memref<1x128xi32, #tpu.memory_space<vmem>>
      %dma_wait3A_500 = tpu.memref_squeeze %dma_wait3A_499 : memref<1x128xi32, #tpu.memory_space<vmem>> -> memref<128xi32, #tpu.memory_space<vmem>>
      %dma_wait3A_501 = arith.constant 0 : i32
      %dma_wait3A_502 = tpu.memref_slice %arg12[%dma_wait3A_501] : memref<1048576xf32, #tpu.memory_space<vmem_shared>> -> memref<1048576xf32, #tpu.memory_space<vmem_shared>>
      tpu.wait_indirect_dma semaphore(%arg13 : memref<!tpu.dma_semaphore, #tpu.memory_space<semaphore_mem>>) src(%dma_wait3A_497 : memref<128xf32, #tpu.memory_space<vmem>>) dst(%dma_wait3A_502 : memref<1048576xf32, #tpu.memory_space<vmem_shared>>)
      %dma_wait3A_503 = arith.constant 7 : i32
      %dma_wait3A_504 = arith.constant 7 : i32
      %dma_wait3A_505 = arith.constant 0 : i32
      %dma_wait3A_506 = tpu.memref_slice %arg10[%dma_wait3A_503, %dma_wait3A_505] : memref<16x128xf32, #tpu.memory_space<vmem>> -> memref<1x128xf32, #tpu.memory_space<vmem>>
      %dma_wait3A_507 = tpu.memref_squeeze %dma_wait3A_506 : memref<1x128xf32, #tpu.memory_space<vmem>> -> memref<128xf32, #tpu.memory_space<vmem>>
      %dma_wait3A_508 = arith.constant 0 : i32
      %dma_wait3A_509 = tpu.memref_slice %arg9[%dma_wait3A_504, %dma_wait3A_508] : memref<16x128xi32, #tpu.memory_space<vmem>> -> memref<1x128xi32, #tpu.memory_space<vmem>>
      %dma_wait3A_510 = tpu.memref_squeeze %dma_wait3A_509 : memref<1x128xi32, #tpu.memory_space<vmem>> -> memref<128xi32, #tpu.memory_space<vmem>>
      %dma_wait3A_511 = arith.constant 0 : i32
      %dma_wait3A_512 = tpu.memref_slice %arg12[%dma_wait3A_511] : memref<1048576xf32, #tpu.memory_space<vmem_shared>> -> memref<1048576xf32, #tpu.memory_space<vmem_shared>>
      tpu.wait_indirect_dma semaphore(%arg13 : memref<!tpu.dma_semaphore, #tpu.memory_space<semaphore_mem>>) src(%dma_wait3A_507 : memref<128xf32, #tpu.memory_space<vmem>>) dst(%dma_wait3A_512 : memref<1048576xf32, #tpu.memory_space<vmem_shared>>)
      %dma_wait3A_513 = arith.constant 8 : i32
      %dma_wait3A_514 = arith.constant 8 : i32
      %dma_wait3A_515 = arith.constant 0 : i32
      %dma_wait3A_516 = tpu.memref_slice %arg10[%dma_wait3A_513, %dma_wait3A_515] : memref<16x128xf32, #tpu.memory_space<vmem>> -> memref<1x128xf32, #tpu.memory_space<vmem>>
      %dma_wait3A_517 = tpu.memref_squeeze %dma_wait3A_516 : memref<1x128xf32, #tpu.memory_space<vmem>> -> memref<128xf32, #tpu.memory_space<vmem>>
      %dma_wait3A_518 = arith.constant 0 : i32
      %dma_wait3A_519 = tpu.memref_slice %arg9[%dma_wait3A_514, %dma_wait3A_518] : memref<16x128xi32, #tpu.memory_space<vmem>> -> memref<1x128xi32, #tpu.memory_space<vmem>>
      %dma_wait3A_520 = tpu.memref_squeeze %dma_wait3A_519 : memref<1x128xi32, #tpu.memory_space<vmem>> -> memref<128xi32, #tpu.memory_space<vmem>>
      %dma_wait3A_521 = arith.constant 0 : i32
      %dma_wait3A_522 = tpu.memref_slice %arg12[%dma_wait3A_521] : memref<1048576xf32, #tpu.memory_space<vmem_shared>> -> memref<1048576xf32, #tpu.memory_space<vmem_shared>>
      tpu.wait_indirect_dma semaphore(%arg13 : memref<!tpu.dma_semaphore, #tpu.memory_space<semaphore_mem>>) src(%dma_wait3A_517 : memref<128xf32, #tpu.memory_space<vmem>>) dst(%dma_wait3A_522 : memref<1048576xf32, #tpu.memory_space<vmem_shared>>)
      %dma_wait3A_523 = arith.constant 9 : i32
      %dma_wait3A_524 = arith.constant 9 : i32
      %dma_wait3A_525 = arith.constant 0 : i32
      %dma_wait3A_526 = tpu.memref_slice %arg10[%dma_wait3A_523, %dma_wait3A_525] : memref<16x128xf32, #tpu.memory_space<vmem>> -> memref<1x128xf32, #tpu.memory_space<vmem>>
      %dma_wait3A_527 = tpu.memref_squeeze %dma_wait3A_526 : memref<1x128xf32, #tpu.memory_space<vmem>> -> memref<128xf32, #tpu.memory_space<vmem>>
      %dma_wait3A_528 = arith.constant 0 : i32
      %dma_wait3A_529 = tpu.memref_slice %arg9[%dma_wait3A_524, %dma_wait3A_528] : memref<16x128xi32, #tpu.memory_space<vmem>> -> memref<1x128xi32, #tpu.memory_space<vmem>>
      %dma_wait3A_530 = tpu.memref_squeeze %dma_wait3A_529 : memref<1x128xi32, #tpu.memory_space<vmem>> -> memref<128xi32, #tpu.memory_space<vmem>>
      %dma_wait3A_531 = arith.constant 0 : i32
      %dma_wait3A_532 = tpu.memref_slice %arg12[%dma_wait3A_531] : memref<1048576xf32, #tpu.memory_space<vmem_shared>> -> memref<1048576xf32, #tpu.memory_space<vmem_shared>>
      tpu.wait_indirect_dma semaphore(%arg13 : memref<!tpu.dma_semaphore, #tpu.memory_space<semaphore_mem>>) src(%dma_wait3A_527 : memref<128xf32, #tpu.memory_space<vmem>>) dst(%dma_wait3A_532 : memref<1048576xf32, #tpu.memory_space<vmem_shared>>)
      %dma_wait3A_533 = arith.constant 10 : i32
      %dma_wait3A_534 = arith.constant 10 : i32
      %dma_wait3A_535 = arith.constant 0 : i32
      %dma_wait3A_536 = tpu.memref_slice %arg10[%dma_wait3A_533, %dma_wait3A_535] : memref<16x128xf32, #tpu.memory_space<vmem>> -> memref<1x128xf32, #tpu.memory_space<vmem>>
      %dma_wait3A_537 = tpu.memref_squeeze %dma_wait3A_536 : memref<1x128xf32, #tpu.memory_space<vmem>> -> memref<128xf32, #tpu.memory_space<vmem>>
      %dma_wait3A_538 = arith.constant 0 : i32
      %dma_wait3A_539 = tpu.memref_slice %arg9[%dma_wait3A_534, %dma_wait3A_538] : memref<16x128xi32, #tpu.memory_space<vmem>> -> memref<1x128xi32, #tpu.memory_space<vmem>>
      %dma_wait3A_540 = tpu.memref_squeeze %dma_wait3A_539 : memref<1x128xi32, #tpu.memory_space<vmem>> -> memref<128xi32, #tpu.memory_space<vmem>>
      %dma_wait3A_541 = arith.constant 0 : i32
      %dma_wait3A_542 = tpu.memref_slice %arg12[%dma_wait3A_541] : memref<1048576xf32, #tpu.memory_space<vmem_shared>> -> memref<1048576xf32, #tpu.memory_space<vmem_shared>>
      tpu.wait_indirect_dma semaphore(%arg13 : memref<!tpu.dma_semaphore, #tpu.memory_space<semaphore_mem>>) src(%dma_wait3A_537 : memref<128xf32, #tpu.memory_space<vmem>>) dst(%dma_wait3A_542 : memref<1048576xf32, #tpu.memory_space<vmem_shared>>)
      %dma_wait3A_543 = arith.constant 11 : i32
      %dma_wait3A_544 = arith.constant 11 : i32
      %dma_wait3A_545 = arith.constant 0 : i32
      %dma_wait3A_546 = tpu.memref_slice %arg10[%dma_wait3A_543, %dma_wait3A_545] : memref<16x128xf32, #tpu.memory_space<vmem>> -> memref<1x128xf32, #tpu.memory_space<vmem>>
      %dma_wait3A_547 = tpu.memref_squeeze %dma_wait3A_546 : memref<1x128xf32, #tpu.memory_space<vmem>> -> memref<128xf32, #tpu.memory_space<vmem>>
      %dma_wait3A_548 = arith.constant 0 : i32
      %dma_wait3A_549 = tpu.memref_slice %arg9[%dma_wait3A_544, %dma_wait3A_548] : memref<16x128xi32, #tpu.memory_space<vmem>> -> memref<1x128xi32, #tpu.memory_space<vmem>>
      %dma_wait3A_550 = tpu.memref_squeeze %dma_wait3A_549 : memref<1x128xi32, #tpu.memory_space<vmem>> -> memref<128xi32, #tpu.memory_space<vmem>>
      %dma_wait3A_551 = arith.constant 0 : i32
      %dma_wait3A_552 = tpu.memref_slice %arg12[%dma_wait3A_551] : memref<1048576xf32, #tpu.memory_space<vmem_shared>> -> memref<1048576xf32, #tpu.memory_space<vmem_shared>>
      tpu.wait_indirect_dma semaphore(%arg13 : memref<!tpu.dma_semaphore, #tpu.memory_space<semaphore_mem>>) src(%dma_wait3A_547 : memref<128xf32, #tpu.memory_space<vmem>>) dst(%dma_wait3A_552 : memref<1048576xf32, #tpu.memory_space<vmem_shared>>)
      %dma_wait3A_553 = arith.constant 12 : i32
      %dma_wait3A_554 = arith.constant 12 : i32
      %dma_wait3A_555 = arith.constant 0 : i32
      %dma_wait3A_556 = tpu.memref_slice %arg10[%dma_wait3A_553, %dma_wait3A_555] : memref<16x128xf32, #tpu.memory_space<vmem>> -> memref<1x128xf32, #tpu.memory_space<vmem>>
      %dma_wait3A_557 = tpu.memref_squeeze %dma_wait3A_556 : memref<1x128xf32, #tpu.memory_space<vmem>> -> memref<128xf32, #tpu.memory_space<vmem>>
      %dma_wait3A_558 = arith.constant 0 : i32
      %dma_wait3A_559 = tpu.memref_slice %arg9[%dma_wait3A_554, %dma_wait3A_558] : memref<16x128xi32, #tpu.memory_space<vmem>> -> memref<1x128xi32, #tpu.memory_space<vmem>>
      %dma_wait3A_560 = tpu.memref_squeeze %dma_wait3A_559 : memref<1x128xi32, #tpu.memory_space<vmem>> -> memref<128xi32, #tpu.memory_space<vmem>>
      %dma_wait3A_561 = arith.constant 0 : i32
      %dma_wait3A_562 = tpu.memref_slice %arg12[%dma_wait3A_561] : memref<1048576xf32, #tpu.memory_space<vmem_shared>> -> memref<1048576xf32, #tpu.memory_space<vmem_shared>>
      tpu.wait_indirect_dma semaphore(%arg13 : memref<!tpu.dma_semaphore, #tpu.memory_space<semaphore_mem>>) src(%dma_wait3A_557 : memref<128xf32, #tpu.memory_space<vmem>>) dst(%dma_wait3A_562 : memref<1048576xf32, #tpu.memory_space<vmem_shared>>)
      %dma_wait3A_563 = arith.constant 13 : i32
      %dma_wait3A_564 = arith.constant 13 : i32
      %dma_wait3A_565 = arith.constant 0 : i32
      %dma_wait3A_566 = tpu.memref_slice %arg10[%dma_wait3A_563, %dma_wait3A_565] : memref<16x128xf32, #tpu.memory_space<vmem>> -> memref<1x128xf32, #tpu.memory_space<vmem>>
      %dma_wait3A_567 = tpu.memref_squeeze %dma_wait3A_566 : memref<1x128xf32, #tpu.memory_space<vmem>> -> memref<128xf32, #tpu.memory_space<vmem>>
      %dma_wait3A_568 = arith.constant 0 : i32
      %dma_wait3A_569 = tpu.memref_slice %arg9[%dma_wait3A_564, %dma_wait3A_568] : memref<16x128xi32, #tpu.memory_space<vmem>> -> memref<1x128xi32, #tpu.memory_space<vmem>>
      %dma_wait3A_570 = tpu.memref_squeeze %dma_wait3A_569 : memref<1x128xi32, #tpu.memory_space<vmem>> -> memref<128xi32, #tpu.memory_space<vmem>>
      %dma_wait3A_571 = arith.constant 0 : i32
      %dma_wait3A_572 = tpu.memref_slice %arg12[%dma_wait3A_571] : memref<1048576xf32, #tpu.memory_space<vmem_shared>> -> memref<1048576xf32, #tpu.memory_space<vmem_shared>>
      tpu.wait_indirect_dma semaphore(%arg13 : memref<!tpu.dma_semaphore, #tpu.memory_space<semaphore_mem>>) src(%dma_wait3A_567 : memref<128xf32, #tpu.memory_space<vmem>>) dst(%dma_wait3A_572 : memref<1048576xf32, #tpu.memory_space<vmem_shared>>)
      %dma_wait3A_573 = arith.constant 14 : i32
      %dma_wait3A_574 = arith.constant 14 : i32
      %dma_wait3A_575 = arith.constant 0 : i32
      %dma_wait3A_576 = tpu.memref_slice %arg10[%dma_wait3A_573, %dma_wait3A_575] : memref<16x128xf32, #tpu.memory_space<vmem>> -> memref<1x128xf32, #tpu.memory_space<vmem>>
      %dma_wait3A_577 = tpu.memref_squeeze %dma_wait3A_576 : memref<1x128xf32, #tpu.memory_space<vmem>> -> memref<128xf32, #tpu.memory_space<vmem>>
      %dma_wait3A_578 = arith.constant 0 : i32
      %dma_wait3A_579 = tpu.memref_slice %arg9[%dma_wait3A_574, %dma_wait3A_578] : memref<16x128xi32, #tpu.memory_space<vmem>> -> memref<1x128xi32, #tpu.memory_space<vmem>>
      %dma_wait3A_580 = tpu.memref_squeeze %dma_wait3A_579 : memref<1x128xi32, #tpu.memory_space<vmem>> -> memref<128xi32, #tpu.memory_space<vmem>>
      %dma_wait3A_581 = arith.constant 0 : i32
      %dma_wait3A_582 = tpu.memref_slice %arg12[%dma_wait3A_581] : memref<1048576xf32, #tpu.memory_space<vmem_shared>> -> memref<1048576xf32, #tpu.memory_space<vmem_shared>>
      tpu.wait_indirect_dma semaphore(%arg13 : memref<!tpu.dma_semaphore, #tpu.memory_space<semaphore_mem>>) src(%dma_wait3A_577 : memref<128xf32, #tpu.memory_space<vmem>>) dst(%dma_wait3A_582 : memref<1048576xf32, #tpu.memory_space<vmem_shared>>)
      %dma_wait3A_583 = arith.constant 15 : i32
      %dma_wait3A_584 = arith.constant 15 : i32
      %dma_wait3A_585 = arith.constant 0 : i32
      %dma_wait3A_586 = tpu.memref_slice %arg10[%dma_wait3A_583, %dma_wait3A_585] : memref<16x128xf32, #tpu.memory_space<vmem>> -> memref<1x128xf32, #tpu.memory_space<vmem>>
      %dma_wait3A_587 = tpu.memref_squeeze %dma_wait3A_586 : memref<1x128xf32, #tpu.memory_space<vmem>> -> memref<128xf32, #tpu.memory_space<vmem>>
      %dma_wait3A_588 = arith.constant 0 : i32
      %dma_wait3A_589 = tpu.memref_slice %arg9[%dma_wait3A_584, %dma_wait3A_588] : memref<16x128xi32, #tpu.memory_space<vmem>> -> memref<1x128xi32, #tpu.memory_space<vmem>>
      %dma_wait3A_590 = tpu.memref_squeeze %dma_wait3A_589 : memref<1x128xi32, #tpu.memory_space<vmem>> -> memref<128xi32, #tpu.memory_space<vmem>>
      %dma_wait3A_591 = arith.constant 0 : i32
      %dma_wait3A_592 = tpu.memref_slice %arg12[%dma_wait3A_591] : memref<1048576xf32, #tpu.memory_space<vmem_shared>> -> memref<1048576xf32, #tpu.memory_space<vmem_shared>>
      tpu.wait_indirect_dma semaphore(%arg13 : memref<!tpu.dma_semaphore, #tpu.memory_space<semaphore_mem>>) src(%dma_wait3A_587 : memref<128xf32, #tpu.memory_space<vmem>>) dst(%dma_wait3A_592 : memref<1048576xf32, #tpu.memory_space<vmem_shared>>)
      %while3A_593 = arith.constant 0 : i64
      scf.yield %while3A_593 : i64
    }
    %barrier3A_169 = arith.constant 0 : index
    tpu.barrier barrier_id(%barrier3A_169)
    %add3A_170 = arith.constant 0 : i32
    %add3A_171 = arith.addi %multiple_of3A, %add3A_170 : i32
    %multiple_of3A_172 = tpu.assume_multiple %add3A_171, 8 : i32
    %add3A_173 = arith.constant 0 : i32
    %add3A_174 = arith.addi %multiple_of3A, %add3A_173 : i32
    %add3A_175 = arith.constant 1048576 : i32
    %add3A_176 = arith.addi %add3A_174, %add3A_175 : i32
    %multiple_of3A_177 = tpu.assume_multiple %add3A_176, 8 : i32
    "tpu.region"() ({
      %run_scoped3A = tpu.sem_alloc : memref<!tpu.dma_semaphore, #tpu.memory_space<semaphore_mem>>
      %dma_start3A = tpu.memref_slice %arg12[%multiple_of3A_172] : memref<1048576xf32, #tpu.memory_space<vmem_shared>> -> memref<8192xf32, #tpu.memory_space<vmem_shared>>
      %dma_start3A_234 = tpu.memref_slice %arg12[%multiple_of3A_172] : memref<1048576xf32, #tpu.memory_space<vmem_shared>> -> memref<8192xf32, #tpu.memory_space<vmem_shared>>
      tpu.enqueue_dma source(%dma_start3A_234 : memref<8192xf32, #tpu.memory_space<vmem_shared>>) target(%arg11 : memref<8192xf32, #tpu.memory_space<vmem>>) target_semaphore(%run_scoped3A : memref<!tpu.dma_semaphore, #tpu.memory_space<semaphore_mem>>)
      %dma_wait3A = tpu.memref_slice %arg12[%multiple_of3A_172] : memref<1048576xf32, #tpu.memory_space<vmem_shared>> -> memref<8192xf32, #tpu.memory_space<vmem_shared>>
      %dma_wait3A_235 = tpu.memref_slice %arg12[%multiple_of3A_172] : memref<1048576xf32, #tpu.memory_space<vmem_shared>> -> memref<8192xf32, #tpu.memory_space<vmem_shared>>
      tpu.wait_dma2 semaphore(%run_scoped3A : memref<!tpu.dma_semaphore, #tpu.memory_space<semaphore_mem>>) src(%dma_wait3A_235 : memref<8192xf32, #tpu.memory_space<vmem_shared>>) dst(%arg11 : memref<8192xf32, #tpu.memory_space<vmem>>)
      tpu.yield
    }) : () -> ()
    "tpu.region"() ({
      %run_scoped3A = tpu.sem_alloc : memref<!tpu.dma_semaphore, #tpu.memory_space<semaphore_mem>>
      %dma_start3A = tpu.memref_slice %arg5[%arg0, %multiple_of3A_177] : memref<2x2097152xf32, #tpu.memory_space<hbm>> -> memref<1x8192xf32, #tpu.memory_space<hbm>>
      %dma_start3A_234 = tpu.memref_squeeze %dma_start3A : memref<1x8192xf32, #tpu.memory_space<hbm>> -> memref<8192xf32, #tpu.memory_space<hbm>>
      %dma_start3A_235 = tpu.memref_slice %arg5[%arg0, %multiple_of3A_177] : memref<2x2097152xf32, #tpu.memory_space<hbm>> -> memref<1x8192xf32, #tpu.memory_space<hbm>>
      %dma_start3A_236 = tpu.memref_squeeze %dma_start3A_235 : memref<1x8192xf32, #tpu.memory_space<hbm>> -> memref<8192xf32, #tpu.memory_space<hbm>>
      tpu.enqueue_dma source(%arg11 : memref<8192xf32, #tpu.memory_space<vmem>>) target(%dma_start3A_236 : memref<8192xf32, #tpu.memory_space<hbm>>) target_semaphore(%run_scoped3A : memref<!tpu.dma_semaphore, #tpu.memory_space<semaphore_mem>>)
      %dma_wait3A = tpu.memref_slice %arg5[%arg0, %multiple_of3A_177] : memref<2x2097152xf32, #tpu.memory_space<hbm>> -> memref<1x8192xf32, #tpu.memory_space<hbm>>
      %dma_wait3A_237 = tpu.memref_squeeze %dma_wait3A : memref<1x8192xf32, #tpu.memory_space<hbm>> -> memref<8192xf32, #tpu.memory_space<hbm>>
      %dma_wait3A_238 = tpu.memref_slice %arg5[%arg0, %multiple_of3A_177] : memref<2x2097152xf32, #tpu.memory_space<hbm>> -> memref<1x8192xf32, #tpu.memory_space<hbm>>
      %dma_wait3A_239 = tpu.memref_squeeze %dma_wait3A_238 : memref<1x8192xf32, #tpu.memory_space<hbm>> -> memref<8192xf32, #tpu.memory_space<hbm>>
      tpu.wait_dma2 semaphore(%run_scoped3A : memref<!tpu.dma_semaphore, #tpu.memory_space<semaphore_mem>>) src(%arg11 : memref<8192xf32, #tpu.memory_space<vmem>>) dst(%dma_wait3A_239 : memref<8192xf32, #tpu.memory_space<hbm>>)
      tpu.yield
    }) : () -> ()
    %add3A_178 = arith.constant 8192 : i32
    %add3A_179 = arith.addi %multiple_of3A, %add3A_178 : i32
    %multiple_of3A_180 = tpu.assume_multiple %add3A_179, 8 : i32
    %add3A_181 = arith.constant 8192 : i32
    %add3A_182 = arith.addi %multiple_of3A, %add3A_181 : i32
    %add3A_183 = arith.constant 1048576 : i32
    %add3A_184 = arith.addi %add3A_182, %add3A_183 : i32
    %multiple_of3A_185 = tpu.assume_multiple %add3A_184, 8 : i32
    "tpu.region"() ({
      %run_scoped3A = tpu.sem_alloc : memref<!tpu.dma_semaphore, #tpu.memory_space<semaphore_mem>>
      %dma_start3A = tpu.memref_slice %arg12[%multiple_of3A_180] : memref<1048576xf32, #tpu.memory_space<vmem_shared>> -> memref<8192xf32, #tpu.memory_space<vmem_shared>>
      %dma_start3A_234 = tpu.memref_slice %arg12[%multiple_of3A_180] : memref<1048576xf32, #tpu.memory_space<vmem_shared>> -> memref<8192xf32, #tpu.memory_space<vmem_shared>>
      tpu.enqueue_dma source(%dma_start3A_234 : memref<8192xf32, #tpu.memory_space<vmem_shared>>) target(%arg11 : memref<8192xf32, #tpu.memory_space<vmem>>) target_semaphore(%run_scoped3A : memref<!tpu.dma_semaphore, #tpu.memory_space<semaphore_mem>>)
      %dma_wait3A = tpu.memref_slice %arg12[%multiple_of3A_180] : memref<1048576xf32, #tpu.memory_space<vmem_shared>> -> memref<8192xf32, #tpu.memory_space<vmem_shared>>
      %dma_wait3A_235 = tpu.memref_slice %arg12[%multiple_of3A_180] : memref<1048576xf32, #tpu.memory_space<vmem_shared>> -> memref<8192xf32, #tpu.memory_space<vmem_shared>>
      tpu.wait_dma2 semaphore(%run_scoped3A : memref<!tpu.dma_semaphore, #tpu.memory_space<semaphore_mem>>) src(%dma_wait3A_235 : memref<8192xf32, #tpu.memory_space<vmem_shared>>) dst(%arg11 : memref<8192xf32, #tpu.memory_space<vmem>>)
      tpu.yield
    }) : () -> ()
    "tpu.region"() ({
      %run_scoped3A = tpu.sem_alloc : memref<!tpu.dma_semaphore, #tpu.memory_space<semaphore_mem>>
      %dma_start3A = tpu.memref_slice %arg5[%arg0, %multiple_of3A_185] : memref<2x2097152xf32, #tpu.memory_space<hbm>> -> memref<1x8192xf32, #tpu.memory_space<hbm>>
      %dma_start3A_234 = tpu.memref_squeeze %dma_start3A : memref<1x8192xf32, #tpu.memory_space<hbm>> -> memref<8192xf32, #tpu.memory_space<hbm>>
      %dma_start3A_235 = tpu.memref_slice %arg5[%arg0, %multiple_of3A_185] : memref<2x2097152xf32, #tpu.memory_space<hbm>> -> memref<1x8192xf32, #tpu.memory_space<hbm>>
      %dma_start3A_236 = tpu.memref_squeeze %dma_start3A_235 : memref<1x8192xf32, #tpu.memory_space<hbm>> -> memref<8192xf32, #tpu.memory_space<hbm>>
      tpu.enqueue_dma source(%arg11 : memref<8192xf32, #tpu.memory_space<vmem>>) target(%dma_start3A_236 : memref<8192xf32, #tpu.memory_space<hbm>>) target_semaphore(%run_scoped3A : memref<!tpu.dma_semaphore, #tpu.memory_space<semaphore_mem>>)
      %dma_wait3A = tpu.memref_slice %arg5[%arg0, %multiple_of3A_185] : memref<2x2097152xf32, #tpu.memory_space<hbm>> -> memref<1x8192xf32, #tpu.memory_space<hbm>>
      %dma_wait3A_237 = tpu.memref_squeeze %dma_wait3A : memref<1x8192xf32, #tpu.memory_space<hbm>> -> memref<8192xf32, #tpu.memory_space<hbm>>
      %dma_wait3A_238 = tpu.memref_slice %arg5[%arg0, %multiple_of3A_185] : memref<2x2097152xf32, #tpu.memory_space<hbm>> -> memref<1x8192xf32, #tpu.memory_space<hbm>>
      %dma_wait3A_239 = tpu.memref_squeeze %dma_wait3A_238 : memref<1x8192xf32, #tpu.memory_space<hbm>> -> memref<8192xf32, #tpu.memory_space<hbm>>
      tpu.wait_dma2 semaphore(%run_scoped3A : memref<!tpu.dma_semaphore, #tpu.memory_space<semaphore_mem>>) src(%arg11 : memref<8192xf32, #tpu.memory_space<vmem>>) dst(%dma_wait3A_239 : memref<8192xf32, #tpu.memory_space<hbm>>)
      tpu.yield
    }) : () -> ()
    %add3A_186 = arith.constant 16384 : i32
    %add3A_187 = arith.addi %multiple_of3A, %add3A_186 : i32
    %multiple_of3A_188 = tpu.assume_multiple %add3A_187, 8 : i32
    %add3A_189 = arith.constant 16384 : i32
    %add3A_190 = arith.addi %multiple_of3A, %add3A_189 : i32
    %add3A_191 = arith.constant 1048576 : i32
    %add3A_192 = arith.addi %add3A_190, %add3A_191 : i32
    %multiple_of3A_193 = tpu.assume_multiple %add3A_192, 8 : i32
    "tpu.region"() ({
      %run_scoped3A = tpu.sem_alloc : memref<!tpu.dma_semaphore, #tpu.memory_space<semaphore_mem>>
      %dma_start3A = tpu.memref_slice %arg12[%multiple_of3A_188] : memref<1048576xf32, #tpu.memory_space<vmem_shared>> -> memref<8192xf32, #tpu.memory_space<vmem_shared>>
      %dma_start3A_234 = tpu.memref_slice %arg12[%multiple_of3A_188] : memref<1048576xf32, #tpu.memory_space<vmem_shared>> -> memref<8192xf32, #tpu.memory_space<vmem_shared>>
      tpu.enqueue_dma source(%dma_start3A_234 : memref<8192xf32, #tpu.memory_space<vmem_shared>>) target(%arg11 : memref<8192xf32, #tpu.memory_space<vmem>>) target_semaphore(%run_scoped3A : memref<!tpu.dma_semaphore, #tpu.memory_space<semaphore_mem>>)
      %dma_wait3A = tpu.memref_slice %arg12[%multiple_of3A_188] : memref<1048576xf32, #tpu.memory_space<vmem_shared>> -> memref<8192xf32, #tpu.memory_space<vmem_shared>>
      %dma_wait3A_235 = tpu.memref_slice %arg12[%multiple_of3A_188] : memref<1048576xf32, #tpu.memory_space<vmem_shared>> -> memref<8192xf32, #tpu.memory_space<vmem_shared>>
      tpu.wait_dma2 semaphore(%run_scoped3A : memref<!tpu.dma_semaphore, #tpu.memory_space<semaphore_mem>>) src(%dma_wait3A_235 : memref<8192xf32, #tpu.memory_space<vmem_shared>>) dst(%arg11 : memref<8192xf32, #tpu.memory_space<vmem>>)
      tpu.yield
    }) : () -> ()
    "tpu.region"() ({
      %run_scoped3A = tpu.sem_alloc : memref<!tpu.dma_semaphore, #tpu.memory_space<semaphore_mem>>
      %dma_start3A = tpu.memref_slice %arg5[%arg0, %multiple_of3A_193] : memref<2x2097152xf32, #tpu.memory_space<hbm>> -> memref<1x8192xf32, #tpu.memory_space<hbm>>
      %dma_start3A_234 = tpu.memref_squeeze %dma_start3A : memref<1x8192xf32, #tpu.memory_space<hbm>> -> memref<8192xf32, #tpu.memory_space<hbm>>
      %dma_start3A_235 = tpu.memref_slice %arg5[%arg0, %multiple_of3A_193] : memref<2x2097152xf32, #tpu.memory_space<hbm>> -> memref<1x8192xf32, #tpu.memory_space<hbm>>
      %dma_start3A_236 = tpu.memref_squeeze %dma_start3A_235 : memref<1x8192xf32, #tpu.memory_space<hbm>> -> memref<8192xf32, #tpu.memory_space<hbm>>
      tpu.enqueue_dma source(%arg11 : memref<8192xf32, #tpu.memory_space<vmem>>) target(%dma_start3A_236 : memref<8192xf32, #tpu.memory_space<hbm>>) target_semaphore(%run_scoped3A : memref<!tpu.dma_semaphore, #tpu.memory_space<semaphore_mem>>)
      %dma_wait3A = tpu.memref_slice %arg5[%arg0, %multiple_of3A_193] : memref<2x2097152xf32, #tpu.memory_space<hbm>> -> memref<1x8192xf32, #tpu.memory_space<hbm>>
      %dma_wait3A_237 = tpu.memref_squeeze %dma_wait3A : memref<1x8192xf32, #tpu.memory_space<hbm>> -> memref<8192xf32, #tpu.memory_space<hbm>>
      %dma_wait3A_238 = tpu.memref_slice %arg5[%arg0, %multiple_of3A_193] : memref<2x2097152xf32, #tpu.memory_space<hbm>> -> memref<1x8192xf32, #tpu.memory_space<hbm>>
      %dma_wait3A_239 = tpu.memref_squeeze %dma_wait3A_238 : memref<1x8192xf32, #tpu.memory_space<hbm>> -> memref<8192xf32, #tpu.memory_space<hbm>>
      tpu.wait_dma2 semaphore(%run_scoped3A : memref<!tpu.dma_semaphore, #tpu.memory_space<semaphore_mem>>) src(%arg11 : memref<8192xf32, #tpu.memory_space<vmem>>) dst(%dma_wait3A_239 : memref<8192xf32, #tpu.memory_space<hbm>>)
      tpu.yield
    }) : () -> ()
    %add3A_194 = arith.constant 24576 : i32
    %add3A_195 = arith.addi %multiple_of3A, %add3A_194 : i32
    %multiple_of3A_196 = tpu.assume_multiple %add3A_195, 8 : i32
    %add3A_197 = arith.constant 24576 : i32
    %add3A_198 = arith.addi %multiple_of3A, %add3A_197 : i32
    %add3A_199 = arith.constant 1048576 : i32
    %add3A_200 = arith.addi %add3A_198, %add3A_199 : i32
    %multiple_of3A_201 = tpu.assume_multiple %add3A_200, 8 : i32
    "tpu.region"() ({
      %run_scoped3A = tpu.sem_alloc : memref<!tpu.dma_semaphore, #tpu.memory_space<semaphore_mem>>
      %dma_start3A = tpu.memref_slice %arg12[%multiple_of3A_196] : memref<1048576xf32, #tpu.memory_space<vmem_shared>> -> memref<8192xf32, #tpu.memory_space<vmem_shared>>
      %dma_start3A_234 = tpu.memref_slice %arg12[%multiple_of3A_196] : memref<1048576xf32, #tpu.memory_space<vmem_shared>> -> memref<8192xf32, #tpu.memory_space<vmem_shared>>
      tpu.enqueue_dma source(%dma_start3A_234 : memref<8192xf32, #tpu.memory_space<vmem_shared>>) target(%arg11 : memref<8192xf32, #tpu.memory_space<vmem>>) target_semaphore(%run_scoped3A : memref<!tpu.dma_semaphore, #tpu.memory_space<semaphore_mem>>)
      %dma_wait3A = tpu.memref_slice %arg12[%multiple_of3A_196] : memref<1048576xf32, #tpu.memory_space<vmem_shared>> -> memref<8192xf32, #tpu.memory_space<vmem_shared>>
      %dma_wait3A_235 = tpu.memref_slice %arg12[%multiple_of3A_196] : memref<1048576xf32, #tpu.memory_space<vmem_shared>> -> memref<8192xf32, #tpu.memory_space<vmem_shared>>
      tpu.wait_dma2 semaphore(%run_scoped3A : memref<!tpu.dma_semaphore, #tpu.memory_space<semaphore_mem>>) src(%dma_wait3A_235 : memref<8192xf32, #tpu.memory_space<vmem_shared>>) dst(%arg11 : memref<8192xf32, #tpu.memory_space<vmem>>)
      tpu.yield
    }) : () -> ()
    "tpu.region"() ({
      %run_scoped3A = tpu.sem_alloc : memref<!tpu.dma_semaphore, #tpu.memory_space<semaphore_mem>>
      %dma_start3A = tpu.memref_slice %arg5[%arg0, %multiple_of3A_201] : memref<2x2097152xf32, #tpu.memory_space<hbm>> -> memref<1x8192xf32, #tpu.memory_space<hbm>>
      %dma_start3A_234 = tpu.memref_squeeze %dma_start3A : memref<1x8192xf32, #tpu.memory_space<hbm>> -> memref<8192xf32, #tpu.memory_space<hbm>>
      %dma_start3A_235 = tpu.memref_slice %arg5[%arg0, %multiple_of3A_201] : memref<2x2097152xf32, #tpu.memory_space<hbm>> -> memref<1x8192xf32, #tpu.memory_space<hbm>>
      %dma_start3A_236 = tpu.memref_squeeze %dma_start3A_235 : memref<1x8192xf32, #tpu.memory_space<hbm>> -> memref<8192xf32, #tpu.memory_space<hbm>>
      tpu.enqueue_dma source(%arg11 : memref<8192xf32, #tpu.memory_space<vmem>>) target(%dma_start3A_236 : memref<8192xf32, #tpu.memory_space<hbm>>) target_semaphore(%run_scoped3A : memref<!tpu.dma_semaphore, #tpu.memory_space<semaphore_mem>>)
      %dma_wait3A = tpu.memref_slice %arg5[%arg0, %multiple_of3A_201] : memref<2x2097152xf32, #tpu.memory_space<hbm>> -> memref<1x8192xf32, #tpu.memory_space<hbm>>
      %dma_wait3A_237 = tpu.memref_squeeze %dma_wait3A : memref<1x8192xf32, #tpu.memory_space<hbm>> -> memref<8192xf32, #tpu.memory_space<hbm>>
      %dma_wait3A_238 = tpu.memref_slice %arg5[%arg0, %multiple_of3A_201] : memref<2x2097152xf32, #tpu.memory_space<hbm>> -> memref<1x8192xf32, #tpu.memory_space<hbm>>
      %dma_wait3A_239 = tpu.memref_squeeze %dma_wait3A_238 : memref<1x8192xf32, #tpu.memory_space<hbm>> -> memref<8192xf32, #tpu.memory_space<hbm>>
      tpu.wait_dma2 semaphore(%run_scoped3A : memref<!tpu.dma_semaphore, #tpu.memory_space<semaphore_mem>>) src(%arg11 : memref<8192xf32, #tpu.memory_space<vmem>>) dst(%dma_wait3A_239 : memref<8192xf32, #tpu.memory_space<hbm>>)
      tpu.yield
    }) : () -> ()
    %add3A_202 = arith.constant 32768 : i32
    %add3A_203 = arith.addi %multiple_of3A, %add3A_202 : i32
    %multiple_of3A_204 = tpu.assume_multiple %add3A_203, 8 : i32
    %add3A_205 = arith.constant 32768 : i32
    %add3A_206 = arith.addi %multiple_of3A, %add3A_205 : i32
    %add3A_207 = arith.constant 1048576 : i32
    %add3A_208 = arith.addi %add3A_206, %add3A_207 : i32
    %multiple_of3A_209 = tpu.assume_multiple %add3A_208, 8 : i32
    "tpu.region"() ({
      %run_scoped3A = tpu.sem_alloc : memref<!tpu.dma_semaphore, #tpu.memory_space<semaphore_mem>>
      %dma_start3A = tpu.memref_slice %arg12[%multiple_of3A_204] : memref<1048576xf32, #tpu.memory_space<vmem_shared>> -> memref<8192xf32, #tpu.memory_space<vmem_shared>>
      %dma_start3A_234 = tpu.memref_slice %arg12[%multiple_of3A_204] : memref<1048576xf32, #tpu.memory_space<vmem_shared>> -> memref<8192xf32, #tpu.memory_space<vmem_shared>>
      tpu.enqueue_dma source(%dma_start3A_234 : memref<8192xf32, #tpu.memory_space<vmem_shared>>) target(%arg11 : memref<8192xf32, #tpu.memory_space<vmem>>) target_semaphore(%run_scoped3A : memref<!tpu.dma_semaphore, #tpu.memory_space<semaphore_mem>>)
      %dma_wait3A = tpu.memref_slice %arg12[%multiple_of3A_204] : memref<1048576xf32, #tpu.memory_space<vmem_shared>> -> memref<8192xf32, #tpu.memory_space<vmem_shared>>
      %dma_wait3A_235 = tpu.memref_slice %arg12[%multiple_of3A_204] : memref<1048576xf32, #tpu.memory_space<vmem_shared>> -> memref<8192xf32, #tpu.memory_space<vmem_shared>>
      tpu.wait_dma2 semaphore(%run_scoped3A : memref<!tpu.dma_semaphore, #tpu.memory_space<semaphore_mem>>) src(%dma_wait3A_235 : memref<8192xf32, #tpu.memory_space<vmem_shared>>) dst(%arg11 : memref<8192xf32, #tpu.memory_space<vmem>>)
      tpu.yield
    }) : () -> ()
    "tpu.region"() ({
      %run_scoped3A = tpu.sem_alloc : memref<!tpu.dma_semaphore, #tpu.memory_space<semaphore_mem>>
      %dma_start3A = tpu.memref_slice %arg5[%arg0, %multiple_of3A_209] : memref<2x2097152xf32, #tpu.memory_space<hbm>> -> memref<1x8192xf32, #tpu.memory_space<hbm>>
      %dma_start3A_234 = tpu.memref_squeeze %dma_start3A : memref<1x8192xf32, #tpu.memory_space<hbm>> -> memref<8192xf32, #tpu.memory_space<hbm>>
      %dma_start3A_235 = tpu.memref_slice %arg5[%arg0, %multiple_of3A_209] : memref<2x2097152xf32, #tpu.memory_space<hbm>> -> memref<1x8192xf32, #tpu.memory_space<hbm>>
      %dma_start3A_236 = tpu.memref_squeeze %dma_start3A_235 : memref<1x8192xf32, #tpu.memory_space<hbm>> -> memref<8192xf32, #tpu.memory_space<hbm>>
      tpu.enqueue_dma source(%arg11 : memref<8192xf32, #tpu.memory_space<vmem>>) target(%dma_start3A_236 : memref<8192xf32, #tpu.memory_space<hbm>>) target_semaphore(%run_scoped3A : memref<!tpu.dma_semaphore, #tpu.memory_space<semaphore_mem>>)
      %dma_wait3A = tpu.memref_slice %arg5[%arg0, %multiple_of3A_209] : memref<2x2097152xf32, #tpu.memory_space<hbm>> -> memref<1x8192xf32, #tpu.memory_space<hbm>>
      %dma_wait3A_237 = tpu.memref_squeeze %dma_wait3A : memref<1x8192xf32, #tpu.memory_space<hbm>> -> memref<8192xf32, #tpu.memory_space<hbm>>
      %dma_wait3A_238 = tpu.memref_slice %arg5[%arg0, %multiple_of3A_209] : memref<2x2097152xf32, #tpu.memory_space<hbm>> -> memref<1x8192xf32, #tpu.memory_space<hbm>>
      %dma_wait3A_239 = tpu.memref_squeeze %dma_wait3A_238 : memref<1x8192xf32, #tpu.memory_space<hbm>> -> memref<8192xf32, #tpu.memory_space<hbm>>
      tpu.wait_dma2 semaphore(%run_scoped3A : memref<!tpu.dma_semaphore, #tpu.memory_space<semaphore_mem>>) src(%arg11 : memref<8192xf32, #tpu.memory_space<vmem>>) dst(%dma_wait3A_239 : memref<8192xf32, #tpu.memory_space<hbm>>)
      tpu.yield
    }) : () -> ()
    %add3A_210 = arith.constant 40960 : i32
    %add3A_211 = arith.addi %multiple_of3A, %add3A_210 : i32
    %multiple_of3A_212 = tpu.assume_multiple %add3A_211, 8 : i32
    %add3A_213 = arith.constant 40960 : i32
    %add3A_214 = arith.addi %multiple_of3A, %add3A_213 : i32
    %add3A_215 = arith.constant 1048576 : i32
    %add3A_216 = arith.addi %add3A_214, %add3A_215 : i32
    %multiple_of3A_217 = tpu.assume_multiple %add3A_216, 8 : i32
    "tpu.region"() ({
      %run_scoped3A = tpu.sem_alloc : memref<!tpu.dma_semaphore, #tpu.memory_space<semaphore_mem>>
      %dma_start3A = tpu.memref_slice %arg12[%multiple_of3A_212] : memref<1048576xf32, #tpu.memory_space<vmem_shared>> -> memref<8192xf32, #tpu.memory_space<vmem_shared>>
      %dma_start3A_234 = tpu.memref_slice %arg12[%multiple_of3A_212] : memref<1048576xf32, #tpu.memory_space<vmem_shared>> -> memref<8192xf32, #tpu.memory_space<vmem_shared>>
      tpu.enqueue_dma source(%dma_start3A_234 : memref<8192xf32, #tpu.memory_space<vmem_shared>>) target(%arg11 : memref<8192xf32, #tpu.memory_space<vmem>>) target_semaphore(%run_scoped3A : memref<!tpu.dma_semaphore, #tpu.memory_space<semaphore_mem>>)
      %dma_wait3A = tpu.memref_slice %arg12[%multiple_of3A_212] : memref<1048576xf32, #tpu.memory_space<vmem_shared>> -> memref<8192xf32, #tpu.memory_space<vmem_shared>>
      %dma_wait3A_235 = tpu.memref_slice %arg12[%multiple_of3A_212] : memref<1048576xf32, #tpu.memory_space<vmem_shared>> -> memref<8192xf32, #tpu.memory_space<vmem_shared>>
      tpu.wait_dma2 semaphore(%run_scoped3A : memref<!tpu.dma_semaphore, #tpu.memory_space<semaphore_mem>>) src(%dma_wait3A_235 : memref<8192xf32, #tpu.memory_space<vmem_shared>>) dst(%arg11 : memref<8192xf32, #tpu.memory_space<vmem>>)
      tpu.yield
    }) : () -> ()
    "tpu.region"() ({
      %run_scoped3A = tpu.sem_alloc : memref<!tpu.dma_semaphore, #tpu.memory_space<semaphore_mem>>
      %dma_start3A = tpu.memref_slice %arg5[%arg0, %multiple_of3A_217] : memref<2x2097152xf32, #tpu.memory_space<hbm>> -> memref<1x8192xf32, #tpu.memory_space<hbm>>
      %dma_start3A_234 = tpu.memref_squeeze %dma_start3A : memref<1x8192xf32, #tpu.memory_space<hbm>> -> memref<8192xf32, #tpu.memory_space<hbm>>
      %dma_start3A_235 = tpu.memref_slice %arg5[%arg0, %multiple_of3A_217] : memref<2x2097152xf32, #tpu.memory_space<hbm>> -> memref<1x8192xf32, #tpu.memory_space<hbm>>
      %dma_start3A_236 = tpu.memref_squeeze %dma_start3A_235 : memref<1x8192xf32, #tpu.memory_space<hbm>> -> memref<8192xf32, #tpu.memory_space<hbm>>
      tpu.enqueue_dma source(%arg11 : memref<8192xf32, #tpu.memory_space<vmem>>) target(%dma_start3A_236 : memref<8192xf32, #tpu.memory_space<hbm>>) target_semaphore(%run_scoped3A : memref<!tpu.dma_semaphore, #tpu.memory_space<semaphore_mem>>)
      %dma_wait3A = tpu.memref_slice %arg5[%arg0, %multiple_of3A_217] : memref<2x2097152xf32, #tpu.memory_space<hbm>> -> memref<1x8192xf32, #tpu.memory_space<hbm>>
      %dma_wait3A_237 = tpu.memref_squeeze %dma_wait3A : memref<1x8192xf32, #tpu.memory_space<hbm>> -> memref<8192xf32, #tpu.memory_space<hbm>>
      %dma_wait3A_238 = tpu.memref_slice %arg5[%arg0, %multiple_of3A_217] : memref<2x2097152xf32, #tpu.memory_space<hbm>> -> memref<1x8192xf32, #tpu.memory_space<hbm>>
      %dma_wait3A_239 = tpu.memref_squeeze %dma_wait3A_238 : memref<1x8192xf32, #tpu.memory_space<hbm>> -> memref<8192xf32, #tpu.memory_space<hbm>>
      tpu.wait_dma2 semaphore(%run_scoped3A : memref<!tpu.dma_semaphore, #tpu.memory_space<semaphore_mem>>) src(%arg11 : memref<8192xf32, #tpu.memory_space<vmem>>) dst(%dma_wait3A_239 : memref<8192xf32, #tpu.memory_space<hbm>>)
      tpu.yield
    }) : () -> ()
    %add3A_218 = arith.constant 49152 : i32
    %add3A_219 = arith.addi %multiple_of3A, %add3A_218 : i32
    %multiple_of3A_220 = tpu.assume_multiple %add3A_219, 8 : i32
    %add3A_221 = arith.constant 49152 : i32
    %add3A_222 = arith.addi %multiple_of3A, %add3A_221 : i32
    %add3A_223 = arith.constant 1048576 : i32
    %add3A_224 = arith.addi %add3A_222, %add3A_223 : i32
    %multiple_of3A_225 = tpu.assume_multiple %add3A_224, 8 : i32
    "tpu.region"() ({
      %run_scoped3A = tpu.sem_alloc : memref<!tpu.dma_semaphore, #tpu.memory_space<semaphore_mem>>
      %dma_start3A = tpu.memref_slice %arg12[%multiple_of3A_220] : memref<1048576xf32, #tpu.memory_space<vmem_shared>> -> memref<8192xf32, #tpu.memory_space<vmem_shared>>
      %dma_start3A_234 = tpu.memref_slice %arg12[%multiple_of3A_220] : memref<1048576xf32, #tpu.memory_space<vmem_shared>> -> memref<8192xf32, #tpu.memory_space<vmem_shared>>
      tpu.enqueue_dma source(%dma_start3A_234 : memref<8192xf32, #tpu.memory_space<vmem_shared>>) target(%arg11 : memref<8192xf32, #tpu.memory_space<vmem>>) target_semaphore(%run_scoped3A : memref<!tpu.dma_semaphore, #tpu.memory_space<semaphore_mem>>)
      %dma_wait3A = tpu.memref_slice %arg12[%multiple_of3A_220] : memref<1048576xf32, #tpu.memory_space<vmem_shared>> -> memref<8192xf32, #tpu.memory_space<vmem_shared>>
      %dma_wait3A_235 = tpu.memref_slice %arg12[%multiple_of3A_220] : memref<1048576xf32, #tpu.memory_space<vmem_shared>> -> memref<8192xf32, #tpu.memory_space<vmem_shared>>
      tpu.wait_dma2 semaphore(%run_scoped3A : memref<!tpu.dma_semaphore, #tpu.memory_space<semaphore_mem>>) src(%dma_wait3A_235 : memref<8192xf32, #tpu.memory_space<vmem_shared>>) dst(%arg11 : memref<8192xf32, #tpu.memory_space<vmem>>)
      tpu.yield
    }) : () -> ()
    "tpu.region"() ({
      %run_scoped3A = tpu.sem_alloc : memref<!tpu.dma_semaphore, #tpu.memory_space<semaphore_mem>>
      %dma_start3A = tpu.memref_slice %arg5[%arg0, %multiple_of3A_225] : memref<2x2097152xf32, #tpu.memory_space<hbm>> -> memref<1x8192xf32, #tpu.memory_space<hbm>>
      %dma_start3A_234 = tpu.memref_squeeze %dma_start3A : memref<1x8192xf32, #tpu.memory_space<hbm>> -> memref<8192xf32, #tpu.memory_space<hbm>>
      %dma_start3A_235 = tpu.memref_slice %arg5[%arg0, %multiple_of3A_225] : memref<2x2097152xf32, #tpu.memory_space<hbm>> -> memref<1x8192xf32, #tpu.memory_space<hbm>>
      %dma_start3A_236 = tpu.memref_squeeze %dma_start3A_235 : memref<1x8192xf32, #tpu.memory_space<hbm>> -> memref<8192xf32, #tpu.memory_space<hbm>>
      tpu.enqueue_dma source(%arg11 : memref<8192xf32, #tpu.memory_space<vmem>>) target(%dma_start3A_236 : memref<8192xf32, #tpu.memory_space<hbm>>) target_semaphore(%run_scoped3A : memref<!tpu.dma_semaphore, #tpu.memory_space<semaphore_mem>>)
      %dma_wait3A = tpu.memref_slice %arg5[%arg0, %multiple_of3A_225] : memref<2x2097152xf32, #tpu.memory_space<hbm>> -> memref<1x8192xf32, #tpu.memory_space<hbm>>
      %dma_wait3A_237 = tpu.memref_squeeze %dma_wait3A : memref<1x8192xf32, #tpu.memory_space<hbm>> -> memref<8192xf32, #tpu.memory_space<hbm>>
      %dma_wait3A_238 = tpu.memref_slice %arg5[%arg0, %multiple_of3A_225] : memref<2x2097152xf32, #tpu.memory_space<hbm>> -> memref<1x8192xf32, #tpu.memory_space<hbm>>
      %dma_wait3A_239 = tpu.memref_squeeze %dma_wait3A_238 : memref<1x8192xf32, #tpu.memory_space<hbm>> -> memref<8192xf32, #tpu.memory_space<hbm>>
      tpu.wait_dma2 semaphore(%run_scoped3A : memref<!tpu.dma_semaphore, #tpu.memory_space<semaphore_mem>>) src(%arg11 : memref<8192xf32, #tpu.memory_space<vmem>>) dst(%dma_wait3A_239 : memref<8192xf32, #tpu.memory_space<hbm>>)
      tpu.yield
    }) : () -> ()
    %add3A_226 = arith.constant 57344 : i32
    %add3A_227 = arith.addi %multiple_of3A, %add3A_226 : i32
    %multiple_of3A_228 = tpu.assume_multiple %add3A_227, 8 : i32
    %add3A_229 = arith.constant 57344 : i32
    %add3A_230 = arith.addi %multiple_of3A, %add3A_229 : i32
    %add3A_231 = arith.constant 1048576 : i32
    %add3A_232 = arith.addi %add3A_230, %add3A_231 : i32
    %multiple_of3A_233 = tpu.assume_multiple %add3A_232, 8 : i32
    "tpu.region"() ({
      %run_scoped3A = tpu.sem_alloc : memref<!tpu.dma_semaphore, #tpu.memory_space<semaphore_mem>>
      %dma_start3A = tpu.memref_slice %arg12[%multiple_of3A_228] : memref<1048576xf32, #tpu.memory_space<vmem_shared>> -> memref<8192xf32, #tpu.memory_space<vmem_shared>>
      %dma_start3A_234 = tpu.memref_slice %arg12[%multiple_of3A_228] : memref<1048576xf32, #tpu.memory_space<vmem_shared>> -> memref<8192xf32, #tpu.memory_space<vmem_shared>>
      tpu.enqueue_dma source(%dma_start3A_234 : memref<8192xf32, #tpu.memory_space<vmem_shared>>) target(%arg11 : memref<8192xf32, #tpu.memory_space<vmem>>) target_semaphore(%run_scoped3A : memref<!tpu.dma_semaphore, #tpu.memory_space<semaphore_mem>>)
      %dma_wait3A = tpu.memref_slice %arg12[%multiple_of3A_228] : memref<1048576xf32, #tpu.memory_space<vmem_shared>> -> memref<8192xf32, #tpu.memory_space<vmem_shared>>
      %dma_wait3A_235 = tpu.memref_slice %arg12[%multiple_of3A_228] : memref<1048576xf32, #tpu.memory_space<vmem_shared>> -> memref<8192xf32, #tpu.memory_space<vmem_shared>>
      tpu.wait_dma2 semaphore(%run_scoped3A : memref<!tpu.dma_semaphore, #tpu.memory_space<semaphore_mem>>) src(%dma_wait3A_235 : memref<8192xf32, #tpu.memory_space<vmem_shared>>) dst(%arg11 : memref<8192xf32, #tpu.memory_space<vmem>>)
      tpu.yield
    }) : () -> ()
    "tpu.region"() ({
      %run_scoped3A = tpu.sem_alloc : memref<!tpu.dma_semaphore, #tpu.memory_space<semaphore_mem>>
      %dma_start3A = tpu.memref_slice %arg5[%arg0, %multiple_of3A_233] : memref<2x2097152xf32, #tpu.memory_space<hbm>> -> memref<1x8192xf32, #tpu.memory_space<hbm>>
      %dma_start3A_234 = tpu.memref_squeeze %dma_start3A : memref<1x8192xf32, #tpu.memory_space<hbm>> -> memref<8192xf32, #tpu.memory_space<hbm>>
      %dma_start3A_235 = tpu.memref_slice %arg5[%arg0, %multiple_of3A_233] : memref<2x2097152xf32, #tpu.memory_space<hbm>> -> memref<1x8192xf32, #tpu.memory_space<hbm>>
      %dma_start3A_236 = tpu.memref_squeeze %dma_start3A_235 : memref<1x8192xf32, #tpu.memory_space<hbm>> -> memref<8192xf32, #tpu.memory_space<hbm>>
      tpu.enqueue_dma source(%arg11 : memref<8192xf32, #tpu.memory_space<vmem>>) target(%dma_start3A_236 : memref<8192xf32, #tpu.memory_space<hbm>>) target_semaphore(%run_scoped3A : memref<!tpu.dma_semaphore, #tpu.memory_space<semaphore_mem>>)
      %dma_wait3A = tpu.memref_slice %arg5[%arg0, %multiple_of3A_233] : memref<2x2097152xf32, #tpu.memory_space<hbm>> -> memref<1x8192xf32, #tpu.memory_space<hbm>>
      %dma_wait3A_237 = tpu.memref_squeeze %dma_wait3A : memref<1x8192xf32, #tpu.memory_space<hbm>> -> memref<8192xf32, #tpu.memory_space<hbm>>
      %dma_wait3A_238 = tpu.memref_slice %arg5[%arg0, %multiple_of3A_233] : memref<2x2097152xf32, #tpu.memory_space<hbm>> -> memref<1x8192xf32, #tpu.memory_space<hbm>>
      %dma_wait3A_239 = tpu.memref_squeeze %dma_wait3A_238 : memref<1x8192xf32, #tpu.memory_space<hbm>> -> memref<8192xf32, #tpu.memory_space<hbm>>
      tpu.wait_dma2 semaphore(%run_scoped3A : memref<!tpu.dma_semaphore, #tpu.memory_space<semaphore_mem>>) src(%arg11 : memref<8192xf32, #tpu.memory_space<vmem>>) dst(%dma_wait3A_239 : memref<8192xf32, #tpu.memory_space<hbm>>)
      tpu.yield
    }) : () -> ()
    return
  }
}

module attributes {stable_mosaic.version = 14 : i64} {
  func.func @_combine_body(%arg0: i32, %arg1: i32, %arg2: memref<1x256x1024xf32, #tpu.memory_space<vmem>>, %arg3: memref<1x256x1024xf32, #tpu.memory_space<vmem>>, %arg4: memref<256x1024xf32, #tpu.memory_space<vmem>>, %arg5: memref<256x1024xf32, #tpu.memory_space<vmem>>, %arg6: memref<256x1024xf32, #tpu.memory_space<vmem>>, %arg7: memref<256x1024xf32, #tpu.memory_space<vmem>>) attributes {dimension_semantics = [#tpu.dimension_semantics<arbitrary>, #tpu.dimension_semantics<arbitrary>], iteration_bounds = array<i64: 8, 1>, scalar_prefetch = 0 : i64, scratch_operands = 0 : i64, tpu.core_type = #tpu.core_type<tc>, window_params = [{transform_indices = @transform_0, window_bounds = array<i64: 1, 256, 1024>}, {transform_indices = @transform_1, window_bounds = array<i64: 1, 256, 1024>}, {transform_indices = @transform_2, window_bounds = array<i64: 256, 1024>}, {transform_indices = @transform_3, window_bounds = array<i64: 256, 1024>}, {transform_indices = @transform_4, window_bounds = array<i64: 256, 1024>}, {transform_indices = @transform_5, window_bounds = array<i64: 256, 1024>}]} {
    %get3A = arith.constant 0 : index
    %get3A_0 = arith.constant 0 : index
    %get3A_1 = arith.constant 0 : index
    %get3A_2 = vector.load %arg2[%get3A, %get3A_0, %get3A_1] : memref<1x256x1024xf32, #tpu.memory_space<vmem>>, vector<1x256x1024xf32>
    %get3A_3 = vector.shape_cast %get3A_2 : vector<1x256x1024xf32> to vector<256x1024xf32>
    %get3A_4 = arith.constant 0 : index
    %get3A_5 = arith.constant 0 : index
    %get3A_6 = arith.constant 0 : index
    %get3A_7 = vector.load %arg3[%get3A_4, %get3A_5, %get3A_6] : memref<1x256x1024xf32, #tpu.memory_space<vmem>>, vector<1x256x1024xf32>
    %get3A_8 = vector.shape_cast %get3A_7 : vector<1x256x1024xf32> to vector<256x1024xf32>
    %get3A_9 = arith.constant 0 : index
    %get3A_10 = arith.constant 0 : index
    %get3A_11 = vector.load %arg4[%get3A_9, %get3A_10] : memref<256x1024xf32, #tpu.memory_space<vmem>>, vector<256x1024xf32>
    %get3A_12 = arith.constant 0 : index
    %get3A_13 = arith.constant 0 : index
    %get3A_14 = vector.load %arg5[%get3A_12, %get3A_13] : memref<256x1024xf32, #tpu.memory_space<vmem>>, vector<256x1024xf32>
    %gt3A = arith.constant 0.000000e+00 : f32
    %gt3A_15 = vector.broadcast %gt3A : f32 to vector<256x1024xf32>
    %gt3A_16 = arith.cmpf ogt, %get3A_3, %gt3A_15 : vector<256x1024xf32>
    %add3A = arith.addf %get3A_11, %get3A_3 : vector<256x1024xf32>
    %jit3A = arith.constant 1.000000e+00 : f64
    %convert_element_type3A = arith.truncf %jit3A : f64 to f32
    %broadcast_in_dim3A = vector.broadcast %convert_element_type3A : f32 to vector<256x1024xf32>
    %select_n3A = arith.select %gt3A_16, %add3A, %broadcast_in_dim3A : vector<256x1024xi1>, vector<256x1024xf32>
    %mul3A = arith.mulf %get3A_11, %get3A_14 : vector<256x1024xf32>
    %add3A_17 = arith.addf %mul3A, %get3A_8 : vector<256x1024xf32>
    %div3A = arith.divf %add3A_17, %select_n3A : vector<256x1024xf32>
    %select_n3A_18 = arith.select %gt3A_16, %div3A, %get3A_14 : vector<256x1024xi1>, vector<256x1024xf32>
    %swap3A = arith.constant 0 : index
    %swap3A_19 = arith.constant 0 : index
    %swap3A_20 = vector.load %arg6[%swap3A, %swap3A_19] : memref<256x1024xf32, #tpu.memory_space<vmem>>, vector<256x1024xf32>
    tpu.vector_store %arg6[%swap3A, %swap3A_19], %select_n3A_18 {strides = array<i32>} : memref<256x1024xf32, #tpu.memory_space<vmem>>, vector<256x1024xf32>,
    %select_n3A_21 = arith.select %gt3A_16, %add3A, %get3A_11 : vector<256x1024xi1>, vector<256x1024xf32>
    %swap3A_22 = arith.constant 0 : index
    %swap3A_23 = arith.constant 0 : index
    %swap3A_24 = vector.load %arg7[%swap3A_22, %swap3A_23] : memref<256x1024xf32, #tpu.memory_space<vmem>>, vector<256x1024xf32>
    tpu.vector_store %arg7[%swap3A_22, %swap3A_23], %select_n3A_21 {strides = array<i32>} : memref<256x1024xf32, #tpu.memory_space<vmem>>, vector<256x1024xf32>,
    return
  }
  func.func @transform_0(%arg0: i32, %arg1: i32) -> (i32, i32, i32) {
    %mul3A = arith.constant 0 : i32
    %mul3A_0 = arith.muli %arg0, %mul3A : i32
    %c0_i32 = arith.constant 0 : i32
    return %mul3A_0, %arg0, %arg1 : i32, i32, i32
  }
  func.func @transform_1(%arg0: i32, %arg1: i32) -> (i32, i32, i32) {
    %mul3A = arith.constant 0 : i32
    %mul3A_0 = arith.muli %arg0, %mul3A : i32
    %add3A = arith.constant 1 : i32
    %add3A_1 = arith.addi %mul3A_0, %add3A : i32
    %c0_i32 = arith.constant 0 : i32
    return %add3A_1, %arg0, %arg1 : i32, i32, i32
  }
  func.func @transform_2(%arg0: i32, %arg1: i32) -> (i32, i32) {
    %c0_i32 = arith.constant 0 : i32
    return %arg0, %arg1 : i32, i32
  }
  func.func @transform_3(%arg0: i32, %arg1: i32) -> (i32, i32) {
    %c0_i32 = arith.constant 0 : i32
    return %arg0, %arg1 : i32, i32
  }
  func.func @transform_4(%arg0: i32, %arg1: i32) -> (i32, i32) {
    %c0_i32 = arith.constant 0 : i32
    return %arg0, %arg1 : i32, i32
  }
  func.func @transform_5(%arg0: i32, %arg1: i32) -> (i32, i32) {
    %c0_i32 = arith.constant 0 : i32
    return %arg0, %arg1 : i32, i32
  }
}

</mosaic_0001>

<sc_bundles>
// kernel: kernel.4.cloned.1.call-start
scs
__scs_entry_jumppad:
0x0: {  	(pc) =	sbr.rel $0x88, $3  }
0x1: {  	(tag) =	ssettag $0x0;
	lr =	simm.s32 $0x1  }
0x2: {  	[smem:$0x3F9C] =	sst lr;
	_ =	strace $0xD0000000  }
0x3: {  	_ = 	snop  }
0x4: {  	_ = 	snop  }
0x5: {  	_ = 	snop  }
0x6: {  	_ = 	snop  }
0x7: {  	_ = 	snop  }
__scs_overlays_trampoline_lowered:
0x8: {  	[smem:$0x3FAB] =	sst s0  }
0x9: {  	[smem:$0x3FAC] =	sst s1  }
0xa: {  	[smem:$0x3FAD] =	sst s2  }
0xb: {  	[smem:$0x3FAE] =	sst s3  }
0xc: {  	[smem:$0x3FAF] =	sst s4  }
0xd: {  	[smem:$0x3FB0] =	sst s5  }
0xe: {  	[smem:$0x3FB1] =	sst s6  }
0xf: {  	[smem:$0x3FB2] =	sst s7  }
0x10: {  	[smem:$0x3FB3] =	sst s8  }
0x11: {  	[smem:$0x3FB4] =	sst s9;
	s0 =	simm.s32 @!p0 $0x0  }
0x12: {  	s1 =	sld [smem:$0x3F9A];
	s0 =	simm.s32 @p0 $0x1  }
0x13: {  	[smem:$0x3FB5] =	sst s0;
	s0 =	simm.s32 @!p1 $0x0  }
0x14: {  	s2 =	sld [smem:$0x3F99];
	s0 =	simm.s32 @p1 $0x1  }
0x15: {  	[smem:$0x3FB6] =	sst s0;
	s0 =	simm.s32 @!p2 $0x0  }
0x16: {  	s3 =	sld [smem:$0x3FDB];
	s0 =	simm.s32 @p2 $0x1  }
0x17: {  	s4 =	simm.s32 $0x1BF5;
	[smem:$0x3FB8] =	sst s0  }
0x18: {  	s0 =	sld [smem:$0x3F9B];
	_ =	swait.ge [sflag:s4], $0x0  }
0x19: {  	s7 =	sld [smem:$0x3F9C]  }
0x1a: {  	s8 =	sadd.s32 $0xFFFFE003, lr  }
0x1b: {  	s9 =	sadd.s32 $0xFFFFFEF7, lr;
	s5 =	simm.s32 $0xFFFFFFFF;
	p2 =	slt.u32 s8, $0xFFFFF086  }
0x1c: {  	p1 =	slt.u32 s9, $0xF7A;
	s5 =	simm.s32 @!p2 $0x0  }
0x1d: {  	s5 =	simm.s32 @p1 $0x1;
	p0 =	seq.s32 s7, s2  }
0x1e: {  	s7 =	smul.u32 @!p0 $0xF7A, s2;
	p2 =	seq.s32 @!p0 s5, $0x0  }
0x1f: {  	s9 =	smul.u32 $0xF7A, s1;
	s8 =	simm.s32 @!p0 $0x1BF5;
	p2 =	por !p2, p0  }
0x20: {  	[sflag:s8] =	ssyncset.s32 @!p0 $0xFFFFF086;
	s6 =	sadd.s32 @!p0 s3, s7;
	s7 =	simm.s32 @!p0 $0x108  }
0x21: {  	s3 =	sadd.s32 s3, s9;
	s6 =	sadd.s32 @!p0 $0x88, s6;
	s7 =	simm.s32 @p2 $0x1082  }
0x22: {  	[simem:s7], [sflag:s8] =	dma.local @!p0 [hbm:s6], $0xF7A  }
0x23: {  	s9 =	sor.u32 $0xD0000000, s2;
	s6 =	simm.s32 $0x108;
	_ =	swait.ge @!p0 [sflag:s8], $0x0  }
0x24: {  	s3 =	sadd.s32 $0x88, s3;
	s6 =	simm.s32 @!p1 $0x1082;
	[sflag:s4] =	ssyncset.s32 $0xFFFFF086  }
0x25: {  	[simem:s6], [sflag:s4] =	dma.local [hbm:s3], $0xF7A  }
0x26: {  	[smem:$0x3F9C] =	sst s1;
	(tag) =	ssettag s2;
	_ =	strace s9  }
0x27: {  	s1 =	sld [smem:$0x3FAC]  }
0x28: {  	s2 =	sld [smem:$0x3FAD]  }
0x29: {  	s4 =	sld [smem:$0x3FAF]  }
0x2a: {  	p0 =	seq.s32 s5, $0x0;
	s5 =	sld [smem:$0x3FB0]  }
0x2b: {  	s6 =	sld [smem:$0x3FB1]  }
0x2c: {  	s7 =	sld [smem:$0x3FB2]  }
0x2d: {  	s3 =	simm.s32 $0x108;
	s8 =	sld [smem:$0x3FB3]  }
0x2e: {  	s3 =	simm.s32 @!p0 $0x1082;
	s9 =	sld [smem:$0x3FB4]  }
0x2f: {  	lr =	sadd.s32 s0, s3;
	s0 =	sld [smem:$0x3FAB]  }
0x30: {  	s3 =	sld [smem:$0x3FAE]  }
0x31: {  	[smem:$0x3FB7] =	sst s10  }
0x32: {  	s10 =	sld [smem:$0x3FB5];
	_ =	sdelay $0x3  }
0x33: {  	p0 =	seq.s32 s10, $0x1;
	s10 =	sld [smem:$0x3FB7];
	_ =	sdelay $0x3  }
0x34: {  	[smem:$0x3FB7] =	sst s10  }
0x35: {  	s10 =	sld [smem:$0x3FB6];
	_ =	sdelay $0x3  }
0x36: {  	p1 =	seq.s32 s10, $0x1;
	s10 =	sld [smem:$0x3FB7];
	_ =	sdelay $0x3  }
0x37: {  	[smem:$0x3FB7] =	sst s10  }
0x38: {  	s10 =	sld [smem:$0x3FB8]  }
0x39: {  	_ = 	snop;
	(pc) =	sbr.ind lr, $3  }
0x3a: {  	_ = 	snop  }
0x3b: {  	_ = 	snop  }
0x3c: {  	p2 =	seq.s32 s10, $0x1;
	s10 =	sld [smem:$0x3FB7]  }
0x3d: {  	_ =	shalt  }
0x3e: {  	_ =	shalt  }
0x3f: {  	_ =	shalt  }
0x40: {  	_ =	shalt  }
0x41: {  	_ =	shalt  }
0x42: {  	_ =	shalt  }
0x43: {  	_ =	shalt  }
0x44: {  	_ =	shalt  }
0x45: {  	_ =	shalt  }
0x46: {  	_ =	shalt  }
0x47: {  	_ =	shalt  }
0x48: {  	_ =	shalt  }
0x49: {  	_ =	shalt  }
0x4a: {  	_ =	shalt  }
0x4b: {  	_ =	shalt  }
0x4c: {  	_ =	shalt  }
0x4d: {  	_ =	shalt  }
0x4e: {  	_ =	shalt  }
0x4f: {  	_ =	shalt  }
0x50: {  	_ =	shalt  }
0x51: {  	_ =	shalt  }
0x52: {  	_ =	shalt  }
0x53: {  	_ =	shalt  }
0x54: {  	_ =	shalt  }
0x55: {  	_ =	shalt  }
0x56: {  	_ =	shalt  }
0x57: {  	_ =	shalt  }
0x58: {  	_ =	shalt  }
0x59: {  	_ =	shalt  }
0x5a: {  	_ =	shalt  }
0x5b: {  	_ =	shalt  }
0x5c: {  	_ =	shalt  }
0x5d: {  	_ =	shalt  }
0x5e: {  	_ =	shalt  }
0x5f: {  	_ =	shalt  }
0x60: {  	_ =	shalt  }
0x61: {  	_ =	shalt  }
0x62: {  	_ =	shalt  }
0x63: {  	_ =	shalt  }
0x64: {  	_ =	shalt  }
0x65: {  	_ =	shalt  }
0x66: {  	_ =	shalt  }
0x67: {  	_ =	shalt  }
0x68: {  	_ =	shalt  }
0x69: {  	_ =	shalt  }
0x6a: {  	_ =	shalt  }
0x6b: {  	_ =	shalt  }
0x6c: {  	_ =	shalt  }
0x6d: {  	_ =	shalt  }
0x6e: {  	_ =	shalt  }
0x6f: {  	_ =	shalt  }
0x70: {  	_ =	shalt  }
0x71: {  	_ =	shalt  }
0x72: {  	_ =	shalt  }
0x73: {  	_ =	shalt  }
0x74: {  	_ =	shalt  }
0x75: {  	_ =	shalt  }
0x76: {  	_ =	shalt  }
0x77: {  	_ =	shalt  }
0x78: {  	_ =	shalt  }
0x79: {  	_ =	shalt  }
0x7a: {  	_ =	shalt  }
0x7b: {  	_ =	shalt  }
0x7c: {  	_ =	shalt  }
0x7d: {  	_ =	shalt  }
0x7e: {  	_ =	shalt  }
0x7f: {  	_ =	shalt  }
0x80: {  	_ =	shalt  }
0x81: {  	_ =	shalt  }
0x82: {  	_ =	shalt  }
0x83: {  	_ =	shalt  }
0x84: {  	_ =	shalt  }
0x85: {  	_ =	shalt  }
0x86: {  	_ =	shalt  }
0x87: {  	_ =	shalt  }
.Lfunc_end0:
.L_simem_size_0:
called_computation_lowered:
.L_overlay_start_0:
0x88: {  	s2 =	sld [smem:$0x3FD9]  }
0x89: {  	s3 =	sld [smem:$0x3FFE];
	_ =	sdelay $0x1  }
0x8a: {  	s1 =	srdreg.scid  }
0x8b: {  	s0 =	sand.u32 $0x1, s1  }
0x8c: {  	s14 =	sshll.u32 s0, $0xA;
	s2 =	sadd.s32 s3, s2  }
0x8d: {  	s2 =	sadd.s32 s2, s14  }
0x8e: {  	[smem:$0x3FC3] =	sst s2  }
0x8f: {  	_ = 	snop  }
0x90: {  	s2 =	sld [smem:$0x3FD0];
	_ =	sdelay $0x2  }
0x91: {  	s15 =	simm.s32 $0xA;
	s4 =	simm.s32 $0x10  }
0x92: {  	[smem:s4], [sflag:s15] =	dma.local [hbm:s2], $0x1  }
0x93: {  	_ =	swait.eq [sflag:s15], $0x1  }
0x94: {  	[sflag:s15] =	ssyncset.done $0x0  }
0x95: {  	[sflag:s15] =	ssyncadd.s32 $0xFFFFFFFF  }
0x96: {  	s16 =	sld [smem:$0x11];
	(tm) =	ssettm $0x1  }
0x97: {  	s17 =	sld [smem:$0x3FFB];
	_ =	sdelay $0x3  }
0x98: {  	_ =	strace s17  }
0x99: {  	s3 =	sld [smem:$0x3FFC];
	_ =	sdelay $0x3  }
0x9a: {  	_ =	strace s3  }
0x9b: {  	s3 =	sld [smem:$0x3FFD];
	_ =	sdelay $0x3  }
0x9c: {  	_ =	strace s3  }
0x9d: {  	_ =	strace $0x8FFFFFFF  }
0x9e: {  	s18 =	sld [smem:$0x3FDB];
	_ =	sdelay $0x1  }
0x9f: {  	s19 =	simm.s32 $_scs_section_size  }
0xa0: {  	s5 =	simm.s32 $_size__tile_overlayer_lowered;
	s6 =	simm.s32 $_tile_overlayer_lowered  }
0xa1: {  	s22 =	simm.s32 $0x1BFF;
	s21 =	sshll.u32 s6, $0x1;
	s3 =	sadd.s32 s19, s18  }
0xa2: {  	s7 =	simm.s32 $0x0;
	s20 =	sshll.u32 s5, $0x1;
	s5 =	sadd.s32 s21, s3  }
0xa3: {  	[timem:s7], [sflag:s22] =	dma.local [hbm:s5], s20  }
0xa4: {  	_ =	swait.ge [sflag:s22], s20  }
0xa5: {  	s4 =	ssub.s32 $0x0, s20;
	[sflag:s22] =	ssyncset.done $0x0  }
0xa6: {  	[sflag:s22] =	ssyncadd.s32 s4;
	_ =	sdelay $0x1  }
0xa7: {  	s23 =	simm.s32 $0x1B8B  }
0xa8: {  	_ =	swait.ge [sflag:s23], $0x1  }
0xa9: {  	[sflag:s23] =	ssyncset.done $0x0  }
0xaa: {  	s25 =	simm.s32 $0x1B8E;
	s24 =	sld [smem:$0x3FFE];
	[sflag:s23] =	ssyncadd.s32 $0xFFFFFFFF  }
0xab: {  	s26 =	simm.s32 $execute0_lowered;
	[smem:$0x3FD2] =	sst s25  }
0xac: {  	s5 =	sshll.u32 s26, $0x1;
	_ =	strace $0x80000046;
	[dreg:$0x1] =	wrdreg $0xFFFFFFFF  }
0xad: {  	s28 =	simm.s32 $_size_execute0_lowered;
	s3 =	sadd.s32 s3, s5;
	[dreg:$0x0] =	wrdreg $0x0  }
0xae: {  	s5 =	sshll.u32 s28, $0x1;
	[dreg:$0x2] =	wrdreg s3  }
0xaf: {  	[dreg:$0x3] =	wrdreg s5  }
0xb0: {  	[dreg:$0x4] =	wrdreg $0xC0  }
0xb1: {  	_ =	task [dreg:s7], $0x5FFFF  }
0xb2: {  	[dreg:$0x1] =	wrdreg $0xFFFFFFFF  }
0xb3: {  	[dreg:$0x0] =	wrdreg $0x60  }
0xb4: {  	[dreg:$0x2] =	wrdreg s24  }
0xb5: {  	[dreg:$0x3] =	wrdreg s16  }
0xb6: {  	[dreg:$0x4] =	wrdreg $0x51000  }
0xb7: {  	[dreg:$0x5] =	wrdreg $0x9  }
0xb8: {  	_ =	task.clear_ibuf [dreg:s7], $0x6FFFF;
	_ =	strace $0x90000046  }
0xb9: {  	s29 =	simm.s32 $0x9;
	_ =	strace $0x80000048  }
0xba: {  	_ =	swait.ge [sflag:s29], $0x1  }
0xbb: {  	[sflag:s29] =	ssyncadd.s32 $0xFFFFFFFF  }
0xbc: {  	_ =	strace $0x90000048  }
0xbd: {  	_ =	sfence  }
0xbe: {  	s30 =	sld [smem:$0x0];
	_ =	sdelay $0x2  }
0xbf: {  	s31 =	sshll.u32 s1, $0xD;
	s1 =	sshrl.u32 s1, $0x2  }
0xc0: {  	s3 =	sand.u32 $0x4000, s31;
	s1 =	sadd.s32 s1, s30  }
0xc1: {  	s0 =	sor.u32 s3, s0;
	s1 =	sshll.u32 s1, $0x11  }
0xc2: {  	s0 =	sor.u32 s1, s0  }
0xc3: {  	s0 =	sadd.s32 $0x8F2B, s0  }
0xc4: {  	[sflag:s0] =	ssyncadd.remote.s32 $0x1  }
0xc5: {  	_ =	sfence.sel $0xFFFF  }
0xc6: {  	[dreg:$0x0] =	wrdreg $0xFFFFFFFF;
	(pc) =	sbr.abs _section_cstart, $3  }
0xc7: {  	[dreg:$0x1] =	wrdreg $0xFFFFFFFF  }
0xc8: {  	_ =	task.clear_ibuf [dreg:s7], $0x2FFFF;
	_ =	strace $0x9FFFFFFF  }
0xc9: {  	(tm) =	ssettm $0x7FFFFFFF  }
tec
execute0_lowered:
.L_overlay_start_1:
0x0: {  	(tag) =	ssettag $0x1  }
0x1: {  	s0 =	rddreg [dreg:$0x0]  }
0x2: {  	s2 =	rddreg [dreg:$0x2];
	s3 =	simm.s32 $0x0;
	s1 =	srdreg.scid  }
0x3: {  	s17 =	stileid.u32;
	[smem:$0x7FF] =	sst s3  }
0x4: {  	s1 =	sand.u32 $0x1, s1;
	s5 =	sadd.s32 $0x1A00, s0;
	s6 =	sadd.s32 $0x2001A00, s0  }
0x5: {  	s0 =	sadd.s32 $0x9A00, s0;
	s25 =	sshll.u32 s17, $0x10;
	s26 =	sshll.u32 s17, $0x9  }
0x6: {  	_ =	strace $0x80000047;
	s4 =	ssub.s32 $0x2, s1;
	p0 =	seq.s32 s1, $0x0  }
0x7: {  	s8 =	sor.u32 $0x40, s26;
	s9 =	sor.u32 $0x80, s26;
	s10 =	sor.u32 $0xC0, s26  }
0x8: {  	s18 =	sor.u32 $0x100, s26;
	s19 =	sor.u32 $0x140, s26;
	s20 =	sor.u32 $0x180, s26  }
0x9: {  	s1 =	sshll.u32 s1, $0x7;
	s7 =	sshrl.u32 s4, $0x1;
	s11 =	sshll.u32 s8, $0x7  }
0xa: {  	s12 =	sshll.u32 s9, $0x7;
	s13 =	sshll.u32 s10, $0x7;
	s14 =	sshll.u32 s18, $0x7  }
0xb: {  	s8 =	sshll.u32 s8, $0x8;
	s9 =	sshll.u32 s9, $0x8;
	s10 =	sshll.u32 s10, $0x8  }
0xc: {  	s4 =	ssub.s32 s4, s7;
	s7 =	sadd.s32 s25, s2;
	s11 =	sadd.s32 s11, s2  }
0xd: {  	s15 =	sadd.s32 s12, s2;
	s16 =	sadd.s32 s13, s2;
	[dreg:$0x4] =	wrdreg s7  }
0xe: {  	s14 =	sadd.s32 s14, s2;
	s8 =	sor.u32 s1, s8;
	[dreg:$0x5] =	wrdreg s11  }
0xf: {  	s9 =	sor.u32 s1, s9;
	s10 =	sor.u32 s1, s10;
	[dreg:$0x6] =	wrdreg s15  }
0x10: {  	s12 =	sshll.u32 s19, $0x8;
	s13 =	sshll.u32 s20, $0x8;
	[dreg:$0x7] =	wrdreg s16  }
0x11: {  	s15 =	sshll.u32 s19, $0x7;
	s16 =	sshll.u32 s20, $0x7;
	[dreg:$0x8] =	wrdreg s14  }
0x12: {  	s7 =	sor.u32 $0x1C0, s26;
	s14 =	sshll.u32 s17, $0x11;
	s11 =	sshll.u32 s18, $0x8  }
0x13: {  	s12 =	sor.u32 s1, s12;
	s13 =	sor.u32 s1, s13;
	s8 =	sshrl.u32 s8, $0x3  }
0x14: {  	s24 =	sshrl.u32 s9, $0x3;
	s25 =	sshrl.u32 s10, $0x3;
	s19 =	smax.u32 s4, $0x1  }
0x15: {  	s21 =	sadd.s32 s15, s2;
	s16 =	sadd.s32 s16, s2;
	s11 =	sor.u32 s1, s11  }
0x16: {  	s22 =	sshll.u32 s7, $0x8;
	s7 =	sshll.u32 s7, $0x7;
	[dreg:$0x15] =	wrdreg s19  }
0x17: {  	s23 =	sadd.s32 s0, s8;
	s9 =	sadd.s32 s0, s25;
	[dreg:$0x9] =	wrdreg s21  }
0x18: {  	s15 =	sor.u32 s1, s22;
	s1 =	sor.u32 s1, s14;
	[dreg:$0xd] =	wrdreg s23  }
0x19: {  	s7 =	sadd.s32 s7, s2;
	s26 =	sshrl.u32 s11, $0x3;
	[dreg:$0xf] =	wrdreg s9  }
0x1a: {  	s11 =	sshrl.u32 s12, $0x3;
	s12 =	sshrl.u32 s13, $0x3;
	[dreg:$0xa] =	wrdreg s16  }
0x1b: {  	s1 =	sshrl.u32 s1, $0x3;
	[dreg:$0xb] =	wrdreg s7;
	s10 =	sadd.s32 s0, s26  }
0x1c: {  	s13 =	sshrl.u32 s15, $0x3;
	s15 =	sadd.s32 s0, s12;
	[dreg:$0x10] =	wrdreg s10  }
0x1d: {  	s17 =	sadd.s32 s0, s1;
	s1 =	sadd.s32 s0, s24;
	[dreg:$0x12] =	wrdreg s15  }
0x1e: {  	s28 =	simm.s32 $0x3000;
	[dreg:$0xe] =	wrdreg s1  }
0x1f: {  	s29 =	simm.s32 $0x2880;
	s1 =	sadd.s32 s0, s11;
	[dreg:$0xc] =	wrdreg s17  }
0x20: {  	s30 =	simm.s32 $0x3080;
	s0 =	sadd.s32 s0, s13;
	[dreg:$0x11] =	wrdreg s1  }
0x21: {  	s31 =	simm.s32 $0x1;
	s18 =	sadd.s32 $0x40000, s17;
	[dreg:$0x13] =	wrdreg s0  }
0x22: {  	s4 =	simm.s32 $0x0;
	s20 =	sadd.s32 $0x40800, s17;
	[dreg:$0x14] =	wrdreg s18  }
0x23: {  	s19 =	simm.s32 $0x2000;
	s21 =	sadd.s32 $0x41000, s17;
	[dreg:$0x16] =	wrdreg s20  }
0x24: {  	s7 =	simm.s32 $0x3100;
	s22 =	sadd.s32 $0x41800, s17;
	[dreg:$0x17] =	wrdreg s21  }
0x25: {  	s12 =	simm.s32 $0x2580;
	s23 =	sadd.s32 $0x42000, s17;
	[dreg:$0x18] =	wrdreg s22  }
0x26: {  	s10 =	simm.s32 $0x2500;
	s24 =	sadd.s32 $0x42800, s17;
	[dreg:$0x19] =	wrdreg s23  }
0x27: {  	s15 =	simm.s32 $0x2600;
	s25 =	sadd.s32 $0x43000, s17;
	[dreg:$0x1a] =	wrdreg s24  }
0x28: {  	s26 =	sadd.s32 $0x43800, s17;
	s11 =	simm.s32 $0x2D00;
	[dreg:$0x1b] =	wrdreg s25  }
0x29: {  	s13 =	simm.s32 $0x2D80;
	s17 =	simm.s32 $0x2E00;
	[dreg:$0x1c] =	wrdreg s26  }
0x2a: {  	s18 =	simm.s32 $0x2;
	s20 =	simm.s32 $0x80;
	s1 =	simm.s32 $0x2680  }
0x2b: {  	s21 =	simm.s32 $0x2E80;
	s22 =	simm.s32 $0x2700;
	s23 =	simm.s32 $0x2F00  }
0x2c: {  	v0 =	vimm.f32 $0.0e+00;
	v1 =	vlaneseq.u32;
	s24 =	simm.s32 $0x2780;
	s25 =	simm.s32 $0x2F80;
	s26 =	simm.s32 $0x2800  }
.LBB2_1:
0x2d: {  	[dreg:$0x1d] =	wrdreg s4;
	s0 =	simm.s32 $0x40;
	s4 =	simm.s32 $0x0  }
.LBB2_2:
0x2e: {  	p1 =	sne.s32 s0, $0x7FC0;
	[tilespmem:s4+$0x3100] =	vst v0;
	s4 =	smov.u32 s0;
	s0 =	sadd.s32 $0x40, s0  }
.Ltmp0:
0x2f: {  	(pc) =	sbr.rel @p1 .LBB2_2-.Ltmp0, $2  }
0x30: {  	_ =	sdelay $0x2  }
0x31: {  	s4 =	sshra.s32 s4, $0x2  }
0x32: {  	[tilespmem:s4+$0x3100] =	vst v0;
	s0 =	rddreg [dreg:$0x4]  }
0x33: {  	[spmem:s0] =	stream.linear.scatter [tilespmem:s7], [sflag:$0x2], $0x2000, $0x38;
	[tilespmem:$0x15100] =	vst v63  }
0x34: {  	_ =	swait.ge [sflag:s18], $0x2000  }
0x35: {  	[sflag:s18] =	ssyncset.done $0x0  }
0x36: {  	s8 =	rddreg [dreg:$0x5];
	[sflag:s18] =	ssyncadd.s32 $0xFFFFE000  }
0x37: {  	[spmem:s8] =	stream.linear.scatter [tilespmem:s7], [sflag:$0x2], $0x2000, $0x38;
	[tilespmem:$0x15100] =	vst v63  }
0x38: {  	_ =	swait.ge [sflag:s18], $0x2000  }
0x39: {  	[sflag:s18] =	ssyncset.done $0x0  }
0x3a: {  	s9 =	rddreg [dreg:$0x6];
	[sflag:s18] =	ssyncadd.s32 $0xFFFFE000  }
0x3b: {  	[spmem:s9] =	stream.linear.scatter [tilespmem:s7], [sflag:$0x2], $0x2000, $0x38;
	[tilespmem:$0x15100] =	vst v63  }
0x3c: {  	_ =	swait.ge [sflag:s18], $0x2000  }
0x3d: {  	[sflag:s18] =	ssyncset.done $0x0  }
0x3e: {  	s4 =	rddreg [dreg:$0x7];
	[sflag:s18] =	ssyncadd.s32 $0xFFFFE000  }
0x3f: {  	[spmem:s4] =	stream.linear.scatter [tilespmem:s7], [sflag:$0x2], $0x2000, $0x38;
	[tilespmem:$0x15100] =	vst v63  }
0x40: {  	_ =	swait.ge [sflag:s18], $0x2000  }
0x41: {  	[sflag:s18] =	ssyncset.done $0x0  }
0x42: {  	s8 =	rddreg [dreg:$0x8];
	[sflag:s18] =	ssyncadd.s32 $0xFFFFE000  }
0x43: {  	[spmem:s8] =	stream.linear.scatter [tilespmem:s7], [sflag:$0x2], $0x2000, $0x38;
	[tilespmem:$0x15100] =	vst v63  }
0x44: {  	_ =	swait.ge [sflag:s18], $0x2000  }
0x45: {  	[sflag:s18] =	ssyncset.done $0x0  }
0x46: {  	s9 =	rddreg [dreg:$0x9];
	[sflag:s18] =	ssyncadd.s32 $0xFFFFE000  }
0x47: {  	[spmem:s9] =	stream.linear.scatter [tilespmem:s7], [sflag:$0x2], $0x2000, $0x38;
	[tilespmem:$0x15100] =	vst v63  }
0x48: {  	_ =	swait.ge [sflag:s18], $0x2000  }
0x49: {  	[sflag:s18] =	ssyncset.done $0x0  }
0x4a: {  	[sflag:s18] =	ssyncadd.s32 $0xFFFFE000  }
0x4b: {  	[spmem:s16] =	stream.linear.scatter [tilespmem:s7], [sflag:$0x2], $0x2000, $0x38;
	[tilespmem:$0x15100] =	vst v63  }
0x4c: {  	_ =	swait.ge [sflag:s18], $0x2000  }
0x4d: {  	[sflag:s18] =	ssyncset.done $0x0  }
0x4e: {  	s16 =	rddreg [dreg:$0xb];
	[sflag:s18] =	ssyncadd.s32 $0xFFFFE000  }
0x4f: {  	[spmem:s16] =	stream.linear.scatter [tilespmem:s7], [sflag:$0x2], $0x2000, $0x38;
	[tilespmem:$0x15100] =	vst v63  }
0x50: {  	_ =	swait.ge [sflag:s18], $0x2000  }
0x51: {  	[sflag:s18] =	ssyncset.done $0x0  }
0x52: {  	[sflag:s18] =	ssyncadd.s32 $0xFFFFE000  }
0x53: {  	s0 =	simm.s32 $0x0;
	s4 =	simm.s32 $0x0;
	[bflag:$0x0] =	sbarrier.arrive $0xFFFF  }
.LBB2_4:
0x54: {  	s7 =	sshll.u32 s4, $0xB  }
0x55: {  	s7 =	sadd.s32 s14, s7  }
0x56: {  	s8 =	smul.u32 $0x3, s7;
	_ =	sdelay $0x1  }
0x57: {  	s8 =	sshrl.u32 s8, $0x3  }
0x58: {  	s8 =	sadd.s32 s6, s8  }
0x59: {  	[tilespmem:s0], [sflag:$0x2] =	stream.linear.gather [hbm4b:s8+s0], $0x1800, $0x38;
	[tilespmem:$0x15100] =	vst v63  }
0x5a: {  	_ =	swait.ge [sflag:s18], $0x1800  }
0x5b: {  	[sflag:s18] =	ssyncset.done $0x0  }
0x5c: {  	[sflag:s18] =	ssyncadd.s32 $0xFFFFE800  }
0x5d: {  	s16 =	sshrl.u32 s7, $0x3;
	s9 =	rddreg [dreg:$0x1]  }
0x5e: {  	s8 =	sadd.s32 s9, s16;
	s16 =	simm.s32 $0x1800  }
0x5f: {  	v2 =	vor.u32 s0, v1;
	v3 =	vmov s0;
	[tilespmem:s16], [sflag:$0x2] =	stream.linear.gather [hbm4b:s8+s0], $0x800, $0x38;
	[tilespmem:$0x15100] =	vst v63  }
0x60: {  	v4 =	vshrl.u32 v2, $0x3;
	v3 =	vshrl.u32 v3, $0x3;
	_ =	swait.ge [sflag:s18], $0x800  }
0x61: {  	v2 =	vmul.u32 $0x3, v2;
	s7 =	sshrl.u32 s7, $0x6;
	v4 =	vand.u32 $0x7F, v4;
	v3 =	vand.u32 $0x80, v3;
	[sflag:s18] =	ssyncset.done $0x0  }
0x62: {  	s7 =	sadd.s32 s5, s7;
	v3 =	vor.u32 v3, v4;
	[sflag:s18] =	ssyncadd.s32 $0xFFFFF800  }
0x63: {  	v4 =	vadd.s32 $0x1, v2;
	[tilespmem:s19], [sflag:$0x2] =	stream.linear.gather [hbm4b:s7+s0], $0x100, $0x38;
	[tilespmem:$0x15100] =	vst v63  }
0x64: {  	_ =	swait.ge [sflag:s18], $0x100  }
0x65: {  	[sflag:s18] =	ssyncset.done $0x0  }
0x66: {  	[sflag:s18] =	ssyncadd.s32 $0xFFFFFF00  }
0x67: {  	v5 =	vadd.s32 $0x2, v2;
	v3 =	vld.idx.msk [tilespmem:v3+s19+$0x0], $0xffff  }
0x68: {  	v4 =	vld.idx.msk [tilespmem:v4+s3+$0x0], $0xffff  }
0x69: {  	v2 =	vld.idx.msk [tilespmem:v2+s3+$0x0], $0xffff  }
0x6a: {  	v6 =	vld [tilespmem:s16+$0x0];
	_ =	sdelay $0x1  }
0x6b: {  	s16 =	simm.s32 $0x10;
	v5 =	vld.idx.msk [tilespmem:v5+s3+$0x0], $0xffff  }
0x6c: {  	v7 =	vor.u32 s16, v1  }
0x6d: {  	v9 =	vmov s16;
	v8 =	vmul.u32 $0x3, v7;
	v7 =	vshrl.u32 v7, $0x3  }
0x6e: {  	v2 =	vshll.u32 v2, $0xE;
	v4 =	vshll.u32 v4, $0x7;
	v3 =	vmul.f32 v3, v6  }
0x6f: {  	v9 =	vshrl.u32 v9, $0x3;
	v2 =	vadd.s32 v2, v4;
	v4 =	vadd.s32 $0x1, v8  }
0x70: {  	v2 =	vadd.s32 v5, v2;
	v3 =	vpsel p0, v6, v3;
	v5 =	vand.u32 $0x7F, v7  }
0x71: {  	s7 =	simm.s32 $0x2100;
	v6 =	vand.u32 $0x80, v9;
	vm0 =	vlt.u32 v2, $0x100000;
	v2 =	vand.u32 $0xFFFFF, v2  }
0x72: {  	s16 =	simm.s32 $0x2900;
	[tilespmem:s7+$0x0] =	vst v2;
	v2 =	vnsel vm0, $0x0, v3;
	v3 =	vor.u32 v6, v5  }
0x73: {  	v5 =	vadd.s32 $0x2, v8;
	[tilespmem:s16+$0x0] =	vst v2  }
0x74: {  	v9 =	vld.idx.msk [tilespmem:v4+s3+$0x0], $0xffff  }
0x75: {  	s8 =	simm.s32 $0x1810;
	v8 =	vld.idx.msk [tilespmem:v8+s3+$0x0], $0xffff  }
0x76: {  	v4 =	vld [tilespmem:s8+$0x0]  }
0x77: {  	s9 =	simm.s32 $0x20;
	v3 =	vld.idx.msk [tilespmem:v3+s19+$0x0], $0xffff  }
0x78: {  	v7 =	vmov s9;
	v5 =	vld.idx.msk [tilespmem:v5+s3+$0x0], $0xffff  }
0x79: {  	v7 =	vshrl.u32 v7, $0x3;
	v2 =	vor.u32 s9, v1  }
0x7a: {  	v7 =	vand.u32 $0x80, v7;
	v6 =	vshrl.u32 v2, $0x3;
	v2 =	vmul.u32 $0x3, v2  }
0x7b: {  	s9 =	simm.s32 $0x30;
	v6 =	vand.u32 $0x7F, v6;
	v8 =	vshll.u32 v8, $0xE;
	v9 =	vshll.u32 v9, $0x7  }
.LBB2_5:
0x7c: {  	p1 =	sne.s32 s9, $0x7F0;
	v6 =	vor.u32 v7, v6;
	v7 =	vadd.s32 v8, v9;
	v3 =	vmul.f32 v3, v4  }
0x7d: {  	v8 =	vadd.s32 $0x1, v2;
	v5 =	vadd.s32 v5, v7  }
0x7e: {  	s7 =	sadd.s32 $0x10, s7;
	v3 =	vpsel p0, v4, v3;
	vm0 =	vlt.u32 v5, $0x100000;
	v4 =	vand.u32 $0xFFFFF, v5  }
0x7f: {  	s16 =	sadd.s32 $0x10, s16;
	[tilespmem:s7+$0x0] =	vst v4;
	v3 =	vnsel vm0, $0x0, v3  }
0x80: {  	v5 =	vadd.s32 $0x2, v2;
	[tilespmem:s16+$0x0] =	vst v3  }
0x81: {  	v3 =	vld.idx.msk [tilespmem:v6+s19+$0x0], $0xffff  }
0x82: {  	v9 =	vld.idx.msk [tilespmem:v8+s3+$0x0], $0xffff  }
0x83: {  	s8 =	sadd.s32 $0x10, s8;
	v8 =	vld.idx.msk [tilespmem:v2+s3+$0x0], $0xffff  }
0x84: {  	v4 =	vld [tilespmem:s8+$0x0]  }
.Ltmp1:
0x85: {  	v5 =	vld.idx.msk [tilespmem:v5+s3+$0x0], $0xffff;
	(pc) =	sbr.rel @p1 .LBB2_5-.Ltmp1, $4  }
0x86: {  	v2 =	vor.u32 s9, v1  }
0x87: {  	v7 =	vmov s9;
	v6 =	vshrl.u32 v2, $0x3  }
0x88: {  	v7 =	vshrl.u32 v7, $0x3;
	v2 =	vmul.u32 $0x3, v2;
	v6 =	vand.u32 $0x7F, v6  }
0x89: {  	v7 =	vand.u32 $0x80, v7;
	s9 =	sadd.s32 $0x10, s9;
	v9 =	vshll.u32 v9, $0x7;
	v8 =	vshll.u32 v8, $0xE  }
0x8a: {  	v8 =	vadd.s32 v8, v9;
	v3 =	vmul.f32 v3, v4  }
0x8b: {  	v59 =	vadd.s32 $0x1, v2;
	v5 =	vadd.s32 v5, v8  }
0x8c: {  	s7 =	sadd.s32 $0x10, s7;
	v3 =	vpsel p0, v4, v3;
	vm0 =	vlt.u32 v5, $0x100000;
	v60 =	vand.u32 $0xFFFFF, v5  }
0x8d: {  	v61 =	vor.u32 v7, v6;
	s9 =	sadd.s32 $0x10, s16;
	[tilespmem:s7+$0x0] =	vst v60;
	v3 =	vnsel vm0, $0x0, v3  }
0x8e: {  	v62 =	vadd.s32 $0x2, v2;
	s8 =	sadd.s32 $0x10, s8;
	[tilespmem:s9+$0x0] =	vst v3  }
0x8f: {  	v3 =	vld [tilespmem:s8+$0x0]  }
0x90: {  	v63 =	vld.idx.msk [tilespmem:v59+s3+$0x0], $0xffff  }
0x91: {  	v2 =	vld.idx.msk [tilespmem:v2+s3+$0x0], $0xffff  }
0x92: {  	v5 =	vld.idx.msk [tilespmem:v61+s19+$0x0], $0xffff  }
0x93: {  	v4 =	vld.idx.msk [tilespmem:v62+s3+$0x0], $0xffff;
	_ =	sdelay $0x2  }
0x94: {  	v2 =	vshll.u32 v2, $0xE;
	v6 =	vshll.u32 v63, $0x7  }
0x95: {  	v5 =	vmul.f32 v5, v3;
	v2 =	vadd.s32 v2, v6  }
0x96: {  	v2 =	vadd.s32 v4, v2  }
0x97: {  	s7 =	sadd.s32 $0x10, s7;
	v3 =	vpsel p0, v3, v5;
	vm15 =	vlt.u32 v2, $0x100000;
	v2 =	vand.u32 $0xFFFFF, v2  }
0x98: {  	s8 =	sadd.s32 $0x10, s9;
	[tilespmem:s7+$0x0] =	vst v2;
	v2 =	vnsel vm15, $0x0, v3  }
0x99: {  	s16 =	simm.s32 $0x2900;
	s9 =	simm.s32 $0x2100;
	[tilespmem:s8+$0x0] =	vst v2  }
0x9a: {  	[spmem:s2] =	stream.indirect.scatter.add.f32 [tilespmem:s16], [sflag:$0x1], $0x1, s9, s20, $0xb8;
	[tilespmem:$0x15100] =	vst v63  }
0x9b: {  	s9 =	simm.s32 $0x2180;
	s16 =	simm.s32 $0x2980  }
0x9c: {  	[spmem:s2] =	stream.indirect.scatter.add.f32 [tilespmem:s16], [sflag:$0x1], $0x1, s9, s20, $0xb8;
	[tilespmem:$0x15100] =	vst v63  }
0x9d: {  	s9 =	simm.s32 $0x2200;
	s16 =	simm.s32 $0x2A00  }
0x9e: {  	[spmem:s2] =	stream.indirect.scatter.add.f32 [tilespmem:s16], [sflag:$0x1], $0x1, s9, s20, $0xb8;
	[tilespmem:$0x15100] =	vst v63  }
0x9f: {  	s9 =	simm.s32 $0x2280;
	s16 =	simm.s32 $0x2A80  }
0xa0: {  	[spmem:s2] =	stream.indirect.scatter.add.f32 [tilespmem:s16], [sflag:$0x1], $0x1, s9, s20, $0xb8;
	[tilespmem:$0x15100] =	vst v63  }
0xa1: {  	s9 =	simm.s32 $0x2300;
	s16 =	simm.s32 $0x2B00  }
0xa2: {  	[spmem:s2] =	stream.indirect.scatter.add.f32 [tilespmem:s16], [sflag:$0x1], $0x1, s9, s20, $0xb8;
	[tilespmem:$0x15100] =	vst v63  }
0xa3: {  	s9 =	simm.s32 $0x2380;
	s16 =	simm.s32 $0x2B80  }
0xa4: {  	[spmem:s2] =	stream.indirect.scatter.add.f32 [tilespmem:s16], [sflag:$0x1], $0x1, s9, s20, $0xb8;
	[tilespmem:$0x15100] =	vst v63  }
0xa5: {  	s9 =	simm.s32 $0x2400;
	s16 =	simm.s32 $0x2C00  }
0xa6: {  	[spmem:s2] =	stream.indirect.scatter.add.f32 [tilespmem:s16], [sflag:$0x1], $0x1, s9, s20, $0xb8;
	[tilespmem:$0x15100] =	vst v63  }
0xa7: {  	s9 =	simm.s32 $0x2480;
	s16 =	simm.s32 $0x2C80  }
0xa8: {  	[spmem:s2] =	stream.indirect.scatter.add.f32 [tilespmem:s16], [sflag:$0x1], $0x1, s9, s20, $0xb8;
	[tilespmem:$0x15100] =	vst v63  }
0xa9: {  	_ = 	snop  }
0xaa: {  	[spmem:s2] =	stream.indirect.scatter.add.f32 [tilespmem:s11], [sflag:$0x1], $0x1, s10, s20, $0xb8;
	[tilespmem:$0x15100] =	vst v63  }
0xab: {  	_ = 	snop  }
0xac: {  	[spmem:s2] =	stream.indirect.scatter.add.f32 [tilespmem:s13], [sflag:$0x1], $0x1, s12, s20, $0xb8;
	[tilespmem:$0x15100] =	vst v63  }
0xad: {  	_ = 	snop  }
0xae: {  	[spmem:s2] =	stream.indirect.scatter.add.f32 [tilespmem:s17], [sflag:$0x1], $0x1, s15, s20, $0xb8;
	[tilespmem:$0x15100] =	vst v63  }
0xaf: {  	_ = 	snop  }
0xb0: {  	[spmem:s2] =	stream.indirect.scatter.add.f32 [tilespmem:s21], [sflag:$0x1], $0x1, s1, s20, $0xb8;
	[tilespmem:$0x15100] =	vst v63  }
0xb1: {  	_ = 	snop  }
0xb2: {  	[spmem:s2] =	stream.indirect.scatter.add.f32 [tilespmem:s23], [sflag:$0x1], $0x1, s22, s20, $0xb8;
	[tilespmem:$0x15100] =	vst v63  }
0xb3: {  	_ = 	snop  }
0xb4: {  	[spmem:s2] =	stream.indirect.scatter.add.f32 [tilespmem:s25], [sflag:$0x1], $0x1, s24, s20, $0xb8;
	[tilespmem:$0x15100] =	vst v63  }
0xb5: {  	_ = 	snop  }
0xb6: {  	[spmem:s2] =	stream.indirect.scatter.add.f32 [tilespmem:s28], [sflag:$0x1], $0x1, s26, s20, $0xb8;
	[tilespmem:$0x15100] =	vst v63  }
0xb7: {  	_ = 	snop  }
0xb8: {  	[spmem:s2] =	stream.indirect.scatter.add.f32 [tilespmem:s30], [sflag:$0x1], $0x1, s29, s20, $0xb8;
	[tilespmem:$0x15100] =	vst v63  }
0xb9: {  	_ =	swait.ge [sflag:s31], $0x80  }
0xba: {  	[sflag:s31] =	ssyncset.done $0x0  }
0xbb: {  	[sflag:s31] =	ssyncadd.s32 $0xFFFFFF80  }
0xbc: {  	_ =	swait.ge [sflag:s31], $0x80  }
0xbd: {  	[sflag:s31] =	ssyncset.done $0x0  }
0xbe: {  	[sflag:s31] =	ssyncadd.s32 $0xFFFFFF80  }
0xbf: {  	_ =	swait.ge [sflag:s31], $0x80  }
0xc0: {  	[sflag:s31] =	ssyncset.done $0x0  }
0xc1: {  	[sflag:s31] =	ssyncadd.s32 $0xFFFFFF80  }
0xc2: {  	_ =	swait.ge [sflag:s31], $0x80  }
0xc3: {  	[sflag:s31] =	ssyncset.done $0x0  }
0xc4: {  	[sflag:s31] =	ssyncadd.s32 $0xFFFFFF80  }
0xc5: {  	_ =	swait.ge [sflag:s31], $0x80  }
0xc6: {  	[sflag:s31] =	ssyncset.done $0x0  }
0xc7: {  	[sflag:s31] =	ssyncadd.s32 $0xFFFFFF80  }
0xc8: {  	_ =	swait.ge [sflag:s31], $0x80  }
0xc9: {  	[sflag:s31] =	ssyncset.done $0x0  }
0xca: {  	[sflag:s31] =	ssyncadd.s32 $0xFFFFFF80  }
0xcb: {  	_ =	swait.ge [sflag:s31], $0x80  }
0xcc: {  	[sflag:s31] =	ssyncset.done $0x0  }
0xcd: {  	[sflag:s31] =	ssyncadd.s32 $0xFFFFFF80  }
0xce: {  	_ =	swait.ge [sflag:s31], $0x80  }
0xcf: {  	[sflag:s31] =	ssyncset.done $0x0  }
0xd0: {  	[sflag:s31] =	ssyncadd.s32 $0xFFFFFF80  }
0xd1: {  	_ =	swait.ge [sflag:s31], $0x80  }
0xd2: {  	[sflag:s31] =	ssyncset.done $0x0  }
0xd3: {  	[sflag:s31] =	ssyncadd.s32 $0xFFFFFF80  }
0xd4: {  	_ =	swait.ge [sflag:s31], $0x80  }
0xd5: {  	[sflag:s31] =	ssyncset.done $0x0  }
0xd6: {  	[sflag:s31] =	ssyncadd.s32 $0xFFFFFF80  }
0xd7: {  	_ =	swait.ge [sflag:s31], $0x80  }
0xd8: {  	[sflag:s31] =	ssyncset.done $0x0  }
0xd9: {  	[sflag:s31] =	ssyncadd.s32 $0xFFFFFF80  }
0xda: {  	_ =	swait.ge [sflag:s31], $0x80  }
0xdb: {  	[sflag:s31] =	ssyncset.done $0x0  }
0xdc: {  	[sflag:s31] =	ssyncadd.s32 $0xFFFFFF80  }
0xdd: {  	_ =	swait.ge [sflag:s31], $0x80  }
0xde: {  	[sflag:s31] =	ssyncset.done $0x0  }
0xdf: {  	[sflag:s31] =	ssyncadd.s32 $0xFFFFFF80  }
0xe0: {  	_ =	swait.ge [sflag:s31], $0x80  }
0xe1: {  	[sflag:s31] =	ssyncset.done $0x0  }
0xe2: {  	s4 =	sadd.s32 $0x1, s4;
	[sflag:s31] =	ssyncadd.s32 $0xFFFFFF80  }
0xe3: {  	p1 =	sne.s32 s4, $0x40;
	_ =	swait.ge [sflag:s31], $0x80  }
.Ltmp2:
0xe4: {  	[sflag:s31] =	ssyncset.done $0x0;
	(pc) =	sbr.rel @p1 .LBB2_4-.Ltmp2, $4  }
0xe5: {  	[sflag:s31] =	ssyncadd.s32 $0xFFFFFF80  }
0xe6: {  	_ =	swait.ge [sflag:s31], $0x80  }
0xe7: {  	[sflag:s31] =	ssyncset.done $0x0  }
0xe8: {  	[sflag:s31] =	ssyncadd.s32 $0xFFFFFF80  }
0xe9: {  	[bflag:$0x0] =	sbarrier.arrive $0xFFFF  }
0xea: {  	s8 =	simm.s32 $0x3100;
	s0 =	rddreg [dreg:$0x4]  }
0xeb: {  	[tilespmem:s8], [sflag:$0x2] =	stream.linear.gather [spmem:s0], $0x2000, $0x38;
	[tilespmem:$0x15100] =	vst v63  }
0xec: {  	_ =	swait.ge [sflag:s18], $0x2000  }
0xed: {  	[sflag:s18] =	ssyncset.done $0x0  }
0xee: {  	s4 =	simm.s32 $0x100;
	s7 =	rddreg [dreg:$0xc];
	[sflag:s18] =	ssyncadd.s32 $0xFFFFE000  }
0xef: {  	[hbm4b:s7+s20] =	stream.strided.scatter [tilespmem:s8], [sflag:$0x2], $0x2000, s4, s20, $0x38;
	[tilespmem:$0x15100] =	vst v63  }
0xf0: {  	_ =	swait.ge [sflag:s18], $0x2000  }
0xf1: {  	[sflag:s18] =	ssyncset.done $0x0  }
0xf2: {  	s9 =	rddreg [dreg:$0x5];
	[sflag:s18] =	ssyncadd.s32 $0xFFFFE000  }
0xf3: {  	[tilespmem:s8], [sflag:$0x2] =	stream.linear.gather [spmem:s9], $0x2000, $0x38;
	[tilespmem:$0x15100] =	vst v63  }
0xf4: {  	_ =	swait.ge [sflag:s18], $0x2000  }
0xf5: {  	[sflag:s18] =	ssyncset.done $0x0  }
0xf6: {  	s16 =	rddreg [dreg:$0xd];
	[sflag:s18] =	ssyncadd.s32 $0xFFFFE000  }
0xf7: {  	[hbm4b:s16+s20] =	stream.strided.scatter [tilespmem:s8], [sflag:$0x2], $0x2000, s4, s20, $0x38;
	[tilespmem:$0x15100] =	vst v63  }
0xf8: {  	_ =	swait.ge [sflag:s18], $0x2000  }
0xf9: {  	[sflag:s18] =	ssyncset.done $0x0  }
0xfa: {  	s7 =	rddreg [dreg:$0x6];
	[sflag:s18] =	ssyncadd.s32 $0xFFFFE000  }
0xfb: {  	[tilespmem:s8], [sflag:$0x2] =	stream.linear.gather [spmem:s7], $0x2000, $0x38;
	[tilespmem:$0x15100] =	vst v63  }
0xfc: {  	_ =	swait.ge [sflag:s18], $0x2000  }
0xfd: {  	[sflag:s18] =	ssyncset.done $0x0  }
0xfe: {  	s9 =	rddreg [dreg:$0xe];
	[sflag:s18] =	ssyncadd.s32 $0xFFFFE000  }
0xff: {  	[hbm4b:s9+s20] =	stream.strided.scatter [tilespmem:s8], [sflag:$0x2], $0x2000, s4, s20, $0x38;
	[tilespmem:$0x15100] =	vst v63  }
0x100: {  	_ =	swait.ge [sflag:s18], $0x2000  }
0x101: {  	[sflag:s18] =	ssyncset.done $0x0  }
0x102: {  	s16 =	rddreg [dreg:$0x7];
	[sflag:s18] =	ssyncadd.s32 $0xFFFFE000  }
0x103: {  	[tilespmem:s8], [sflag:$0x2] =	stream.linear.gather [spmem:s16], $0x2000, $0x38;
	[tilespmem:$0x15100] =	vst v63  }
0x104: {  	_ =	swait.ge [sflag:s18], $0x2000  }
0x105: {  	[sflag:s18] =	ssyncset.done $0x0  }
0x106: {  	s7 =	rddreg [dreg:$0xf];
	[sflag:s18] =	ssyncadd.s32 $0xFFFFE000  }
0x107: {  	[hbm4b:s7+s20] =	stream.strided.scatter [tilespmem:s8], [sflag:$0x2], $0x2000, s4, s20, $0x38;
	[tilespmem:$0x15100] =	vst v63  }
0x108: {  	_ =	swait.ge [sflag:s18], $0x2000  }
0x109: {  	[sflag:s18] =	ssyncset.done $0x0  }
0x10a: {  	s9 =	rddreg [dreg:$0x8];
	[sflag:s18] =	ssyncadd.s32 $0xFFFFE000  }
0x10b: {  	[tilespmem:s8], [sflag:$0x2] =	stream.linear.gather [spmem:s9], $0x2000, $0x38;
	[tilespmem:$0x15100] =	vst v63  }
0x10c: {  	_ =	swait.ge [sflag:s18], $0x2000  }
0x10d: {  	[sflag:s18] =	ssyncset.done $0x0  }
0x10e: {  	s16 =	rddreg [dreg:$0x10];
	[sflag:s18] =	ssyncadd.s32 $0xFFFFE000  }
0x10f: {  	[hbm4b:s16+s20] =	stream.strided.scatter [tilespmem:s8], [sflag:$0x2], $0x2000, s4, s20, $0x38;
	[tilespmem:$0x15100] =	vst v63  }
0x110: {  	_ =	swait.ge [sflag:s18], $0x2000  }
0x111: {  	[sflag:s18] =	ssyncset.done $0x0  }
0x112: {  	s7 =	rddreg [dreg:$0x9];
	[sflag:s18] =	ssyncadd.s32 $0xFFFFE000  }
0x113: {  	[tilespmem:s8], [sflag:$0x2] =	stream.linear.gather [spmem:s7], $0x2000, $0x38;
	[tilespmem:$0x15100] =	vst v63  }
0x114: {  	_ =	swait.ge [sflag:s18], $0x2000  }
0x115: {  	[sflag:s18] =	ssyncset.done $0x0  }
0x116: {  	s9 =	rddreg [dreg:$0x11];
	[sflag:s18] =	ssyncadd.s32 $0xFFFFE000  }
0x117: {  	[hbm4b:s9+s20] =	stream.strided.scatter [tilespmem:s8], [sflag:$0x2], $0x2000, s4, s20, $0x38;
	[tilespmem:$0x15100] =	vst v63  }
0x118: {  	_ =	swait.ge [sflag:s18], $0x2000  }
0x119: {  	[sflag:s18] =	ssyncset.done $0x0  }
0x11a: {  	s7 =	rddreg [dreg:$0xa];
	[sflag:s18] =	ssyncadd.s32 $0xFFFFE000  }
0x11b: {  	[tilespmem:s8], [sflag:$0x2] =	stream.linear.gather [spmem:s7], $0x2000, $0x38;
	[tilespmem:$0x15100] =	vst v63  }
0x11c: {  	_ =	swait.ge [sflag:s18], $0x2000  }
0x11d: {  	[sflag:s18] =	ssyncset.done $0x0  }
0x11e: {  	s16 =	rddreg [dreg:$0x12];
	[sflag:s18] =	ssyncadd.s32 $0xFFFFE000  }
0x11f: {  	[hbm4b:s16+s20] =	stream.strided.scatter [tilespmem:s8], [sflag:$0x2], $0x2000, s4, s20, $0x38;
	[tilespmem:$0x15100] =	vst v63  }
0x120: {  	_ =	swait.ge [sflag:s18], $0x2000  }
0x121: {  	[sflag:s18] =	ssyncset.done $0x0  }
0x122: {  	s9 =	rddreg [dreg:$0xb];
	[sflag:s18] =	ssyncadd.s32 $0xFFFFE000  }
0x123: {  	[tilespmem:s8], [sflag:$0x2] =	stream.linear.gather [spmem:s9], $0x2000, $0x38;
	[tilespmem:$0x15100] =	vst v63  }
0x124: {  	_ =	swait.ge [sflag:s18], $0x2000  }
0x125: {  	[sflag:s18] =	ssyncset.done $0x0  }
0x126: {  	s16 =	rddreg [dreg:$0x13];
	[sflag:s18] =	ssyncadd.s32 $0xFFFFE000  }
0x127: {  	[hbm4b:s16+s20] =	stream.strided.scatter [tilespmem:s8], [sflag:$0x2], $0x2000, s4, s20, $0x38;
	[tilespmem:$0x15100] =	vst v63  }
0x128: {  	_ =	swait.ge [sflag:s18], $0x2000  }
0x129: {  	[sflag:s18] =	ssyncset.done $0x0  }
0x12a: {  	s0 =	simm.s32 $0x40;
	s4 =	simm.s32 $0x0;
	[sflag:s18] =	ssyncadd.s32 $0xFFFFE000  }
.LBB2_8:
0x12b: {  	p1 =	sne.s32 s0, $0x7FC0;
	[tilespmem:s4+$0x3100] =	vst v0;
	s4 =	smov.u32 s0;
	s0 =	sadd.s32 $0x40, s0  }
.Ltmp3:
0x12c: {  	(pc) =	sbr.rel @p1 .LBB2_8-.Ltmp3, $2  }
0x12d: {  	_ =	sdelay $0x2  }
0x12e: {  	s4 =	sshra.s32 s4, $0x2  }
0x12f: {  	[tilespmem:s4+$0x3100] =	vst v0;
	s0 =	rddreg [dreg:$0x4]  }
0x130: {  	[spmem:s0] =	stream.linear.scatter [tilespmem:s8], [sflag:$0x2], $0x2000, $0x38;
	[tilespmem:$0x15100] =	vst v63  }
0x131: {  	_ =	swait.ge [sflag:s18], $0x2000  }
0x132: {  	[sflag:s18] =	ssyncset.done $0x0  }
0x133: {  	s4 =	rddreg [dreg:$0x5];
	[sflag:s18] =	ssyncadd.s32 $0xFFFFE000  }
0x134: {  	[spmem:s4] =	stream.linear.scatter [tilespmem:s8], [sflag:$0x2], $0x2000, $0x38;
	[tilespmem:$0x15100] =	vst v63  }
0x135: {  	_ =	swait.ge [sflag:s18], $0x2000  }
0x136: {  	[sflag:s18] =	ssyncset.done $0x0  }
0x137: {  	s9 =	rddreg [dreg:$0x6];
	[sflag:s18] =	ssyncadd.s32 $0xFFFFE000  }
0x138: {  	[spmem:s9] =	stream.linear.scatter [tilespmem:s8], [sflag:$0x2], $0x2000, $0x38;
	[tilespmem:$0x15100] =	vst v63  }
0x139: {  	_ =	swait.ge [sflag:s18], $0x2000  }
0x13a: {  	[sflag:s18] =	ssyncset.done $0x0  }
0x13b: {  	s16 =	rddreg [dreg:$0x7];
	[sflag:s18] =	ssyncadd.s32 $0xFFFFE000  }
0x13c: {  	[spmem:s16] =	stream.linear.scatter [tilespmem:s8], [sflag:$0x2], $0x2000, $0x38;
	[tilespmem:$0x15100] =	vst v63  }
0x13d: {  	_ =	swait.ge [sflag:s18], $0x2000  }
0x13e: {  	[sflag:s18] =	ssyncset.done $0x0  }
0x13f: {  	s4 =	rddreg [dreg:$0x8];
	[sflag:s18] =	ssyncadd.s32 $0xFFFFE000  }
0x140: {  	[spmem:s4] =	stream.linear.scatter [tilespmem:s8], [sflag:$0x2], $0x2000, $0x38;
	[tilespmem:$0x15100] =	vst v63  }
0x141: {  	_ =	swait.ge [sflag:s18], $0x2000  }
0x142: {  	[sflag:s18] =	ssyncset.done $0x0  }
0x143: {  	s9 =	rddreg [dreg:$0x9];
	[sflag:s18] =	ssyncadd.s32 $0xFFFFE000  }
0x144: {  	[spmem:s9] =	stream.linear.scatter [tilespmem:s8], [sflag:$0x2], $0x2000, $0x38;
	[tilespmem:$0x15100] =	vst v63  }
0x145: {  	_ =	swait.ge [sflag:s18], $0x2000  }
0x146: {  	[sflag:s18] =	ssyncset.done $0x0  }
0x147: {  	[sflag:s18] =	ssyncadd.s32 $0xFFFFE000  }
0x148: {  	[spmem:s7] =	stream.linear.scatter [tilespmem:s8], [sflag:$0x2], $0x2000, $0x38;
	[tilespmem:$0x15100] =	vst v63  }
0x149: {  	_ =	swait.ge [sflag:s18], $0x2000  }
0x14a: {  	[sflag:s18] =	ssyncset.done $0x0  }
0x14b: {  	s16 =	rddreg [dreg:$0xb];
	[sflag:s18] =	ssyncadd.s32 $0xFFFFE000  }
0x14c: {  	[spmem:s16] =	stream.linear.scatter [tilespmem:s8], [sflag:$0x2], $0x2000, $0x38;
	[tilespmem:$0x15100] =	vst v63  }
0x14d: {  	_ =	swait.ge [sflag:s18], $0x2000  }
0x14e: {  	[sflag:s18] =	ssyncset.done $0x0  }
0x14f: {  	[sflag:s18] =	ssyncadd.s32 $0xFFFFE000  }
0x150: {  	s0 =	simm.s32 $0x0;
	s4 =	simm.s32 $0x0;
	[bflag:$0x0] =	sbarrier.arrive $0xFFFF  }
.LBB2_10:
0x151: {  	s7 =	sshll.u32 s4, $0xB  }
0x152: {  	s7 =	sadd.s32 s14, s7  }
0x153: {  	s8 =	smul.u32 $0x3, s7;
	_ =	sdelay $0x1  }
0x154: {  	s8 =	sshrl.u32 s8, $0x3  }
0x155: {  	s8 =	sadd.s32 s6, s8  }
0x156: {  	[tilespmem:s0], [sflag:$0x2] =	stream.linear.gather [hbm4b:s8+s0], $0x1800, $0x38;
	[tilespmem:$0x15100] =	vst v63  }
0x157: {  	_ =	swait.ge [sflag:s18], $0x1800  }
0x158: {  	[sflag:s18] =	ssyncset.done $0x0  }
0x159: {  	[sflag:s18] =	ssyncadd.s32 $0xFFFFE800  }
0x15a: {  	s16 =	sshrl.u32 s7, $0x3;
	s9 =	rddreg [dreg:$0x1]  }
0x15b: {  	s8 =	sadd.s32 s9, s16;
	s16 =	simm.s32 $0x1800  }
0x15c: {  	v2 =	vor.u32 s0, v1;
	[tilespmem:s16], [sflag:$0x2] =	stream.linear.gather [hbm4b:s8+s0], $0x800, $0x38;
	[tilespmem:$0x15100] =	vst v63  }
0x15d: {  	v3 =	vmul.u32 $0x3, v2;
	_ =	swait.ge [sflag:s18], $0x800  }
0x15e: {  	v4 =	vmov s0;
	s7 =	sshrl.u32 s7, $0x6;
	[sflag:s18] =	ssyncset.done $0x0  }
0x15f: {  	v2 =	vshrl.u32 v2, $0x3;
	v4 =	vshrl.u32 v4, $0x3;
	s7 =	sadd.s32 s5, s7;
	v5 =	vadd.s32 $0x1, v3;
	[sflag:s18] =	ssyncadd.s32 $0xFFFFF800  }
0x160: {  	v2 =	vand.u32 $0x7F, v2;
	v4 =	vand.u32 $0x80, v4;
	[tilespmem:s19], [sflag:$0x2] =	stream.linear.gather [hbm4b:s7+s0], $0x100, $0x38;
	[tilespmem:$0x15100] =	vst v63  }
0x161: {  	v2 =	vor.u32 v4, v2;
	_ =	swait.ge [sflag:s18], $0x100  }
0x162: {  	[sflag:s18] =	ssyncset.done $0x0  }
0x163: {  	v4 =	vadd.s32 $0x2, v3;
	[sflag:s18] =	ssyncadd.s32 $0xFFFFFF00  }
0x164: {  	v5 =	vld.idx.msk [tilespmem:v5+s3+$0x0], $0xffff  }
0x165: {  	v3 =	vld.idx.msk [tilespmem:v3+s3+$0x0], $0xffff  }
0x166: {  	v2 =	vld.idx.msk [tilespmem:v2+s19+$0x0], $0xffff  }
0x167: {  	v6 =	vld [tilespmem:s16+$0x0]  }
0x168: {  	s8 =	simm.s32 $0x10;
	v4 =	vld.idx.msk [tilespmem:v4+s3+$0x0], $0xffff  }
0x169: {  	v7 =	vor.u32 s8, v1  }
0x16a: {  	v8 =	vmul.u32 $0x3, v7  }
0x16b: {  	v9 =	vmov s8;
	v3 =	vshll.u32 v3, $0xE;
	v5 =	vshll.u32 v5, $0x7  }
0x16c: {  	v2 =	vmul.f32 v2, v6;
	v3 =	vadd.s32 v3, v5;
	v5 =	vadd.s32 $0x1, v8  }
0x16d: {  	v3 =	vadd.s32 v4, v3;
	v4 =	vshrl.u32 v7, $0x3;
	v7 =	vshrl.u32 v9, $0x3  }
0x16e: {  	v2 =	vpsel p0, v6, v2;
	v9 =	vand.u32 $0xFFF00000, v3;
	v3 =	vand.u32 $0xFFFFF, v3  }
0x16f: {  	s16 =	simm.s32 $0x2100;
	v4 =	vand.u32 $0x7F, v4;
	v6 =	vand.u32 $0x80, v7;
	vm0 =	veq.s32 v9, $0x100000  }
0x170: {  	s7 =	simm.s32 $0x2900;
	[tilespmem:s16+$0x0] =	vst v3;
	v3 =	vor.u32 v6, v4;
	v2 =	vnsel vm0, $0x0, v2  }
0x171: {  	[tilespmem:s7+$0x0] =	vst v2;
	v2 =	vadd.s32 $0x2, v8  }
0x172: {  	s9 =	simm.s32 $0x20;
	v9 =	vld.idx.msk [tilespmem:v5+s3+$0x0], $0xffff  }
0x173: {  	s8 =	simm.s32 $0x1810;
	v4 =	vmov s9;
	v8 =	vld.idx.msk [tilespmem:v8+s3+$0x0], $0xffff  }
0x174: {  	v6 =	vshrl.u32 v4, $0x3;
	v4 =	vld [tilespmem:s8+$0x0]  }
0x175: {  	v3 =	vld.idx.msk [tilespmem:v3+s19+$0x0], $0xffff  }
0x176: {  	v5 =	vld.idx.msk [tilespmem:v2+s3+$0x0], $0xffff  }
0x177: {  	v10 =	vor.u32 s9, v1  }
0x178: {  	v7 =	vshrl.u32 v10, $0x3  }
0x179: {  	s9 =	simm.s32 $0x30;
	v2 =	vmul.u32 $0x3, v10;
	v8 =	vshll.u32 v8, $0xE;
	v9 =	vshll.u32 v9, $0x7  }
.LBB2_11:
0x17a: {  	p1 =	sne.s32 s9, $0x7F0;
	v7 =	vand.u32 $0x7F, v7;
	v6 =	vand.u32 $0x80, v6;
	v8 =	vadd.s32 v8, v9  }
0x17b: {  	v9 =	vadd.s32 $0x1, v2;
	v5 =	vadd.s32 v5, v8;
	v3 =	vmul.f32 v3, v4  }
0x17c: {  	v6 =	vor.u32 v6, v7;
	v7 =	vand.u32 $0xFFF00000, v5  }
0x17d: {  	s16 =	sadd.s32 $0x10, s16;
	v3 =	vpsel p0, v4, v3;
	vm0 =	veq.s32 v7, $0x100000;
	v4 =	vand.u32 $0xFFFFF, v5  }
0x17e: {  	s7 =	sadd.s32 $0x10, s7;
	v5 =	vadd.s32 $0x2, v2;
	[tilespmem:s16+$0x0] =	vst v4;
	v3 =	vnsel vm0, $0x0, v3  }
0x17f: {  	[tilespmem:s7+$0x0] =	vst v3  }
0x180: {  	v9 =	vld.idx.msk [tilespmem:v9+s3+$0x0], $0xffff  }
0x181: {  	v8 =	vld.idx.msk [tilespmem:v2+s3+$0x0], $0xffff  }
0x182: {  	v3 =	vld.idx.msk [tilespmem:v6+s19+$0x0], $0xffff  }
.Ltmp4:
0x183: {  	s8 =	sadd.s32 $0x10, s8;
	v5 =	vld.idx.msk [tilespmem:v5+s3+$0x0], $0xffff;
	(pc) =	sbr.rel @p1 .LBB2_11-.Ltmp4, $4  }
0x184: {  	v4 =	vld [tilespmem:s8+$0x0]  }
0x185: {  	v10 =	vor.u32 s9, v1;
	v2 =	vmov s9  }
0x186: {  	v7 =	vshrl.u32 v10, $0x3;
	v6 =	vshrl.u32 v2, $0x3  }
0x187: {  	s9 =	sadd.s32 $0x10, s9;
	v2 =	vmul.u32 $0x3, v10;
	v9 =	vshll.u32 v9, $0x7;
	v8 =	vshll.u32 v8, $0xE  }
0x188: {  	v8 =	vadd.s32 v8, v9  }
0x189: {  	v7 =	vand.u32 $0x7F, v7;
	v5 =	vadd.s32 v5, v8;
	v3 =	vmul.f32 v3, v4  }
0x18a: {  	v6 =	vand.u32 $0x80, v6;
	v56 =	vadd.s32 $0x1, v2;
	v57 =	vand.u32 $0xFFF00000, v5  }
0x18b: {  	s9 =	sadd.s32 $0x10, s16;
	v58 =	vand.u32 $0xFFFFF, v5;
	v3 =	vpsel p0, v4, v3;
	vm0 =	veq.s32 v57, $0x100000  }
0x18c: {  	s7 =	sadd.s32 $0x10, s7;
	v59 =	vor.u32 v6, v7;
	[tilespmem:s9+$0x0] =	vst v58;
	v3 =	vnsel vm0, $0x0, v3  }
0x18d: {  	s8 =	sadd.s32 $0x10, s8;
	v60 =	vadd.s32 $0x2, v2;
	[tilespmem:s7+$0x0] =	vst v3  }
0x18e: {  	v3 =	vld [tilespmem:s8+$0x0]  }
0x18f: {  	v61 =	vld.idx.msk [tilespmem:v56+s3+$0x0], $0xffff  }
0x190: {  	v2 =	vld.idx.msk [tilespmem:v2+s3+$0x0], $0xffff  }
0x191: {  	v5 =	vld.idx.msk [tilespmem:v59+s19+$0x0], $0xffff  }
0x192: {  	v4 =	vld.idx.msk [tilespmem:v60+s3+$0x0], $0xffff;
	_ =	sdelay $0x2  }
0x193: {  	v2 =	vshll.u32 v2, $0xE;
	v6 =	vshll.u32 v61, $0x7  }
0x194: {  	v2 =	vadd.s32 v2, v6  }
0x195: {  	v62 =	vmul.f32 v5, v3;
	v2 =	vadd.s32 v4, v2  }
0x196: {  	v63 =	vand.u32 $0xFFF00000, v2  }
0x197: {  	s16 =	sadd.s32 $0x10, s9;
	v3 =	vpsel p0, v3, v62;
	v2 =	vand.u32 $0xFFFFF, v2;
	vm15 =	veq.s32 v63, $0x100000  }
0x198: {  	s7 =	sadd.s32 $0x10, s7;
	[tilespmem:s16+$0x0] =	vst v2;
	v2 =	vnsel vm15, $0x0, v3  }
0x199: {  	s9 =	simm.s32 $0x2100;
	s16 =	simm.s32 $0x2900;
	[tilespmem:s7+$0x0] =	vst v2  }
0x19a: {  	[spmem:s2] =	stream.indirect.scatter.add.f32 [tilespmem:s16], [sflag:$0x1], $0x1, s9, s20, $0xb8;
	[tilespmem:$0x15100] =	vst v63  }
0x19b: {  	s9 =	simm.s32 $0x2180;
	s16 =	simm.s32 $0x2980  }
0x19c: {  	[spmem:s2] =	stream.indirect.scatter.add.f32 [tilespmem:s16], [sflag:$0x1], $0x1, s9, s20, $0xb8;
	[tilespmem:$0x15100] =	vst v63  }
0x19d: {  	s9 =	simm.s32 $0x2200;
	s16 =	simm.s32 $0x2A00  }
0x19e: {  	[spmem:s2] =	stream.indirect.scatter.add.f32 [tilespmem:s16], [sflag:$0x1], $0x1, s9, s20, $0xb8;
	[tilespmem:$0x15100] =	vst v63  }
0x19f: {  	s9 =	simm.s32 $0x2280;
	s16 =	simm.s32 $0x2A80  }
0x1a0: {  	[spmem:s2] =	stream.indirect.scatter.add.f32 [tilespmem:s16], [sflag:$0x1], $0x1, s9, s20, $0xb8;
	[tilespmem:$0x15100] =	vst v63  }
0x1a1: {  	s9 =	simm.s32 $0x2300;
	s16 =	simm.s32 $0x2B00  }
0x1a2: {  	[spmem:s2] =	stream.indirect.scatter.add.f32 [tilespmem:s16], [sflag:$0x1], $0x1, s9, s20, $0xb8;
	[tilespmem:$0x15100] =	vst v63  }
0x1a3: {  	s9 =	simm.s32 $0x2380;
	s16 =	simm.s32 $0x2B80  }
0x1a4: {  	[spmem:s2] =	stream.indirect.scatter.add.f32 [tilespmem:s16], [sflag:$0x1], $0x1, s9, s20, $0xb8;
	[tilespmem:$0x15100] =	vst v63  }
0x1a5: {  	s9 =	simm.s32 $0x2400;
	s16 =	simm.s32 $0x2C00  }
0x1a6: {  	[spmem:s2] =	stream.indirect.scatter.add.f32 [tilespmem:s16], [sflag:$0x1], $0x1, s9, s20, $0xb8;
	[tilespmem:$0x15100] =	vst v63  }
0x1a7: {  	s9 =	simm.s32 $0x2480;
	s16 =	simm.s32 $0x2C80  }
0x1a8: {  	[spmem:s2] =	stream.indirect.scatter.add.f32 [tilespmem:s16], [sflag:$0x1], $0x1, s9, s20, $0xb8;
	[tilespmem:$0x15100] =	vst v63  }
0x1a9: {  	_ = 	snop  }
0x1aa: {  	[spmem:s2] =	stream.indirect.scatter.add.f32 [tilespmem:s11], [sflag:$0x1], $0x1, s10, s20, $0xb8;
	[tilespmem:$0x15100] =	vst v63  }
0x1ab: {  	_ = 	snop  }
0x1ac: {  	[spmem:s2] =	stream.indirect.scatter.add.f32 [tilespmem:s13], [sflag:$0x1], $0x1, s12, s20, $0xb8;
	[tilespmem:$0x15100] =	vst v63  }
0x1ad: {  	_ = 	snop  }
0x1ae: {  	[spmem:s2] =	stream.indirect.scatter.add.f32 [tilespmem:s17], [sflag:$0x1], $0x1, s15, s20, $0xb8;
	[tilespmem:$0x15100] =	vst v63  }
0x1af: {  	_ = 	snop  }
0x1b0: {  	[spmem:s2] =	stream.indirect.scatter.add.f32 [tilespmem:s21], [sflag:$0x1], $0x1, s1, s20, $0xb8;
	[tilespmem:$0x15100] =	vst v63  }
0x1b1: {  	_ = 	snop  }
0x1b2: {  	[spmem:s2] =	stream.indirect.scatter.add.f32 [tilespmem:s23], [sflag:$0x1], $0x1, s22, s20, $0xb8;
	[tilespmem:$0x15100] =	vst v63  }
0x1b3: {  	_ = 	snop  }
0x1b4: {  	[spmem:s2] =	stream.indirect.scatter.add.f32 [tilespmem:s25], [sflag:$0x1], $0x1, s24, s20, $0xb8;
	[tilespmem:$0x15100] =	vst v63  }
0x1b5: {  	_ = 	snop  }
0x1b6: {  	[spmem:s2] =	stream.indirect.scatter.add.f32 [tilespmem:s28], [sflag:$0x1], $0x1, s26, s20, $0xb8;
	[tilespmem:$0x15100] =	vst v63  }
0x1b7: {  	_ = 	snop  }
0x1b8: {  	[spmem:s2] =	stream.indirect.scatter.add.f32 [tilespmem:s30], [sflag:$0x1], $0x1, s29, s20, $0xb8;
	[tilespmem:$0x15100] =	vst v63  }
0x1b9: {  	_ =	swait.ge [sflag:s31], $0x80  }
0x1ba: {  	[sflag:s31] =	ssyncset.done $0x0  }
0x1bb: {  	[sflag:s31] =	ssyncadd.s32 $0xFFFFFF80  }
0x1bc: {  	_ =	swait.ge [sflag:s31], $0x80  }
0x1bd: {  	[sflag:s31] =	ssyncset.done $0x0  }
0x1be: {  	[sflag:s31] =	ssyncadd.s32 $0xFFFFFF80  }
0x1bf: {  	_ =	swait.ge [sflag:s31], $0x80  }
0x1c0: {  	[sflag:s31] =	ssyncset.done $0x0  }
0x1c1: {  	[sflag:s31] =	ssyncadd.s32 $0xFFFFFF80  }
0x1c2: {  	_ =	swait.ge [sflag:s31], $0x80  }
0x1c3: {  	[sflag:s31] =	ssyncset.done $0x0  }
0x1c4: {  	[sflag:s31] =	ssyncadd.s32 $0xFFFFFF80  }
0x1c5: {  	_ =	swait.ge [sflag:s31], $0x80  }
0x1c6: {  	[sflag:s31] =	ssyncset.done $0x0  }
0x1c7: {  	[sflag:s31] =	ssyncadd.s32 $0xFFFFFF80  }
0x1c8: {  	_ =	swait.ge [sflag:s31], $0x80  }
0x1c9: {  	[sflag:s31] =	ssyncset.done $0x0  }
0x1ca: {  	[sflag:s31] =	ssyncadd.s32 $0xFFFFFF80  }
0x1cb: {  	_ =	swait.ge [sflag:s31], $0x80  }
0x1cc: {  	[sflag:s31] =	ssyncset.done $0x0  }
0x1cd: {  	[sflag:s31] =	ssyncadd.s32 $0xFFFFFF80  }
0x1ce: {  	_ =	swait.ge [sflag:s31], $0x80  }
0x1cf: {  	[sflag:s31] =	ssyncset.done $0x0  }
0x1d0: {  	[sflag:s31] =	ssyncadd.s32 $0xFFFFFF80  }
0x1d1: {  	_ =	swait.ge [sflag:s31], $0x80  }
0x1d2: {  	[sflag:s31] =	ssyncset.done $0x0  }
0x1d3: {  	[sflag:s31] =	ssyncadd.s32 $0xFFFFFF80  }
0x1d4: {  	_ =	swait.ge [sflag:s31], $0x80  }
0x1d5: {  	[sflag:s31] =	ssyncset.done $0x0  }
0x1d6: {  	[sflag:s31] =	ssyncadd.s32 $0xFFFFFF80  }
0x1d7: {  	_ =	swait.ge [sflag:s31], $0x80  }
0x1d8: {  	[sflag:s31] =	ssyncset.done $0x0  }
0x1d9: {  	[sflag:s31] =	ssyncadd.s32 $0xFFFFFF80  }
0x1da: {  	_ =	swait.ge [sflag:s31], $0x80  }
0x1db: {  	[sflag:s31] =	ssyncset.done $0x0  }
0x1dc: {  	[sflag:s31] =	ssyncadd.s32 $0xFFFFFF80  }
0x1dd: {  	_ =	swait.ge [sflag:s31], $0x80  }
0x1de: {  	[sflag:s31] =	ssyncset.done $0x0  }
0x1df: {  	[sflag:s31] =	ssyncadd.s32 $0xFFFFFF80  }
0x1e0: {  	_ =	swait.ge [sflag:s31], $0x80  }
0x1e1: {  	[sflag:s31] =	ssyncset.done $0x0  }
0x1e2: {  	s4 =	sadd.s32 $0x1, s4;
	[sflag:s31] =	ssyncadd.s32 $0xFFFFFF80  }
0x1e3: {  	p1 =	sne.s32 s4, $0x40;
	_ =	swait.ge [sflag:s31], $0x80  }
.Ltmp5:
0x1e4: {  	[sflag:s31] =	ssyncset.done $0x0;
	(pc) =	sbr.rel @p1 .LBB2_10-.Ltmp5, $4  }
0x1e5: {  	[sflag:s31] =	ssyncadd.s32 $0xFFFFFF80  }
0x1e6: {  	_ =	swait.ge [sflag:s31], $0x80  }
0x1e7: {  	[sflag:s31] =	ssyncset.done $0x0  }
0x1e8: {  	[sflag:s31] =	ssyncadd.s32 $0xFFFFFF80  }
0x1e9: {  	[bflag:$0x0] =	sbarrier.arrive $0xFFFF  }
0x1ea: {  	s7 =	simm.s32 $0x3100;
	s0 =	rddreg [dreg:$0x4]  }
0x1eb: {  	[tilespmem:s7], [sflag:$0x2] =	stream.linear.gather [spmem:s0], $0x2000, $0x38;
	[tilespmem:$0x15100] =	vst v63  }
0x1ec: {  	_ =	swait.ge [sflag:s18], $0x2000  }
0x1ed: {  	[sflag:s18] =	ssyncset.done $0x0  }
0x1ee: {  	s4 =	simm.s32 $0x100;
	s16 =	rddreg [dreg:$0x14];
	[sflag:s18] =	ssyncadd.s32 $0xFFFFE000  }
0x1ef: {  	[hbm4b:s16+s20] =	stream.strided.scatter [tilespmem:s7], [sflag:$0x2], $0x2000, s4, s20, $0x38;
	[tilespmem:$0x15100] =	vst v63  }
0x1f0: {  	_ =	swait.ge [sflag:s18], $0x2000  }
0x1f1: {  	[sflag:s18] =	ssyncset.done $0x0  }
0x1f2: {  	s8 =	rddreg [dreg:$0x5];
	[sflag:s18] =	ssyncadd.s32 $0xFFFFE000  }
0x1f3: {  	[tilespmem:s7], [sflag:$0x2] =	stream.linear.gather [spmem:s8], $0x2000, $0x38;
	[tilespmem:$0x15100] =	vst v63  }
0x1f4: {  	_ =	swait.ge [sflag:s18], $0x2000  }
0x1f5: {  	[sflag:s18] =	ssyncset.done $0x0  }
0x1f6: {  	s9 =	rddreg [dreg:$0x16];
	[sflag:s18] =	ssyncadd.s32 $0xFFFFE000  }
0x1f7: {  	[hbm4b:s9+s20] =	stream.strided.scatter [tilespmem:s7], [sflag:$0x2], $0x2000, s4, s20, $0x38;
	[tilespmem:$0x15100] =	vst v63  }
0x1f8: {  	_ =	swait.ge [sflag:s18], $0x2000  }
0x1f9: {  	[sflag:s18] =	ssyncset.done $0x0  }
0x1fa: {  	s16 =	rddreg [dreg:$0x6];
	[sflag:s18] =	ssyncadd.s32 $0xFFFFE000  }
0x1fb: {  	[tilespmem:s7], [sflag:$0x2] =	stream.linear.gather [spmem:s16], $0x2000, $0x38;
	[tilespmem:$0x15100] =	vst v63  }
0x1fc: {  	_ =	swait.ge [sflag:s18], $0x2000  }
0x1fd: {  	[sflag:s18] =	ssyncset.done $0x0  }
0x1fe: {  	s8 =	rddreg [dreg:$0x17];
	[sflag:s18] =	ssyncadd.s32 $0xFFFFE000  }
0x1ff: {  	[hbm4b:s8+s20] =	stream.strided.scatter [tilespmem:s7], [sflag:$0x2], $0x2000, s4, s20, $0x38;
	[tilespmem:$0x15100] =	vst v63  }
0x200: {  	_ =	swait.ge [sflag:s18], $0x2000  }
0x201: {  	[sflag:s18] =	ssyncset.done $0x0  }
0x202: {  	s9 =	rddreg [dreg:$0x7];
	[sflag:s18] =	ssyncadd.s32 $0xFFFFE000  }
0x203: {  	[tilespmem:s7], [sflag:$0x2] =	stream.linear.gather [spmem:s9], $0x2000, $0x38;
	[tilespmem:$0x15100] =	vst v63  }
0x204: {  	_ =	swait.ge [sflag:s18], $0x2000  }
0x205: {  	[sflag:s18] =	ssyncset.done $0x0  }
0x206: {  	s16 =	rddreg [dreg:$0x18];
	[sflag:s18] =	ssyncadd.s32 $0xFFFFE000  }
0x207: {  	[hbm4b:s16+s20] =	stream.strided.scatter [tilespmem:s7], [sflag:$0x2], $0x2000, s4, s20, $0x38;
	[tilespmem:$0x15100] =	vst v63  }
0x208: {  	_ =	swait.ge [sflag:s18], $0x2000  }
0x209: {  	[sflag:s18] =	ssyncset.done $0x0  }
0x20a: {  	s8 =	rddreg [dreg:$0x8];
	[sflag:s18] =	ssyncadd.s32 $0xFFFFE000  }
0x20b: {  	[tilespmem:s7], [sflag:$0x2] =	stream.linear.gather [spmem:s8], $0x2000, $0x38;
	[tilespmem:$0x15100] =	vst v63  }
0x20c: {  	_ =	swait.ge [sflag:s18], $0x2000  }
0x20d: {  	[sflag:s18] =	ssyncset.done $0x0  }
0x20e: {  	s9 =	rddreg [dreg:$0x19];
	[sflag:s18] =	ssyncadd.s32 $0xFFFFE000  }
0x20f: {  	[hbm4b:s9+s20] =	stream.strided.scatter [tilespmem:s7], [sflag:$0x2], $0x2000, s4, s20, $0x38;
	[tilespmem:$0x15100] =	vst v63  }
0x210: {  	_ =	swait.ge [sflag:s18], $0x2000  }
0x211: {  	[sflag:s18] =	ssyncset.done $0x0  }
0x212: {  	s16 =	rddreg [dreg:$0x9];
	[sflag:s18] =	ssyncadd.s32 $0xFFFFE000  }
0x213: {  	[tilespmem:s7], [sflag:$0x2] =	stream.linear.gather [spmem:s16], $0x2000, $0x38;
	[tilespmem:$0x15100] =	vst v63  }
0x214: {  	_ =	swait.ge [sflag:s18], $0x2000  }
0x215: {  	[sflag:s18] =	ssyncset.done $0x0  }
0x216: {  	s8 =	rddreg [dreg:$0x1a];
	[sflag:s18] =	ssyncadd.s32 $0xFFFFE000  }
0x217: {  	[hbm4b:s8+s20] =	stream.strided.scatter [tilespmem:s7], [sflag:$0x2], $0x2000, s4, s20, $0x38;
	[tilespmem:$0x15100] =	vst v63  }
0x218: {  	_ =	swait.ge [sflag:s18], $0x2000  }
0x219: {  	[sflag:s18] =	ssyncset.done $0x0  }
0x21a: {  	s16 =	rddreg [dreg:$0xa];
	[sflag:s18] =	ssyncadd.s32 $0xFFFFE000  }
0x21b: {  	[tilespmem:s7], [sflag:$0x2] =	stream.linear.gather [spmem:s16], $0x2000, $0x38;
	[tilespmem:$0x15100] =	vst v63  }
0x21c: {  	_ =	swait.ge [sflag:s18], $0x2000  }
0x21d: {  	[sflag:s18] =	ssyncset.done $0x0  }
0x21e: {  	s9 =	rddreg [dreg:$0x1b];
	[sflag:s18] =	ssyncadd.s32 $0xFFFFE000  }
0x21f: {  	[hbm4b:s9+s20] =	stream.strided.scatter [tilespmem:s7], [sflag:$0x2], $0x2000, s4, s20, $0x38;
	[tilespmem:$0x15100] =	vst v63  }
0x220: {  	_ =	swait.ge [sflag:s18], $0x2000  }
0x221: {  	[sflag:s18] =	ssyncset.done $0x0  }
0x222: {  	s8 =	rddreg [dreg:$0xb];
	[sflag:s18] =	ssyncadd.s32 $0xFFFFE000  }
0x223: {  	[tilespmem:s7], [sflag:$0x2] =	stream.linear.gather [spmem:s8], $0x2000, $0x38;
	[tilespmem:$0x15100] =	vst v63  }
0x224: {  	_ =	swait.ge [sflag:s18], $0x2000  }
0x225: {  	[sflag:s18] =	ssyncset.done $0x0  }
0x226: {  	s9 =	rddreg [dreg:$0x1c];
	[sflag:s18] =	ssyncadd.s32 $0xFFFFE000  }
0x227: {  	[hbm4b:s9+s20] =	stream.strided.scatter [tilespmem:s7], [sflag:$0x2], $0x2000, s4, s20, $0x38;
	[tilespmem:$0x15100] =	vst v63  }
0x228: {  	_ =	swait.ge [sflag:s18], $0x2000  }
0x229: {  	s8 =	rddreg [dreg:$0x1d]  }
0x22a: {  	s9 =	rddreg [dreg:$0x15];
	s4 =	sadd.s32 $0x1, s8  }
0x22b: {  	p1 =	sne.s32 s4, s9  }
.Ltmp6:
0x22c: {  	_ = 	snop;
	(pc) =	sbr.rel @p1 .LBB2_1-.Ltmp6, $3  }
0x22d: {  	_ =	sdelay $0x1  }
0x22e: {  	[sflag:s18] =	ssyncset.done $0x0  }
0x22f: {  	[sflag:s18] =	ssyncadd.s32 $0xFFFFE000  }
0x230: {  	_ =	sfence.sel $0x180000  }
0x231: {  	[bflag:$0x0] =	sbarrier.arrive $0xFFFF  }
0x232: {  	_ =	strace $0x90000047  }
0x233: {  	s0 =	stileid.u32;
	[bflag:$0x2] =	sbarrier.arrive $0xFFFF  }
0x234: {  	p0 =	sne.s32 s0, $0x0;
	s0 =	rddreg [dreg:$0x3]  }
0x235: {  	s0 =	sadd.s32 @!p0 $0x100000, s0  }
0x236: {  	[sflag:s0] =	ssyncadd.tile.s32 @!p0 $0x1;
	_ =	shalt  }
.Lfunc_end2:
_tile_overlayer_lowered:
.L_overlay_start_2:
0x237: {  	(tag) =	ssettag $0x2  }
0x238: {  	s0 =	rddreg [dreg:$0x0];
	s2 =	stileid.u32  }
0x239: {  	s1 =	rddreg [dreg:$0x1];
	p0 =	sne.s32 s2, $0x0  }
0x23a: {  	s3 =	rddreg [dreg:$0x2];
	[bflag:$0x3] =	sbarrier.arrive $0xFFFF;
	s2 =	simm.s32 @!p0 $0x1C02  }
0x23b: {  	[timem:s3], [sflag:s2] =	dma.local @!p0 [hbm:s0], s1  }
0x23c: {  	s0 =	simm.s32 @!p0 $0x2  }
0x23d: {  	_ =	swait.ge @!p0 [sflag:s0], s1  }
0x23e: {  	s1 =	ssub.s32 @!p0 $0x0, s1;
	[sflag:s0] =	ssyncset.done @!p0 $0x0  }
0x23f: {  	[sflag:s0] =	ssyncadd.s32 @!p0 s1  }
0x240: {  	[bflag:$0x3] =	sbarrier.arrive $0xFFFF  }
0x241: {  	_ =	shalt  }

</sc_bundles>
